<compile_context>
chip_gen: v7x
topology: tpu7x:2x2x1
jax: 0.10.2.dev20260603
libtpu: 0.0.44.dev20260713+nightly
codegen_flags: <defaults>
</compile_context>

<pallas_src>
import jax
import jax.numpy as jnp
from jax import lax
from jax.experimental import pallas as pl
from jax.experimental.pallas import tpu as pltpu
from jax.experimental.pallas import tpu_sc as plsc

N = 10000
E = 320000
D = 128
DE = 16
H = 64
EPS = 1e-7

NC = 2
NS = 16
NW = NC * NS
GPT = E // NW
C = 80
GCH = GPT // C
EPT = E // NS
SCH = EPT // C
CH = C // 2
ZT = 10
RPT = N // ZT


def _sc_gather_body(xh, srch, xsrc, ib0, ib1, ib2, ib3, xb0, xb1, xb2, xb3,
                    isem, gsem, wsem):
    c = lax.axis_index("c")
    s = lax.axis_index("s")
    wid = s * NC + c
    base = wid * GPT

    ibufs = (ib0, ib1, ib2, ib3)
    xbufs = (xb0, xb1, xb2, xb3)

    def issue_idx(jj, b):
        pltpu.async_copy(srch.at[pl.ds(base + jj * C, C)], ibufs[b], isem)

    def wait_idx(jj, b):
        pltpu.make_async_copy(
            srch.at[pl.ds(base + jj * C, C)], ibufs[b], isem).wait()

    def issue_gather(b):
        pltpu.async_copy(xh.at[ibufs[b]], xbufs[b], gsem)

    def wait_gather(b):
        pltpu.make_async_copy(xh.at[ibufs[b]], xbufs[b], gsem).wait()

    def issue_write(jj, b):
        pltpu.async_copy(xbufs[b], xsrc.at[pl.ds(base + jj * C, C)], wsem)

    def wait_write(jj, b):
        pltpu.make_async_copy(
            xbufs[b], xsrc.at[pl.ds(base + jj * C, C)], wsem).wait()

    issue_idx(0, 0)
    issue_idx(1, 1)
    issue_idx(2, 2)
    issue_idx(3, 3)
    wait_idx(0, 0)
    issue_gather(0)
    wait_idx(1, 1)
    issue_gather(1)
    wait_idx(2, 2)
    issue_gather(2)

    @pl.loop(0, GCH + 3, step=4)
    def _chunk(j):
        for b0 in range(4):
            jj = j + b0
            b = b0

            @pl.when(jj < GCH)
            def _():
                wait_gather(b)
                issue_write(jj, b)

                @pl.when(jj + 4 < GCH)
                def _():
                    issue_idx(jj + 4, b)

                @pl.when(jj + 3 < GCH)
                def _():
                    nb = (b0 + 3) % 4

                    @pl.when(jj >= 1)
                    def _():
                        wait_write(jj - 1, nb)

                    wait_idx(jj + 3, nb)
                    issue_gather(nb)

    wait_write(GCH - 4, (GCH - 4) % 4)
    wait_write(GCH - 3, (GCH - 3) % 4)
    wait_write(GCH - 2, (GCH - 2) % 4)
    wait_write(GCH - 1, (GCH - 1) % 4)


def _sc_gather(x, src):
    mesh = plsc.VectorSubcoreMesh(core_axis_name="c", subcore_axis_name="s")
    f = pl.kernel(
        _sc_gather_body,
        out_type=jax.ShapeDtypeStruct((E, D), jnp.float32),
        mesh=mesh,
        scratch_types=[
            pltpu.VMEM((C,), jnp.int32),
            pltpu.VMEM((C,), jnp.int32),
            pltpu.VMEM((C,), jnp.int32),
            pltpu.VMEM((C,), jnp.int32),
            pltpu.VMEM((C, D), jnp.float32),
            pltpu.VMEM((C, D), jnp.float32),
            pltpu.VMEM((C, D), jnp.float32),
            pltpu.VMEM((C, D), jnp.float32),
            pltpu.SemaphoreType.DMA,
            pltpu.SemaphoreType.DMA,
            pltpu.SemaphoreType.DMA,
        ],
    )
    return f(x, src)


_BE = 4000


def _edge_w_body(ea_ref, w_ref, xs_ref, t_ref, o_ref):
    e = jnp.dot(ea_ref[...], w_ref[...], preferred_element_type=jnp.float32)
    m = jnp.maximum(xs_ref[...] + e, 0.0) + EPS
    w = jnp.exp(t_ref[0, 0] * m)
    mw = m * w
    o_ref[0] = jnp.concatenate([w[:, :H], mw[:, :H]], axis=1)
    o_ref[1] = jnp.concatenate([w[:, H:], mw[:, H:]], axis=1)


def _edge_w(edge_attr, W_edge, xsrc, t11):
    return pl.pallas_call(
        _edge_w_body,
        grid=(E // _BE,),
        in_specs=[
            pl.BlockSpec((_BE, DE), lambda i: (i, 0)),
            pl.BlockSpec((DE, D), lambda i: (0, 0)),
            pl.BlockSpec((_BE, D), lambda i: (i, 0)),
            pl.BlockSpec((1, 1), lambda i: (0, 0)),
        ],
        out_specs=pl.BlockSpec((2, _BE, D), lambda i: (0, i, 0)),
        out_shape=jax.ShapeDtypeStruct((2, E, D), jnp.float32),
    )(edge_attr, W_edge, xsrc, t11)


def _sc_scatter_body(wmwh, dsth, wm, acc,
                     db00, db01, db10, db11, db20, db21, db30, db31,
                     wb00, wb01, wb10, wb11, wb20, wb21, wb30, wb31, zb,
                     dsem, vsem, ssem):
    c = lax.axis_index("c")
    s = lax.axis_index("s")

    zero = jnp.zeros((16,), jnp.float32)
    for r in range(CH):
        for k in range(D // 16):
            zb[r, pl.ds(k * 16, 16)] = zero

    @pl.when(s < ZT)
    def _zero():
        @pl.loop(0, RPT // CH)
        def _(q):
            pltpu.sync_copy(zb, acc.at[pl.ds(s * RPT + q * CH, CH)])

    plsc.subcore_barrier()

    base0 = s * EPT
    dbufs = ((db00, db01), (db10, db11), (db20, db21), (db30, db31))
    wbufs = ((wb00, wb01), (wb10, wb11), (wb20, wb21), (wb30, wb31))

    def issue_dst(jj, b):
        for h in range(2):
            pltpu.async_copy(
                dsth.at[pl.ds(base0 + jj * C + h * CH, CH)], dbufs[b][h], dsem)

    def wait_dst(jj, b, h):
        pltpu.make_async_copy(
            dsth.at[pl.ds(base0 + jj * C + h * CH, CH)], dbufs[b][h],
            dsem).wait()

    def issue_data(jj, b):
        for h in range(2):
            pltpu.async_copy(
                wmwh.at[c, pl.ds(base0 + jj * C + h * CH, CH)], wbufs[b][h],
                vsem)

    def wait_data(jj, b, h):
        pltpu.make_async_copy(
            wmwh.at[c, pl.ds(base0 + jj * C + h * CH, CH)], wbufs[b][h],
            vsem).wait()

    def issue_scatter(b, h):
        pltpu.async_copy(wbufs[b][h], acc.at[dbufs[b][h]], ssem, add=True)

    def wait_scatter(b, h):
        pltpu.make_async_copy(wbufs[b][h], acc.at[dbufs[b][h]], ssem).wait()

    for b in range(4):
        issue_dst(b, b)
        issue_data(b, b)

    @pl.loop(0, SCH + 2, step=4)
    def _chunk(j):
        for b in range(4):
            jj = j + b

            @pl.when(jj < SCH)
            def _():
                for h in range(2):
                    wait_data(jj, b, h)
                    wait_dst(jj, b, h)
                    issue_scatter(b, h)

                @pl.when(jj + 4 < SCH)
                def _():
                    wait_scatter(b, 0)
                    wait_scatter(b, 1)
                    issue_dst(jj + 4, b)
                    issue_data(jj + 4, b)

    for b in range(4):
        wait_scatter(b, 0)
        wait_scatter(b, 1)

    plsc.subcore_barrier()

    @pl.when(s < ZT)
    def _copy_out():
        @pl.loop(0, RPT // CH)
        def _out(q):
            row = s * RPT + q * CH
            pltpu.sync_copy(acc.at[pl.ds(row, CH)], wm.at[c, pl.ds(row, CH)])


def _sc_scatter(wmw, dst):
    mesh = plsc.VectorSubcoreMesh(core_axis_name="c", subcore_axis_name="s")
    f = pl.kernel(
        _sc_scatter_body,
        out_type=jax.ShapeDtypeStruct((2, N, D), jnp.float32),
        mesh=mesh,
        scratch_types=[
            pltpu.VMEM_SHARED((N, D), jnp.float32),
            pltpu.VMEM((CH,), jnp.int32),
            pltpu.VMEM((CH,), jnp.int32),
            pltpu.VMEM((CH,), jnp.int32),
            pltpu.VMEM((CH,), jnp.int32),
            pltpu.VMEM((CH,), jnp.int32),
            pltpu.VMEM((CH,), jnp.int32),
            pltpu.VMEM((CH,), jnp.int32),
            pltpu.VMEM((CH,), jnp.int32),
            pltpu.VMEM((CH, D), jnp.float32),
            pltpu.VMEM((CH, D), jnp.float32),
            pltpu.VMEM((CH, D), jnp.float32),
            pltpu.VMEM((CH, D), jnp.float32),
            pltpu.VMEM((CH, D), jnp.float32),
            pltpu.VMEM((CH, D), jnp.float32),
            pltpu.VMEM((CH, D), jnp.float32),
            pltpu.VMEM((CH, D), jnp.float32),
            pltpu.VMEM((CH, D), jnp.float32),
            pltpu.SemaphoreType.DMA,
            pltpu.SemaphoreType.DMA,
            pltpu.SemaphoreType.DMA,
        ],
    )
    return f(wmw, dst)


_BN = 1000


def _stage_a_body(wm0_ref, wm1_ref, x_ref, w1_ref, out_ref, stats_ref):
    i = pl.program_id(0)
    wm0 = wm0_ref[0]
    wm1 = wm1_ref[0]
    den = jnp.concatenate([wm0[:, :H], wm1[:, :H]], axis=1)
    num = jnp.concatenate([wm0[:, H:], wm1[:, H:]], axis=1)
    out = num / (den + 1e-16) + x_ref[...]
    out_ref[...] = out
    h = jnp.dot(out, w1_ref[...], preferred_element_type=jnp.float32)
    st = jnp.concatenate(
        [jnp.sum(h, axis=0, keepdims=True),
         jnp.sum(h * h, axis=0, keepdims=True)], axis=0)

    @pl.when(i == 0)
    def _():
        stats_ref[...] = st

    @pl.when(i > 0)
    def _():
        stats_ref[...] += st


def _stage_a(wm, x, W1):
    return pl.pallas_call(
        _stage_a_body,
        grid=(N // _BN,),
        in_specs=[
            pl.BlockSpec((1, _BN, D), lambda i: (0, i, 0)),
            pl.BlockSpec((1, _BN, D), lambda i: (1, i, 0)),
            pl.BlockSpec((_BN, D), lambda i: (i, 0)),
            pl.BlockSpec((D, 2 * D), lambda i: (0, 0)),
        ],
        out_specs=[
            pl.BlockSpec((_BN, D), lambda i: (i, 0)),
            pl.BlockSpec((2, 2 * D), lambda i: (0, 0)),
        ],
        out_shape=[
            jax.ShapeDtypeStruct((N, D), jnp.float32),
            jax.ShapeDtypeStruct((2, 2 * D), jnp.float32),
        ],
    )(wm, wm, x, W1)


def _stage_b_body(out_ref, st_ref, w1_ref, g1_ref, b1_ref, w2_ref, gln_ref,
                  bln_ref, y_ref):
    h = jnp.dot(out_ref[...], w1_ref[...], preferred_element_type=jnp.float32)
    s = st_ref[...]
    mu = s[0:1, :] / N
    var = s[1:2, :] / N - mu * mu
    h = (h - mu) * lax.rsqrt(var + 1e-5) * g1_ref[...] + b1_ref[...]
    h = jnp.maximum(h, 0.0)
    h2 = jnp.dot(h, w2_ref[...], preferred_element_type=jnp.float32)
    mu2 = jnp.mean(h2, axis=1, keepdims=True)
    var2 = jnp.mean((h2 - mu2) ** 2, axis=1, keepdims=True)
    hn = (h2 - mu2) * lax.rsqrt(var2 + 1e-5) * gln_ref[...] + bln_ref[...]
    y_ref[...] = jnp.where(hn > 0.0, hn, jnp.exp(jnp.minimum(hn, 0.0)) - 1.0)


def _stage_b(out, stats, W1, gamma1, beta1, W2, gamma_ln, beta_ln):
    return pl.pallas_call(
        _stage_b_body,
        grid=(N // _BN,),
        in_specs=[
            pl.BlockSpec((_BN, D), lambda i: (i, 0)),
            pl.BlockSpec((2, 2 * D), lambda i: (0, 0)),
            pl.BlockSpec((D, 2 * D), lambda i: (0, 0)),
            pl.BlockSpec((2 * D,), lambda i: (0,)),
            pl.BlockSpec((2 * D,), lambda i: (0,)),
            pl.BlockSpec((2 * D, D), lambda i: (0, 0)),
            pl.BlockSpec((D,), lambda i: (0,)),
            pl.BlockSpec((D,), lambda i: (0,)),
        ],
        out_specs=pl.BlockSpec((_BN, D), lambda i: (i, 0)),
        out_shape=jax.ShapeDtypeStruct((N, D), jnp.float32),
    )(out, stats, W1, gamma1, beta1, W2, gamma_ln, beta_ln)


def kernel(x, edge_index, edge_attr, W_edge, t, W1, gamma1, beta1, W2,
           gamma_ln, beta_ln):
    t11 = jnp.reshape(t, (1, 1)).astype(jnp.float32)
    xsrc = _sc_gather(x, edge_index[0])
    wmw = _edge_w(edge_attr, W_edge, xsrc, t11)
    wm = _sc_scatter(wmw, edge_index[1])
    out, stats = _stage_a(wm, x, W1)
    return _stage_b(out, stats, W1, gamma1, beta1, W2, gamma_ln, beta_ln)

# --- scband reference (transcript-rebuilt; emitter-appended) ---
"""Pipeline reference for scband-multi-head-genlayer-76596446757007 (READ-ONLY COPY).

The authoritative reference and input builder live on the scoring server;
editing this copy changes nothing except your own understanding.
"""

import jax, jax.numpy as jnp
import numpy as np

N = 10000
E = 320000
D = 128
DE = 16
EPS = 1e-7

def setup_inputs(seed: int = 0) -> dict:
    key = jax.random.key(seed)
    ks = jax.random.split(key, 8)
    x = jax.random.normal(ks[0], (N, D), dtype=jnp.float32)
    edge_index = jax.random.randint(ks[1], (2, E), 0, N, dtype=jnp.int32)
    edge_attr = jax.random.normal(ks[2], (E, DE), dtype=jnp.float32)
    # GENConv params (in_dim == out_dim so no lin_src; bias=False default in GENConv)
    W_edge = jax.random.normal(ks[3], (DE, D), dtype=jnp.float32) / np.sqrt(DE)
    t = jnp.asarray(1.0, dtype=jnp.float32)  # learnable softmax temperature
    W1 = jax.random.normal(ks[4], (D, 2 * D), dtype=jnp.float32) / np.sqrt(D)
    gamma1 = jnp.ones((2 * D,), dtype=jnp.float32)
    beta1 = jnp.zeros((2 * D,), dtype=jnp.float32)
    W2 = jax.random.normal(ks[5], (2 * D, D), dtype=jnp.float32) / np.sqrt(2 * D)
    gamma_ln = jnp.ones((D,), dtype=jnp.float32)
    beta_ln = jnp.zeros((D,), dtype=jnp.float32)
    return {"x": x, "edge_index": edge_index, "edge_attr": edge_attr,
            "W_edge": W_edge, "t": t, "W1": W1, "gamma1": gamma1, "beta1": beta1,
            "W2": W2, "gamma_ln": gamma_ln, "beta_ln": beta_ln}

def reference(x, edge_index, edge_attr, W_edge, t, W1, gamma1, beta1, W2, gamma_ln, beta_ln):
    src = edge_index[0]
    dst = edge_index[1]
    # GENConv message: lin_edge(edge_attr) then msg = relu(x_j + e) + eps
    e = edge_attr @ W_edge
    msg = jnp.maximum(x[src] + e, 0.0) + EPS
    # softmax aggregation (scatter_softmax over dst, per feature channel, temperature t)
    logits = msg * t
    seg_max = jax.ops.segment_max(logits, dst, num_segments=N)
    seg_max = jnp.where(jnp.isfinite(seg_max), seg_max, 0.0)
    seg_max = jax.lax.stop_gradient(seg_max)
    ex = jnp.exp(logits - seg_max[dst])
    denom = jax.ops.segment_sum(ex, dst, num_segments=N)
    alpha = ex / (denom[dst] + 1e-16)
    agg = jax.ops.segment_sum(msg * alpha, dst, num_segments=N)
    # residual + MLP([out]) = Linear(D,2D) -> BatchNorm -> ReLU -> Linear(2D,D)
    out = agg + x
    h = out @ W1
    mu = jnp.mean(h, axis=0)
    var = jnp.var(h, axis=0)
    h = (h - mu) / jnp.sqrt(var + 1e-5) * gamma1 + beta1
    h = jnp.maximum(h, 0.0)
    h = h @ W2
    # outer LayerNorm + ELU (dropout is identity in eval)
    mu2 = jnp.mean(h, axis=-1, keepdims=True)
    var2 = jnp.var(h, axis=-1, keepdims=True)
    h = (h - mu2) / jnp.sqrt(var2 + 1e-5) * gamma_ln + beta_ln
    return jax.nn.elu(h)

if __name__ == "__main__":
    import jax
    _d = setup_inputs()
    print(jax.jit(kernel)(*tuple(_d.values())))

</pallas_src>

<mosaic_0001>
#map = affine_map<(d0, d1) -> (0, 0, 0)>
#map1 = affine_map<(d0, d1) -> (0)>
module attributes {stable_mosaic.version = 14 : i64} {
  func.func @_sc_scatter_body(%arg0: i32, %arg1: i32, %arg2: memref<2x320000x128xf32, #tpu.memory_space<hbm>>, %arg3: memref<320000xi32, #tpu.memory_space<hbm>>, %arg4: memref<2x10000x128xf32, #tpu.memory_space<hbm>>, %arg5: memref<10000x128xf32, #tpu.memory_space<vmem_shared>>, %arg6: memref<40xi32, #tpu.memory_space<vmem>>, %arg7: memref<40xi32, #tpu.memory_space<vmem>>, %arg8: memref<40xi32, #tpu.memory_space<vmem>>, %arg9: memref<40xi32, #tpu.memory_space<vmem>>, %arg10: memref<40xi32, #tpu.memory_space<vmem>>, %arg11: memref<40xi32, #tpu.memory_space<vmem>>, %arg12: memref<40xi32, #tpu.memory_space<vmem>>, %arg13: memref<40xi32, #tpu.memory_space<vmem>>, %arg14: memref<40x128xf32, #tpu.memory_space<vmem>>, %arg15: memref<40x128xf32, #tpu.memory_space<vmem>>, %arg16: memref<40x128xf32, #tpu.memory_space<vmem>>, %arg17: memref<40x128xf32, #tpu.memory_space<vmem>>, %arg18: memref<40x128xf32, #tpu.memory_space<vmem>>, %arg19: memref<40x128xf32, #tpu.memory_space<vmem>>, %arg20: memref<40x128xf32, #tpu.memory_space<vmem>>, %arg21: memref<40x128xf32, #tpu.memory_space<vmem>>, %arg22: memref<40x128xf32, #tpu.memory_space<vmem>>, %arg23: memref<!tpu.dma_semaphore, #tpu.memory_space<semaphore_mem>>, %arg24: memref<!tpu.dma_semaphore, #tpu.memory_space<semaphore_mem>>, %arg25: memref<!tpu.dma_semaphore, #tpu.memory_space<semaphore_mem>>) attributes {dimension_semantics = [#tpu.dimension_semantics<core_parallel>, #tpu.dimension_semantics<subcore_parallel>], iteration_bounds = array<i64: 2, 16>, scalar_prefetch = 0 : i64, scratch_operands = 21 : i64, tpu.core_type = #tpu.core_type<sc_vector_subcore>, window_params = [{transform_indices = #map}, {transform_indices = #map1}, {transform_indices = #map}]} {
    %broadcast_in_dim3A = arith.constant 0.000000e+00 : f32
    %broadcast_in_dim3A_0 = vector.broadcast %broadcast_in_dim3A : f32 to vector<16xf32>
    %swap3A = arith.constant 0 : i32
    %swap3A_1 = arith.index_cast %swap3A : i32 to index
    %swap3A_2 = arith.constant 0 : index
    %swap3A_3 = tpu.vector_load %arg22[%swap3A_1, %swap3A_2] {strides = array<i32>} : memref<40x128xf32, #tpu.memory_space<vmem>>, vector<1x16xf32>,
    %swap3A_4 = vector.shape_cast %swap3A_3 : vector<1x16xf32> to vector<16xf32>
    %swap3A_5 = vector.shape_cast %broadcast_in_dim3A_0 : vector<16xf32> to vector<1x16xf32>
    tpu.vector_store %arg22[%swap3A_1, %swap3A_2], %swap3A_5 {strides = array<i32>} : memref<40x128xf32, #tpu.memory_space<vmem>>, vector<1x16xf32>,
    %swap3A_6 = arith.constant 0 : i32
    %swap3A_7 = arith.index_cast %swap3A_6 : i32 to index
    %swap3A_8 = arith.constant 16 : index
    %swap3A_9 = tpu.vector_load %arg22[%swap3A_7, %swap3A_8] {strides = array<i32>} : memref<40x128xf32, #tpu.memory_space<vmem>>, vector<1x16xf32>,
    %swap3A_10 = vector.shape_cast %swap3A_9 : vector<1x16xf32> to vector<16xf32>
    %swap3A_11 = vector.shape_cast %broadcast_in_dim3A_0 : vector<16xf32> to vector<1x16xf32>
    tpu.vector_store %arg22[%swap3A_7, %swap3A_8], %swap3A_11 {strides = array<i32>} : memref<40x128xf32, #tpu.memory_space<vmem>>, vector<1x16xf32>,
    %swap3A_12 = arith.constant 0 : i32
    %swap3A_13 = arith.index_cast %swap3A_12 : i32 to index
    %swap3A_14 = arith.constant 32 : index
    %swap3A_15 = tpu.vector_load %arg22[%swap3A_13, %swap3A_14] {strides = array<i32>} : memref<40x128xf32, #tpu.memory_space<vmem>>, vector<1x16xf32>,
    %swap3A_16 = vector.shape_cast %swap3A_15 : vector<1x16xf32> to vector<16xf32>
    %swap3A_17 = vector.shape_cast %broadcast_in_dim3A_0 : vector<16xf32> to vector<1x16xf32>
    tpu.vector_store %arg22[%swap3A_13, %swap3A_14], %swap3A_17 {strides = array<i32>} : memref<40x128xf32, #tpu.memory_space<vmem>>, vector<1x16xf32>,
    %swap3A_18 = arith.constant 0 : i32
    %swap3A_19 = arith.index_cast %swap3A_18 : i32 to index
    %swap3A_20 = arith.constant 48 : index
    %swap3A_21 = tpu.vector_load %arg22[%swap3A_19, %swap3A_20] {strides = array<i32>} : memref<40x128xf32, #tpu.memory_space<vmem>>, vector<1x16xf32>,
    %swap3A_22 = vector.shape_cast %swap3A_21 : vector<1x16xf32> to vector<16xf32>
    %swap3A_23 = vector.shape_cast %broadcast_in_dim3A_0 : vector<16xf32> to vector<1x16xf32>
    tpu.vector_store %arg22[%swap3A_19, %swap3A_20], %swap3A_23 {strides = array<i32>} : memref<40x128xf32, #tpu.memory_space<vmem>>, vector<1x16xf32>,
    %swap3A_24 = arith.constant 0 : i32
    %swap3A_25 = arith.index_cast %swap3A_24 : i32 to index
    %swap3A_26 = arith.constant 64 : index
    %swap3A_27 = tpu.vector_load %arg22[%swap3A_25, %swap3A_26] {strides = array<i32>} : memref<40x128xf32, #tpu.memory_space<vmem>>, vector<1x16xf32>,
    %swap3A_28 = vector.shape_cast %swap3A_27 : vector<1x16xf32> to vector<16xf32>
    %swap3A_29 = vector.shape_cast %broadcast_in_dim3A_0 : vector<16xf32> to vector<1x16xf32>
    tpu.vector_store %arg22[%swap3A_25, %swap3A_26], %swap3A_29 {strides = array<i32>} : memref<40x128xf32, #tpu.memory_space<vmem>>, vector<1x16xf32>,
    %swap3A_30 = arith.constant 0 : i32
    %swap3A_31 = arith.index_cast %swap3A_30 : i32 to index
    %swap3A_32 = arith.constant 80 : index
    %swap3A_33 = tpu.vector_load %arg22[%swap3A_31, %swap3A_32] {strides = array<i32>} : memref<40x128xf32, #tpu.memory_space<vmem>>, vector<1x16xf32>,
    %swap3A_34 = vector.shape_cast %swap3A_33 : vector<1x16xf32> to vector<16xf32>
    %swap3A_35 = vector.shape_cast %broadcast_in_dim3A_0 : vector<16xf32> to vector<1x16xf32>
    tpu.vector_store %arg22[%swap3A_31, %swap3A_32], %swap3A_35 {strides = array<i32>} : memref<40x128xf32, #tpu.memory_space<vmem>>, vector<1x16xf32>,
    %swap3A_36 = arith.constant 0 : i32
    %swap3A_37 = arith.index_cast %swap3A_36 : i32 to index
    %swap3A_38 = arith.constant 96 : index
    %swap3A_39 = tpu.vector_load %arg22[%swap3A_37, %swap3A_38] {strides = array<i32>} : memref<40x128xf32, #tpu.memory_space<vmem>>, vector<1x16xf32>,
    %swap3A_40 = vector.shape_cast %swap3A_39 : vector<1x16xf32> to vector<16xf32>
    %swap3A_41 = vector.shape_cast %broadcast_in_dim3A_0 : vector<16xf32> to vector<1x16xf32>
    tpu.vector_store %arg22[%swap3A_37, %swap3A_38], %swap3A_41 {strides = array<i32>} : memref<40x128xf32, #tpu.memory_space<vmem>>, vector<1x16xf32>,
    %swap3A_42 = arith.constant 0 : i32
    %swap3A_43 = arith.index_cast %swap3A_42 : i32 to index
    %swap3A_44 = arith.constant 112 : index
    %swap3A_45 = tpu.vector_load %arg22[%swap3A_43, %swap3A_44] {strides = array<i32>} : memref<40x128xf32, #tpu.memory_space<vmem>>, vector<1x16xf32>,
    %swap3A_46 = vector.shape_cast %swap3A_45 : vector<1x16xf32> to vector<16xf32>
    %swap3A_47 = vector.shape_cast %broadcast_in_dim3A_0 : vector<16xf32> to vector<1x16xf32>
    tpu.vector_store %arg22[%swap3A_43, %swap3A_44], %swap3A_47 {strides = array<i32>} : memref<40x128xf32, #tpu.memory_space<vmem>>, vector<1x16xf32>,
    %swap3A_48 = arith.constant 1 : i32
    %swap3A_49 = arith.index_cast %swap3A_48 : i32 to index
    %swap3A_50 = arith.constant 0 : index
    %swap3A_51 = tpu.vector_load %arg22[%swap3A_49, %swap3A_50] {strides = array<i32>} : memref<40x128xf32, #tpu.memory_space<vmem>>, vector<1x16xf32>,
    %swap3A_52 = vector.shape_cast %swap3A_51 : vector<1x16xf32> to vector<16xf32>
    %swap3A_53 = vector.shape_cast %broadcast_in_dim3A_0 : vector<16xf32> to vector<1x16xf32>
    tpu.vector_store %arg22[%swap3A_49, %swap3A_50], %swap3A_53 {strides = array<i32>} : memref<40x128xf32, #tpu.memory_space<vmem>>, vector<1x16xf32>,
    %swap3A_54 = arith.constant 1 : i32
    %swap3A_55 = arith.index_cast %swap3A_54 : i32 to index
    %swap3A_56 = arith.constant 16 : index
    %swap3A_57 = tpu.vector_load %arg22[%swap3A_55, %swap3A_56] {strides = array<i32>} : memref<40x128xf32, #tpu.memory_space<vmem>>, vector<1x16xf32>,
    %swap3A_58 = vector.shape_cast %swap3A_57 : vector<1x16xf32> to vector<16xf32>
    %swap3A_59 = vector.shape_cast %broadcast_in_dim3A_0 : vector<16xf32> to vector<1x16xf32>
    tpu.vector_store %arg22[%swap3A_55, %swap3A_56], %swap3A_59 {strides = array<i32>} : memref<40x128xf32, #tpu.memory_space<vmem>>, vector<1x16xf32>,
    %swap3A_60 = arith.constant 1 : i32
    %swap3A_61 = arith.index_cast %swap3A_60 : i32 to index
    %swap3A_62 = arith.constant 32 : index
    %swap3A_63 = tpu.vector_load %arg22[%swap3A_61, %swap3A_62] {strides = array<i32>} : memref<40x128xf32, #tpu.memory_space<vmem>>, vector<1x16xf32>,
    %swap3A_64 = vector.shape_cast %swap3A_63 : vector<1x16xf32> to vector<16xf32>
    %swap3A_65 = vector.shape_cast %broadcast_in_dim3A_0 : vector<16xf32> to vector<1x16xf32>
    tpu.vector_store %arg22[%swap3A_61, %swap3A_62], %swap3A_65 {strides = array<i32>} : memref<40x128xf32, #tpu.memory_space<vmem>>, vector<1x16xf32>,
    %swap3A_66 = arith.constant 1 : i32
    %swap3A_67 = arith.index_cast %swap3A_66 : i32 to index
    %swap3A_68 = arith.constant 48 : index
    %swap3A_69 = tpu.vector_load %arg22[%swap3A_67, %swap3A_68] {strides = array<i32>} : memref<40x128xf32, #tpu.memory_space<vmem>>, vector<1x16xf32>,
    %swap3A_70 = vector.shape_cast %swap3A_69 : vector<1x16xf32> to vector<16xf32>
    %swap3A_71 = vector.shape_cast %broadcast_in_dim3A_0 : vector<16xf32> to vector<1x16xf32>
    tpu.vector_store %arg22[%swap3A_67, %swap3A_68], %swap3A_71 {strides = array<i32>} : memref<40x128xf32, #tpu.memory_space<vmem>>, vector<1x16xf32>,
    %swap3A_72 = arith.constant 1 : i32
    %swap3A_73 = arith.index_cast %swap3A_72 : i32 to index
    %swap3A_74 = arith.constant 64 : index
    %swap3A_75 = tpu.vector_load %arg22[%swap3A_73, %swap3A_74] {strides = array<i32>} : memref<40x128xf32, #tpu.memory_space<vmem>>, vector<1x16xf32>,
    %swap3A_76 = vector.shape_cast %swap3A_75 : vector<1x16xf32> to vector<16xf32>
    %swap3A_77 = vector.shape_cast %broadcast_in_dim3A_0 : vector<16xf32> to vector<1x16xf32>
    tpu.vector_store %arg22[%swap3A_73, %swap3A_74], %swap3A_77 {strides = array<i32>} : memref<40x128xf32, #tpu.memory_space<vmem>>, vector<1x16xf32>,
    %swap3A_78 = arith.constant 1 : i32
    %swap3A_79 = arith.index_cast %swap3A_78 : i32 to index
    %swap3A_80 = arith.constant 80 : index
    %swap3A_81 = tpu.vector_load %arg22[%swap3A_79, %swap3A_80] {strides = array<i32>} : memref<40x128xf32, #tpu.memory_space<vmem>>, vector<1x16xf32>,
    %swap3A_82 = vector.shape_cast %swap3A_81 : vector<1x16xf32> to vector<16xf32>
    %swap3A_83 = vector.shape_cast %broadcast_in_dim3A_0 : vector<16xf32> to vector<1x16xf32>
    tpu.vector_store %arg22[%swap3A_79, %swap3A_80], %swap3A_83 {strides = array<i32>} : memref<40x128xf32, #tpu.memory_space<vmem>>, vector<1x16xf32>,
    %swap3A_84 = arith.constant 1 : i32
    %swap3A_85 = arith.index_cast %swap3A_84 : i32 to index
    %swap3A_86 = arith.constant 96 : index
    %swap3A_87 = tpu.vector_load %arg22[%swap3A_85, %swap3A_86] {strides = array<i32>} : memref<40x128xf32, #tpu.memory_space<vmem>>, vector<1x16xf32>,
    %swap3A_88 = vector.shape_cast %swap3A_87 : vector<1x16xf32> to vector<16xf32>
    %swap3A_89 = vector.shape_cast %broadcast_in_dim3A_0 : vector<16xf32> to vector<1x16xf32>
    tpu.vector_store %arg22[%swap3A_85, %swap3A_86], %swap3A_89 {strides = array<i32>} : memref<40x128xf32, #tpu.memory_space<vmem>>, vector<1x16xf32>,
    %swap3A_90 = arith.constant 1 : i32
    %swap3A_91 = arith.index_cast %swap3A_90 : i32 to index
    %swap3A_92 = arith.constant 112 : index
    %swap3A_93 = tpu.vector_load %arg22[%swap3A_91, %swap3A_92] {strides = array<i32>} : memref<40x128xf32, #tpu.memory_space<vmem>>, vector<1x16xf32>,
    %swap3A_94 = vector.shape_cast %swap3A_93 : vector<1x16xf32> to vector<16xf32>
    %swap3A_95 = vector.shape_cast %broadcast_in_dim3A_0 : vector<16xf32> to vector<1x16xf32>
    tpu.vector_store %arg22[%swap3A_91, %swap3A_92], %swap3A_95 {strides = array<i32>} : memref<40x128xf32, #tpu.memory_space<vmem>>, vector<1x16xf32>,
    %swap3A_96 = arith.constant 2 : i32
    %swap3A_97 = arith.index_cast %swap3A_96 : i32 to index
    %swap3A_98 = arith.constant 0 : index
    %swap3A_99 = tpu.vector_load %arg22[%swap3A_97, %swap3A_98] {strides = array<i32>} : memref<40x128xf32, #tpu.memory_space<vmem>>, vector<1x16xf32>,
    %swap3A_100 = vector.shape_cast %swap3A_99 : vector<1x16xf32> to vector<16xf32>
    %swap3A_101 = vector.shape_cast %broadcast_in_dim3A_0 : vector<16xf32> to vector<1x16xf32>
    tpu.vector_store %arg22[%swap3A_97, %swap3A_98], %swap3A_101 {strides = array<i32>} : memref<40x128xf32, #tpu.memory_space<vmem>>, vector<1x16xf32>,
    %swap3A_102 = arith.constant 2 : i32
    %swap3A_103 = arith.index_cast %swap3A_102 : i32 to index
    %swap3A_104 = arith.constant 16 : index
    %swap3A_105 = tpu.vector_load %arg22[%swap3A_103, %swap3A_104] {strides = array<i32>} : memref<40x128xf32, #tpu.memory_space<vmem>>, vector<1x16xf32>,
    %swap3A_106 = vector.shape_cast %swap3A_105 : vector<1x16xf32> to vector<16xf32>
    %swap3A_107 = vector.shape_cast %broadcast_in_dim3A_0 : vector<16xf32> to vector<1x16xf32>
    tpu.vector_store %arg22[%swap3A_103, %swap3A_104], %swap3A_107 {strides = array<i32>} : memref<40x128xf32, #tpu.memory_space<vmem>>, vector<1x16xf32>,
    %swap3A_108 = arith.constant 2 : i32
    %swap3A_109 = arith.index_cast %swap3A_108 : i32 to index
    %swap3A_110 = arith.constant 32 : index
    %swap3A_111 = tpu.vector_load %arg22[%swap3A_109, %swap3A_110] {strides = array<i32>} : memref<40x128xf32, #tpu.memory_space<vmem>>, vector<1x16xf32>,
    %swap3A_112 = vector.shape_cast %swap3A_111 : vector<1x16xf32> to vector<16xf32>
    %swap3A_113 = vector.shape_cast %broadcast_in_dim3A_0 : vector<16xf32> to vector<1x16xf32>
    tpu.vector_store %arg22[%swap3A_109, %swap3A_110], %swap3A_113 {strides = array<i32>} : memref<40x128xf32, #tpu.memory_space<vmem>>, vector<1x16xf32>,
    %swap3A_114 = arith.constant 2 : i32
    %swap3A_115 = arith.index_cast %swap3A_114 : i32 to index
    %swap3A_116 = arith.constant 48 : index
    %swap3A_117 = tpu.vector_load %arg22[%swap3A_115, %swap3A_116] {strides = array<i32>} : memref<40x128xf32, #tpu.memory_space<vmem>>, vector<1x16xf32>,
    %swap3A_118 = vector.shape_cast %swap3A_117 : vector<1x16xf32> to vector<16xf32>
    %swap3A_119 = vector.shape_cast %broadcast_in_dim3A_0 : vector<16xf32> to vector<1x16xf32>
    tpu.vector_store %arg22[%swap3A_115, %swap3A_116], %swap3A_119 {strides = array<i32>} : memref<40x128xf32, #tpu.memory_space<vmem>>, vector<1x16xf32>,
    %swap3A_120 = arith.constant 2 : i32
    %swap3A_121 = arith.index_cast %swap3A_120 : i32 to index
    %swap3A_122 = arith.constant 64 : index
    %swap3A_123 = tpu.vector_load %arg22[%swap3A_121, %swap3A_122] {strides = array<i32>} : memref<40x128xf32, #tpu.memory_space<vmem>>, vector<1x16xf32>,
    %swap3A_124 = vector.shape_cast %swap3A_123 : vector<1x16xf32> to vector<16xf32>
    %swap3A_125 = vector.shape_cast %broadcast_in_dim3A_0 : vector<16xf32> to vector<1x16xf32>
    tpu.vector_store %arg22[%swap3A_121, %swap3A_122], %swap3A_125 {strides = array<i32>} : memref<40x128xf32, #tpu.memory_space<vmem>>, vector<1x16xf32>,
    %swap3A_126 = arith.constant 2 : i32
    %swap3A_127 = arith.index_cast %swap3A_126 : i32 to index
    %swap3A_128 = arith.constant 80 : index
    %swap3A_129 = tpu.vector_load %arg22[%swap3A_127, %swap3A_128] {strides = array<i32>} : memref<40x128xf32, #tpu.memory_space<vmem>>, vector<1x16xf32>,
    %swap3A_130 = vector.shape_cast %swap3A_129 : vector<1x16xf32> to vector<16xf32>
    %swap3A_131 = vector.shape_cast %broadcast_in_dim3A_0 : vector<16xf32> to vector<1x16xf32>
    tpu.vector_store %arg22[%swap3A_127, %swap3A_128], %swap3A_131 {strides = array<i32>} : memref<40x128xf32, #tpu.memory_space<vmem>>, vector<1x16xf32>,
    %swap3A_132 = arith.constant 2 : i32
    %swap3A_133 = arith.index_cast %swap3A_132 : i32 to index
    %swap3A_134 = arith.constant 96 : index
    %swap3A_135 = tpu.vector_load %arg22[%swap3A_133, %swap3A_134] {strides = array<i32>} : memref<40x128xf32, #tpu.memory_space<vmem>>, vector<1x16xf32>,
    %swap3A_136 = vector.shape_cast %swap3A_135 : vector<1x16xf32> to vector<16xf32>
    %swap3A_137 = vector.shape_cast %broadcast_in_dim3A_0 : vector<16xf32> to vector<1x16xf32>
    tpu.vector_store %arg22[%swap3A_133, %swap3A_134], %swap3A_137 {strides = array<i32>} : memref<40x128xf32, #tpu.memory_space<vmem>>, vector<1x16xf32>,
    %swap3A_138 = arith.constant 2 : i32
    %swap3A_139 = arith.index_cast %swap3A_138 : i32 to index
    %swap3A_140 = arith.constant 112 : index
    %swap3A_141 = tpu.vector_load %arg22[%swap3A_139, %swap3A_140] {strides = array<i32>} : memref<40x128xf32, #tpu.memory_space<vmem>>, vector<1x16xf32>,
    %swap3A_142 = vector.shape_cast %swap3A_141 : vector<1x16xf32> to vector<16xf32>
    %swap3A_143 = vector.shape_cast %broadcast_in_dim3A_0 : vector<16xf32> to vector<1x16xf32>
    tpu.vector_store %arg22[%swap3A_139, %swap3A_140], %swap3A_143 {strides = array<i32>} : memref<40x128xf32, #tpu.memory_space<vmem>>, vector<1x16xf32>,
    %swap3A_144 = arith.constant 3 : i32
    %swap3A_145 = arith.index_cast %swap3A_144 : i32 to index
    %swap3A_146 = arith.constant 0 : index
    %swap3A_147 = tpu.vector_load %arg22[%swap3A_145, %swap3A_146] {strides = array<i32>} : memref<40x128xf32, #tpu.memory_space<vmem>>, vector<1x16xf32>,
    %swap3A_148 = vector.shape_cast %swap3A_147 : vector<1x16xf32> to vector<16xf32>
    %swap3A_149 = vector.shape_cast %broadcast_in_dim3A_0 : vector<16xf32> to vector<1x16xf32>
    tpu.vector_store %arg22[%swap3A_145, %swap3A_146], %swap3A_149 {strides = array<i32>} : memref<40x128xf32, #tpu.memory_space<vmem>>, vector<1x16xf32>,
    %swap3A_150 = arith.constant 3 : i32
    %swap3A_151 = arith.index_cast %swap3A_150 : i32 to index
    %swap3A_152 = arith.constant 16 : index
    %swap3A_153 = tpu.vector_load %arg22[%swap3A_151, %swap3A_152] {strides = array<i32>} : memref<40x128xf32, #tpu.memory_space<vmem>>, vector<1x16xf32>,
    %swap3A_154 = vector.shape_cast %swap3A_153 : vector<1x16xf32> to vector<16xf32>
    %swap3A_155 = vector.shape_cast %broadcast_in_dim3A_0 : vector<16xf32> to vector<1x16xf32>
    tpu.vector_store %arg22[%swap3A_151, %swap3A_152], %swap3A_155 {strides = array<i32>} : memref<40x128xf32, #tpu.memory_space<vmem>>, vector<1x16xf32>,
    %swap3A_156 = arith.constant 3 : i32
    %swap3A_157 = arith.index_cast %swap3A_156 : i32 to index
    %swap3A_158 = arith.constant 32 : index
    %swap3A_159 = tpu.vector_load %arg22[%swap3A_157, %swap3A_158] {strides = array<i32>} : memref<40x128xf32, #tpu.memory_space<vmem>>, vector<1x16xf32>,
    %swap3A_160 = vector.shape_cast %swap3A_159 : vector<1x16xf32> to vector<16xf32>
    %swap3A_161 = vector.shape_cast %broadcast_in_dim3A_0 : vector<16xf32> to vector<1x16xf32>
    tpu.vector_store %arg22[%swap3A_157, %swap3A_158], %swap3A_161 {strides = array<i32>} : memref<40x128xf32, #tpu.memory_space<vmem>>, vector<1x16xf32>,
    %swap3A_162 = arith.constant 3 : i32
    %swap3A_163 = arith.index_cast %swap3A_162 : i32 to index
    %swap3A_164 = arith.constant 48 : index
    %swap3A_165 = tpu.vector_load %arg22[%swap3A_163, %swap3A_164] {strides = array<i32>} : memref<40x128xf32, #tpu.memory_space<vmem>>, vector<1x16xf32>,
    %swap3A_166 = vector.shape_cast %swap3A_165 : vector<1x16xf32> to vector<16xf32>
    %swap3A_167 = vector.shape_cast %broadcast_in_dim3A_0 : vector<16xf32> to vector<1x16xf32>
    tpu.vector_store %arg22[%swap3A_163, %swap3A_164], %swap3A_167 {strides = array<i32>} : memref<40x128xf32, #tpu.memory_space<vmem>>, vector<1x16xf32>,
    %swap3A_168 = arith.constant 3 : i32
    %swap3A_169 = arith.index_cast %swap3A_168 : i32 to index
    %swap3A_170 = arith.constant 64 : index
    %swap3A_171 = tpu.vector_load %arg22[%swap3A_169, %swap3A_170] {strides = array<i32>} : memref<40x128xf32, #tpu.memory_space<vmem>>, vector<1x16xf32>,
    %swap3A_172 = vector.shape_cast %swap3A_171 : vector<1x16xf32> to vector<16xf32>
    %swap3A_173 = vector.shape_cast %broadcast_in_dim3A_0 : vector<16xf32> to vector<1x16xf32>
    tpu.vector_store %arg22[%swap3A_169, %swap3A_170], %swap3A_173 {strides = array<i32>} : memref<40x128xf32, #tpu.memory_space<vmem>>, vector<1x16xf32>,
    %swap3A_174 = arith.constant 3 : i32
    %swap3A_175 = arith.index_cast %swap3A_174 : i32 to index
    %swap3A_176 = arith.constant 80 : index
    %swap3A_177 = tpu.vector_load %arg22[%swap3A_175, %swap3A_176] {strides = array<i32>} : memref<40x128xf32, #tpu.memory_space<vmem>>, vector<1x16xf32>,
    %swap3A_178 = vector.shape_cast %swap3A_177 : vector<1x16xf32> to vector<16xf32>
    %swap3A_179 = vector.shape_cast %broadcast_in_dim3A_0 : vector<16xf32> to vector<1x16xf32>
    tpu.vector_store %arg22[%swap3A_175, %swap3A_176], %swap3A_179 {strides = array<i32>} : memref<40x128xf32, #tpu.memory_space<vmem>>, vector<1x16xf32>,
    %swap3A_180 = arith.constant 3 : i32
    %swap3A_181 = arith.index_cast %swap3A_180 : i32 to index
    %swap3A_182 = arith.constant 96 : index
    %swap3A_183 = tpu.vector_load %arg22[%swap3A_181, %swap3A_182] {strides = array<i32>} : memref<40x128xf32, #tpu.memory_space<vmem>>, vector<1x16xf32>,
    %swap3A_184 = vector.shape_cast %swap3A_183 : vector<1x16xf32> to vector<16xf32>
    %swap3A_185 = vector.shape_cast %broadcast_in_dim3A_0 : vector<16xf32> to vector<1x16xf32>
    tpu.vector_store %arg22[%swap3A_181, %swap3A_182], %swap3A_185 {strides = array<i32>} : memref<40x128xf32, #tpu.memory_space<vmem>>, vector<1x16xf32>,
    %swap3A_186 = arith.constant 3 : i32
    %swap3A_187 = arith.index_cast %swap3A_186 : i32 to index
    %swap3A_188 = arith.constant 112 : index
    %swap3A_189 = tpu.vector_load %arg22[%swap3A_187, %swap3A_188] {strides = array<i32>} : memref<40x128xf32, #tpu.memory_space<vmem>>, vector<1x16xf32>,
    %swap3A_190 = vector.shape_cast %swap3A_189 : vector<1x16xf32> to vector<16xf32>
    %swap3A_191 = vector.shape_cast %broadcast_in_dim3A_0 : vector<16xf32> to vector<1x16xf32>
    tpu.vector_store %arg22[%swap3A_187, %swap3A_188], %swap3A_191 {strides = array<i32>} : memref<40x128xf32, #tpu.memory_space<vmem>>, vector<1x16xf32>,
    %swap3A_192 = arith.constant 4 : i32
    %swap3A_193 = arith.index_cast %swap3A_192 : i32 to index
    %swap3A_194 = arith.constant 0 : index
    %swap3A_195 = tpu.vector_load %arg22[%swap3A_193, %swap3A_194] {strides = array<i32>} : memref<40x128xf32, #tpu.memory_space<vmem>>, vector<1x16xf32>,
    %swap3A_196 = vector.shape_cast %swap3A_195 : vector<1x16xf32> to vector<16xf32>
    %swap3A_197 = vector.shape_cast %broadcast_in_dim3A_0 : vector<16xf32> to vector<1x16xf32>
    tpu.vector_store %arg22[%swap3A_193, %swap3A_194], %swap3A_197 {strides = array<i32>} : memref<40x128xf32, #tpu.memory_space<vmem>>, vector<1x16xf32>,
    %swap3A_198 = arith.constant 4 : i32
    %swap3A_199 = arith.index_cast %swap3A_198 : i32 to index
    %swap3A_200 = arith.constant 16 : index
    %swap3A_201 = tpu.vector_load %arg22[%swap3A_199, %swap3A_200] {strides = array<i32>} : memref<40x128xf32, #tpu.memory_space<vmem>>, vector<1x16xf32>,
    %swap3A_202 = vector.shape_cast %swap3A_201 : vector<1x16xf32> to vector<16xf32>
    %swap3A_203 = vector.shape_cast %broadcast_in_dim3A_0 : vector<16xf32> to vector<1x16xf32>
    tpu.vector_store %arg22[%swap3A_199, %swap3A_200], %swap3A_203 {strides = array<i32>} : memref<40x128xf32, #tpu.memory_space<vmem>>, vector<1x16xf32>,
    %swap3A_204 = arith.constant 4 : i32
    %swap3A_205 = arith.index_cast %swap3A_204 : i32 to index
    %swap3A_206 = arith.constant 32 : index
    %swap3A_207 = tpu.vector_load %arg22[%swap3A_205, %swap3A_206] {strides = array<i32>} : memref<40x128xf32, #tpu.memory_space<vmem>>, vector<1x16xf32>,
    %swap3A_208 = vector.shape_cast %swap3A_207 : vector<1x16xf32> to vector<16xf32>
    %swap3A_209 = vector.shape_cast %broadcast_in_dim3A_0 : vector<16xf32> to vector<1x16xf32>
    tpu.vector_store %arg22[%swap3A_205, %swap3A_206], %swap3A_209 {strides = array<i32>} : memref<40x128xf32, #tpu.memory_space<vmem>>, vector<1x16xf32>,
    %swap3A_210 = arith.constant 4 : i32
    %swap3A_211 = arith.index_cast %swap3A_210 : i32 to index
    %swap3A_212 = arith.constant 48 : index
    %swap3A_213 = tpu.vector_load %arg22[%swap3A_211, %swap3A_212] {strides = array<i32>} : memref<40x128xf32, #tpu.memory_space<vmem>>, vector<1x16xf32>,
    %swap3A_214 = vector.shape_cast %swap3A_213 : vector<1x16xf32> to vector<16xf32>
    %swap3A_215 = vector.shape_cast %broadcast_in_dim3A_0 : vector<16xf32> to vector<1x16xf32>
    tpu.vector_store %arg22[%swap3A_211, %swap3A_212], %swap3A_215 {strides = array<i32>} : memref<40x128xf32, #tpu.memory_space<vmem>>, vector<1x16xf32>,
    %swap3A_216 = arith.constant 4 : i32
    %swap3A_217 = arith.index_cast %swap3A_216 : i32 to index
    %swap3A_218 = arith.constant 64 : index
    %swap3A_219 = tpu.vector_load %arg22[%swap3A_217, %swap3A_218] {strides = array<i32>} : memref<40x128xf32, #tpu.memory_space<vmem>>, vector<1x16xf32>,
    %swap3A_220 = vector.shape_cast %swap3A_219 : vector<1x16xf32> to vector<16xf32>
    %swap3A_221 = vector.shape_cast %broadcast_in_dim3A_0 : vector<16xf32> to vector<1x16xf32>
    tpu.vector_store %arg22[%swap3A_217, %swap3A_218], %swap3A_221 {strides = array<i32>} : memref<40x128xf32, #tpu.memory_space<vmem>>, vector<1x16xf32>,
    %swap3A_222 = arith.constant 4 : i32
    %swap3A_223 = arith.index_cast %swap3A_222 : i32 to index
    %swap3A_224 = arith.constant 80 : index
    %swap3A_225 = tpu.vector_load %arg22[%swap3A_223, %swap3A_224] {strides = array<i32>} : memref<40x128xf32, #tpu.memory_space<vmem>>, vector<1x16xf32>,
    %swap3A_226 = vector.shape_cast %swap3A_225 : vector<1x16xf32> to vector<16xf32>
    %swap3A_227 = vector.shape_cast %broadcast_in_dim3A_0 : vector<16xf32> to vector<1x16xf32>
    tpu.vector_store %arg22[%swap3A_223, %swap3A_224], %swap3A_227 {strides = array<i32>} : memref<40x128xf32, #tpu.memory_space<vmem>>, vector<1x16xf32>,
    %swap3A_228 = arith.constant 4 : i32
    %swap3A_229 = arith.index_cast %swap3A_228 : i32 to index
    %swap3A_230 = arith.constant 96 : index
    %swap3A_231 = tpu.vector_load %arg22[%swap3A_229, %swap3A_230] {strides = array<i32>} : memref<40x128xf32, #tpu.memory_space<vmem>>, vector<1x16xf32>,
    %swap3A_232 = vector.shape_cast %swap3A_231 : vector<1x16xf32> to vector<16xf32>
    %swap3A_233 = vector.shape_cast %broadcast_in_dim3A_0 : vector<16xf32> to vector<1x16xf32>
    tpu.vector_store %arg22[%swap3A_229, %swap3A_230], %swap3A_233 {strides = array<i32>} : memref<40x128xf32, #tpu.memory_space<vmem>>, vector<1x16xf32>,
    %swap3A_234 = arith.constant 4 : i32
    %swap3A_235 = arith.index_cast %swap3A_234 : i32 to index
    %swap3A_236 = arith.constant 112 : index
    %swap3A_237 = tpu.vector_load %arg22[%swap3A_235, %swap3A_236] {strides = array<i32>} : memref<40x128xf32, #tpu.memory_space<vmem>>, vector<1x16xf32>,
    %swap3A_238 = vector.shape_cast %swap3A_237 : vector<1x16xf32> to vector<16xf32>
    %swap3A_239 = vector.shape_cast %broadcast_in_dim3A_0 : vector<16xf32> to vector<1x16xf32>
    tpu.vector_store %arg22[%swap3A_235, %swap3A_236], %swap3A_239 {strides = array<i32>} : memref<40x128xf32, #tpu.memory_space<vmem>>, vector<1x16xf32>,
    %swap3A_240 = arith.constant 5 : i32
    %swap3A_241 = arith.index_cast %swap3A_240 : i32 to index
    %swap3A_242 = arith.constant 0 : index
    %swap3A_243 = tpu.vector_load %arg22[%swap3A_241, %swap3A_242] {strides = array<i32>} : memref<40x128xf32, #tpu.memory_space<vmem>>, vector<1x16xf32>,
    %swap3A_244 = vector.shape_cast %swap3A_243 : vector<1x16xf32> to vector<16xf32>
    %swap3A_245 = vector.shape_cast %broadcast_in_dim3A_0 : vector<16xf32> to vector<1x16xf32>
    tpu.vector_store %arg22[%swap3A_241, %swap3A_242], %swap3A_245 {strides = array<i32>} : memref<40x128xf32, #tpu.memory_space<vmem>>, vector<1x16xf32>,
    %swap3A_246 = arith.constant 5 : i32
    %swap3A_247 = arith.index_cast %swap3A_246 : i32 to index
    %swap3A_248 = arith.constant 16 : index
    %swap3A_249 = tpu.vector_load %arg22[%swap3A_247, %swap3A_248] {strides = array<i32>} : memref<40x128xf32, #tpu.memory_space<vmem>>, vector<1x16xf32>,
    %swap3A_250 = vector.shape_cast %swap3A_249 : vector<1x16xf32> to vector<16xf32>
    %swap3A_251 = vector.shape_cast %broadcast_in_dim3A_0 : vector<16xf32> to vector<1x16xf32>
    tpu.vector_store %arg22[%swap3A_247, %swap3A_248], %swap3A_251 {strides = array<i32>} : memref<40x128xf32, #tpu.memory_space<vmem>>, vector<1x16xf32>,
    %swap3A_252 = arith.constant 5 : i32
    %swap3A_253 = arith.index_cast %swap3A_252 : i32 to index
    %swap3A_254 = arith.constant 32 : index
    %swap3A_255 = tpu.vector_load %arg22[%swap3A_253, %swap3A_254] {strides = array<i32>} : memref<40x128xf32, #tpu.memory_space<vmem>>, vector<1x16xf32>,
    %swap3A_256 = vector.shape_cast %swap3A_255 : vector<1x16xf32> to vector<16xf32>
    %swap3A_257 = vector.shape_cast %broadcast_in_dim3A_0 : vector<16xf32> to vector<1x16xf32>
    tpu.vector_store %arg22[%swap3A_253, %swap3A_254], %swap3A_257 {strides = array<i32>} : memref<40x128xf32, #tpu.memory_space<vmem>>, vector<1x16xf32>,
    %swap3A_258 = arith.constant 5 : i32
    %swap3A_259 = arith.index_cast %swap3A_258 : i32 to index
    %swap3A_260 = arith.constant 48 : index
    %swap3A_261 = tpu.vector_load %arg22[%swap3A_259, %swap3A_260] {strides = array<i32>} : memref<40x128xf32, #tpu.memory_space<vmem>>, vector<1x16xf32>,
    %swap3A_262 = vector.shape_cast %swap3A_261 : vector<1x16xf32> to vector<16xf32>
    %swap3A_263 = vector.shape_cast %broadcast_in_dim3A_0 : vector<16xf32> to vector<1x16xf32>
    tpu.vector_store %arg22[%swap3A_259, %swap3A_260], %swap3A_263 {strides = array<i32>} : memref<40x128xf32, #tpu.memory_space<vmem>>, vector<1x16xf32>,
    %swap3A_264 = arith.constant 5 : i32
    %swap3A_265 = arith.index_cast %swap3A_264 : i32 to index
    %swap3A_266 = arith.constant 64 : index
    %swap3A_267 = tpu.vector_load %arg22[%swap3A_265, %swap3A_266] {strides = array<i32>} : memref<40x128xf32, #tpu.memory_space<vmem>>, vector<1x16xf32>,
    %swap3A_268 = vector.shape_cast %swap3A_267 : vector<1x16xf32> to vector<16xf32>
    %swap3A_269 = vector.shape_cast %broadcast_in_dim3A_0 : vector<16xf32> to vector<1x16xf32>
    tpu.vector_store %arg22[%swap3A_265, %swap3A_266], %swap3A_269 {strides = array<i32>} : memref<40x128xf32, #tpu.memory_space<vmem>>, vector<1x16xf32>,
    %swap3A_270 = arith.constant 5 : i32
    %swap3A_271 = arith.index_cast %swap3A_270 : i32 to index
    %swap3A_272 = arith.constant 80 : index
    %swap3A_273 = tpu.vector_load %arg22[%swap3A_271, %swap3A_272] {strides = array<i32>} : memref<40x128xf32, #tpu.memory_space<vmem>>, vector<1x16xf32>,
    %swap3A_274 = vector.shape_cast %swap3A_273 : vector<1x16xf32> to vector<16xf32>
    %swap3A_275 = vector.shape_cast %broadcast_in_dim3A_0 : vector<16xf32> to vector<1x16xf32>
    tpu.vector_store %arg22[%swap3A_271, %swap3A_272], %swap3A_275 {strides = array<i32>} : memref<40x128xf32, #tpu.memory_space<vmem>>, vector<1x16xf32>,
    %swap3A_276 = arith.constant 5 : i32
    %swap3A_277 = arith.index_cast %swap3A_276 : i32 to index
    %swap3A_278 = arith.constant 96 : index
    %swap3A_279 = tpu.vector_load %arg22[%swap3A_277, %swap3A_278] {strides = array<i32>} : memref<40x128xf32, #tpu.memory_space<vmem>>, vector<1x16xf32>,
    %swap3A_280 = vector.shape_cast %swap3A_279 : vector<1x16xf32> to vector<16xf32>
    %swap3A_281 = vector.shape_cast %broadcast_in_dim3A_0 : vector<16xf32> to vector<1x16xf32>
    tpu.vector_store %arg22[%swap3A_277, %swap3A_278], %swap3A_281 {strides = array<i32>} : memref<40x128xf32, #tpu.memory_space<vmem>>, vector<1x16xf32>,
    %swap3A_282 = arith.constant 5 : i32
    %swap3A_283 = arith.index_cast %swap3A_282 : i32 to index
    %swap3A_284 = arith.constant 112 : index
    %swap3A_285 = tpu.vector_load %arg22[%swap3A_283, %swap3A_284] {strides = array<i32>} : memref<40x128xf32, #tpu.memory_space<vmem>>, vector<1x16xf32>,
    %swap3A_286 = vector.shape_cast %swap3A_285 : vector<1x16xf32> to vector<16xf32>
    %swap3A_287 = vector.shape_cast %broadcast_in_dim3A_0 : vector<16xf32> to vector<1x16xf32>
    tpu.vector_store %arg22[%swap3A_283, %swap3A_284], %swap3A_287 {strides = array<i32>} : memref<40x128xf32, #tpu.memory_space<vmem>>, vector<1x16xf32>,
    %swap3A_288 = arith.constant 6 : i32
    %swap3A_289 = arith.index_cast %swap3A_288 : i32 to index
    %swap3A_290 = arith.constant 0 : index
    %swap3A_291 = tpu.vector_load %arg22[%swap3A_289, %swap3A_290] {strides = array<i32>} : memref<40x128xf32, #tpu.memory_space<vmem>>, vector<1x16xf32>,
    %swap3A_292 = vector.shape_cast %swap3A_291 : vector<1x16xf32> to vector<16xf32>
    %swap3A_293 = vector.shape_cast %broadcast_in_dim3A_0 : vector<16xf32> to vector<1x16xf32>
    tpu.vector_store %arg22[%swap3A_289, %swap3A_290], %swap3A_293 {strides = array<i32>} : memref<40x128xf32, #tpu.memory_space<vmem>>, vector<1x16xf32>,
    %swap3A_294 = arith.constant 6 : i32
    %swap3A_295 = arith.index_cast %swap3A_294 : i32 to index
    %swap3A_296 = arith.constant 16 : index
    %swap3A_297 = tpu.vector_load %arg22[%swap3A_295, %swap3A_296] {strides = array<i32>} : memref<40x128xf32, #tpu.memory_space<vmem>>, vector<1x16xf32>,
    %swap3A_298 = vector.shape_cast %swap3A_297 : vector<1x16xf32> to vector<16xf32>
    %swap3A_299 = vector.shape_cast %broadcast_in_dim3A_0 : vector<16xf32> to vector<1x16xf32>
    tpu.vector_store %arg22[%swap3A_295, %swap3A_296], %swap3A_299 {strides = array<i32>} : memref<40x128xf32, #tpu.memory_space<vmem>>, vector<1x16xf32>,
    %swap3A_300 = arith.constant 6 : i32
    %swap3A_301 = arith.index_cast %swap3A_300 : i32 to index
    %swap3A_302 = arith.constant 32 : index
    %swap3A_303 = tpu.vector_load %arg22[%swap3A_301, %swap3A_302] {strides = array<i32>} : memref<40x128xf32, #tpu.memory_space<vmem>>, vector<1x16xf32>,
    %swap3A_304 = vector.shape_cast %swap3A_303 : vector<1x16xf32> to vector<16xf32>
    %swap3A_305 = vector.shape_cast %broadcast_in_dim3A_0 : vector<16xf32> to vector<1x16xf32>
    tpu.vector_store %arg22[%swap3A_301, %swap3A_302], %swap3A_305 {strides = array<i32>} : memref<40x128xf32, #tpu.memory_space<vmem>>, vector<1x16xf32>,
    %swap3A_306 = arith.constant 6 : i32
    %swap3A_307 = arith.index_cast %swap3A_306 : i32 to index
    %swap3A_308 = arith.constant 48 : index
    %swap3A_309 = tpu.vector_load %arg22[%swap3A_307, %swap3A_308] {strides = array<i32>} : memref<40x128xf32, #tpu.memory_space<vmem>>, vector<1x16xf32>,
    %swap3A_310 = vector.shape_cast %swap3A_309 : vector<1x16xf32> to vector<16xf32>
    %swap3A_311 = vector.shape_cast %broadcast_in_dim3A_0 : vector<16xf32> to vector<1x16xf32>
    tpu.vector_store %arg22[%swap3A_307, %swap3A_308], %swap3A_311 {strides = array<i32>} : memref<40x128xf32, #tpu.memory_space<vmem>>, vector<1x16xf32>,
    %swap3A_312 = arith.constant 6 : i32
    %swap3A_313 = arith.index_cast %swap3A_312 : i32 to index
    %swap3A_314 = arith.constant 64 : index
    %swap3A_315 = tpu.vector_load %arg22[%swap3A_313, %swap3A_314] {strides = array<i32>} : memref<40x128xf32, #tpu.memory_space<vmem>>, vector<1x16xf32>,
    %swap3A_316 = vector.shape_cast %swap3A_315 : vector<1x16xf32> to vector<16xf32>
    %swap3A_317 = vector.shape_cast %broadcast_in_dim3A_0 : vector<16xf32> to vector<1x16xf32>
    tpu.vector_store %arg22[%swap3A_313, %swap3A_314], %swap3A_317 {strides = array<i32>} : memref<40x128xf32, #tpu.memory_space<vmem>>, vector<1x16xf32>,
    %swap3A_318 = arith.constant 6 : i32
    %swap3A_319 = arith.index_cast %swap3A_318 : i32 to index
    %swap3A_320 = arith.constant 80 : index
    %swap3A_321 = tpu.vector_load %arg22[%swap3A_319, %swap3A_320] {strides = array<i32>} : memref<40x128xf32, #tpu.memory_space<vmem>>, vector<1x16xf32>,
    %swap3A_322 = vector.shape_cast %swap3A_321 : vector<1x16xf32> to vector<16xf32>
    %swap3A_323 = vector.shape_cast %broadcast_in_dim3A_0 : vector<16xf32> to vector<1x16xf32>
    tpu.vector_store %arg22[%swap3A_319, %swap3A_320], %swap3A_323 {strides = array<i32>} : memref<40x128xf32, #tpu.memory_space<vmem>>, vector<1x16xf32>,
    %swap3A_324 = arith.constant 6 : i32
    %swap3A_325 = arith.index_cast %swap3A_324 : i32 to index
    %swap3A_326 = arith.constant 96 : index
    %swap3A_327 = tpu.vector_load %arg22[%swap3A_325, %swap3A_326] {strides = array<i32>} : memref<40x128xf32, #tpu.memory_space<vmem>>, vector<1x16xf32>,
    %swap3A_328 = vector.shape_cast %swap3A_327 : vector<1x16xf32> to vector<16xf32>
    %swap3A_329 = vector.shape_cast %broadcast_in_dim3A_0 : vector<16xf32> to vector<1x16xf32>
    tpu.vector_store %arg22[%swap3A_325, %swap3A_326], %swap3A_329 {strides = array<i32>} : memref<40x128xf32, #tpu.memory_space<vmem>>, vector<1x16xf32>,
    %swap3A_330 = arith.constant 6 : i32
    %swap3A_331 = arith.index_cast %swap3A_330 : i32 to index
    %swap3A_332 = arith.constant 112 : index
    %swap3A_333 = tpu.vector_load %arg22[%swap3A_331, %swap3A_332] {strides = array<i32>} : memref<40x128xf32, #tpu.memory_space<vmem>>, vector<1x16xf32>,
    %swap3A_334 = vector.shape_cast %swap3A_333 : vector<1x16xf32> to vector<16xf32>
    %swap3A_335 = vector.shape_cast %broadcast_in_dim3A_0 : vector<16xf32> to vector<1x16xf32>
    tpu.vector_store %arg22[%swap3A_331, %swap3A_332], %swap3A_335 {strides = array<i32>} : memref<40x128xf32, #tpu.memory_space<vmem>>, vector<1x16xf32>,
    %swap3A_336 = arith.constant 7 : i32
    %swap3A_337 = arith.index_cast %swap3A_336 : i32 to index
    %swap3A_338 = arith.constant 0 : index
    %swap3A_339 = tpu.vector_load %arg22[%swap3A_337, %swap3A_338] {strides = array<i32>} : memref<40x128xf32, #tpu.memory_space<vmem>>, vector<1x16xf32>,
    %swap3A_340 = vector.shape_cast %swap3A_339 : vector<1x16xf32> to vector<16xf32>
    %swap3A_341 = vector.shape_cast %broadcast_in_dim3A_0 : vector<16xf32> to vector<1x16xf32>
    tpu.vector_store %arg22[%swap3A_337, %swap3A_338], %swap3A_341 {strides = array<i32>} : memref<40x128xf32, #tpu.memory_space<vmem>>, vector<1x16xf32>,
    %swap3A_342 = arith.constant 7 : i32
    %swap3A_343 = arith.index_cast %swap3A_342 : i32 to index
    %swap3A_344 = arith.constant 16 : index
    %swap3A_345 = tpu.vector_load %arg22[%swap3A_343, %swap3A_344] {strides = array<i32>} : memref<40x128xf32, #tpu.memory_space<vmem>>, vector<1x16xf32>,
    %swap3A_346 = vector.shape_cast %swap3A_345 : vector<1x16xf32> to vector<16xf32>
    %swap3A_347 = vector.shape_cast %broadcast_in_dim3A_0 : vector<16xf32> to vector<1x16xf32>
    tpu.vector_store %arg22[%swap3A_343, %swap3A_344], %swap3A_347 {strides = array<i32>} : memref<40x128xf32, #tpu.memory_space<vmem>>, vector<1x16xf32>,
    %swap3A_348 = arith.constant 7 : i32
    %swap3A_349 = arith.index_cast %swap3A_348 : i32 to index
    %swap3A_350 = arith.constant 32 : index
    %swap3A_351 = tpu.vector_load %arg22[%swap3A_349, %swap3A_350] {strides = array<i32>} : memref<40x128xf32, #tpu.memory_space<vmem>>, vector<1x16xf32>,
    %swap3A_352 = vector.shape_cast %swap3A_351 : vector<1x16xf32> to vector<16xf32>
    %swap3A_353 = vector.shape_cast %broadcast_in_dim3A_0 : vector<16xf32> to vector<1x16xf32>
    tpu.vector_store %arg22[%swap3A_349, %swap3A_350], %swap3A_353 {strides = array<i32>} : memref<40x128xf32, #tpu.memory_space<vmem>>, vector<1x16xf32>,
    %swap3A_354 = arith.constant 7 : i32
    %swap3A_355 = arith.index_cast %swap3A_354 : i32 to index
    %swap3A_356 = arith.constant 48 : index
    %swap3A_357 = tpu.vector_load %arg22[%swap3A_355, %swap3A_356] {strides = array<i32>} : memref<40x128xf32, #tpu.memory_space<vmem>>, vector<1x16xf32>,
    %swap3A_358 = vector.shape_cast %swap3A_357 : vector<1x16xf32> to vector<16xf32>
    %swap3A_359 = vector.shape_cast %broadcast_in_dim3A_0 : vector<16xf32> to vector<1x16xf32>
    tpu.vector_store %arg22[%swap3A_355, %swap3A_356], %swap3A_359 {strides = array<i32>} : memref<40x128xf32, #tpu.memory_space<vmem>>, vector<1x16xf32>,
    %swap3A_360 = arith.constant 7 : i32
    %swap3A_361 = arith.index_cast %swap3A_360 : i32 to index
    %swap3A_362 = arith.constant 64 : index
    %swap3A_363 = tpu.vector_load %arg22[%swap3A_361, %swap3A_362] {strides = array<i32>} : memref<40x128xf32, #tpu.memory_space<vmem>>, vector<1x16xf32>,
    %swap3A_364 = vector.shape_cast %swap3A_363 : vector<1x16xf32> to vector<16xf32>
    %swap3A_365 = vector.shape_cast %broadcast_in_dim3A_0 : vector<16xf32> to vector<1x16xf32>
    tpu.vector_store %arg22[%swap3A_361, %swap3A_362], %swap3A_365 {strides = array<i32>} : memref<40x128xf32, #tpu.memory_space<vmem>>, vector<1x16xf32>,
    %swap3A_366 = arith.constant 7 : i32
    %swap3A_367 = arith.index_cast %swap3A_366 : i32 to index
    %swap3A_368 = arith.constant 80 : index
    %swap3A_369 = tpu.vector_load %arg22[%swap3A_367, %swap3A_368] {strides = array<i32>} : memref<40x128xf32, #tpu.memory_space<vmem>>, vector<1x16xf32>,
    %swap3A_370 = vector.shape_cast %swap3A_369 : vector<1x16xf32> to vector<16xf32>
    %swap3A_371 = vector.shape_cast %broadcast_in_dim3A_0 : vector<16xf32> to vector<1x16xf32>
    tpu.vector_store %arg22[%swap3A_367, %swap3A_368], %swap3A_371 {strides = array<i32>} : memref<40x128xf32, #tpu.memory_space<vmem>>, vector<1x16xf32>,
    %swap3A_372 = arith.constant 7 : i32
    %swap3A_373 = arith.index_cast %swap3A_372 : i32 to index
    %swap3A_374 = arith.constant 96 : index
    %swap3A_375 = tpu.vector_load %arg22[%swap3A_373, %swap3A_374] {strides = array<i32>} : memref<40x128xf32, #tpu.memory_space<vmem>>, vector<1x16xf32>,
    %swap3A_376 = vector.shape_cast %swap3A_375 : vector<1x16xf32> to vector<16xf32>
    %swap3A_377 = vector.shape_cast %broadcast_in_dim3A_0 : vector<16xf32> to vector<1x16xf32>
    tpu.vector_store %arg22[%swap3A_373, %swap3A_374], %swap3A_377 {strides = array<i32>} : memref<40x128xf32, #tpu.memory_space<vmem>>, vector<1x16xf32>,
    %swap3A_378 = arith.constant 7 : i32
    %swap3A_379 = arith.index_cast %swap3A_378 : i32 to index
    %swap3A_380 = arith.constant 112 : index
    %swap3A_381 = tpu.vector_load %arg22[%swap3A_379, %swap3A_380] {strides = array<i32>} : memref<40x128xf32, #tpu.memory_space<vmem>>, vector<1x16xf32>,
    %swap3A_382 = vector.shape_cast %swap3A_381 : vector<1x16xf32> to vector<16xf32>
    %swap3A_383 = vector.shape_cast %broadcast_in_dim3A_0 : vector<16xf32> to vector<1x16xf32>
    tpu.vector_store %arg22[%swap3A_379, %swap3A_380], %swap3A_383 {strides = array<i32>} : memref<40x128xf32, #tpu.memory_space<vmem>>, vector<1x16xf32>,
    %swap3A_384 = arith.constant 8 : i32
    %swap3A_385 = arith.index_cast %swap3A_384 : i32 to index
    %swap3A_386 = arith.constant 0 : index
    %swap3A_387 = tpu.vector_load %arg22[%swap3A_385, %swap3A_386] {strides = array<i32>} : memref<40x128xf32, #tpu.memory_space<vmem>>, vector<1x16xf32>,
    %swap3A_388 = vector.shape_cast %swap3A_387 : vector<1x16xf32> to vector<16xf32>
    %swap3A_389 = vector.shape_cast %broadcast_in_dim3A_0 : vector<16xf32> to vector<1x16xf32>
    tpu.vector_store %arg22[%swap3A_385, %swap3A_386], %swap3A_389 {strides = array<i32>} : memref<40x128xf32, #tpu.memory_space<vmem>>, vector<1x16xf32>,
    %swap3A_390 = arith.constant 8 : i32
    %swap3A_391 = arith.index_cast %swap3A_390 : i32 to index
    %swap3A_392 = arith.constant 16 : index
    %swap3A_393 = tpu.vector_load %arg22[%swap3A_391, %swap3A_392] {strides = array<i32>} : memref<40x128xf32, #tpu.memory_space<vmem>>, vector<1x16xf32>,
    %swap3A_394 = vector.shape_cast %swap3A_393 : vector<1x16xf32> to vector<16xf32>
    %swap3A_395 = vector.shape_cast %broadcast_in_dim3A_0 : vector<16xf32> to vector<1x16xf32>
    tpu.vector_store %arg22[%swap3A_391, %swap3A_392], %swap3A_395 {strides = array<i32>} : memref<40x128xf32, #tpu.memory_space<vmem>>, vector<1x16xf32>,
    %swap3A_396 = arith.constant 8 : i32
    %swap3A_397 = arith.index_cast %swap3A_396 : i32 to index
    %swap3A_398 = arith.constant 32 : index
    %swap3A_399 = tpu.vector_load %arg22[%swap3A_397, %swap3A_398] {strides = array<i32>} : memref<40x128xf32, #tpu.memory_space<vmem>>, vector<1x16xf32>,
    %swap3A_400 = vector.shape_cast %swap3A_399 : vector<1x16xf32> to vector<16xf32>
    %swap3A_401 = vector.shape_cast %broadcast_in_dim3A_0 : vector<16xf32> to vector<1x16xf32>
    tpu.vector_store %arg22[%swap3A_397, %swap3A_398], %swap3A_401 {strides = array<i32>} : memref<40x128xf32, #tpu.memory_space<vmem>>, vector<1x16xf32>,
    %swap3A_402 = arith.constant 8 : i32
    %swap3A_403 = arith.index_cast %swap3A_402 : i32 to index
    %swap3A_404 = arith.constant 48 : index
    %swap3A_405 = tpu.vector_load %arg22[%swap3A_403, %swap3A_404] {strides = array<i32>} : memref<40x128xf32, #tpu.memory_space<vmem>>, vector<1x16xf32>,
    %swap3A_406 = vector.shape_cast %swap3A_405 : vector<1x16xf32> to vector<16xf32>
    %swap3A_407 = vector.shape_cast %broadcast_in_dim3A_0 : vector<16xf32> to vector<1x16xf32>
    tpu.vector_store %arg22[%swap3A_403, %swap3A_404], %swap3A_407 {strides = array<i32>} : memref<40x128xf32, #tpu.memory_space<vmem>>, vector<1x16xf32>,
    %swap3A_408 = arith.constant 8 : i32
    %swap3A_409 = arith.index_cast %swap3A_408 : i32 to index
    %swap3A_410 = arith.constant 64 : index
    %swap3A_411 = tpu.vector_load %arg22[%swap3A_409, %swap3A_410] {strides = array<i32>} : memref<40x128xf32, #tpu.memory_space<vmem>>, vector<1x16xf32>,
    %swap3A_412 = vector.shape_cast %swap3A_411 : vector<1x16xf32> to vector<16xf32>
    %swap3A_413 = vector.shape_cast %broadcast_in_dim3A_0 : vector<16xf32> to vector<1x16xf32>
    tpu.vector_store %arg22[%swap3A_409, %swap3A_410], %swap3A_413 {strides = array<i32>} : memref<40x128xf32, #tpu.memory_space<vmem>>, vector<1x16xf32>,
    %swap3A_414 = arith.constant 8 : i32
    %swap3A_415 = arith.index_cast %swap3A_414 : i32 to index
    %swap3A_416 = arith.constant 80 : index
    %swap3A_417 = tpu.vector_load %arg22[%swap3A_415, %swap3A_416] {strides = array<i32>} : memref<40x128xf32, #tpu.memory_space<vmem>>, vector<1x16xf32>,
    %swap3A_418 = vector.shape_cast %swap3A_417 : vector<1x16xf32> to vector<16xf32>
    %swap3A_419 = vector.shape_cast %broadcast_in_dim3A_0 : vector<16xf32> to vector<1x16xf32>
    tpu.vector_store %arg22[%swap3A_415, %swap3A_416], %swap3A_419 {strides = array<i32>} : memref<40x128xf32, #tpu.memory_space<vmem>>, vector<1x16xf32>,
    %swap3A_420 = arith.constant 8 : i32
    %swap3A_421 = arith.index_cast %swap3A_420 : i32 to index
    %swap3A_422 = arith.constant 96 : index
    %swap3A_423 = tpu.vector_load %arg22[%swap3A_421, %swap3A_422] {strides = array<i32>} : memref<40x128xf32, #tpu.memory_space<vmem>>, vector<1x16xf32>,
    %swap3A_424 = vector.shape_cast %swap3A_423 : vector<1x16xf32> to vector<16xf32>
    %swap3A_425 = vector.shape_cast %broadcast_in_dim3A_0 : vector<16xf32> to vector<1x16xf32>
    tpu.vector_store %arg22[%swap3A_421, %swap3A_422], %swap3A_425 {strides = array<i32>} : memref<40x128xf32, #tpu.memory_space<vmem>>, vector<1x16xf32>,
    %swap3A_426 = arith.constant 8 : i32
    %swap3A_427 = arith.index_cast %swap3A_426 : i32 to index
    %swap3A_428 = arith.constant 112 : index
    %swap3A_429 = tpu.vector_load %arg22[%swap3A_427, %swap3A_428] {strides = array<i32>} : memref<40x128xf32, #tpu.memory_space<vmem>>, vector<1x16xf32>,
    %swap3A_430 = vector.shape_cast %swap3A_429 : vector<1x16xf32> to vector<16xf32>
    %swap3A_431 = vector.shape_cast %broadcast_in_dim3A_0 : vector<16xf32> to vector<1x16xf32>
    tpu.vector_store %arg22[%swap3A_427, %swap3A_428], %swap3A_431 {strides = array<i32>} : memref<40x128xf32, #tpu.memory_space<vmem>>, vector<1x16xf32>,
    %swap3A_432 = arith.constant 9 : i32
    %swap3A_433 = arith.index_cast %swap3A_432 : i32 to index
    %swap3A_434 = arith.constant 0 : index
    %swap3A_435 = tpu.vector_load %arg22[%swap3A_433, %swap3A_434] {strides = array<i32>} : memref<40x128xf32, #tpu.memory_space<vmem>>, vector<1x16xf32>,
    %swap3A_436 = vector.shape_cast %swap3A_435 : vector<1x16xf32> to vector<16xf32>
    %swap3A_437 = vector.shape_cast %broadcast_in_dim3A_0 : vector<16xf32> to vector<1x16xf32>
    tpu.vector_store %arg22[%swap3A_433, %swap3A_434], %swap3A_437 {strides = array<i32>} : memref<40x128xf32, #tpu.memory_space<vmem>>, vector<1x16xf32>,
    %swap3A_438 = arith.constant 9 : i32
    %swap3A_439 = arith.index_cast %swap3A_438 : i32 to index
    %swap3A_440 = arith.constant 16 : index
    %swap3A_441 = tpu.vector_load %arg22[%swap3A_439, %swap3A_440] {strides = array<i32>} : memref<40x128xf32, #tpu.memory_space<vmem>>, vector<1x16xf32>,
    %swap3A_442 = vector.shape_cast %swap3A_441 : vector<1x16xf32> to vector<16xf32>
    %swap3A_443 = vector.shape_cast %broadcast_in_dim3A_0 : vector<16xf32> to vector<1x16xf32>
    tpu.vector_store %arg22[%swap3A_439, %swap3A_440], %swap3A_443 {strides = array<i32>} : memref<40x128xf32, #tpu.memory_space<vmem>>, vector<1x16xf32>,
    %swap3A_444 = arith.constant 9 : i32
    %swap3A_445 = arith.index_cast %swap3A_444 : i32 to index
    %swap3A_446 = arith.constant 32 : index
    %swap3A_447 = tpu.vector_load %arg22[%swap3A_445, %swap3A_446] {strides = array<i32>} : memref<40x128xf32, #tpu.memory_space<vmem>>, vector<1x16xf32>,
    %swap3A_448 = vector.shape_cast %swap3A_447 : vector<1x16xf32> to vector<16xf32>
    %swap3A_449 = vector.shape_cast %broadcast_in_dim3A_0 : vector<16xf32> to vector<1x16xf32>
    tpu.vector_store %arg22[%swap3A_445, %swap3A_446], %swap3A_449 {strides = array<i32>} : memref<40x128xf32, #tpu.memory_space<vmem>>, vector<1x16xf32>,
    %swap3A_450 = arith.constant 9 : i32
    %swap3A_451 = arith.index_cast %swap3A_450 : i32 to index
    %swap3A_452 = arith.constant 48 : index
    %swap3A_453 = tpu.vector_load %arg22[%swap3A_451, %swap3A_452] {strides = array<i32>} : memref<40x128xf32, #tpu.memory_space<vmem>>, vector<1x16xf32>,
    %swap3A_454 = vector.shape_cast %swap3A_453 : vector<1x16xf32> to vector<16xf32>
    %swap3A_455 = vector.shape_cast %broadcast_in_dim3A_0 : vector<16xf32> to vector<1x16xf32>
    tpu.vector_store %arg22[%swap3A_451, %swap3A_452], %swap3A_455 {strides = array<i32>} : memref<40x128xf32, #tpu.memory_space<vmem>>, vector<1x16xf32>,
    %swap3A_456 = arith.constant 9 : i32
    %swap3A_457 = arith.index_cast %swap3A_456 : i32 to index
    %swap3A_458 = arith.constant 64 : index
    %swap3A_459 = tpu.vector_load %arg22[%swap3A_457, %swap3A_458] {strides = array<i32>} : memref<40x128xf32, #tpu.memory_space<vmem>>, vector<1x16xf32>,
    %swap3A_460 = vector.shape_cast %swap3A_459 : vector<1x16xf32> to vector<16xf32>
    %swap3A_461 = vector.shape_cast %broadcast_in_dim3A_0 : vector<16xf32> to vector<1x16xf32>
    tpu.vector_store %arg22[%swap3A_457, %swap3A_458], %swap3A_461 {strides = array<i32>} : memref<40x128xf32, #tpu.memory_space<vmem>>, vector<1x16xf32>,
    %swap3A_462 = arith.constant 9 : i32
    %swap3A_463 = arith.index_cast %swap3A_462 : i32 to index
    %swap3A_464 = arith.constant 80 : index
    %swap3A_465 = tpu.vector_load %arg22[%swap3A_463, %swap3A_464] {strides = array<i32>} : memref<40x128xf32, #tpu.memory_space<vmem>>, vector<1x16xf32>,
    %swap3A_466 = vector.shape_cast %swap3A_465 : vector<1x16xf32> to vector<16xf32>
    %swap3A_467 = vector.shape_cast %broadcast_in_dim3A_0 : vector<16xf32> to vector<1x16xf32>
    tpu.vector_store %arg22[%swap3A_463, %swap3A_464], %swap3A_467 {strides = array<i32>} : memref<40x128xf32, #tpu.memory_space<vmem>>, vector<1x16xf32>,
    %swap3A_468 = arith.constant 9 : i32
    %swap3A_469 = arith.index_cast %swap3A_468 : i32 to index
    %swap3A_470 = arith.constant 96 : index
    %swap3A_471 = tpu.vector_load %arg22[%swap3A_469, %swap3A_470] {strides = array<i32>} : memref<40x128xf32, #tpu.memory_space<vmem>>, vector<1x16xf32>,
    %swap3A_472 = vector.shape_cast %swap3A_471 : vector<1x16xf32> to vector<16xf32>
    %swap3A_473 = vector.shape_cast %broadcast_in_dim3A_0 : vector<16xf32> to vector<1x16xf32>
    tpu.vector_store %arg22[%swap3A_469, %swap3A_470], %swap3A_473 {strides = array<i32>} : memref<40x128xf32, #tpu.memory_space<vmem>>, vector<1x16xf32>,
    %swap3A_474 = arith.constant 9 : i32
    %swap3A_475 = arith.index_cast %swap3A_474 : i32 to index
    %swap3A_476 = arith.constant 112 : index
    %swap3A_477 = tpu.vector_load %arg22[%swap3A_475, %swap3A_476] {strides = array<i32>} : memref<40x128xf32, #tpu.memory_space<vmem>>, vector<1x16xf32>,
    %swap3A_478 = vector.shape_cast %swap3A_477 : vector<1x16xf32> to vector<16xf32>
    %swap3A_479 = vector.shape_cast %broadcast_in_dim3A_0 : vector<16xf32> to vector<1x16xf32>
    tpu.vector_store %arg22[%swap3A_475, %swap3A_476], %swap3A_479 {strides = array<i32>} : memref<40x128xf32, #tpu.memory_space<vmem>>, vector<1x16xf32>,
    %swap3A_480 = arith.constant 10 : i32
    %swap3A_481 = arith.index_cast %swap3A_480 : i32 to index
    %swap3A_482 = arith.constant 0 : index
    %swap3A_483 = tpu.vector_load %arg22[%swap3A_481, %swap3A_482] {strides = array<i32>} : memref<40x128xf32, #tpu.memory_space<vmem>>, vector<1x16xf32>,
    %swap3A_484 = vector.shape_cast %swap3A_483 : vector<1x16xf32> to vector<16xf32>
    %swap3A_485 = vector.shape_cast %broadcast_in_dim3A_0 : vector<16xf32> to vector<1x16xf32>
    tpu.vector_store %arg22[%swap3A_481, %swap3A_482], %swap3A_485 {strides = array<i32>} : memref<40x128xf32, #tpu.memory_space<vmem>>, vector<1x16xf32>,
    %swap3A_486 = arith.constant 10 : i32
    %swap3A_487 = arith.index_cast %swap3A_486 : i32 to index
    %swap3A_488 = arith.constant 16 : index
    %swap3A_489 = tpu.vector_load %arg22[%swap3A_487, %swap3A_488] {strides = array<i32>} : memref<40x128xf32, #tpu.memory_space<vmem>>, vector<1x16xf32>,
    %swap3A_490 = vector.shape_cast %swap3A_489 : vector<1x16xf32> to vector<16xf32>
    %swap3A_491 = vector.shape_cast %broadcast_in_dim3A_0 : vector<16xf32> to vector<1x16xf32>
    tpu.vector_store %arg22[%swap3A_487, %swap3A_488], %swap3A_491 {strides = array<i32>} : memref<40x128xf32, #tpu.memory_space<vmem>>, vector<1x16xf32>,
    %swap3A_492 = arith.constant 10 : i32
    %swap3A_493 = arith.index_cast %swap3A_492 : i32 to index
    %swap3A_494 = arith.constant 32 : index
    %swap3A_495 = tpu.vector_load %arg22[%swap3A_493, %swap3A_494] {strides = array<i32>} : memref<40x128xf32, #tpu.memory_space<vmem>>, vector<1x16xf32>,
    %swap3A_496 = vector.shape_cast %swap3A_495 : vector<1x16xf32> to vector<16xf32>
    %swap3A_497 = vector.shape_cast %broadcast_in_dim3A_0 : vector<16xf32> to vector<1x16xf32>
    tpu.vector_store %arg22[%swap3A_493, %swap3A_494], %swap3A_497 {strides = array<i32>} : memref<40x128xf32, #tpu.memory_space<vmem>>, vector<1x16xf32>,
    %swap3A_498 = arith.constant 10 : i32
    %swap3A_499 = arith.index_cast %swap3A_498 : i32 to index
    %swap3A_500 = arith.constant 48 : index
    %swap3A_501 = tpu.vector_load %arg22[%swap3A_499, %swap3A_500] {strides = array<i32>} : memref<40x128xf32, #tpu.memory_space<vmem>>, vector<1x16xf32>,
    %swap3A_502 = vector.shape_cast %swap3A_501 : vector<1x16xf32> to vector<16xf32>
    %swap3A_503 = vector.shape_cast %broadcast_in_dim3A_0 : vector<16xf32> to vector<1x16xf32>
    tpu.vector_store %arg22[%swap3A_499, %swap3A_500], %swap3A_503 {strides = array<i32>} : memref<40x128xf32, #tpu.memory_space<vmem>>, vector<1x16xf32>,
    %swap3A_504 = arith.constant 10 : i32
    %swap3A_505 = arith.index_cast %swap3A_504 : i32 to index
    %swap3A_506 = arith.constant 64 : index
    %swap3A_507 = tpu.vector_load %arg22[%swap3A_505, %swap3A_506] {strides = array<i32>} : memref<40x128xf32, #tpu.memory_space<vmem>>, vector<1x16xf32>,
    %swap3A_508 = vector.shape_cast %swap3A_507 : vector<1x16xf32> to vector<16xf32>
    %swap3A_509 = vector.shape_cast %broadcast_in_dim3A_0 : vector<16xf32> to vector<1x16xf32>
    tpu.vector_store %arg22[%swap3A_505, %swap3A_506], %swap3A_509 {strides = array<i32>} : memref<40x128xf32, #tpu.memory_space<vmem>>, vector<1x16xf32>,
    %swap3A_510 = arith.constant 10 : i32
    %swap3A_511 = arith.index_cast %swap3A_510 : i32 to index
    %swap3A_512 = arith.constant 80 : index
    %swap3A_513 = tpu.vector_load %arg22[%swap3A_511, %swap3A_512] {strides = array<i32>} : memref<40x128xf32, #tpu.memory_space<vmem>>, vector<1x16xf32>,
    %swap3A_514 = vector.shape_cast %swap3A_513 : vector<1x16xf32> to vector<16xf32>
    %swap3A_515 = vector.shape_cast %broadcast_in_dim3A_0 : vector<16xf32> to vector<1x16xf32>
    tpu.vector_store %arg22[%swap3A_511, %swap3A_512], %swap3A_515 {strides = array<i32>} : memref<40x128xf32, #tpu.memory_space<vmem>>, vector<1x16xf32>,
    %swap3A_516 = arith.constant 10 : i32
    %swap3A_517 = arith.index_cast %swap3A_516 : i32 to index
    %swap3A_518 = arith.constant 96 : index
    %swap3A_519 = tpu.vector_load %arg22[%swap3A_517, %swap3A_518] {strides = array<i32>} : memref<40x128xf32, #tpu.memory_space<vmem>>, vector<1x16xf32>,
    %swap3A_520 = vector.shape_cast %swap3A_519 : vector<1x16xf32> to vector<16xf32>
    %swap3A_521 = vector.shape_cast %broadcast_in_dim3A_0 : vector<16xf32> to vector<1x16xf32>
    tpu.vector_store %arg22[%swap3A_517, %swap3A_518], %swap3A_521 {strides = array<i32>} : memref<40x128xf32, #tpu.memory_space<vmem>>, vector<1x16xf32>,
    %swap3A_522 = arith.constant 10 : i32
    %swap3A_523 = arith.index_cast %swap3A_522 : i32 to index
    %swap3A_524 = arith.constant 112 : index
    %swap3A_525 = tpu.vector_load %arg22[%swap3A_523, %swap3A_524] {strides = array<i32>} : memref<40x128xf32, #tpu.memory_space<vmem>>, vector<1x16xf32>,
    %swap3A_526 = vector.shape_cast %swap3A_525 : vector<1x16xf32> to vector<16xf32>
    %swap3A_527 = vector.shape_cast %broadcast_in_dim3A_0 : vector<16xf32> to vector<1x16xf32>
    tpu.vector_store %arg22[%swap3A_523, %swap3A_524], %swap3A_527 {strides = array<i32>} : memref<40x128xf32, #tpu.memory_space<vmem>>, vector<1x16xf32>,
    %swap3A_528 = arith.constant 11 : i32
    %swap3A_529 = arith.index_cast %swap3A_528 : i32 to index
    %swap3A_530 = arith.constant 0 : index
    %swap3A_531 = tpu.vector_load %arg22[%swap3A_529, %swap3A_530] {strides = array<i32>} : memref<40x128xf32, #tpu.memory_space<vmem>>, vector<1x16xf32>,
    %swap3A_532 = vector.shape_cast %swap3A_531 : vector<1x16xf32> to vector<16xf32>
    %swap3A_533 = vector.shape_cast %broadcast_in_dim3A_0 : vector<16xf32> to vector<1x16xf32>
    tpu.vector_store %arg22[%swap3A_529, %swap3A_530], %swap3A_533 {strides = array<i32>} : memref<40x128xf32, #tpu.memory_space<vmem>>, vector<1x16xf32>,
    %swap3A_534 = arith.constant 11 : i32
    %swap3A_535 = arith.index_cast %swap3A_534 : i32 to index
    %swap3A_536 = arith.constant 16 : index
    %swap3A_537 = tpu.vector_load %arg22[%swap3A_535, %swap3A_536] {strides = array<i32>} : memref<40x128xf32, #tpu.memory_space<vmem>>, vector<1x16xf32>,
    %swap3A_538 = vector.shape_cast %swap3A_537 : vector<1x16xf32> to vector<16xf32>
    %swap3A_539 = vector.shape_cast %broadcast_in_dim3A_0 : vector<16xf32> to vector<1x16xf32>
    tpu.vector_store %arg22[%swap3A_535, %swap3A_536], %swap3A_539 {strides = array<i32>} : memref<40x128xf32, #tpu.memory_space<vmem>>, vector<1x16xf32>,
    %swap3A_540 = arith.constant 11 : i32
    %swap3A_541 = arith.index_cast %swap3A_540 : i32 to index
    %swap3A_542 = arith.constant 32 : index
    %swap3A_543 = tpu.vector_load %arg22[%swap3A_541, %swap3A_542] {strides = array<i32>} : memref<40x128xf32, #tpu.memory_space<vmem>>, vector<1x16xf32>,
    %swap3A_544 = vector.shape_cast %swap3A_543 : vector<1x16xf32> to vector<16xf32>
    %swap3A_545 = vector.shape_cast %broadcast_in_dim3A_0 : vector<16xf32> to vector<1x16xf32>
    tpu.vector_store %arg22[%swap3A_541, %swap3A_542], %swap3A_545 {strides = array<i32>} : memref<40x128xf32, #tpu.memory_space<vmem>>, vector<1x16xf32>,
    %swap3A_546 = arith.constant 11 : i32
    %swap3A_547 = arith.index_cast %swap3A_546 : i32 to index
    %swap3A_548 = arith.constant 48 : index
    %swap3A_549 = tpu.vector_load %arg22[%swap3A_547, %swap3A_548] {strides = array<i32>} : memref<40x128xf32, #tpu.memory_space<vmem>>, vector<1x16xf32>,
    %swap3A_550 = vector.shape_cast %swap3A_549 : vector<1x16xf32> to vector<16xf32>
    %swap3A_551 = vector.shape_cast %broadcast_in_dim3A_0 : vector<16xf32> to vector<1x16xf32>
    tpu.vector_store %arg22[%swap3A_547, %swap3A_548], %swap3A_551 {strides = array<i32>} : memref<40x128xf32, #tpu.memory_space<vmem>>, vector<1x16xf32>,
    %swap3A_552 = arith.constant 11 : i32
    %swap3A_553 = arith.index_cast %swap3A_552 : i32 to index
    %swap3A_554 = arith.constant 64 : index
    %swap3A_555 = tpu.vector_load %arg22[%swap3A_553, %swap3A_554] {strides = array<i32>} : memref<40x128xf32, #tpu.memory_space<vmem>>, vector<1x16xf32>,
    %swap3A_556 = vector.shape_cast %swap3A_555 : vector<1x16xf32> to vector<16xf32>
    %swap3A_557 = vector.shape_cast %broadcast_in_dim3A_0 : vector<16xf32> to vector<1x16xf32>
    tpu.vector_store %arg22[%swap3A_553, %swap3A_554], %swap3A_557 {strides = array<i32>} : memref<40x128xf32, #tpu.memory_space<vmem>>, vector<1x16xf32>,
    %swap3A_558 = arith.constant 11 : i32
    %swap3A_559 = arith.index_cast %swap3A_558 : i32 to index
    %swap3A_560 = arith.constant 80 : index
    %swap3A_561 = tpu.vector_load %arg22[%swap3A_559, %swap3A_560] {strides = array<i32>} : memref<40x128xf32, #tpu.memory_space<vmem>>, vector<1x16xf32>,
    %swap3A_562 = vector.shape_cast %swap3A_561 : vector<1x16xf32> to vector<16xf32>
    %swap3A_563 = vector.shape_cast %broadcast_in_dim3A_0 : vector<16xf32> to vector<1x16xf32>
    tpu.vector_store %arg22[%swap3A_559, %swap3A_560], %swap3A_563 {strides = array<i32>} : memref<40x128xf32, #tpu.memory_space<vmem>>, vector<1x16xf32>,
    %swap3A_564 = arith.constant 11 : i32
    %swap3A_565 = arith.index_cast %swap3A_564 : i32 to index
    %swap3A_566 = arith.constant 96 : index
    %swap3A_567 = tpu.vector_load %arg22[%swap3A_565, %swap3A_566] {strides = array<i32>} : memref<40x128xf32, #tpu.memory_space<vmem>>, vector<1x16xf32>,
    %swap3A_568 = vector.shape_cast %swap3A_567 : vector<1x16xf32> to vector<16xf32>
    %swap3A_569 = vector.shape_cast %broadcast_in_dim3A_0 : vector<16xf32> to vector<1x16xf32>
    tpu.vector_store %arg22[%swap3A_565, %swap3A_566], %swap3A_569 {strides = array<i32>} : memref<40x128xf32, #tpu.memory_space<vmem>>, vector<1x16xf32>,
    %swap3A_570 = arith.constant 11 : i32
    %swap3A_571 = arith.index_cast %swap3A_570 : i32 to index
    %swap3A_572 = arith.constant 112 : index
    %swap3A_573 = tpu.vector_load %arg22[%swap3A_571, %swap3A_572] {strides = array<i32>} : memref<40x128xf32, #tpu.memory_space<vmem>>, vector<1x16xf32>,
    %swap3A_574 = vector.shape_cast %swap3A_573 : vector<1x16xf32> to vector<16xf32>
    %swap3A_575 = vector.shape_cast %broadcast_in_dim3A_0 : vector<16xf32> to vector<1x16xf32>
    tpu.vector_store %arg22[%swap3A_571, %swap3A_572], %swap3A_575 {strides = array<i32>} : memref<40x128xf32, #tpu.memory_space<vmem>>, vector<1x16xf32>,
    %swap3A_576 = arith.constant 12 : i32
    %swap3A_577 = arith.index_cast %swap3A_576 : i32 to index
    %swap3A_578 = arith.constant 0 : index
    %swap3A_579 = tpu.vector_load %arg22[%swap3A_577, %swap3A_578] {strides = array<i32>} : memref<40x128xf32, #tpu.memory_space<vmem>>, vector<1x16xf32>,
    %swap3A_580 = vector.shape_cast %swap3A_579 : vector<1x16xf32> to vector<16xf32>
    %swap3A_581 = vector.shape_cast %broadcast_in_dim3A_0 : vector<16xf32> to vector<1x16xf32>
    tpu.vector_store %arg22[%swap3A_577, %swap3A_578], %swap3A_581 {strides = array<i32>} : memref<40x128xf32, #tpu.memory_space<vmem>>, vector<1x16xf32>,
    %swap3A_582 = arith.constant 12 : i32
    %swap3A_583 = arith.index_cast %swap3A_582 : i32 to index
    %swap3A_584 = arith.constant 16 : index
    %swap3A_585 = tpu.vector_load %arg22[%swap3A_583, %swap3A_584] {strides = array<i32>} : memref<40x128xf32, #tpu.memory_space<vmem>>, vector<1x16xf32>,
    %swap3A_586 = vector.shape_cast %swap3A_585 : vector<1x16xf32> to vector<16xf32>
    %swap3A_587 = vector.shape_cast %broadcast_in_dim3A_0 : vector<16xf32> to vector<1x16xf32>
    tpu.vector_store %arg22[%swap3A_583, %swap3A_584], %swap3A_587 {strides = array<i32>} : memref<40x128xf32, #tpu.memory_space<vmem>>, vector<1x16xf32>,
    %swap3A_588 = arith.constant 12 : i32
    %swap3A_589 = arith.index_cast %swap3A_588 : i32 to index
    %swap3A_590 = arith.constant 32 : index
    %swap3A_591 = tpu.vector_load %arg22[%swap3A_589, %swap3A_590] {strides = array<i32>} : memref<40x128xf32, #tpu.memory_space<vmem>>, vector<1x16xf32>,
    %swap3A_592 = vector.shape_cast %swap3A_591 : vector<1x16xf32> to vector<16xf32>
    %swap3A_593 = vector.shape_cast %broadcast_in_dim3A_0 : vector<16xf32> to vector<1x16xf32>
    tpu.vector_store %arg22[%swap3A_589, %swap3A_590], %swap3A_593 {strides = array<i32>} : memref<40x128xf32, #tpu.memory_space<vmem>>, vector<1x16xf32>,
    %swap3A_594 = arith.constant 12 : i32
    %swap3A_595 = arith.index_cast %swap3A_594 : i32 to index
    %swap3A_596 = arith.constant 48 : index
    %swap3A_597 = tpu.vector_load %arg22[%swap3A_595, %swap3A_596] {strides = array<i32>} : memref<40x128xf32, #tpu.memory_space<vmem>>, vector<1x16xf32>,
    %swap3A_598 = vector.shape_cast %swap3A_597 : vector<1x16xf32> to vector<16xf32>
    %swap3A_599 = vector.shape_cast %broadcast_in_dim3A_0 : vector<16xf32> to vector<1x16xf32>
    tpu.vector_store %arg22[%swap3A_595, %swap3A_596], %swap3A_599 {strides = array<i32>} : memref<40x128xf32, #tpu.memory_space<vmem>>, vector<1x16xf32>,
    %swap3A_600 = arith.constant 12 : i32
    %swap3A_601 = arith.index_cast %swap3A_600 : i32 to index
    %swap3A_602 = arith.constant 64 : index
    %swap3A_603 = tpu.vector_load %arg22[%swap3A_601, %swap3A_602] {strides = array<i32>} : memref<40x128xf32, #tpu.memory_space<vmem>>, vector<1x16xf32>,
    %swap3A_604 = vector.shape_cast %swap3A_603 : vector<1x16xf32> to vector<16xf32>
    %swap3A_605 = vector.shape_cast %broadcast_in_dim3A_0 : vector<16xf32> to vector<1x16xf32>
    tpu.vector_store %arg22[%swap3A_601, %swap3A_602], %swap3A_605 {strides = array<i32>} : memref<40x128xf32, #tpu.memory_space<vmem>>, vector<1x16xf32>,
    %swap3A_606 = arith.constant 12 : i32
    %swap3A_607 = arith.index_cast %swap3A_606 : i32 to index
    %swap3A_608 = arith.constant 80 : index
    %swap3A_609 = tpu.vector_load %arg22[%swap3A_607, %swap3A_608] {strides = array<i32>} : memref<40x128xf32, #tpu.memory_space<vmem>>, vector<1x16xf32>,
    %swap3A_610 = vector.shape_cast %swap3A_609 : vector<1x16xf32> to vector<16xf32>
    %swap3A_611 = vector.shape_cast %broadcast_in_dim3A_0 : vector<16xf32> to vector<1x16xf32>
    tpu.vector_store %arg22[%swap3A_607, %swap3A_608], %swap3A_611 {strides = array<i32>} : memref<40x128xf32, #tpu.memory_space<vmem>>, vector<1x16xf32>,
    %swap3A_612 = arith.constant 12 : i32
    %swap3A_613 = arith.index_cast %swap3A_612 : i32 to index
    %swap3A_614 = arith.constant 96 : index
    %swap3A_615 = tpu.vector_load %arg22[%swap3A_613, %swap3A_614] {strides = array<i32>} : memref<40x128xf32, #tpu.memory_space<vmem>>, vector<1x16xf32>,
    %swap3A_616 = vector.shape_cast %swap3A_615 : vector<1x16xf32> to vector<16xf32>
    %swap3A_617 = vector.shape_cast %broadcast_in_dim3A_0 : vector<16xf32> to vector<1x16xf32>
    tpu.vector_store %arg22[%swap3A_613, %swap3A_614], %swap3A_617 {strides = array<i32>} : memref<40x128xf32, #tpu.memory_space<vmem>>, vector<1x16xf32>,
    %swap3A_618 = arith.constant 12 : i32
    %swap3A_619 = arith.index_cast %swap3A_618 : i32 to index
    %swap3A_620 = arith.constant 112 : index
    %swap3A_621 = tpu.vector_load %arg22[%swap3A_619, %swap3A_620] {strides = array<i32>} : memref<40x128xf32, #tpu.memory_space<vmem>>, vector<1x16xf32>,
    %swap3A_622 = vector.shape_cast %swap3A_621 : vector<1x16xf32> to vector<16xf32>
    %swap3A_623 = vector.shape_cast %broadcast_in_dim3A_0 : vector<16xf32> to vector<1x16xf32>
    tpu.vector_store %arg22[%swap3A_619, %swap3A_620], %swap3A_623 {strides = array<i32>} : memref<40x128xf32, #tpu.memory_space<vmem>>, vector<1x16xf32>,
    %swap3A_624 = arith.constant 13 : i32
    %swap3A_625 = arith.index_cast %swap3A_624 : i32 to index
    %swap3A_626 = arith.constant 0 : index
    %swap3A_627 = tpu.vector_load %arg22[%swap3A_625, %swap3A_626] {strides = array<i32>} : memref<40x128xf32, #tpu.memory_space<vmem>>, vector<1x16xf32>,
    %swap3A_628 = vector.shape_cast %swap3A_627 : vector<1x16xf32> to vector<16xf32>
    %swap3A_629 = vector.shape_cast %broadcast_in_dim3A_0 : vector<16xf32> to vector<1x16xf32>
    tpu.vector_store %arg22[%swap3A_625, %swap3A_626], %swap3A_629 {strides = array<i32>} : memref<40x128xf32, #tpu.memory_space<vmem>>, vector<1x16xf32>,
    %swap3A_630 = arith.constant 13 : i32
    %swap3A_631 = arith.index_cast %swap3A_630 : i32 to index
    %swap3A_632 = arith.constant 16 : index
    %swap3A_633 = tpu.vector_load %arg22[%swap3A_631, %swap3A_632] {strides = array<i32>} : memref<40x128xf32, #tpu.memory_space<vmem>>, vector<1x16xf32>,
    %swap3A_634 = vector.shape_cast %swap3A_633 : vector<1x16xf32> to vector<16xf32>
    %swap3A_635 = vector.shape_cast %broadcast_in_dim3A_0 : vector<16xf32> to vector<1x16xf32>
    tpu.vector_store %arg22[%swap3A_631, %swap3A_632], %swap3A_635 {strides = array<i32>} : memref<40x128xf32, #tpu.memory_space<vmem>>, vector<1x16xf32>,
    %swap3A_636 = arith.constant 13 : i32
    %swap3A_637 = arith.index_cast %swap3A_636 : i32 to index
    %swap3A_638 = arith.constant 32 : index
    %swap3A_639 = tpu.vector_load %arg22[%swap3A_637, %swap3A_638] {strides = array<i32>} : memref<40x128xf32, #tpu.memory_space<vmem>>, vector<1x16xf32>,
    %swap3A_640 = vector.shape_cast %swap3A_639 : vector<1x16xf32> to vector<16xf32>
    %swap3A_641 = vector.shape_cast %broadcast_in_dim3A_0 : vector<16xf32> to vector<1x16xf32>
    tpu.vector_store %arg22[%swap3A_637, %swap3A_638], %swap3A_641 {strides = array<i32>} : memref<40x128xf32, #tpu.memory_space<vmem>>, vector<1x16xf32>,
    %swap3A_642 = arith.constant 13 : i32
    %swap3A_643 = arith.index_cast %swap3A_642 : i32 to index
    %swap3A_644 = arith.constant 48 : index
    %swap3A_645 = tpu.vector_load %arg22[%swap3A_643, %swap3A_644] {strides = array<i32>} : memref<40x128xf32, #tpu.memory_space<vmem>>, vector<1x16xf32>,
    %swap3A_646 = vector.shape_cast %swap3A_645 : vector<1x16xf32> to vector<16xf32>
    %swap3A_647 = vector.shape_cast %broadcast_in_dim3A_0 : vector<16xf32> to vector<1x16xf32>
    tpu.vector_store %arg22[%swap3A_643, %swap3A_644], %swap3A_647 {strides = array<i32>} : memref<40x128xf32, #tpu.memory_space<vmem>>, vector<1x16xf32>,
    %swap3A_648 = arith.constant 13 : i32
    %swap3A_649 = arith.index_cast %swap3A_648 : i32 to index
    %swap3A_650 = arith.constant 64 : index
    %swap3A_651 = tpu.vector_load %arg22[%swap3A_649, %swap3A_650] {strides = array<i32>} : memref<40x128xf32, #tpu.memory_space<vmem>>, vector<1x16xf32>,
    %swap3A_652 = vector.shape_cast %swap3A_651 : vector<1x16xf32> to vector<16xf32>
    %swap3A_653 = vector.shape_cast %broadcast_in_dim3A_0 : vector<16xf32> to vector<1x16xf32>
    tpu.vector_store %arg22[%swap3A_649, %swap3A_650], %swap3A_653 {strides = array<i32>} : memref<40x128xf32, #tpu.memory_space<vmem>>, vector<1x16xf32>,
    %swap3A_654 = arith.constant 13 : i32
    %swap3A_655 = arith.index_cast %swap3A_654 : i32 to index
    %swap3A_656 = arith.constant 80 : index
    %swap3A_657 = tpu.vector_load %arg22[%swap3A_655, %swap3A_656] {strides = array<i32>} : memref<40x128xf32, #tpu.memory_space<vmem>>, vector<1x16xf32>,
    %swap3A_658 = vector.shape_cast %swap3A_657 : vector<1x16xf32> to vector<16xf32>
    %swap3A_659 = vector.shape_cast %broadcast_in_dim3A_0 : vector<16xf32> to vector<1x16xf32>
    tpu.vector_store %arg22[%swap3A_655, %swap3A_656], %swap3A_659 {strides = array<i32>} : memref<40x128xf32, #tpu.memory_space<vmem>>, vector<1x16xf32>,
    %swap3A_660 = arith.constant 13 : i32
    %swap3A_661 = arith.index_cast %swap3A_660 : i32 to index
    %swap3A_662 = arith.constant 96 : index
    %swap3A_663 = tpu.vector_load %arg22[%swap3A_661, %swap3A_662] {strides = array<i32>} : memref<40x128xf32, #tpu.memory_space<vmem>>, vector<1x16xf32>,
    %swap3A_664 = vector.shape_cast %swap3A_663 : vector<1x16xf32> to vector<16xf32>
    %swap3A_665 = vector.shape_cast %broadcast_in_dim3A_0 : vector<16xf32> to vector<1x16xf32>
    tpu.vector_store %arg22[%swap3A_661, %swap3A_662], %swap3A_665 {strides = array<i32>} : memref<40x128xf32, #tpu.memory_space<vmem>>, vector<1x16xf32>,
    %swap3A_666 = arith.constant 13 : i32
    %swap3A_667 = arith.index_cast %swap3A_666 : i32 to index
    %swap3A_668 = arith.constant 112 : index
    %swap3A_669 = tpu.vector_load %arg22[%swap3A_667, %swap3A_668] {strides = array<i32>} : memref<40x128xf32, #tpu.memory_space<vmem>>, vector<1x16xf32>,
    %swap3A_670 = vector.shape_cast %swap3A_669 : vector<1x16xf32> to vector<16xf32>
    %swap3A_671 = vector.shape_cast %broadcast_in_dim3A_0 : vector<16xf32> to vector<1x16xf32>
    tpu.vector_store %arg22[%swap3A_667, %swap3A_668], %swap3A_671 {strides = array<i32>} : memref<40x128xf32, #tpu.memory_space<vmem>>, vector<1x16xf32>,
    %swap3A_672 = arith.constant 14 : i32
    %swap3A_673 = arith.index_cast %swap3A_672 : i32 to index
    %swap3A_674 = arith.constant 0 : index
    %swap3A_675 = tpu.vector_load %arg22[%swap3A_673, %swap3A_674] {strides = array<i32>} : memref<40x128xf32, #tpu.memory_space<vmem>>, vector<1x16xf32>,
    %swap3A_676 = vector.shape_cast %swap3A_675 : vector<1x16xf32> to vector<16xf32>
    %swap3A_677 = vector.shape_cast %broadcast_in_dim3A_0 : vector<16xf32> to vector<1x16xf32>
    tpu.vector_store %arg22[%swap3A_673, %swap3A_674], %swap3A_677 {strides = array<i32>} : memref<40x128xf32, #tpu.memory_space<vmem>>, vector<1x16xf32>,
    %swap3A_678 = arith.constant 14 : i32
    %swap3A_679 = arith.index_cast %swap3A_678 : i32 to index
    %swap3A_680 = arith.constant 16 : index
    %swap3A_681 = tpu.vector_load %arg22[%swap3A_679, %swap3A_680] {strides = array<i32>} : memref<40x128xf32, #tpu.memory_space<vmem>>, vector<1x16xf32>,
    %swap3A_682 = vector.shape_cast %swap3A_681 : vector<1x16xf32> to vector<16xf32>
    %swap3A_683 = vector.shape_cast %broadcast_in_dim3A_0 : vector<16xf32> to vector<1x16xf32>
    tpu.vector_store %arg22[%swap3A_679, %swap3A_680], %swap3A_683 {strides = array<i32>} : memref<40x128xf32, #tpu.memory_space<vmem>>, vector<1x16xf32>,
    %swap3A_684 = arith.constant 14 : i32
    %swap3A_685 = arith.index_cast %swap3A_684 : i32 to index
    %swap3A_686 = arith.constant 32 : index
    %swap3A_687 = tpu.vector_load %arg22[%swap3A_685, %swap3A_686] {strides = array<i32>} : memref<40x128xf32, #tpu.memory_space<vmem>>, vector<1x16xf32>,
    %swap3A_688 = vector.shape_cast %swap3A_687 : vector<1x16xf32> to vector<16xf32>
    %swap3A_689 = vector.shape_cast %broadcast_in_dim3A_0 : vector<16xf32> to vector<1x16xf32>
    tpu.vector_store %arg22[%swap3A_685, %swap3A_686], %swap3A_689 {strides = array<i32>} : memref<40x128xf32, #tpu.memory_space<vmem>>, vector<1x16xf32>,
    %swap3A_690 = arith.constant 14 : i32
    %swap3A_691 = arith.index_cast %swap3A_690 : i32 to index
    %swap3A_692 = arith.constant 48 : index
    %swap3A_693 = tpu.vector_load %arg22[%swap3A_691, %swap3A_692] {strides = array<i32>} : memref<40x128xf32, #tpu.memory_space<vmem>>, vector<1x16xf32>,
    %swap3A_694 = vector.shape_cast %swap3A_693 : vector<1x16xf32> to vector<16xf32>
    %swap3A_695 = vector.shape_cast %broadcast_in_dim3A_0 : vector<16xf32> to vector<1x16xf32>
    tpu.vector_store %arg22[%swap3A_691, %swap3A_692], %swap3A_695 {strides = array<i32>} : memref<40x128xf32, #tpu.memory_space<vmem>>, vector<1x16xf32>,
    %swap3A_696 = arith.constant 14 : i32
    %swap3A_697 = arith.index_cast %swap3A_696 : i32 to index
    %swap3A_698 = arith.constant 64 : index
    %swap3A_699 = tpu.vector_load %arg22[%swap3A_697, %swap3A_698] {strides = array<i32>} : memref<40x128xf32, #tpu.memory_space<vmem>>, vector<1x16xf32>,
    %swap3A_700 = vector.shape_cast %swap3A_699 : vector<1x16xf32> to vector<16xf32>
    %swap3A_701 = vector.shape_cast %broadcast_in_dim3A_0 : vector<16xf32> to vector<1x16xf32>
    tpu.vector_store %arg22[%swap3A_697, %swap3A_698], %swap3A_701 {strides = array<i32>} : memref<40x128xf32, #tpu.memory_space<vmem>>, vector<1x16xf32>,
    %swap3A_702 = arith.constant 14 : i32
    %swap3A_703 = arith.index_cast %swap3A_702 : i32 to index
    %swap3A_704 = arith.constant 80 : index
    %swap3A_705 = tpu.vector_load %arg22[%swap3A_703, %swap3A_704] {strides = array<i32>} : memref<40x128xf32, #tpu.memory_space<vmem>>, vector<1x16xf32>,
    %swap3A_706 = vector.shape_cast %swap3A_705 : vector<1x16xf32> to vector<16xf32>
    %swap3A_707 = vector.shape_cast %broadcast_in_dim3A_0 : vector<16xf32> to vector<1x16xf32>
    tpu.vector_store %arg22[%swap3A_703, %swap3A_704], %swap3A_707 {strides = array<i32>} : memref<40x128xf32, #tpu.memory_space<vmem>>, vector<1x16xf32>,
    %swap3A_708 = arith.constant 14 : i32
    %swap3A_709 = arith.index_cast %swap3A_708 : i32 to index
    %swap3A_710 = arith.constant 96 : index
    %swap3A_711 = tpu.vector_load %arg22[%swap3A_709, %swap3A_710] {strides = array<i32>} : memref<40x128xf32, #tpu.memory_space<vmem>>, vector<1x16xf32>,
    %swap3A_712 = vector.shape_cast %swap3A_711 : vector<1x16xf32> to vector<16xf32>
    %swap3A_713 = vector.shape_cast %broadcast_in_dim3A_0 : vector<16xf32> to vector<1x16xf32>
    tpu.vector_store %arg22[%swap3A_709, %swap3A_710], %swap3A_713 {strides = array<i32>} : memref<40x128xf32, #tpu.memory_space<vmem>>, vector<1x16xf32>,
    %swap3A_714 = arith.constant 14 : i32
    %swap3A_715 = arith.index_cast %swap3A_714 : i32 to index
    %swap3A_716 = arith.constant 112 : index
    %swap3A_717 = tpu.vector_load %arg22[%swap3A_715, %swap3A_716] {strides = array<i32>} : memref<40x128xf32, #tpu.memory_space<vmem>>, vector<1x16xf32>,
    %swap3A_718 = vector.shape_cast %swap3A_717 : vector<1x16xf32> to vector<16xf32>
    %swap3A_719 = vector.shape_cast %broadcast_in_dim3A_0 : vector<16xf32> to vector<1x16xf32>
    tpu.vector_store %arg22[%swap3A_715, %swap3A_716], %swap3A_719 {strides = array<i32>} : memref<40x128xf32, #tpu.memory_space<vmem>>, vector<1x16xf32>,
    %swap3A_720 = arith.constant 15 : i32
    %swap3A_721 = arith.index_cast %swap3A_720 : i32 to index
    %swap3A_722 = arith.constant 0 : index
    %swap3A_723 = tpu.vector_load %arg22[%swap3A_721, %swap3A_722] {strides = array<i32>} : memref<40x128xf32, #tpu.memory_space<vmem>>, vector<1x16xf32>,
    %swap3A_724 = vector.shape_cast %swap3A_723 : vector<1x16xf32> to vector<16xf32>
    %swap3A_725 = vector.shape_cast %broadcast_in_dim3A_0 : vector<16xf32> to vector<1x16xf32>
    tpu.vector_store %arg22[%swap3A_721, %swap3A_722], %swap3A_725 {strides = array<i32>} : memref<40x128xf32, #tpu.memory_space<vmem>>, vector<1x16xf32>,
    %swap3A_726 = arith.constant 15 : i32
    %swap3A_727 = arith.index_cast %swap3A_726 : i32 to index
    %swap3A_728 = arith.constant 16 : index
    %swap3A_729 = tpu.vector_load %arg22[%swap3A_727, %swap3A_728] {strides = array<i32>} : memref<40x128xf32, #tpu.memory_space<vmem>>, vector<1x16xf32>,
    %swap3A_730 = vector.shape_cast %swap3A_729 : vector<1x16xf32> to vector<16xf32>
    %swap3A_731 = vector.shape_cast %broadcast_in_dim3A_0 : vector<16xf32> to vector<1x16xf32>
    tpu.vector_store %arg22[%swap3A_727, %swap3A_728], %swap3A_731 {strides = array<i32>} : memref<40x128xf32, #tpu.memory_space<vmem>>, vector<1x16xf32>,
    %swap3A_732 = arith.constant 15 : i32
    %swap3A_733 = arith.index_cast %swap3A_732 : i32 to index
    %swap3A_734 = arith.constant 32 : index
    %swap3A_735 = tpu.vector_load %arg22[%swap3A_733, %swap3A_734] {strides = array<i32>} : memref<40x128xf32, #tpu.memory_space<vmem>>, vector<1x16xf32>,
    %swap3A_736 = vector.shape_cast %swap3A_735 : vector<1x16xf32> to vector<16xf32>
    %swap3A_737 = vector.shape_cast %broadcast_in_dim3A_0 : vector<16xf32> to vector<1x16xf32>
    tpu.vector_store %arg22[%swap3A_733, %swap3A_734], %swap3A_737 {strides = array<i32>} : memref<40x128xf32, #tpu.memory_space<vmem>>, vector<1x16xf32>,
    %swap3A_738 = arith.constant 15 : i32
    %swap3A_739 = arith.index_cast %swap3A_738 : i32 to index
    %swap3A_740 = arith.constant 48 : index
    %swap3A_741 = tpu.vector_load %arg22[%swap3A_739, %swap3A_740] {strides = array<i32>} : memref<40x128xf32, #tpu.memory_space<vmem>>, vector<1x16xf32>,
    %swap3A_742 = vector.shape_cast %swap3A_741 : vector<1x16xf32> to vector<16xf32>
    %swap3A_743 = vector.shape_cast %broadcast_in_dim3A_0 : vector<16xf32> to vector<1x16xf32>
    tpu.vector_store %arg22[%swap3A_739, %swap3A_740], %swap3A_743 {strides = array<i32>} : memref<40x128xf32, #tpu.memory_space<vmem>>, vector<1x16xf32>,
    %swap3A_744 = arith.constant 15 : i32
    %swap3A_745 = arith.index_cast %swap3A_744 : i32 to index
    %swap3A_746 = arith.constant 64 : index
    %swap3A_747 = tpu.vector_load %arg22[%swap3A_745, %swap3A_746] {strides = array<i32>} : memref<40x128xf32, #tpu.memory_space<vmem>>, vector<1x16xf32>,
    %swap3A_748 = vector.shape_cast %swap3A_747 : vector<1x16xf32> to vector<16xf32>
    %swap3A_749 = vector.shape_cast %broadcast_in_dim3A_0 : vector<16xf32> to vector<1x16xf32>
    tpu.vector_store %arg22[%swap3A_745, %swap3A_746], %swap3A_749 {strides = array<i32>} : memref<40x128xf32, #tpu.memory_space<vmem>>, vector<1x16xf32>,
    %swap3A_750 = arith.constant 15 : i32
    %swap3A_751 = arith.index_cast %swap3A_750 : i32 to index
    %swap3A_752 = arith.constant 80 : index
    %swap3A_753 = tpu.vector_load %arg22[%swap3A_751, %swap3A_752] {strides = array<i32>} : memref<40x128xf32, #tpu.memory_space<vmem>>, vector<1x16xf32>,
    %swap3A_754 = vector.shape_cast %swap3A_753 : vector<1x16xf32> to vector<16xf32>
    %swap3A_755 = vector.shape_cast %broadcast_in_dim3A_0 : vector<16xf32> to vector<1x16xf32>
    tpu.vector_store %arg22[%swap3A_751, %swap3A_752], %swap3A_755 {strides = array<i32>} : memref<40x128xf32, #tpu.memory_space<vmem>>, vector<1x16xf32>,
    %swap3A_756 = arith.constant 15 : i32
    %swap3A_757 = arith.index_cast %swap3A_756 : i32 to index
    %swap3A_758 = arith.constant 96 : index
    %swap3A_759 = tpu.vector_load %arg22[%swap3A_757, %swap3A_758] {strides = array<i32>} : memref<40x128xf32, #tpu.memory_space<vmem>>, vector<1x16xf32>,
    %swap3A_760 = vector.shape_cast %swap3A_759 : vector<1x16xf32> to vector<16xf32>
    %swap3A_761 = vector.shape_cast %broadcast_in_dim3A_0 : vector<16xf32> to vector<1x16xf32>
    tpu.vector_store %arg22[%swap3A_757, %swap3A_758], %swap3A_761 {strides = array<i32>} : memref<40x128xf32, #tpu.memory_space<vmem>>, vector<1x16xf32>,
    %swap3A_762 = arith.constant 15 : i32
    %swap3A_763 = arith.index_cast %swap3A_762 : i32 to index
    %swap3A_764 = arith.constant 112 : index
    %swap3A_765 = tpu.vector_load %arg22[%swap3A_763, %swap3A_764] {strides = array<i32>} : memref<40x128xf32, #tpu.memory_space<vmem>>, vector<1x16xf32>,
    %swap3A_766 = vector.shape_cast %swap3A_765 : vector<1x16xf32> to vector<16xf32>
    %swap3A_767 = vector.shape_cast %broadcast_in_dim3A_0 : vector<16xf32> to vector<1x16xf32>
    tpu.vector_store %arg22[%swap3A_763, %swap3A_764], %swap3A_767 {strides = array<i32>} : memref<40x128xf32, #tpu.memory_space<vmem>>, vector<1x16xf32>,
    %swap3A_768 = arith.constant 16 : i32
    %swap3A_769 = arith.index_cast %swap3A_768 : i32 to index
    %swap3A_770 = arith.constant 0 : index
    %swap3A_771 = tpu.vector_load %arg22[%swap3A_769, %swap3A_770] {strides = array<i32>} : memref<40x128xf32, #tpu.memory_space<vmem>>, vector<1x16xf32>,
    %swap3A_772 = vector.shape_cast %swap3A_771 : vector<1x16xf32> to vector<16xf32>
    %swap3A_773 = vector.shape_cast %broadcast_in_dim3A_0 : vector<16xf32> to vector<1x16xf32>
    tpu.vector_store %arg22[%swap3A_769, %swap3A_770], %swap3A_773 {strides = array<i32>} : memref<40x128xf32, #tpu.memory_space<vmem>>, vector<1x16xf32>,
    %swap3A_774 = arith.constant 16 : i32
    %swap3A_775 = arith.index_cast %swap3A_774 : i32 to index
    %swap3A_776 = arith.constant 16 : index
    %swap3A_777 = tpu.vector_load %arg22[%swap3A_775, %swap3A_776] {strides = array<i32>} : memref<40x128xf32, #tpu.memory_space<vmem>>, vector<1x16xf32>,
    %swap3A_778 = vector.shape_cast %swap3A_777 : vector<1x16xf32> to vector<16xf32>
    %swap3A_779 = vector.shape_cast %broadcast_in_dim3A_0 : vector<16xf32> to vector<1x16xf32>
    tpu.vector_store %arg22[%swap3A_775, %swap3A_776], %swap3A_779 {strides = array<i32>} : memref<40x128xf32, #tpu.memory_space<vmem>>, vector<1x16xf32>,
    %swap3A_780 = arith.constant 16 : i32
    %swap3A_781 = arith.index_cast %swap3A_780 : i32 to index
    %swap3A_782 = arith.constant 32 : index
    %swap3A_783 = tpu.vector_load %arg22[%swap3A_781, %swap3A_782] {strides = array<i32>} : memref<40x128xf32, #tpu.memory_space<vmem>>, vector<1x16xf32>,
    %swap3A_784 = vector.shape_cast %swap3A_783 : vector<1x16xf32> to vector<16xf32>
    %swap3A_785 = vector.shape_cast %broadcast_in_dim3A_0 : vector<16xf32> to vector<1x16xf32>
    tpu.vector_store %arg22[%swap3A_781, %swap3A_782], %swap3A_785 {strides = array<i32>} : memref<40x128xf32, #tpu.memory_space<vmem>>, vector<1x16xf32>,
    %swap3A_786 = arith.constant 16 : i32
    %swap3A_787 = arith.index_cast %swap3A_786 : i32 to index
    %swap3A_788 = arith.constant 48 : index
    %swap3A_789 = tpu.vector_load %arg22[%swap3A_787, %swap3A_788] {strides = array<i32>} : memref<40x128xf32, #tpu.memory_space<vmem>>, vector<1x16xf32>,
    %swap3A_790 = vector.shape_cast %swap3A_789 : vector<1x16xf32> to vector<16xf32>
    %swap3A_791 = vector.shape_cast %broadcast_in_dim3A_0 : vector<16xf32> to vector<1x16xf32>
    tpu.vector_store %arg22[%swap3A_787, %swap3A_788], %swap3A_791 {strides = array<i32>} : memref<40x128xf32, #tpu.memory_space<vmem>>, vector<1x16xf32>,
    %swap3A_792 = arith.constant 16 : i32
    %swap3A_793 = arith.index_cast %swap3A_792 : i32 to index
    %swap3A_794 = arith.constant 64 : index
    %swap3A_795 = tpu.vector_load %arg22[%swap3A_793, %swap3A_794] {strides = array<i32>} : memref<40x128xf32, #tpu.memory_space<vmem>>, vector<1x16xf32>,
    %swap3A_796 = vector.shape_cast %swap3A_795 : vector<1x16xf32> to vector<16xf32>
    %swap3A_797 = vector.shape_cast %broadcast_in_dim3A_0 : vector<16xf32> to vector<1x16xf32>
    tpu.vector_store %arg22[%swap3A_793, %swap3A_794], %swap3A_797 {strides = array<i32>} : memref<40x128xf32, #tpu.memory_space<vmem>>, vector<1x16xf32>,
    %swap3A_798 = arith.constant 16 : i32
    %swap3A_799 = arith.index_cast %swap3A_798 : i32 to index
    %swap3A_800 = arith.constant 80 : index
    %swap3A_801 = tpu.vector_load %arg22[%swap3A_799, %swap3A_800] {strides = array<i32>} : memref<40x128xf32, #tpu.memory_space<vmem>>, vector<1x16xf32>,
    %swap3A_802 = vector.shape_cast %swap3A_801 : vector<1x16xf32> to vector<16xf32>
    %swap3A_803 = vector.shape_cast %broadcast_in_dim3A_0 : vector<16xf32> to vector<1x16xf32>
    tpu.vector_store %arg22[%swap3A_799, %swap3A_800], %swap3A_803 {strides = array<i32>} : memref<40x128xf32, #tpu.memory_space<vmem>>, vector<1x16xf32>,
    %swap3A_804 = arith.constant 16 : i32
    %swap3A_805 = arith.index_cast %swap3A_804 : i32 to index
    %swap3A_806 = arith.constant 96 : index
    %swap3A_807 = tpu.vector_load %arg22[%swap3A_805, %swap3A_806] {strides = array<i32>} : memref<40x128xf32, #tpu.memory_space<vmem>>, vector<1x16xf32>,
    %swap3A_808 = vector.shape_cast %swap3A_807 : vector<1x16xf32> to vector<16xf32>
    %swap3A_809 = vector.shape_cast %broadcast_in_dim3A_0 : vector<16xf32> to vector<1x16xf32>
    tpu.vector_store %arg22[%swap3A_805, %swap3A_806], %swap3A_809 {strides = array<i32>} : memref<40x128xf32, #tpu.memory_space<vmem>>, vector<1x16xf32>,
    %swap3A_810 = arith.constant 16 : i32
    %swap3A_811 = arith.index_cast %swap3A_810 : i32 to index
    %swap3A_812 = arith.constant 112 : index
    %swap3A_813 = tpu.vector_load %arg22[%swap3A_811, %swap3A_812] {strides = array<i32>} : memref<40x128xf32, #tpu.memory_space<vmem>>, vector<1x16xf32>,
    %swap3A_814 = vector.shape_cast %swap3A_813 : vector<1x16xf32> to vector<16xf32>
    %swap3A_815 = vector.shape_cast %broadcast_in_dim3A_0 : vector<16xf32> to vector<1x16xf32>
    tpu.vector_store %arg22[%swap3A_811, %swap3A_812], %swap3A_815 {strides = array<i32>} : memref<40x128xf32, #tpu.memory_space<vmem>>, vector<1x16xf32>,
    %swap3A_816 = arith.constant 17 : i32
    %swap3A_817 = arith.index_cast %swap3A_816 : i32 to index
    %swap3A_818 = arith.constant 0 : index
    %swap3A_819 = tpu.vector_load %arg22[%swap3A_817, %swap3A_818] {strides = array<i32>} : memref<40x128xf32, #tpu.memory_space<vmem>>, vector<1x16xf32>,
    %swap3A_820 = vector.shape_cast %swap3A_819 : vector<1x16xf32> to vector<16xf32>
    %swap3A_821 = vector.shape_cast %broadcast_in_dim3A_0 : vector<16xf32> to vector<1x16xf32>
    tpu.vector_store %arg22[%swap3A_817, %swap3A_818], %swap3A_821 {strides = array<i32>} : memref<40x128xf32, #tpu.memory_space<vmem>>, vector<1x16xf32>,
    %swap3A_822 = arith.constant 17 : i32
    %swap3A_823 = arith.index_cast %swap3A_822 : i32 to index
    %swap3A_824 = arith.constant 16 : index
    %swap3A_825 = tpu.vector_load %arg22[%swap3A_823, %swap3A_824] {strides = array<i32>} : memref<40x128xf32, #tpu.memory_space<vmem>>, vector<1x16xf32>,
    %swap3A_826 = vector.shape_cast %swap3A_825 : vector<1x16xf32> to vector<16xf32>
    %swap3A_827 = vector.shape_cast %broadcast_in_dim3A_0 : vector<16xf32> to vector<1x16xf32>
    tpu.vector_store %arg22[%swap3A_823, %swap3A_824], %swap3A_827 {strides = array<i32>} : memref<40x128xf32, #tpu.memory_space<vmem>>, vector<1x16xf32>,
    %swap3A_828 = arith.constant 17 : i32
    %swap3A_829 = arith.index_cast %swap3A_828 : i32 to index
    %swap3A_830 = arith.constant 32 : index
    %swap3A_831 = tpu.vector_load %arg22[%swap3A_829, %swap3A_830] {strides = array<i32>} : memref<40x128xf32, #tpu.memory_space<vmem>>, vector<1x16xf32>,
    %swap3A_832 = vector.shape_cast %swap3A_831 : vector<1x16xf32> to vector<16xf32>
    %swap3A_833 = vector.shape_cast %broadcast_in_dim3A_0 : vector<16xf32> to vector<1x16xf32>
    tpu.vector_store %arg22[%swap3A_829, %swap3A_830], %swap3A_833 {strides = array<i32>} : memref<40x128xf32, #tpu.memory_space<vmem>>, vector<1x16xf32>,
    %swap3A_834 = arith.constant 17 : i32
    %swap3A_835 = arith.index_cast %swap3A_834 : i32 to index
    %swap3A_836 = arith.constant 48 : index
    %swap3A_837 = tpu.vector_load %arg22[%swap3A_835, %swap3A_836] {strides = array<i32>} : memref<40x128xf32, #tpu.memory_space<vmem>>, vector<1x16xf32>,
    %swap3A_838 = vector.shape_cast %swap3A_837 : vector<1x16xf32> to vector<16xf32>
    %swap3A_839 = vector.shape_cast %broadcast_in_dim3A_0 : vector<16xf32> to vector<1x16xf32>
    tpu.vector_store %arg22[%swap3A_835, %swap3A_836], %swap3A_839 {strides = array<i32>} : memref<40x128xf32, #tpu.memory_space<vmem>>, vector<1x16xf32>,
    %swap3A_840 = arith.constant 17 : i32
    %swap3A_841 = arith.index_cast %swap3A_840 : i32 to index
    %swap3A_842 = arith.constant 64 : index
    %swap3A_843 = tpu.vector_load %arg22[%swap3A_841, %swap3A_842] {strides = array<i32>} : memref<40x128xf32, #tpu.memory_space<vmem>>, vector<1x16xf32>,
    %swap3A_844 = vector.shape_cast %swap3A_843 : vector<1x16xf32> to vector<16xf32>
    %swap3A_845 = vector.shape_cast %broadcast_in_dim3A_0 : vector<16xf32> to vector<1x16xf32>
    tpu.vector_store %arg22[%swap3A_841, %swap3A_842], %swap3A_845 {strides = array<i32>} : memref<40x128xf32, #tpu.memory_space<vmem>>, vector<1x16xf32>,
    %swap3A_846 = arith.constant 17 : i32
    %swap3A_847 = arith.index_cast %swap3A_846 : i32 to index
    %swap3A_848 = arith.constant 80 : index
    %swap3A_849 = tpu.vector_load %arg22[%swap3A_847, %swap3A_848] {strides = array<i32>} : memref<40x128xf32, #tpu.memory_space<vmem>>, vector<1x16xf32>,
    %swap3A_850 = vector.shape_cast %swap3A_849 : vector<1x16xf32> to vector<16xf32>
    %swap3A_851 = vector.shape_cast %broadcast_in_dim3A_0 : vector<16xf32> to vector<1x16xf32>
    tpu.vector_store %arg22[%swap3A_847, %swap3A_848], %swap3A_851 {strides = array<i32>} : memref<40x128xf32, #tpu.memory_space<vmem>>, vector<1x16xf32>,
    %swap3A_852 = arith.constant 17 : i32
    %swap3A_853 = arith.index_cast %swap3A_852 : i32 to index
    %swap3A_854 = arith.constant 96 : index
    %swap3A_855 = tpu.vector_load %arg22[%swap3A_853, %swap3A_854] {strides = array<i32>} : memref<40x128xf32, #tpu.memory_space<vmem>>, vector<1x16xf32>,
    %swap3A_856 = vector.shape_cast %swap3A_855 : vector<1x16xf32> to vector<16xf32>
    %swap3A_857 = vector.shape_cast %broadcast_in_dim3A_0 : vector<16xf32> to vector<1x16xf32>
    tpu.vector_store %arg22[%swap3A_853, %swap3A_854], %swap3A_857 {strides = array<i32>} : memref<40x128xf32, #tpu.memory_space<vmem>>, vector<1x16xf32>,
    %swap3A_858 = arith.constant 17 : i32
    %swap3A_859 = arith.index_cast %swap3A_858 : i32 to index
    %swap3A_860 = arith.constant 112 : index
    %swap3A_861 = tpu.vector_load %arg22[%swap3A_859, %swap3A_860] {strides = array<i32>} : memref<40x128xf32, #tpu.memory_space<vmem>>, vector<1x16xf32>,
    %swap3A_862 = vector.shape_cast %swap3A_861 : vector<1x16xf32> to vector<16xf32>
    %swap3A_863 = vector.shape_cast %broadcast_in_dim3A_0 : vector<16xf32> to vector<1x16xf32>
    tpu.vector_store %arg22[%swap3A_859, %swap3A_860], %swap3A_863 {strides = array<i32>} : memref<40x128xf32, #tpu.memory_space<vmem>>, vector<1x16xf32>,
    %swap3A_864 = arith.constant 18 : i32
    %swap3A_865 = arith.index_cast %swap3A_864 : i32 to index
    %swap3A_866 = arith.constant 0 : index
    %swap3A_867 = tpu.vector_load %arg22[%swap3A_865, %swap3A_866] {strides = array<i32>} : memref<40x128xf32, #tpu.memory_space<vmem>>, vector<1x16xf32>,
    %swap3A_868 = vector.shape_cast %swap3A_867 : vector<1x16xf32> to vector<16xf32>
    %swap3A_869 = vector.shape_cast %broadcast_in_dim3A_0 : vector<16xf32> to vector<1x16xf32>
    tpu.vector_store %arg22[%swap3A_865, %swap3A_866], %swap3A_869 {strides = array<i32>} : memref<40x128xf32, #tpu.memory_space<vmem>>, vector<1x16xf32>,
    %swap3A_870 = arith.constant 18 : i32
    %swap3A_871 = arith.index_cast %swap3A_870 : i32 to index
    %swap3A_872 = arith.constant 16 : index
    %swap3A_873 = tpu.vector_load %arg22[%swap3A_871, %swap3A_872] {strides = array<i32>} : memref<40x128xf32, #tpu.memory_space<vmem>>, vector<1x16xf32>,
    %swap3A_874 = vector.shape_cast %swap3A_873 : vector<1x16xf32> to vector<16xf32>
    %swap3A_875 = vector.shape_cast %broadcast_in_dim3A_0 : vector<16xf32> to vector<1x16xf32>
    tpu.vector_store %arg22[%swap3A_871, %swap3A_872], %swap3A_875 {strides = array<i32>} : memref<40x128xf32, #tpu.memory_space<vmem>>, vector<1x16xf32>,
    %swap3A_876 = arith.constant 18 : i32
    %swap3A_877 = arith.index_cast %swap3A_876 : i32 to index
    %swap3A_878 = arith.constant 32 : index
    %swap3A_879 = tpu.vector_load %arg22[%swap3A_877, %swap3A_878] {strides = array<i32>} : memref<40x128xf32, #tpu.memory_space<vmem>>, vector<1x16xf32>,
    %swap3A_880 = vector.shape_cast %swap3A_879 : vector<1x16xf32> to vector<16xf32>
    %swap3A_881 = vector.shape_cast %broadcast_in_dim3A_0 : vector<16xf32> to vector<1x16xf32>
    tpu.vector_store %arg22[%swap3A_877, %swap3A_878], %swap3A_881 {strides = array<i32>} : memref<40x128xf32, #tpu.memory_space<vmem>>, vector<1x16xf32>,
    %swap3A_882 = arith.constant 18 : i32
    %swap3A_883 = arith.index_cast %swap3A_882 : i32 to index
    %swap3A_884 = arith.constant 48 : index
    %swap3A_885 = tpu.vector_load %arg22[%swap3A_883, %swap3A_884] {strides = array<i32>} : memref<40x128xf32, #tpu.memory_space<vmem>>, vector<1x16xf32>,
    %swap3A_886 = vector.shape_cast %swap3A_885 : vector<1x16xf32> to vector<16xf32>
    %swap3A_887 = vector.shape_cast %broadcast_in_dim3A_0 : vector<16xf32> to vector<1x16xf32>
    tpu.vector_store %arg22[%swap3A_883, %swap3A_884], %swap3A_887 {strides = array<i32>} : memref<40x128xf32, #tpu.memory_space<vmem>>, vector<1x16xf32>,
    %swap3A_888 = arith.constant 18 : i32
    %swap3A_889 = arith.index_cast %swap3A_888 : i32 to index
    %swap3A_890 = arith.constant 64 : index
    %swap3A_891 = tpu.vector_load %arg22[%swap3A_889, %swap3A_890] {strides = array<i32>} : memref<40x128xf32, #tpu.memory_space<vmem>>, vector<1x16xf32>,
    %swap3A_892 = vector.shape_cast %swap3A_891 : vector<1x16xf32> to vector<16xf32>
    %swap3A_893 = vector.shape_cast %broadcast_in_dim3A_0 : vector<16xf32> to vector<1x16xf32>
    tpu.vector_store %arg22[%swap3A_889, %swap3A_890], %swap3A_893 {strides = array<i32>} : memref<40x128xf32, #tpu.memory_space<vmem>>, vector<1x16xf32>,
    %swap3A_894 = arith.constant 18 : i32
    %swap3A_895 = arith.index_cast %swap3A_894 : i32 to index
    %swap3A_896 = arith.constant 80 : index
    %swap3A_897 = tpu.vector_load %arg22[%swap3A_895, %swap3A_896] {strides = array<i32>} : memref<40x128xf32, #tpu.memory_space<vmem>>, vector<1x16xf32>,
    %swap3A_898 = vector.shape_cast %swap3A_897 : vector<1x16xf32> to vector<16xf32>
    %swap3A_899 = vector.shape_cast %broadcast_in_dim3A_0 : vector<16xf32> to vector<1x16xf32>
    tpu.vector_store %arg22[%swap3A_895, %swap3A_896], %swap3A_899 {strides = array<i32>} : memref<40x128xf32, #tpu.memory_space<vmem>>, vector<1x16xf32>,
    %swap3A_900 = arith.constant 18 : i32
    %swap3A_901 = arith.index_cast %swap3A_900 : i32 to index
    %swap3A_902 = arith.constant 96 : index
    %swap3A_903 = tpu.vector_load %arg22[%swap3A_901, %swap3A_902] {strides = array<i32>} : memref<40x128xf32, #tpu.memory_space<vmem>>, vector<1x16xf32>,
    %swap3A_904 = vector.shape_cast %swap3A_903 : vector<1x16xf32> to vector<16xf32>
    %swap3A_905 = vector.shape_cast %broadcast_in_dim3A_0 : vector<16xf32> to vector<1x16xf32>
    tpu.vector_store %arg22[%swap3A_901, %swap3A_902], %swap3A_905 {strides = array<i32>} : memref<40x128xf32, #tpu.memory_space<vmem>>, vector<1x16xf32>,
    %swap3A_906 = arith.constant 18 : i32
    %swap3A_907 = arith.index_cast %swap3A_906 : i32 to index
    %swap3A_908 = arith.constant 112 : index
    %swap3A_909 = tpu.vector_load %arg22[%swap3A_907, %swap3A_908] {strides = array<i32>} : memref<40x128xf32, #tpu.memory_space<vmem>>, vector<1x16xf32>,
    %swap3A_910 = vector.shape_cast %swap3A_909 : vector<1x16xf32> to vector<16xf32>
    %swap3A_911 = vector.shape_cast %broadcast_in_dim3A_0 : vector<16xf32> to vector<1x16xf32>
    tpu.vector_store %arg22[%swap3A_907, %swap3A_908], %swap3A_911 {strides = array<i32>} : memref<40x128xf32, #tpu.memory_space<vmem>>, vector<1x16xf32>,
    %swap3A_912 = arith.constant 19 : i32
    %swap3A_913 = arith.index_cast %swap3A_912 : i32 to index
    %swap3A_914 = arith.constant 0 : index
    %swap3A_915 = tpu.vector_load %arg22[%swap3A_913, %swap3A_914] {strides = array<i32>} : memref<40x128xf32, #tpu.memory_space<vmem>>, vector<1x16xf32>,
    %swap3A_916 = vector.shape_cast %swap3A_915 : vector<1x16xf32> to vector<16xf32>
    %swap3A_917 = vector.shape_cast %broadcast_in_dim3A_0 : vector<16xf32> to vector<1x16xf32>
    tpu.vector_store %arg22[%swap3A_913, %swap3A_914], %swap3A_917 {strides = array<i32>} : memref<40x128xf32, #tpu.memory_space<vmem>>, vector<1x16xf32>,
    %swap3A_918 = arith.constant 19 : i32
    %swap3A_919 = arith.index_cast %swap3A_918 : i32 to index
    %swap3A_920 = arith.constant 16 : index
    %swap3A_921 = tpu.vector_load %arg22[%swap3A_919, %swap3A_920] {strides = array<i32>} : memref<40x128xf32, #tpu.memory_space<vmem>>, vector<1x16xf32>,
    %swap3A_922 = vector.shape_cast %swap3A_921 : vector<1x16xf32> to vector<16xf32>
    %swap3A_923 = vector.shape_cast %broadcast_in_dim3A_0 : vector<16xf32> to vector<1x16xf32>
    tpu.vector_store %arg22[%swap3A_919, %swap3A_920], %swap3A_923 {strides = array<i32>} : memref<40x128xf32, #tpu.memory_space<vmem>>, vector<1x16xf32>,
    %swap3A_924 = arith.constant 19 : i32
    %swap3A_925 = arith.index_cast %swap3A_924 : i32 to index
    %swap3A_926 = arith.constant 32 : index
    %swap3A_927 = tpu.vector_load %arg22[%swap3A_925, %swap3A_926] {strides = array<i32>} : memref<40x128xf32, #tpu.memory_space<vmem>>, vector<1x16xf32>,
    %swap3A_928 = vector.shape_cast %swap3A_927 : vector<1x16xf32> to vector<16xf32>
    %swap3A_929 = vector.shape_cast %broadcast_in_dim3A_0 : vector<16xf32> to vector<1x16xf32>
    tpu.vector_store %arg22[%swap3A_925, %swap3A_926], %swap3A_929 {strides = array<i32>} : memref<40x128xf32, #tpu.memory_space<vmem>>, vector<1x16xf32>,
    %swap3A_930 = arith.constant 19 : i32
    %swap3A_931 = arith.index_cast %swap3A_930 : i32 to index
    %swap3A_932 = arith.constant 48 : index
    %swap3A_933 = tpu.vector_load %arg22[%swap3A_931, %swap3A_932] {strides = array<i32>} : memref<40x128xf32, #tpu.memory_space<vmem>>, vector<1x16xf32>,
    %swap3A_934 = vector.shape_cast %swap3A_933 : vector<1x16xf32> to vector<16xf32>
    %swap3A_935 = vector.shape_cast %broadcast_in_dim3A_0 : vector<16xf32> to vector<1x16xf32>
    tpu.vector_store %arg22[%swap3A_931, %swap3A_932], %swap3A_935 {strides = array<i32>} : memref<40x128xf32, #tpu.memory_space<vmem>>, vector<1x16xf32>,
    %swap3A_936 = arith.constant 19 : i32
    %swap3A_937 = arith.index_cast %swap3A_936 : i32 to index
    %swap3A_938 = arith.constant 64 : index
    %swap3A_939 = tpu.vector_load %arg22[%swap3A_937, %swap3A_938] {strides = array<i32>} : memref<40x128xf32, #tpu.memory_space<vmem>>, vector<1x16xf32>,
    %swap3A_940 = vector.shape_cast %swap3A_939 : vector<1x16xf32> to vector<16xf32>
    %swap3A_941 = vector.shape_cast %broadcast_in_dim3A_0 : vector<16xf32> to vector<1x16xf32>
    tpu.vector_store %arg22[%swap3A_937, %swap3A_938], %swap3A_941 {strides = array<i32>} : memref<40x128xf32, #tpu.memory_space<vmem>>, vector<1x16xf32>,
    %swap3A_942 = arith.constant 19 : i32
    %swap3A_943 = arith.index_cast %swap3A_942 : i32 to index
    %swap3A_944 = arith.constant 80 : index
    %swap3A_945 = tpu.vector_load %arg22[%swap3A_943, %swap3A_944] {strides = array<i32>} : memref<40x128xf32, #tpu.memory_space<vmem>>, vector<1x16xf32>,
    %swap3A_946 = vector.shape_cast %swap3A_945 : vector<1x16xf32> to vector<16xf32>
    %swap3A_947 = vector.shape_cast %broadcast_in_dim3A_0 : vector<16xf32> to vector<1x16xf32>
    tpu.vector_store %arg22[%swap3A_943, %swap3A_944], %swap3A_947 {strides = array<i32>} : memref<40x128xf32, #tpu.memory_space<vmem>>, vector<1x16xf32>,
    %swap3A_948 = arith.constant 19 : i32
    %swap3A_949 = arith.index_cast %swap3A_948 : i32 to index
    %swap3A_950 = arith.constant 96 : index
    %swap3A_951 = tpu.vector_load %arg22[%swap3A_949, %swap3A_950] {strides = array<i32>} : memref<40x128xf32, #tpu.memory_space<vmem>>, vector<1x16xf32>,
    %swap3A_952 = vector.shape_cast %swap3A_951 : vector<1x16xf32> to vector<16xf32>
    %swap3A_953 = vector.shape_cast %broadcast_in_dim3A_0 : vector<16xf32> to vector<1x16xf32>
    tpu.vector_store %arg22[%swap3A_949, %swap3A_950], %swap3A_953 {strides = array<i32>} : memref<40x128xf32, #tpu.memory_space<vmem>>, vector<1x16xf32>,
    %swap3A_954 = arith.constant 19 : i32
    %swap3A_955 = arith.index_cast %swap3A_954 : i32 to index
    %swap3A_956 = arith.constant 112 : index
    %swap3A_957 = tpu.vector_load %arg22[%swap3A_955, %swap3A_956] {strides = array<i32>} : memref<40x128xf32, #tpu.memory_space<vmem>>, vector<1x16xf32>,
    %swap3A_958 = vector.shape_cast %swap3A_957 : vector<1x16xf32> to vector<16xf32>
    %swap3A_959 = vector.shape_cast %broadcast_in_dim3A_0 : vector<16xf32> to vector<1x16xf32>
    tpu.vector_store %arg22[%swap3A_955, %swap3A_956], %swap3A_959 {strides = array<i32>} : memref<40x128xf32, #tpu.memory_space<vmem>>, vector<1x16xf32>,
    %swap3A_960 = arith.constant 20 : i32
    %swap3A_961 = arith.index_cast %swap3A_960 : i32 to index
    %swap3A_962 = arith.constant 0 : index
    %swap3A_963 = tpu.vector_load %arg22[%swap3A_961, %swap3A_962] {strides = array<i32>} : memref<40x128xf32, #tpu.memory_space<vmem>>, vector<1x16xf32>,
    %swap3A_964 = vector.shape_cast %swap3A_963 : vector<1x16xf32> to vector<16xf32>
    %swap3A_965 = vector.shape_cast %broadcast_in_dim3A_0 : vector<16xf32> to vector<1x16xf32>
    tpu.vector_store %arg22[%swap3A_961, %swap3A_962], %swap3A_965 {strides = array<i32>} : memref<40x128xf32, #tpu.memory_space<vmem>>, vector<1x16xf32>,
    %swap3A_966 = arith.constant 20 : i32
    %swap3A_967 = arith.index_cast %swap3A_966 : i32 to index
    %swap3A_968 = arith.constant 16 : index
    %swap3A_969 = tpu.vector_load %arg22[%swap3A_967, %swap3A_968] {strides = array<i32>} : memref<40x128xf32, #tpu.memory_space<vmem>>, vector<1x16xf32>,
    %swap3A_970 = vector.shape_cast %swap3A_969 : vector<1x16xf32> to vector<16xf32>
    %swap3A_971 = vector.shape_cast %broadcast_in_dim3A_0 : vector<16xf32> to vector<1x16xf32>
    tpu.vector_store %arg22[%swap3A_967, %swap3A_968], %swap3A_971 {strides = array<i32>} : memref<40x128xf32, #tpu.memory_space<vmem>>, vector<1x16xf32>,
    %swap3A_972 = arith.constant 20 : i32
    %swap3A_973 = arith.index_cast %swap3A_972 : i32 to index
    %swap3A_974 = arith.constant 32 : index
    %swap3A_975 = tpu.vector_load %arg22[%swap3A_973, %swap3A_974] {strides = array<i32>} : memref<40x128xf32, #tpu.memory_space<vmem>>, vector<1x16xf32>,
    %swap3A_976 = vector.shape_cast %swap3A_975 : vector<1x16xf32> to vector<16xf32>
    %swap3A_977 = vector.shape_cast %broadcast_in_dim3A_0 : vector<16xf32> to vector<1x16xf32>
    tpu.vector_store %arg22[%swap3A_973, %swap3A_974], %swap3A_977 {strides = array<i32>} : memref<40x128xf32, #tpu.memory_space<vmem>>, vector<1x16xf32>,
    %swap3A_978 = arith.constant 20 : i32
    %swap3A_979 = arith.index_cast %swap3A_978 : i32 to index
    %swap3A_980 = arith.constant 48 : index
    %swap3A_981 = tpu.vector_load %arg22[%swap3A_979, %swap3A_980] {strides = array<i32>} : memref<40x128xf32, #tpu.memory_space<vmem>>, vector<1x16xf32>,
    %swap3A_982 = vector.shape_cast %swap3A_981 : vector<1x16xf32> to vector<16xf32>
    %swap3A_983 = vector.shape_cast %broadcast_in_dim3A_0 : vector<16xf32> to vector<1x16xf32>
    tpu.vector_store %arg22[%swap3A_979, %swap3A_980], %swap3A_983 {strides = array<i32>} : memref<40x128xf32, #tpu.memory_space<vmem>>, vector<1x16xf32>,
    %swap3A_984 = arith.constant 20 : i32
    %swap3A_985 = arith.index_cast %swap3A_984 : i32 to index
    %swap3A_986 = arith.constant 64 : index
    %swap3A_987 = tpu.vector_load %arg22[%swap3A_985, %swap3A_986] {strides = array<i32>} : memref<40x128xf32, #tpu.memory_space<vmem>>, vector<1x16xf32>,
    %swap3A_988 = vector.shape_cast %swap3A_987 : vector<1x16xf32> to vector<16xf32>
    %swap3A_989 = vector.shape_cast %broadcast_in_dim3A_0 : vector<16xf32> to vector<1x16xf32>
    tpu.vector_store %arg22[%swap3A_985, %swap3A_986], %swap3A_989 {strides = array<i32>} : memref<40x128xf32, #tpu.memory_space<vmem>>, vector<1x16xf32>,
    %swap3A_990 = arith.constant 20 : i32
    %swap3A_991 = arith.index_cast %swap3A_990 : i32 to index
    %swap3A_992 = arith.constant 80 : index
    %swap3A_993 = tpu.vector_load %arg22[%swap3A_991, %swap3A_992] {strides = array<i32>} : memref<40x128xf32, #tpu.memory_space<vmem>>, vector<1x16xf32>,
    %swap3A_994 = vector.shape_cast %swap3A_993 : vector<1x16xf32> to vector<16xf32>
    %swap3A_995 = vector.shape_cast %broadcast_in_dim3A_0 : vector<16xf32> to vector<1x16xf32>
    tpu.vector_store %arg22[%swap3A_991, %swap3A_992], %swap3A_995 {strides = array<i32>} : memref<40x128xf32, #tpu.memory_space<vmem>>, vector<1x16xf32>,
    %swap3A_996 = arith.constant 20 : i32
    %swap3A_997 = arith.index_cast %swap3A_996 : i32 to index
    %swap3A_998 = arith.constant 96 : index
    %swap3A_999 = tpu.vector_load %arg22[%swap3A_997, %swap3A_998] {strides = array<i32>} : memref<40x128xf32, #tpu.memory_space<vmem>>, vector<1x16xf32>,
    %swap3A_1000 = vector.shape_cast %swap3A_999 : vector<1x16xf32> to vector<16xf32>
    %swap3A_1001 = vector.shape_cast %broadcast_in_dim3A_0 : vector<16xf32> to vector<1x16xf32>
    tpu.vector_store %arg22[%swap3A_997, %swap3A_998], %swap3A_1001 {strides = array<i32>} : memref<40x128xf32, #tpu.memory_space<vmem>>, vector<1x16xf32>,
    %swap3A_1002 = arith.constant 20 : i32
    %swap3A_1003 = arith.index_cast %swap3A_1002 : i32 to index
    %swap3A_1004 = arith.constant 112 : index
    %swap3A_1005 = tpu.vector_load %arg22[%swap3A_1003, %swap3A_1004] {strides = array<i32>} : memref<40x128xf32, #tpu.memory_space<vmem>>, vector<1x16xf32>,
    %swap3A_1006 = vector.shape_cast %swap3A_1005 : vector<1x16xf32> to vector<16xf32>
    %swap3A_1007 = vector.shape_cast %broadcast_in_dim3A_0 : vector<16xf32> to vector<1x16xf32>
    tpu.vector_store %arg22[%swap3A_1003, %swap3A_1004], %swap3A_1007 {strides = array<i32>} : memref<40x128xf32, #tpu.memory_space<vmem>>, vector<1x16xf32>,
    %swap3A_1008 = arith.constant 21 : i32
    %swap3A_1009 = arith.index_cast %swap3A_1008 : i32 to index
    %swap3A_1010 = arith.constant 0 : index
    %swap3A_1011 = tpu.vector_load %arg22[%swap3A_1009, %swap3A_1010] {strides = array<i32>} : memref<40x128xf32, #tpu.memory_space<vmem>>, vector<1x16xf32>,
    %swap3A_1012 = vector.shape_cast %swap3A_1011 : vector<1x16xf32> to vector<16xf32>
    %swap3A_1013 = vector.shape_cast %broadcast_in_dim3A_0 : vector<16xf32> to vector<1x16xf32>
    tpu.vector_store %arg22[%swap3A_1009, %swap3A_1010], %swap3A_1013 {strides = array<i32>} : memref<40x128xf32, #tpu.memory_space<vmem>>, vector<1x16xf32>,
    %swap3A_1014 = arith.constant 21 : i32
    %swap3A_1015 = arith.index_cast %swap3A_1014 : i32 to index
    %swap3A_1016 = arith.constant 16 : index
    %swap3A_1017 = tpu.vector_load %arg22[%swap3A_1015, %swap3A_1016] {strides = array<i32>} : memref<40x128xf32, #tpu.memory_space<vmem>>, vector<1x16xf32>,
    %swap3A_1018 = vector.shape_cast %swap3A_1017 : vector<1x16xf32> to vector<16xf32>
    %swap3A_1019 = vector.shape_cast %broadcast_in_dim3A_0 : vector<16xf32> to vector<1x16xf32>
    tpu.vector_store %arg22[%swap3A_1015, %swap3A_1016], %swap3A_1019 {strides = array<i32>} : memref<40x128xf32, #tpu.memory_space<vmem>>, vector<1x16xf32>,
    %swap3A_1020 = arith.constant 21 : i32
    %swap3A_1021 = arith.index_cast %swap3A_1020 : i32 to index
    %swap3A_1022 = arith.constant 32 : index
    %swap3A_1023 = tpu.vector_load %arg22[%swap3A_1021, %swap3A_1022] {strides = array<i32>} : memref<40x128xf32, #tpu.memory_space<vmem>>, vector<1x16xf32>,
    %swap3A_1024 = vector.shape_cast %swap3A_1023 : vector<1x16xf32> to vector<16xf32>
    %swap3A_1025 = vector.shape_cast %broadcast_in_dim3A_0 : vector<16xf32> to vector<1x16xf32>
    tpu.vector_store %arg22[%swap3A_1021, %swap3A_1022], %swap3A_1025 {strides = array<i32>} : memref<40x128xf32, #tpu.memory_space<vmem>>, vector<1x16xf32>,
    %swap3A_1026 = arith.constant 21 : i32
    %swap3A_1027 = arith.index_cast %swap3A_1026 : i32 to index
    %swap3A_1028 = arith.constant 48 : index
    %swap3A_1029 = tpu.vector_load %arg22[%swap3A_1027, %swap3A_1028] {strides = array<i32>} : memref<40x128xf32, #tpu.memory_space<vmem>>, vector<1x16xf32>,
    %swap3A_1030 = vector.shape_cast %swap3A_1029 : vector<1x16xf32> to vector<16xf32>
    %swap3A_1031 = vector.shape_cast %broadcast_in_dim3A_0 : vector<16xf32> to vector<1x16xf32>
    tpu.vector_store %arg22[%swap3A_1027, %swap3A_1028], %swap3A_1031 {strides = array<i32>} : memref<40x128xf32, #tpu.memory_space<vmem>>, vector<1x16xf32>,
    %swap3A_1032 = arith.constant 21 : i32
    %swap3A_1033 = arith.index_cast %swap3A_1032 : i32 to index
    %swap3A_1034 = arith.constant 64 : index
    %swap3A_1035 = tpu.vector_load %arg22[%swap3A_1033, %swap3A_1034] {strides = array<i32>} : memref<40x128xf32, #tpu.memory_space<vmem>>, vector<1x16xf32>,
    %swap3A_1036 = vector.shape_cast %swap3A_1035 : vector<1x16xf32> to vector<16xf32>
    %swap3A_1037 = vector.shape_cast %broadcast_in_dim3A_0 : vector<16xf32> to vector<1x16xf32>
    tpu.vector_store %arg22[%swap3A_1033, %swap3A_1034], %swap3A_1037 {strides = array<i32>} : memref<40x128xf32, #tpu.memory_space<vmem>>, vector<1x16xf32>,
    %swap3A_1038 = arith.constant 21 : i32
    %swap3A_1039 = arith.index_cast %swap3A_1038 : i32 to index
    %swap3A_1040 = arith.constant 80 : index
    %swap3A_1041 = tpu.vector_load %arg22[%swap3A_1039, %swap3A_1040] {strides = array<i32>} : memref<40x128xf32, #tpu.memory_space<vmem>>, vector<1x16xf32>,
    %swap3A_1042 = vector.shape_cast %swap3A_1041 : vector<1x16xf32> to vector<16xf32>
    %swap3A_1043 = vector.shape_cast %broadcast_in_dim3A_0 : vector<16xf32> to vector<1x16xf32>
    tpu.vector_store %arg22[%swap3A_1039, %swap3A_1040], %swap3A_1043 {strides = array<i32>} : memref<40x128xf32, #tpu.memory_space<vmem>>, vector<1x16xf32>,
    %swap3A_1044 = arith.constant 21 : i32
    %swap3A_1045 = arith.index_cast %swap3A_1044 : i32 to index
    %swap3A_1046 = arith.constant 96 : index
    %swap3A_1047 = tpu.vector_load %arg22[%swap3A_1045, %swap3A_1046] {strides = array<i32>} : memref<40x128xf32, #tpu.memory_space<vmem>>, vector<1x16xf32>,
    %swap3A_1048 = vector.shape_cast %swap3A_1047 : vector<1x16xf32> to vector<16xf32>
    %swap3A_1049 = vector.shape_cast %broadcast_in_dim3A_0 : vector<16xf32> to vector<1x16xf32>
    tpu.vector_store %arg22[%swap3A_1045, %swap3A_1046], %swap3A_1049 {strides = array<i32>} : memref<40x128xf32, #tpu.memory_space<vmem>>, vector<1x16xf32>,
    %swap3A_1050 = arith.constant 21 : i32
    %swap3A_1051 = arith.index_cast %swap3A_1050 : i32 to index
    %swap3A_1052 = arith.constant 112 : index
    %swap3A_1053 = tpu.vector_load %arg22[%swap3A_1051, %swap3A_1052] {strides = array<i32>} : memref<40x128xf32, #tpu.memory_space<vmem>>, vector<1x16xf32>,
    %swap3A_1054 = vector.shape_cast %swap3A_1053 : vector<1x16xf32> to vector<16xf32>
    %swap3A_1055 = vector.shape_cast %broadcast_in_dim3A_0 : vector<16xf32> to vector<1x16xf32>
    tpu.vector_store %arg22[%swap3A_1051, %swap3A_1052], %swap3A_1055 {strides = array<i32>} : memref<40x128xf32, #tpu.memory_space<vmem>>, vector<1x16xf32>,
    %swap3A_1056 = arith.constant 22 : i32
    %swap3A_1057 = arith.index_cast %swap3A_1056 : i32 to index
    %swap3A_1058 = arith.constant 0 : index
    %swap3A_1059 = tpu.vector_load %arg22[%swap3A_1057, %swap3A_1058] {strides = array<i32>} : memref<40x128xf32, #tpu.memory_space<vmem>>, vector<1x16xf32>,
    %swap3A_1060 = vector.shape_cast %swap3A_1059 : vector<1x16xf32> to vector<16xf32>
    %swap3A_1061 = vector.shape_cast %broadcast_in_dim3A_0 : vector<16xf32> to vector<1x16xf32>
    tpu.vector_store %arg22[%swap3A_1057, %swap3A_1058], %swap3A_1061 {strides = array<i32>} : memref<40x128xf32, #tpu.memory_space<vmem>>, vector<1x16xf32>,
    %swap3A_1062 = arith.constant 22 : i32
    %swap3A_1063 = arith.index_cast %swap3A_1062 : i32 to index
    %swap3A_1064 = arith.constant 16 : index
    %swap3A_1065 = tpu.vector_load %arg22[%swap3A_1063, %swap3A_1064] {strides = array<i32>} : memref<40x128xf32, #tpu.memory_space<vmem>>, vector<1x16xf32>,
    %swap3A_1066 = vector.shape_cast %swap3A_1065 : vector<1x16xf32> to vector<16xf32>
    %swap3A_1067 = vector.shape_cast %broadcast_in_dim3A_0 : vector<16xf32> to vector<1x16xf32>
    tpu.vector_store %arg22[%swap3A_1063, %swap3A_1064], %swap3A_1067 {strides = array<i32>} : memref<40x128xf32, #tpu.memory_space<vmem>>, vector<1x16xf32>,
    %swap3A_1068 = arith.constant 22 : i32
    %swap3A_1069 = arith.index_cast %swap3A_1068 : i32 to index
    %swap3A_1070 = arith.constant 32 : index
    %swap3A_1071 = tpu.vector_load %arg22[%swap3A_1069, %swap3A_1070] {strides = array<i32>} : memref<40x128xf32, #tpu.memory_space<vmem>>, vector<1x16xf32>,
    %swap3A_1072 = vector.shape_cast %swap3A_1071 : vector<1x16xf32> to vector<16xf32>
    %swap3A_1073 = vector.shape_cast %broadcast_in_dim3A_0 : vector<16xf32> to vector<1x16xf32>
    tpu.vector_store %arg22[%swap3A_1069, %swap3A_1070], %swap3A_1073 {strides = array<i32>} : memref<40x128xf32, #tpu.memory_space<vmem>>, vector<1x16xf32>,
    %swap3A_1074 = arith.constant 22 : i32
    %swap3A_1075 = arith.index_cast %swap3A_1074 : i32 to index
    %swap3A_1076 = arith.constant 48 : index
    %swap3A_1077 = tpu.vector_load %arg22[%swap3A_1075, %swap3A_1076] {strides = array<i32>} : memref<40x128xf32, #tpu.memory_space<vmem>>, vector<1x16xf32>,
    %swap3A_1078 = vector.shape_cast %swap3A_1077 : vector<1x16xf32> to vector<16xf32>
    %swap3A_1079 = vector.shape_cast %broadcast_in_dim3A_0 : vector<16xf32> to vector<1x16xf32>
    tpu.vector_store %arg22[%swap3A_1075, %swap3A_1076], %swap3A_1079 {strides = array<i32>} : memref<40x128xf32, #tpu.memory_space<vmem>>, vector<1x16xf32>,
    %swap3A_1080 = arith.constant 22 : i32
    %swap3A_1081 = arith.index_cast %swap3A_1080 : i32 to index
    %swap3A_1082 = arith.constant 64 : index
    %swap3A_1083 = tpu.vector_load %arg22[%swap3A_1081, %swap3A_1082] {strides = array<i32>} : memref<40x128xf32, #tpu.memory_space<vmem>>, vector<1x16xf32>,
    %swap3A_1084 = vector.shape_cast %swap3A_1083 : vector<1x16xf32> to vector<16xf32>
    %swap3A_1085 = vector.shape_cast %broadcast_in_dim3A_0 : vector<16xf32> to vector<1x16xf32>
    tpu.vector_store %arg22[%swap3A_1081, %swap3A_1082], %swap3A_1085 {strides = array<i32>} : memref<40x128xf32, #tpu.memory_space<vmem>>, vector<1x16xf32>,
    %swap3A_1086 = arith.constant 22 : i32
    %swap3A_1087 = arith.index_cast %swap3A_1086 : i32 to index
    %swap3A_1088 = arith.constant 80 : index
    %swap3A_1089 = tpu.vector_load %arg22[%swap3A_1087, %swap3A_1088] {strides = array<i32>} : memref<40x128xf32, #tpu.memory_space<vmem>>, vector<1x16xf32>,
    %swap3A_1090 = vector.shape_cast %swap3A_1089 : vector<1x16xf32> to vector<16xf32>
    %swap3A_1091 = vector.shape_cast %broadcast_in_dim3A_0 : vector<16xf32> to vector<1x16xf32>
    tpu.vector_store %arg22[%swap3A_1087, %swap3A_1088], %swap3A_1091 {strides = array<i32>} : memref<40x128xf32, #tpu.memory_space<vmem>>, vector<1x16xf32>,
    %swap3A_1092 = arith.constant 22 : i32
    %swap3A_1093 = arith.index_cast %swap3A_1092 : i32 to index
    %swap3A_1094 = arith.constant 96 : index
    %swap3A_1095 = tpu.vector_load %arg22[%swap3A_1093, %swap3A_1094] {strides = array<i32>} : memref<40x128xf32, #tpu.memory_space<vmem>>, vector<1x16xf32>,
    %swap3A_1096 = vector.shape_cast %swap3A_1095 : vector<1x16xf32> to vector<16xf32>
    %swap3A_1097 = vector.shape_cast %broadcast_in_dim3A_0 : vector<16xf32> to vector<1x16xf32>
    tpu.vector_store %arg22[%swap3A_1093, %swap3A_1094], %swap3A_1097 {strides = array<i32>} : memref<40x128xf32, #tpu.memory_space<vmem>>, vector<1x16xf32>,
    %swap3A_1098 = arith.constant 22 : i32
    %swap3A_1099 = arith.index_cast %swap3A_1098 : i32 to index
    %swap3A_1100 = arith.constant 112 : index
    %swap3A_1101 = tpu.vector_load %arg22[%swap3A_1099, %swap3A_1100] {strides = array<i32>} : memref<40x128xf32, #tpu.memory_space<vmem>>, vector<1x16xf32>,
    %swap3A_1102 = vector.shape_cast %swap3A_1101 : vector<1x16xf32> to vector<16xf32>
    %swap3A_1103 = vector.shape_cast %broadcast_in_dim3A_0 : vector<16xf32> to vector<1x16xf32>
    tpu.vector_store %arg22[%swap3A_1099, %swap3A_1100], %swap3A_1103 {strides = array<i32>} : memref<40x128xf32, #tpu.memory_space<vmem>>, vector<1x16xf32>,
    %swap3A_1104 = arith.constant 23 : i32
    %swap3A_1105 = arith.index_cast %swap3A_1104 : i32 to index
    %swap3A_1106 = arith.constant 0 : index
    %swap3A_1107 = tpu.vector_load %arg22[%swap3A_1105, %swap3A_1106] {strides = array<i32>} : memref<40x128xf32, #tpu.memory_space<vmem>>, vector<1x16xf32>,
    %swap3A_1108 = vector.shape_cast %swap3A_1107 : vector<1x16xf32> to vector<16xf32>
    %swap3A_1109 = vector.shape_cast %broadcast_in_dim3A_0 : vector<16xf32> to vector<1x16xf32>
    tpu.vector_store %arg22[%swap3A_1105, %swap3A_1106], %swap3A_1109 {strides = array<i32>} : memref<40x128xf32, #tpu.memory_space<vmem>>, vector<1x16xf32>,
    %swap3A_1110 = arith.constant 23 : i32
    %swap3A_1111 = arith.index_cast %swap3A_1110 : i32 to index
    %swap3A_1112 = arith.constant 16 : index
    %swap3A_1113 = tpu.vector_load %arg22[%swap3A_1111, %swap3A_1112] {strides = array<i32>} : memref<40x128xf32, #tpu.memory_space<vmem>>, vector<1x16xf32>,
    %swap3A_1114 = vector.shape_cast %swap3A_1113 : vector<1x16xf32> to vector<16xf32>
    %swap3A_1115 = vector.shape_cast %broadcast_in_dim3A_0 : vector<16xf32> to vector<1x16xf32>
    tpu.vector_store %arg22[%swap3A_1111, %swap3A_1112], %swap3A_1115 {strides = array<i32>} : memref<40x128xf32, #tpu.memory_space<vmem>>, vector<1x16xf32>,
    %swap3A_1116 = arith.constant 23 : i32
    %swap3A_1117 = arith.index_cast %swap3A_1116 : i32 to index
    %swap3A_1118 = arith.constant 32 : index
    %swap3A_1119 = tpu.vector_load %arg22[%swap3A_1117, %swap3A_1118] {strides = array<i32>} : memref<40x128xf32, #tpu.memory_space<vmem>>, vector<1x16xf32>,
    %swap3A_1120 = vector.shape_cast %swap3A_1119 : vector<1x16xf32> to vector<16xf32>
    %swap3A_1121 = vector.shape_cast %broadcast_in_dim3A_0 : vector<16xf32> to vector<1x16xf32>
    tpu.vector_store %arg22[%swap3A_1117, %swap3A_1118], %swap3A_1121 {strides = array<i32>} : memref<40x128xf32, #tpu.memory_space<vmem>>, vector<1x16xf32>,
    %swap3A_1122 = arith.constant 23 : i32
    %swap3A_1123 = arith.index_cast %swap3A_1122 : i32 to index
    %swap3A_1124 = arith.constant 48 : index
    %swap3A_1125 = tpu.vector_load %arg22[%swap3A_1123, %swap3A_1124] {strides = array<i32>} : memref<40x128xf32, #tpu.memory_space<vmem>>, vector<1x16xf32>,
    %swap3A_1126 = vector.shape_cast %swap3A_1125 : vector<1x16xf32> to vector<16xf32>
    %swap3A_1127 = vector.shape_cast %broadcast_in_dim3A_0 : vector<16xf32> to vector<1x16xf32>
    tpu.vector_store %arg22[%swap3A_1123, %swap3A_1124], %swap3A_1127 {strides = array<i32>} : memref<40x128xf32, #tpu.memory_space<vmem>>, vector<1x16xf32>,
    %swap3A_1128 = arith.constant 23 : i32
    %swap3A_1129 = arith.index_cast %swap3A_1128 : i32 to index
    %swap3A_1130 = arith.constant 64 : index
    %swap3A_1131 = tpu.vector_load %arg22[%swap3A_1129, %swap3A_1130] {strides = array<i32>} : memref<40x128xf32, #tpu.memory_space<vmem>>, vector<1x16xf32>,
    %swap3A_1132 = vector.shape_cast %swap3A_1131 : vector<1x16xf32> to vector<16xf32>
    %swap3A_1133 = vector.shape_cast %broadcast_in_dim3A_0 : vector<16xf32> to vector<1x16xf32>
    tpu.vector_store %arg22[%swap3A_1129, %swap3A_1130], %swap3A_1133 {strides = array<i32>} : memref<40x128xf32, #tpu.memory_space<vmem>>, vector<1x16xf32>,
    %swap3A_1134 = arith.constant 23 : i32
    %swap3A_1135 = arith.index_cast %swap3A_1134 : i32 to index
    %swap3A_1136 = arith.constant 80 : index
    %swap3A_1137 = tpu.vector_load %arg22[%swap3A_1135, %swap3A_1136] {strides = array<i32>} : memref<40x128xf32, #tpu.memory_space<vmem>>, vector<1x16xf32>,
    %swap3A_1138 = vector.shape_cast %swap3A_1137 : vector<1x16xf32> to vector<16xf32>
    %swap3A_1139 = vector.shape_cast %broadcast_in_dim3A_0 : vector<16xf32> to vector<1x16xf32>
    tpu.vector_store %arg22[%swap3A_1135, %swap3A_1136], %swap3A_1139 {strides = array<i32>} : memref<40x128xf32, #tpu.memory_space<vmem>>, vector<1x16xf32>,
    %swap3A_1140 = arith.constant 23 : i32
    %swap3A_1141 = arith.index_cast %swap3A_1140 : i32 to index
    %swap3A_1142 = arith.constant 96 : index
    %swap3A_1143 = tpu.vector_load %arg22[%swap3A_1141, %swap3A_1142] {strides = array<i32>} : memref<40x128xf32, #tpu.memory_space<vmem>>, vector<1x16xf32>,
    %swap3A_1144 = vector.shape_cast %swap3A_1143 : vector<1x16xf32> to vector<16xf32>
    %swap3A_1145 = vector.shape_cast %broadcast_in_dim3A_0 : vector<16xf32> to vector<1x16xf32>
    tpu.vector_store %arg22[%swap3A_1141, %swap3A_1142], %swap3A_1145 {strides = array<i32>} : memref<40x128xf32, #tpu.memory_space<vmem>>, vector<1x16xf32>,
    %swap3A_1146 = arith.constant 23 : i32
    %swap3A_1147 = arith.index_cast %swap3A_1146 : i32 to index
    %swap3A_1148 = arith.constant 112 : index
    %swap3A_1149 = tpu.vector_load %arg22[%swap3A_1147, %swap3A_1148] {strides = array<i32>} : memref<40x128xf32, #tpu.memory_space<vmem>>, vector<1x16xf32>,
    %swap3A_1150 = vector.shape_cast %swap3A_1149 : vector<1x16xf32> to vector<16xf32>
    %swap3A_1151 = vector.shape_cast %broadcast_in_dim3A_0 : vector<16xf32> to vector<1x16xf32>
    tpu.vector_store %arg22[%swap3A_1147, %swap3A_1148], %swap3A_1151 {strides = array<i32>} : memref<40x128xf32, #tpu.memory_space<vmem>>, vector<1x16xf32>,
    %swap3A_1152 = arith.constant 24 : i32
    %swap3A_1153 = arith.index_cast %swap3A_1152 : i32 to index
    %swap3A_1154 = arith.constant 0 : index
    %swap3A_1155 = tpu.vector_load %arg22[%swap3A_1153, %swap3A_1154] {strides = array<i32>} : memref<40x128xf32, #tpu.memory_space<vmem>>, vector<1x16xf32>,
    %swap3A_1156 = vector.shape_cast %swap3A_1155 : vector<1x16xf32> to vector<16xf32>
    %swap3A_1157 = vector.shape_cast %broadcast_in_dim3A_0 : vector<16xf32> to vector<1x16xf32>
    tpu.vector_store %arg22[%swap3A_1153, %swap3A_1154], %swap3A_1157 {strides = array<i32>} : memref<40x128xf32, #tpu.memory_space<vmem>>, vector<1x16xf32>,
    %swap3A_1158 = arith.constant 24 : i32
    %swap3A_1159 = arith.index_cast %swap3A_1158 : i32 to index
    %swap3A_1160 = arith.constant 16 : index
    %swap3A_1161 = tpu.vector_load %arg22[%swap3A_1159, %swap3A_1160] {strides = array<i32>} : memref<40x128xf32, #tpu.memory_space<vmem>>, vector<1x16xf32>,
    %swap3A_1162 = vector.shape_cast %swap3A_1161 : vector<1x16xf32> to vector<16xf32>
    %swap3A_1163 = vector.shape_cast %broadcast_in_dim3A_0 : vector<16xf32> to vector<1x16xf32>
    tpu.vector_store %arg22[%swap3A_1159, %swap3A_1160], %swap3A_1163 {strides = array<i32>} : memref<40x128xf32, #tpu.memory_space<vmem>>, vector<1x16xf32>,
    %swap3A_1164 = arith.constant 24 : i32
    %swap3A_1165 = arith.index_cast %swap3A_1164 : i32 to index
    %swap3A_1166 = arith.constant 32 : index
    %swap3A_1167 = tpu.vector_load %arg22[%swap3A_1165, %swap3A_1166] {strides = array<i32>} : memref<40x128xf32, #tpu.memory_space<vmem>>, vector<1x16xf32>,
    %swap3A_1168 = vector.shape_cast %swap3A_1167 : vector<1x16xf32> to vector<16xf32>
    %swap3A_1169 = vector.shape_cast %broadcast_in_dim3A_0 : vector<16xf32> to vector<1x16xf32>
    tpu.vector_store %arg22[%swap3A_1165, %swap3A_1166], %swap3A_1169 {strides = array<i32>} : memref<40x128xf32, #tpu.memory_space<vmem>>, vector<1x16xf32>,
    %swap3A_1170 = arith.constant 24 : i32
    %swap3A_1171 = arith.index_cast %swap3A_1170 : i32 to index
    %swap3A_1172 = arith.constant 48 : index
    %swap3A_1173 = tpu.vector_load %arg22[%swap3A_1171, %swap3A_1172] {strides = array<i32>} : memref<40x128xf32, #tpu.memory_space<vmem>>, vector<1x16xf32>,
    %swap3A_1174 = vector.shape_cast %swap3A_1173 : vector<1x16xf32> to vector<16xf32>
    %swap3A_1175 = vector.shape_cast %broadcast_in_dim3A_0 : vector<16xf32> to vector<1x16xf32>
    tpu.vector_store %arg22[%swap3A_1171, %swap3A_1172], %swap3A_1175 {strides = array<i32>} : memref<40x128xf32, #tpu.memory_space<vmem>>, vector<1x16xf32>,
    %swap3A_1176 = arith.constant 24 : i32
    %swap3A_1177 = arith.index_cast %swap3A_1176 : i32 to index
    %swap3A_1178 = arith.constant 64 : index
    %swap3A_1179 = tpu.vector_load %arg22[%swap3A_1177, %swap3A_1178] {strides = array<i32>} : memref<40x128xf32, #tpu.memory_space<vmem>>, vector<1x16xf32>,
    %swap3A_1180 = vector.shape_cast %swap3A_1179 : vector<1x16xf32> to vector<16xf32>
    %swap3A_1181 = vector.shape_cast %broadcast_in_dim3A_0 : vector<16xf32> to vector<1x16xf32>
    tpu.vector_store %arg22[%swap3A_1177, %swap3A_1178], %swap3A_1181 {strides = array<i32>} : memref<40x128xf32, #tpu.memory_space<vmem>>, vector<1x16xf32>,
    %swap3A_1182 = arith.constant 24 : i32
    %swap3A_1183 = arith.index_cast %swap3A_1182 : i32 to index
    %swap3A_1184 = arith.constant 80 : index
    %swap3A_1185 = tpu.vector_load %arg22[%swap3A_1183, %swap3A_1184] {strides = array<i32>} : memref<40x128xf32, #tpu.memory_space<vmem>>, vector<1x16xf32>,
    %swap3A_1186 = vector.shape_cast %swap3A_1185 : vector<1x16xf32> to vector<16xf32>
    %swap3A_1187 = vector.shape_cast %broadcast_in_dim3A_0 : vector<16xf32> to vector<1x16xf32>
    tpu.vector_store %arg22[%swap3A_1183, %swap3A_1184], %swap3A_1187 {strides = array<i32>} : memref<40x128xf32, #tpu.memory_space<vmem>>, vector<1x16xf32>,
    %swap3A_1188 = arith.constant 24 : i32
    %swap3A_1189 = arith.index_cast %swap3A_1188 : i32 to index
    %swap3A_1190 = arith.constant 96 : index
    %swap3A_1191 = tpu.vector_load %arg22[%swap3A_1189, %swap3A_1190] {strides = array<i32>} : memref<40x128xf32, #tpu.memory_space<vmem>>, vector<1x16xf32>,
    %swap3A_1192 = vector.shape_cast %swap3A_1191 : vector<1x16xf32> to vector<16xf32>
    %swap3A_1193 = vector.shape_cast %broadcast_in_dim3A_0 : vector<16xf32> to vector<1x16xf32>
    tpu.vector_store %arg22[%swap3A_1189, %swap3A_1190], %swap3A_1193 {strides = array<i32>} : memref<40x128xf32, #tpu.memory_space<vmem>>, vector<1x16xf32>,
    %swap3A_1194 = arith.constant 24 : i32
    %swap3A_1195 = arith.index_cast %swap3A_1194 : i32 to index
    %swap3A_1196 = arith.constant 112 : index
    %swap3A_1197 = tpu.vector_load %arg22[%swap3A_1195, %swap3A_1196] {strides = array<i32>} : memref<40x128xf32, #tpu.memory_space<vmem>>, vector<1x16xf32>,
    %swap3A_1198 = vector.shape_cast %swap3A_1197 : vector<1x16xf32> to vector<16xf32>
    %swap3A_1199 = vector.shape_cast %broadcast_in_dim3A_0 : vector<16xf32> to vector<1x16xf32>
    tpu.vector_store %arg22[%swap3A_1195, %swap3A_1196], %swap3A_1199 {strides = array<i32>} : memref<40x128xf32, #tpu.memory_space<vmem>>, vector<1x16xf32>,
    %swap3A_1200 = arith.constant 25 : i32
    %swap3A_1201 = arith.index_cast %swap3A_1200 : i32 to index
    %swap3A_1202 = arith.constant 0 : index
    %swap3A_1203 = tpu.vector_load %arg22[%swap3A_1201, %swap3A_1202] {strides = array<i32>} : memref<40x128xf32, #tpu.memory_space<vmem>>, vector<1x16xf32>,
    %swap3A_1204 = vector.shape_cast %swap3A_1203 : vector<1x16xf32> to vector<16xf32>
    %swap3A_1205 = vector.shape_cast %broadcast_in_dim3A_0 : vector<16xf32> to vector<1x16xf32>
    tpu.vector_store %arg22[%swap3A_1201, %swap3A_1202], %swap3A_1205 {strides = array<i32>} : memref<40x128xf32, #tpu.memory_space<vmem>>, vector<1x16xf32>,
    %swap3A_1206 = arith.constant 25 : i32
    %swap3A_1207 = arith.index_cast %swap3A_1206 : i32 to index
    %swap3A_1208 = arith.constant 16 : index
    %swap3A_1209 = tpu.vector_load %arg22[%swap3A_1207, %swap3A_1208] {strides = array<i32>} : memref<40x128xf32, #tpu.memory_space<vmem>>, vector<1x16xf32>,
    %swap3A_1210 = vector.shape_cast %swap3A_1209 : vector<1x16xf32> to vector<16xf32>
    %swap3A_1211 = vector.shape_cast %broadcast_in_dim3A_0 : vector<16xf32> to vector<1x16xf32>
    tpu.vector_store %arg22[%swap3A_1207, %swap3A_1208], %swap3A_1211 {strides = array<i32>} : memref<40x128xf32, #tpu.memory_space<vmem>>, vector<1x16xf32>,
    %swap3A_1212 = arith.constant 25 : i32
    %swap3A_1213 = arith.index_cast %swap3A_1212 : i32 to index
    %swap3A_1214 = arith.constant 32 : index
    %swap3A_1215 = tpu.vector_load %arg22[%swap3A_1213, %swap3A_1214] {strides = array<i32>} : memref<40x128xf32, #tpu.memory_space<vmem>>, vector<1x16xf32>,
    %swap3A_1216 = vector.shape_cast %swap3A_1215 : vector<1x16xf32> to vector<16xf32>
    %swap3A_1217 = vector.shape_cast %broadcast_in_dim3A_0 : vector<16xf32> to vector<1x16xf32>
    tpu.vector_store %arg22[%swap3A_1213, %swap3A_1214], %swap3A_1217 {strides = array<i32>} : memref<40x128xf32, #tpu.memory_space<vmem>>, vector<1x16xf32>,
    %swap3A_1218 = arith.constant 25 : i32
    %swap3A_1219 = arith.index_cast %swap3A_1218 : i32 to index
    %swap3A_1220 = arith.constant 48 : index
    %swap3A_1221 = tpu.vector_load %arg22[%swap3A_1219, %swap3A_1220] {strides = array<i32>} : memref<40x128xf32, #tpu.memory_space<vmem>>, vector<1x16xf32>,
    %swap3A_1222 = vector.shape_cast %swap3A_1221 : vector<1x16xf32> to vector<16xf32>
    %swap3A_1223 = vector.shape_cast %broadcast_in_dim3A_0 : vector<16xf32> to vector<1x16xf32>
    tpu.vector_store %arg22[%swap3A_1219, %swap3A_1220], %swap3A_1223 {strides = array<i32>} : memref<40x128xf32, #tpu.memory_space<vmem>>, vector<1x16xf32>,
    %swap3A_1224 = arith.constant 25 : i32
    %swap3A_1225 = arith.index_cast %swap3A_1224 : i32 to index
    %swap3A_1226 = arith.constant 64 : index
    %swap3A_1227 = tpu.vector_load %arg22[%swap3A_1225, %swap3A_1226] {strides = array<i32>} : memref<40x128xf32, #tpu.memory_space<vmem>>, vector<1x16xf32>,
    %swap3A_1228 = vector.shape_cast %swap3A_1227 : vector<1x16xf32> to vector<16xf32>
    %swap3A_1229 = vector.shape_cast %broadcast_in_dim3A_0 : vector<16xf32> to vector<1x16xf32>
    tpu.vector_store %arg22[%swap3A_1225, %swap3A_1226], %swap3A_1229 {strides = array<i32>} : memref<40x128xf32, #tpu.memory_space<vmem>>, vector<1x16xf32>,
    %swap3A_1230 = arith.constant 25 : i32
    %swap3A_1231 = arith.index_cast %swap3A_1230 : i32 to index
    %swap3A_1232 = arith.constant 80 : index
    %swap3A_1233 = tpu.vector_load %arg22[%swap3A_1231, %swap3A_1232] {strides = array<i32>} : memref<40x128xf32, #tpu.memory_space<vmem>>, vector<1x16xf32>,
    %swap3A_1234 = vector.shape_cast %swap3A_1233 : vector<1x16xf32> to vector<16xf32>
    %swap3A_1235 = vector.shape_cast %broadcast_in_dim3A_0 : vector<16xf32> to vector<1x16xf32>
    tpu.vector_store %arg22[%swap3A_1231, %swap3A_1232], %swap3A_1235 {strides = array<i32>} : memref<40x128xf32, #tpu.memory_space<vmem>>, vector<1x16xf32>,
    %swap3A_1236 = arith.constant 25 : i32
    %swap3A_1237 = arith.index_cast %swap3A_1236 : i32 to index
    %swap3A_1238 = arith.constant 96 : index
    %swap3A_1239 = tpu.vector_load %arg22[%swap3A_1237, %swap3A_1238] {strides = array<i32>} : memref<40x128xf32, #tpu.memory_space<vmem>>, vector<1x16xf32>,
    %swap3A_1240 = vector.shape_cast %swap3A_1239 : vector<1x16xf32> to vector<16xf32>
    %swap3A_1241 = vector.shape_cast %broadcast_in_dim3A_0 : vector<16xf32> to vector<1x16xf32>
    tpu.vector_store %arg22[%swap3A_1237, %swap3A_1238], %swap3A_1241 {strides = array<i32>} : memref<40x128xf32, #tpu.memory_space<vmem>>, vector<1x16xf32>,
    %swap3A_1242 = arith.constant 25 : i32
    %swap3A_1243 = arith.index_cast %swap3A_1242 : i32 to index
    %swap3A_1244 = arith.constant 112 : index
    %swap3A_1245 = tpu.vector_load %arg22[%swap3A_1243, %swap3A_1244] {strides = array<i32>} : memref<40x128xf32, #tpu.memory_space<vmem>>, vector<1x16xf32>,
    %swap3A_1246 = vector.shape_cast %swap3A_1245 : vector<1x16xf32> to vector<16xf32>
    %swap3A_1247 = vector.shape_cast %broadcast_in_dim3A_0 : vector<16xf32> to vector<1x16xf32>
    tpu.vector_store %arg22[%swap3A_1243, %swap3A_1244], %swap3A_1247 {strides = array<i32>} : memref<40x128xf32, #tpu.memory_space<vmem>>, vector<1x16xf32>,
    %swap3A_1248 = arith.constant 26 : i32
    %swap3A_1249 = arith.index_cast %swap3A_1248 : i32 to index
    %swap3A_1250 = arith.constant 0 : index
    %swap3A_1251 = tpu.vector_load %arg22[%swap3A_1249, %swap3A_1250] {strides = array<i32>} : memref<40x128xf32, #tpu.memory_space<vmem>>, vector<1x16xf32>,
    %swap3A_1252 = vector.shape_cast %swap3A_1251 : vector<1x16xf32> to vector<16xf32>
    %swap3A_1253 = vector.shape_cast %broadcast_in_dim3A_0 : vector<16xf32> to vector<1x16xf32>
    tpu.vector_store %arg22[%swap3A_1249, %swap3A_1250], %swap3A_1253 {strides = array<i32>} : memref<40x128xf32, #tpu.memory_space<vmem>>, vector<1x16xf32>,
    %swap3A_1254 = arith.constant 26 : i32
    %swap3A_1255 = arith.index_cast %swap3A_1254 : i32 to index
    %swap3A_1256 = arith.constant 16 : index
    %swap3A_1257 = tpu.vector_load %arg22[%swap3A_1255, %swap3A_1256] {strides = array<i32>} : memref<40x128xf32, #tpu.memory_space<vmem>>, vector<1x16xf32>,
    %swap3A_1258 = vector.shape_cast %swap3A_1257 : vector<1x16xf32> to vector<16xf32>
    %swap3A_1259 = vector.shape_cast %broadcast_in_dim3A_0 : vector<16xf32> to vector<1x16xf32>
    tpu.vector_store %arg22[%swap3A_1255, %swap3A_1256], %swap3A_1259 {strides = array<i32>} : memref<40x128xf32, #tpu.memory_space<vmem>>, vector<1x16xf32>,
    %swap3A_1260 = arith.constant 26 : i32
    %swap3A_1261 = arith.index_cast %swap3A_1260 : i32 to index
    %swap3A_1262 = arith.constant 32 : index
    %swap3A_1263 = tpu.vector_load %arg22[%swap3A_1261, %swap3A_1262] {strides = array<i32>} : memref<40x128xf32, #tpu.memory_space<vmem>>, vector<1x16xf32>,
    %swap3A_1264 = vector.shape_cast %swap3A_1263 : vector<1x16xf32> to vector<16xf32>
    %swap3A_1265 = vector.shape_cast %broadcast_in_dim3A_0 : vector<16xf32> to vector<1x16xf32>
    tpu.vector_store %arg22[%swap3A_1261, %swap3A_1262], %swap3A_1265 {strides = array<i32>} : memref<40x128xf32, #tpu.memory_space<vmem>>, vector<1x16xf32>,
    %swap3A_1266 = arith.constant 26 : i32
    %swap3A_1267 = arith.index_cast %swap3A_1266 : i32 to index
    %swap3A_1268 = arith.constant 48 : index
    %swap3A_1269 = tpu.vector_load %arg22[%swap3A_1267, %swap3A_1268] {strides = array<i32>} : memref<40x128xf32, #tpu.memory_space<vmem>>, vector<1x16xf32>,
    %swap3A_1270 = vector.shape_cast %swap3A_1269 : vector<1x16xf32> to vector<16xf32>
    %swap3A_1271 = vector.shape_cast %broadcast_in_dim3A_0 : vector<16xf32> to vector<1x16xf32>
    tpu.vector_store %arg22[%swap3A_1267, %swap3A_1268], %swap3A_1271 {strides = array<i32>} : memref<40x128xf32, #tpu.memory_space<vmem>>, vector<1x16xf32>,
    %swap3A_1272 = arith.constant 26 : i32
    %swap3A_1273 = arith.index_cast %swap3A_1272 : i32 to index
    %swap3A_1274 = arith.constant 64 : index
    %swap3A_1275 = tpu.vector_load %arg22[%swap3A_1273, %swap3A_1274] {strides = array<i32>} : memref<40x128xf32, #tpu.memory_space<vmem>>, vector<1x16xf32>,
    %swap3A_1276 = vector.shape_cast %swap3A_1275 : vector<1x16xf32> to vector<16xf32>
    %swap3A_1277 = vector.shape_cast %broadcast_in_dim3A_0 : vector<16xf32> to vector<1x16xf32>
    tpu.vector_store %arg22[%swap3A_1273, %swap3A_1274], %swap3A_1277 {strides = array<i32>} : memref<40x128xf32, #tpu.memory_space<vmem>>, vector<1x16xf32>,
    %swap3A_1278 = arith.constant 26 : i32
    %swap3A_1279 = arith.index_cast %swap3A_1278 : i32 to index
    %swap3A_1280 = arith.constant 80 : index
    %swap3A_1281 = tpu.vector_load %arg22[%swap3A_1279, %swap3A_1280] {strides = array<i32>} : memref<40x128xf32, #tpu.memory_space<vmem>>, vector<1x16xf32>,
    %swap3A_1282 = vector.shape_cast %swap3A_1281 : vector<1x16xf32> to vector<16xf32>
    %swap3A_1283 = vector.shape_cast %broadcast_in_dim3A_0 : vector<16xf32> to vector<1x16xf32>
    tpu.vector_store %arg22[%swap3A_1279, %swap3A_1280], %swap3A_1283 {strides = array<i32>} : memref<40x128xf32, #tpu.memory_space<vmem>>, vector<1x16xf32>,
    %swap3A_1284 = arith.constant 26 : i32
    %swap3A_1285 = arith.index_cast %swap3A_1284 : i32 to index
    %swap3A_1286 = arith.constant 96 : index
    %swap3A_1287 = tpu.vector_load %arg22[%swap3A_1285, %swap3A_1286] {strides = array<i32>} : memref<40x128xf32, #tpu.memory_space<vmem>>, vector<1x16xf32>,
    %swap3A_1288 = vector.shape_cast %swap3A_1287 : vector<1x16xf32> to vector<16xf32>
    %swap3A_1289 = vector.shape_cast %broadcast_in_dim3A_0 : vector<16xf32> to vector<1x16xf32>
    tpu.vector_store %arg22[%swap3A_1285, %swap3A_1286], %swap3A_1289 {strides = array<i32>} : memref<40x128xf32, #tpu.memory_space<vmem>>, vector<1x16xf32>,
    %swap3A_1290 = arith.constant 26 : i32
    %swap3A_1291 = arith.index_cast %swap3A_1290 : i32 to index
    %swap3A_1292 = arith.constant 112 : index
    %swap3A_1293 = tpu.vector_load %arg22[%swap3A_1291, %swap3A_1292] {strides = array<i32>} : memref<40x128xf32, #tpu.memory_space<vmem>>, vector<1x16xf32>,
    %swap3A_1294 = vector.shape_cast %swap3A_1293 : vector<1x16xf32> to vector<16xf32>
    %swap3A_1295 = vector.shape_cast %broadcast_in_dim3A_0 : vector<16xf32> to vector<1x16xf32>
    tpu.vector_store %arg22[%swap3A_1291, %swap3A_1292], %swap3A_1295 {strides = array<i32>} : memref<40x128xf32, #tpu.memory_space<vmem>>, vector<1x16xf32>,
    %swap3A_1296 = arith.constant 27 : i32
    %swap3A_1297 = arith.index_cast %swap3A_1296 : i32 to index
    %swap3A_1298 = arith.constant 0 : index
    %swap3A_1299 = tpu.vector_load %arg22[%swap3A_1297, %swap3A_1298] {strides = array<i32>} : memref<40x128xf32, #tpu.memory_space<vmem>>, vector<1x16xf32>,
    %swap3A_1300 = vector.shape_cast %swap3A_1299 : vector<1x16xf32> to vector<16xf32>
    %swap3A_1301 = vector.shape_cast %broadcast_in_dim3A_0 : vector<16xf32> to vector<1x16xf32>
    tpu.vector_store %arg22[%swap3A_1297, %swap3A_1298], %swap3A_1301 {strides = array<i32>} : memref<40x128xf32, #tpu.memory_space<vmem>>, vector<1x16xf32>,
    %swap3A_1302 = arith.constant 27 : i32
    %swap3A_1303 = arith.index_cast %swap3A_1302 : i32 to index
    %swap3A_1304 = arith.constant 16 : index
    %swap3A_1305 = tpu.vector_load %arg22[%swap3A_1303, %swap3A_1304] {strides = array<i32>} : memref<40x128xf32, #tpu.memory_space<vmem>>, vector<1x16xf32>,
    %swap3A_1306 = vector.shape_cast %swap3A_1305 : vector<1x16xf32> to vector<16xf32>
    %swap3A_1307 = vector.shape_cast %broadcast_in_dim3A_0 : vector<16xf32> to vector<1x16xf32>
    tpu.vector_store %arg22[%swap3A_1303, %swap3A_1304], %swap3A_1307 {strides = array<i32>} : memref<40x128xf32, #tpu.memory_space<vmem>>, vector<1x16xf32>,
    %swap3A_1308 = arith.constant 27 : i32
    %swap3A_1309 = arith.index_cast %swap3A_1308 : i32 to index
    %swap3A_1310 = arith.constant 32 : index
    %swap3A_1311 = tpu.vector_load %arg22[%swap3A_1309, %swap3A_1310] {strides = array<i32>} : memref<40x128xf32, #tpu.memory_space<vmem>>, vector<1x16xf32>,
    %swap3A_1312 = vector.shape_cast %swap3A_1311 : vector<1x16xf32> to vector<16xf32>
    %swap3A_1313 = vector.shape_cast %broadcast_in_dim3A_0 : vector<16xf32> to vector<1x16xf32>
    tpu.vector_store %arg22[%swap3A_1309, %swap3A_1310], %swap3A_1313 {strides = array<i32>} : memref<40x128xf32, #tpu.memory_space<vmem>>, vector<1x16xf32>,
    %swap3A_1314 = arith.constant 27 : i32
    %swap3A_1315 = arith.index_cast %swap3A_1314 : i32 to index
    %swap3A_1316 = arith.constant 48 : index
    %swap3A_1317 = tpu.vector_load %arg22[%swap3A_1315, %swap3A_1316] {strides = array<i32>} : memref<40x128xf32, #tpu.memory_space<vmem>>, vector<1x16xf32>,
    %swap3A_1318 = vector.shape_cast %swap3A_1317 : vector<1x16xf32> to vector<16xf32>
    %swap3A_1319 = vector.shape_cast %broadcast_in_dim3A_0 : vector<16xf32> to vector<1x16xf32>
    tpu.vector_store %arg22[%swap3A_1315, %swap3A_1316], %swap3A_1319 {strides = array<i32>} : memref<40x128xf32, #tpu.memory_space<vmem>>, vector<1x16xf32>,
    %swap3A_1320 = arith.constant 27 : i32
    %swap3A_1321 = arith.index_cast %swap3A_1320 : i32 to index
    %swap3A_1322 = arith.constant 64 : index
    %swap3A_1323 = tpu.vector_load %arg22[%swap3A_1321, %swap3A_1322] {strides = array<i32>} : memref<40x128xf32, #tpu.memory_space<vmem>>, vector<1x16xf32>,
    %swap3A_1324 = vector.shape_cast %swap3A_1323 : vector<1x16xf32> to vector<16xf32>
    %swap3A_1325 = vector.shape_cast %broadcast_in_dim3A_0 : vector<16xf32> to vector<1x16xf32>
    tpu.vector_store %arg22[%swap3A_1321, %swap3A_1322], %swap3A_1325 {strides = array<i32>} : memref<40x128xf32, #tpu.memory_space<vmem>>, vector<1x16xf32>,
    %swap3A_1326 = arith.constant 27 : i32
    %swap3A_1327 = arith.index_cast %swap3A_1326 : i32 to index
    %swap3A_1328 = arith.constant 80 : index
    %swap3A_1329 = tpu.vector_load %arg22[%swap3A_1327, %swap3A_1328] {strides = array<i32>} : memref<40x128xf32, #tpu.memory_space<vmem>>, vector<1x16xf32>,
    %swap3A_1330 = vector.shape_cast %swap3A_1329 : vector<1x16xf32> to vector<16xf32>
    %swap3A_1331 = vector.shape_cast %broadcast_in_dim3A_0 : vector<16xf32> to vector<1x16xf32>
    tpu.vector_store %arg22[%swap3A_1327, %swap3A_1328], %swap3A_1331 {strides = array<i32>} : memref<40x128xf32, #tpu.memory_space<vmem>>, vector<1x16xf32>,
    %swap3A_1332 = arith.constant 27 : i32
    %swap3A_1333 = arith.index_cast %swap3A_1332 : i32 to index
    %swap3A_1334 = arith.constant 96 : index
    %swap3A_1335 = tpu.vector_load %arg22[%swap3A_1333, %swap3A_1334] {strides = array<i32>} : memref<40x128xf32, #tpu.memory_space<vmem>>, vector<1x16xf32>,
    %swap3A_1336 = vector.shape_cast %swap3A_1335 : vector<1x16xf32> to vector<16xf32>
    %swap3A_1337 = vector.shape_cast %broadcast_in_dim3A_0 : vector<16xf32> to vector<1x16xf32>
    tpu.vector_store %arg22[%swap3A_1333, %swap3A_1334], %swap3A_1337 {strides = array<i32>} : memref<40x128xf32, #tpu.memory_space<vmem>>, vector<1x16xf32>,
    %swap3A_1338 = arith.constant 27 : i32
    %swap3A_1339 = arith.index_cast %swap3A_1338 : i32 to index
    %swap3A_1340 = arith.constant 112 : index
    %swap3A_1341 = tpu.vector_load %arg22[%swap3A_1339, %swap3A_1340] {strides = array<i32>} : memref<40x128xf32, #tpu.memory_space<vmem>>, vector<1x16xf32>,
    %swap3A_1342 = vector.shape_cast %swap3A_1341 : vector<1x16xf32> to vector<16xf32>
    %swap3A_1343 = vector.shape_cast %broadcast_in_dim3A_0 : vector<16xf32> to vector<1x16xf32>
    tpu.vector_store %arg22[%swap3A_1339, %swap3A_1340], %swap3A_1343 {strides = array<i32>} : memref<40x128xf32, #tpu.memory_space<vmem>>, vector<1x16xf32>,
    %swap3A_1344 = arith.constant 28 : i32
    %swap3A_1345 = arith.index_cast %swap3A_1344 : i32 to index
    %swap3A_1346 = arith.constant 0 : index
    %swap3A_1347 = tpu.vector_load %arg22[%swap3A_1345, %swap3A_1346] {strides = array<i32>} : memref<40x128xf32, #tpu.memory_space<vmem>>, vector<1x16xf32>,
    %swap3A_1348 = vector.shape_cast %swap3A_1347 : vector<1x16xf32> to vector<16xf32>
    %swap3A_1349 = vector.shape_cast %broadcast_in_dim3A_0 : vector<16xf32> to vector<1x16xf32>
    tpu.vector_store %arg22[%swap3A_1345, %swap3A_1346], %swap3A_1349 {strides = array<i32>} : memref<40x128xf32, #tpu.memory_space<vmem>>, vector<1x16xf32>,
    %swap3A_1350 = arith.constant 28 : i32
    %swap3A_1351 = arith.index_cast %swap3A_1350 : i32 to index
    %swap3A_1352 = arith.constant 16 : index
    %swap3A_1353 = tpu.vector_load %arg22[%swap3A_1351, %swap3A_1352] {strides = array<i32>} : memref<40x128xf32, #tpu.memory_space<vmem>>, vector<1x16xf32>,
    %swap3A_1354 = vector.shape_cast %swap3A_1353 : vector<1x16xf32> to vector<16xf32>
    %swap3A_1355 = vector.shape_cast %broadcast_in_dim3A_0 : vector<16xf32> to vector<1x16xf32>
    tpu.vector_store %arg22[%swap3A_1351, %swap3A_1352], %swap3A_1355 {strides = array<i32>} : memref<40x128xf32, #tpu.memory_space<vmem>>, vector<1x16xf32>,
    %swap3A_1356 = arith.constant 28 : i32
    %swap3A_1357 = arith.index_cast %swap3A_1356 : i32 to index
    %swap3A_1358 = arith.constant 32 : index
    %swap3A_1359 = tpu.vector_load %arg22[%swap3A_1357, %swap3A_1358] {strides = array<i32>} : memref<40x128xf32, #tpu.memory_space<vmem>>, vector<1x16xf32>,
    %swap3A_1360 = vector.shape_cast %swap3A_1359 : vector<1x16xf32> to vector<16xf32>
    %swap3A_1361 = vector.shape_cast %broadcast_in_dim3A_0 : vector<16xf32> to vector<1x16xf32>
    tpu.vector_store %arg22[%swap3A_1357, %swap3A_1358], %swap3A_1361 {strides = array<i32>} : memref<40x128xf32, #tpu.memory_space<vmem>>, vector<1x16xf32>,
    %swap3A_1362 = arith.constant 28 : i32
    %swap3A_1363 = arith.index_cast %swap3A_1362 : i32 to index
    %swap3A_1364 = arith.constant 48 : index
    %swap3A_1365 = tpu.vector_load %arg22[%swap3A_1363, %swap3A_1364] {strides = array<i32>} : memref<40x128xf32, #tpu.memory_space<vmem>>, vector<1x16xf32>,
    %swap3A_1366 = vector.shape_cast %swap3A_1365 : vector<1x16xf32> to vector<16xf32>
    %swap3A_1367 = vector.shape_cast %broadcast_in_dim3A_0 : vector<16xf32> to vector<1x16xf32>
    tpu.vector_store %arg22[%swap3A_1363, %swap3A_1364], %swap3A_1367 {strides = array<i32>} : memref<40x128xf32, #tpu.memory_space<vmem>>, vector<1x16xf32>,
    %swap3A_1368 = arith.constant 28 : i32
    %swap3A_1369 = arith.index_cast %swap3A_1368 : i32 to index
    %swap3A_1370 = arith.constant 64 : index
    %swap3A_1371 = tpu.vector_load %arg22[%swap3A_1369, %swap3A_1370] {strides = array<i32>} : memref<40x128xf32, #tpu.memory_space<vmem>>, vector<1x16xf32>,
    %swap3A_1372 = vector.shape_cast %swap3A_1371 : vector<1x16xf32> to vector<16xf32>
    %swap3A_1373 = vector.shape_cast %broadcast_in_dim3A_0 : vector<16xf32> to vector<1x16xf32>
    tpu.vector_store %arg22[%swap3A_1369, %swap3A_1370], %swap3A_1373 {strides = array<i32>} : memref<40x128xf32, #tpu.memory_space<vmem>>, vector<1x16xf32>,
    %swap3A_1374 = arith.constant 28 : i32
    %swap3A_1375 = arith.index_cast %swap3A_1374 : i32 to index
    %swap3A_1376 = arith.constant 80 : index
    %swap3A_1377 = tpu.vector_load %arg22[%swap3A_1375, %swap3A_1376] {strides = array<i32>} : memref<40x128xf32, #tpu.memory_space<vmem>>, vector<1x16xf32>,
    %swap3A_1378 = vector.shape_cast %swap3A_1377 : vector<1x16xf32> to vector<16xf32>
    %swap3A_1379 = vector.shape_cast %broadcast_in_dim3A_0 : vector<16xf32> to vector<1x16xf32>
    tpu.vector_store %arg22[%swap3A_1375, %swap3A_1376], %swap3A_1379 {strides = array<i32>} : memref<40x128xf32, #tpu.memory_space<vmem>>, vector<1x16xf32>,
    %swap3A_1380 = arith.constant 28 : i32
    %swap3A_1381 = arith.index_cast %swap3A_1380 : i32 to index
    %swap3A_1382 = arith.constant 96 : index
    %swap3A_1383 = tpu.vector_load %arg22[%swap3A_1381, %swap3A_1382] {strides = array<i32>} : memref<40x128xf32, #tpu.memory_space<vmem>>, vector<1x16xf32>,
    %swap3A_1384 = vector.shape_cast %swap3A_1383 : vector<1x16xf32> to vector<16xf32>
    %swap3A_1385 = vector.shape_cast %broadcast_in_dim3A_0 : vector<16xf32> to vector<1x16xf32>
    tpu.vector_store %arg22[%swap3A_1381, %swap3A_1382], %swap3A_1385 {strides = array<i32>} : memref<40x128xf32, #tpu.memory_space<vmem>>, vector<1x16xf32>,
    %swap3A_1386 = arith.constant 28 : i32
    %swap3A_1387 = arith.index_cast %swap3A_1386 : i32 to index
    %swap3A_1388 = arith.constant 112 : index
    %swap3A_1389 = tpu.vector_load %arg22[%swap3A_1387, %swap3A_1388] {strides = array<i32>} : memref<40x128xf32, #tpu.memory_space<vmem>>, vector<1x16xf32>,
    %swap3A_1390 = vector.shape_cast %swap3A_1389 : vector<1x16xf32> to vector<16xf32>
    %swap3A_1391 = vector.shape_cast %broadcast_in_dim3A_0 : vector<16xf32> to vector<1x16xf32>
    tpu.vector_store %arg22[%swap3A_1387, %swap3A_1388], %swap3A_1391 {strides = array<i32>} : memref<40x128xf32, #tpu.memory_space<vmem>>, vector<1x16xf32>,
    %swap3A_1392 = arith.constant 29 : i32
    %swap3A_1393 = arith.index_cast %swap3A_1392 : i32 to index
    %swap3A_1394 = arith.constant 0 : index
    %swap3A_1395 = tpu.vector_load %arg22[%swap3A_1393, %swap3A_1394] {strides = array<i32>} : memref<40x128xf32, #tpu.memory_space<vmem>>, vector<1x16xf32>,
    %swap3A_1396 = vector.shape_cast %swap3A_1395 : vector<1x16xf32> to vector<16xf32>
    %swap3A_1397 = vector.shape_cast %broadcast_in_dim3A_0 : vector<16xf32> to vector<1x16xf32>
    tpu.vector_store %arg22[%swap3A_1393, %swap3A_1394], %swap3A_1397 {strides = array<i32>} : memref<40x128xf32, #tpu.memory_space<vmem>>, vector<1x16xf32>,
    %swap3A_1398 = arith.constant 29 : i32
    %swap3A_1399 = arith.index_cast %swap3A_1398 : i32 to index
    %swap3A_1400 = arith.constant 16 : index
    %swap3A_1401 = tpu.vector_load %arg22[%swap3A_1399, %swap3A_1400] {strides = array<i32>} : memref<40x128xf32, #tpu.memory_space<vmem>>, vector<1x16xf32>,
    %swap3A_1402 = vector.shape_cast %swap3A_1401 : vector<1x16xf32> to vector<16xf32>
    %swap3A_1403 = vector.shape_cast %broadcast_in_dim3A_0 : vector<16xf32> to vector<1x16xf32>
    tpu.vector_store %arg22[%swap3A_1399, %swap3A_1400], %swap3A_1403 {strides = array<i32>} : memref<40x128xf32, #tpu.memory_space<vmem>>, vector<1x16xf32>,
    %swap3A_1404 = arith.constant 29 : i32
    %swap3A_1405 = arith.index_cast %swap3A_1404 : i32 to index
    %swap3A_1406 = arith.constant 32 : index
    %swap3A_1407 = tpu.vector_load %arg22[%swap3A_1405, %swap3A_1406] {strides = array<i32>} : memref<40x128xf32, #tpu.memory_space<vmem>>, vector<1x16xf32>,
    %swap3A_1408 = vector.shape_cast %swap3A_1407 : vector<1x16xf32> to vector<16xf32>
    %swap3A_1409 = vector.shape_cast %broadcast_in_dim3A_0 : vector<16xf32> to vector<1x16xf32>
    tpu.vector_store %arg22[%swap3A_1405, %swap3A_1406], %swap3A_1409 {strides = array<i32>} : memref<40x128xf32, #tpu.memory_space<vmem>>, vector<1x16xf32>,
    %swap3A_1410 = arith.constant 29 : i32
    %swap3A_1411 = arith.index_cast %swap3A_1410 : i32 to index
    %swap3A_1412 = arith.constant 48 : index
    %swap3A_1413 = tpu.vector_load %arg22[%swap3A_1411, %swap3A_1412] {strides = array<i32>} : memref<40x128xf32, #tpu.memory_space<vmem>>, vector<1x16xf32>,
    %swap3A_1414 = vector.shape_cast %swap3A_1413 : vector<1x16xf32> to vector<16xf32>
    %swap3A_1415 = vector.shape_cast %broadcast_in_dim3A_0 : vector<16xf32> to vector<1x16xf32>
    tpu.vector_store %arg22[%swap3A_1411, %swap3A_1412], %swap3A_1415 {strides = array<i32>} : memref<40x128xf32, #tpu.memory_space<vmem>>, vector<1x16xf32>,
    %swap3A_1416 = arith.constant 29 : i32
    %swap3A_1417 = arith.index_cast %swap3A_1416 : i32 to index
    %swap3A_1418 = arith.constant 64 : index
    %swap3A_1419 = tpu.vector_load %arg22[%swap3A_1417, %swap3A_1418] {strides = array<i32>} : memref<40x128xf32, #tpu.memory_space<vmem>>, vector<1x16xf32>,
    %swap3A_1420 = vector.shape_cast %swap3A_1419 : vector<1x16xf32> to vector<16xf32>
    %swap3A_1421 = vector.shape_cast %broadcast_in_dim3A_0 : vector<16xf32> to vector<1x16xf32>
    tpu.vector_store %arg22[%swap3A_1417, %swap3A_1418], %swap3A_1421 {strides = array<i32>} : memref<40x128xf32, #tpu.memory_space<vmem>>, vector<1x16xf32>,
    %swap3A_1422 = arith.constant 29 : i32
    %swap3A_1423 = arith.index_cast %swap3A_1422 : i32 to index
    %swap3A_1424 = arith.constant 80 : index
    %swap3A_1425 = tpu.vector_load %arg22[%swap3A_1423, %swap3A_1424] {strides = array<i32>} : memref<40x128xf32, #tpu.memory_space<vmem>>, vector<1x16xf32>,
    %swap3A_1426 = vector.shape_cast %swap3A_1425 : vector<1x16xf32> to vector<16xf32>
    %swap3A_1427 = vector.shape_cast %broadcast_in_dim3A_0 : vector<16xf32> to vector<1x16xf32>
    tpu.vector_store %arg22[%swap3A_1423, %swap3A_1424], %swap3A_1427 {strides = array<i32>} : memref<40x128xf32, #tpu.memory_space<vmem>>, vector<1x16xf32>,
    %swap3A_1428 = arith.constant 29 : i32
    %swap3A_1429 = arith.index_cast %swap3A_1428 : i32 to index
    %swap3A_1430 = arith.constant 96 : index
    %swap3A_1431 = tpu.vector_load %arg22[%swap3A_1429, %swap3A_1430] {strides = array<i32>} : memref<40x128xf32, #tpu.memory_space<vmem>>, vector<1x16xf32>,
    %swap3A_1432 = vector.shape_cast %swap3A_1431 : vector<1x16xf32> to vector<16xf32>
    %swap3A_1433 = vector.shape_cast %broadcast_in_dim3A_0 : vector<16xf32> to vector<1x16xf32>
    tpu.vector_store %arg22[%swap3A_1429, %swap3A_1430], %swap3A_1433 {strides = array<i32>} : memref<40x128xf32, #tpu.memory_space<vmem>>, vector<1x16xf32>,
    %swap3A_1434 = arith.constant 29 : i32
    %swap3A_1435 = arith.index_cast %swap3A_1434 : i32 to index
    %swap3A_1436 = arith.constant 112 : index
    %swap3A_1437 = tpu.vector_load %arg22[%swap3A_1435, %swap3A_1436] {strides = array<i32>} : memref<40x128xf32, #tpu.memory_space<vmem>>, vector<1x16xf32>,
    %swap3A_1438 = vector.shape_cast %swap3A_1437 : vector<1x16xf32> to vector<16xf32>
    %swap3A_1439 = vector.shape_cast %broadcast_in_dim3A_0 : vector<16xf32> to vector<1x16xf32>
    tpu.vector_store %arg22[%swap3A_1435, %swap3A_1436], %swap3A_1439 {strides = array<i32>} : memref<40x128xf32, #tpu.memory_space<vmem>>, vector<1x16xf32>,
    %swap3A_1440 = arith.constant 30 : i32
    %swap3A_1441 = arith.index_cast %swap3A_1440 : i32 to index
    %swap3A_1442 = arith.constant 0 : index
    %swap3A_1443 = tpu.vector_load %arg22[%swap3A_1441, %swap3A_1442] {strides = array<i32>} : memref<40x128xf32, #tpu.memory_space<vmem>>, vector<1x16xf32>,
    %swap3A_1444 = vector.shape_cast %swap3A_1443 : vector<1x16xf32> to vector<16xf32>
    %swap3A_1445 = vector.shape_cast %broadcast_in_dim3A_0 : vector<16xf32> to vector<1x16xf32>
    tpu.vector_store %arg22[%swap3A_1441, %swap3A_1442], %swap3A_1445 {strides = array<i32>} : memref<40x128xf32, #tpu.memory_space<vmem>>, vector<1x16xf32>,
    %swap3A_1446 = arith.constant 30 : i32
    %swap3A_1447 = arith.index_cast %swap3A_1446 : i32 to index
    %swap3A_1448 = arith.constant 16 : index
    %swap3A_1449 = tpu.vector_load %arg22[%swap3A_1447, %swap3A_1448] {strides = array<i32>} : memref<40x128xf32, #tpu.memory_space<vmem>>, vector<1x16xf32>,
    %swap3A_1450 = vector.shape_cast %swap3A_1449 : vector<1x16xf32> to vector<16xf32>
    %swap3A_1451 = vector.shape_cast %broadcast_in_dim3A_0 : vector<16xf32> to vector<1x16xf32>
    tpu.vector_store %arg22[%swap3A_1447, %swap3A_1448], %swap3A_1451 {strides = array<i32>} : memref<40x128xf32, #tpu.memory_space<vmem>>, vector<1x16xf32>,
    %swap3A_1452 = arith.constant 30 : i32
    %swap3A_1453 = arith.index_cast %swap3A_1452 : i32 to index
    %swap3A_1454 = arith.constant 32 : index
    %swap3A_1455 = tpu.vector_load %arg22[%swap3A_1453, %swap3A_1454] {strides = array<i32>} : memref<40x128xf32, #tpu.memory_space<vmem>>, vector<1x16xf32>,
    %swap3A_1456 = vector.shape_cast %swap3A_1455 : vector<1x16xf32> to vector<16xf32>
    %swap3A_1457 = vector.shape_cast %broadcast_in_dim3A_0 : vector<16xf32> to vector<1x16xf32>
    tpu.vector_store %arg22[%swap3A_1453, %swap3A_1454], %swap3A_1457 {strides = array<i32>} : memref<40x128xf32, #tpu.memory_space<vmem>>, vector<1x16xf32>,
    %swap3A_1458 = arith.constant 30 : i32
    %swap3A_1459 = arith.index_cast %swap3A_1458 : i32 to index
    %swap3A_1460 = arith.constant 48 : index
    %swap3A_1461 = tpu.vector_load %arg22[%swap3A_1459, %swap3A_1460] {strides = array<i32>} : memref<40x128xf32, #tpu.memory_space<vmem>>, vector<1x16xf32>,
    %swap3A_1462 = vector.shape_cast %swap3A_1461 : vector<1x16xf32> to vector<16xf32>
    %swap3A_1463 = vector.shape_cast %broadcast_in_dim3A_0 : vector<16xf32> to vector<1x16xf32>
    tpu.vector_store %arg22[%swap3A_1459, %swap3A_1460], %swap3A_1463 {strides = array<i32>} : memref<40x128xf32, #tpu.memory_space<vmem>>, vector<1x16xf32>,
    %swap3A_1464 = arith.constant 30 : i32
    %swap3A_1465 = arith.index_cast %swap3A_1464 : i32 to index
    %swap3A_1466 = arith.constant 64 : index
    %swap3A_1467 = tpu.vector_load %arg22[%swap3A_1465, %swap3A_1466] {strides = array<i32>} : memref<40x128xf32, #tpu.memory_space<vmem>>, vector<1x16xf32>,
    %swap3A_1468 = vector.shape_cast %swap3A_1467 : vector<1x16xf32> to vector<16xf32>
    %swap3A_1469 = vector.shape_cast %broadcast_in_dim3A_0 : vector<16xf32> to vector<1x16xf32>
    tpu.vector_store %arg22[%swap3A_1465, %swap3A_1466], %swap3A_1469 {strides = array<i32>} : memref<40x128xf32, #tpu.memory_space<vmem>>, vector<1x16xf32>,
    %swap3A_1470 = arith.constant 30 : i32
    %swap3A_1471 = arith.index_cast %swap3A_1470 : i32 to index
    %swap3A_1472 = arith.constant 80 : index
    %swap3A_1473 = tpu.vector_load %arg22[%swap3A_1471, %swap3A_1472] {strides = array<i32>} : memref<40x128xf32, #tpu.memory_space<vmem>>, vector<1x16xf32>,
    %swap3A_1474 = vector.shape_cast %swap3A_1473 : vector<1x16xf32> to vector<16xf32>
    %swap3A_1475 = vector.shape_cast %broadcast_in_dim3A_0 : vector<16xf32> to vector<1x16xf32>
    tpu.vector_store %arg22[%swap3A_1471, %swap3A_1472], %swap3A_1475 {strides = array<i32>} : memref<40x128xf32, #tpu.memory_space<vmem>>, vector<1x16xf32>,
    %swap3A_1476 = arith.constant 30 : i32
    %swap3A_1477 = arith.index_cast %swap3A_1476 : i32 to index
    %swap3A_1478 = arith.constant 96 : index
    %swap3A_1479 = tpu.vector_load %arg22[%swap3A_1477, %swap3A_1478] {strides = array<i32>} : memref<40x128xf32, #tpu.memory_space<vmem>>, vector<1x16xf32>,
    %swap3A_1480 = vector.shape_cast %swap3A_1479 : vector<1x16xf32> to vector<16xf32>
    %swap3A_1481 = vector.shape_cast %broadcast_in_dim3A_0 : vector<16xf32> to vector<1x16xf32>
    tpu.vector_store %arg22[%swap3A_1477, %swap3A_1478], %swap3A_1481 {strides = array<i32>} : memref<40x128xf32, #tpu.memory_space<vmem>>, vector<1x16xf32>,
    %swap3A_1482 = arith.constant 30 : i32
    %swap3A_1483 = arith.index_cast %swap3A_1482 : i32 to index
    %swap3A_1484 = arith.constant 112 : index
    %swap3A_1485 = tpu.vector_load %arg22[%swap3A_1483, %swap3A_1484] {strides = array<i32>} : memref<40x128xf32, #tpu.memory_space<vmem>>, vector<1x16xf32>,
    %swap3A_1486 = vector.shape_cast %swap3A_1485 : vector<1x16xf32> to vector<16xf32>
    %swap3A_1487 = vector.shape_cast %broadcast_in_dim3A_0 : vector<16xf32> to vector<1x16xf32>
    tpu.vector_store %arg22[%swap3A_1483, %swap3A_1484], %swap3A_1487 {strides = array<i32>} : memref<40x128xf32, #tpu.memory_space<vmem>>, vector<1x16xf32>,
    %swap3A_1488 = arith.constant 31 : i32
    %swap3A_1489 = arith.index_cast %swap3A_1488 : i32 to index
    %swap3A_1490 = arith.constant 0 : index
    %swap3A_1491 = tpu.vector_load %arg22[%swap3A_1489, %swap3A_1490] {strides = array<i32>} : memref<40x128xf32, #tpu.memory_space<vmem>>, vector<1x16xf32>,
    %swap3A_1492 = vector.shape_cast %swap3A_1491 : vector<1x16xf32> to vector<16xf32>
    %swap3A_1493 = vector.shape_cast %broadcast_in_dim3A_0 : vector<16xf32> to vector<1x16xf32>
    tpu.vector_store %arg22[%swap3A_1489, %swap3A_1490], %swap3A_1493 {strides = array<i32>} : memref<40x128xf32, #tpu.memory_space<vmem>>, vector<1x16xf32>,
    %swap3A_1494 = arith.constant 31 : i32
    %swap3A_1495 = arith.index_cast %swap3A_1494 : i32 to index
    %swap3A_1496 = arith.constant 16 : index
    %swap3A_1497 = tpu.vector_load %arg22[%swap3A_1495, %swap3A_1496] {strides = array<i32>} : memref<40x128xf32, #tpu.memory_space<vmem>>, vector<1x16xf32>,
    %swap3A_1498 = vector.shape_cast %swap3A_1497 : vector<1x16xf32> to vector<16xf32>
    %swap3A_1499 = vector.shape_cast %broadcast_in_dim3A_0 : vector<16xf32> to vector<1x16xf32>
    tpu.vector_store %arg22[%swap3A_1495, %swap3A_1496], %swap3A_1499 {strides = array<i32>} : memref<40x128xf32, #tpu.memory_space<vmem>>, vector<1x16xf32>,
    %swap3A_1500 = arith.constant 31 : i32
    %swap3A_1501 = arith.index_cast %swap3A_1500 : i32 to index
    %swap3A_1502 = arith.constant 32 : index
    %swap3A_1503 = tpu.vector_load %arg22[%swap3A_1501, %swap3A_1502] {strides = array<i32>} : memref<40x128xf32, #tpu.memory_space<vmem>>, vector<1x16xf32>,
    %swap3A_1504 = vector.shape_cast %swap3A_1503 : vector<1x16xf32> to vector<16xf32>
    %swap3A_1505 = vector.shape_cast %broadcast_in_dim3A_0 : vector<16xf32> to vector<1x16xf32>
    tpu.vector_store %arg22[%swap3A_1501, %swap3A_1502], %swap3A_1505 {strides = array<i32>} : memref<40x128xf32, #tpu.memory_space<vmem>>, vector<1x16xf32>,
    %swap3A_1506 = arith.constant 31 : i32
    %swap3A_1507 = arith.index_cast %swap3A_1506 : i32 to index
    %swap3A_1508 = arith.constant 48 : index
    %swap3A_1509 = tpu.vector_load %arg22[%swap3A_1507, %swap3A_1508] {strides = array<i32>} : memref<40x128xf32, #tpu.memory_space<vmem>>, vector<1x16xf32>,
    %swap3A_1510 = vector.shape_cast %swap3A_1509 : vector<1x16xf32> to vector<16xf32>
    %swap3A_1511 = vector.shape_cast %broadcast_in_dim3A_0 : vector<16xf32> to vector<1x16xf32>
    tpu.vector_store %arg22[%swap3A_1507, %swap3A_1508], %swap3A_1511 {strides = array<i32>} : memref<40x128xf32, #tpu.memory_space<vmem>>, vector<1x16xf32>,
    %swap3A_1512 = arith.constant 31 : i32
    %swap3A_1513 = arith.index_cast %swap3A_1512 : i32 to index
    %swap3A_1514 = arith.constant 64 : index
    %swap3A_1515 = tpu.vector_load %arg22[%swap3A_1513, %swap3A_1514] {strides = array<i32>} : memref<40x128xf32, #tpu.memory_space<vmem>>, vector<1x16xf32>,
    %swap3A_1516 = vector.shape_cast %swap3A_1515 : vector<1x16xf32> to vector<16xf32>
    %swap3A_1517 = vector.shape_cast %broadcast_in_dim3A_0 : vector<16xf32> to vector<1x16xf32>
    tpu.vector_store %arg22[%swap3A_1513, %swap3A_1514], %swap3A_1517 {strides = array<i32>} : memref<40x128xf32, #tpu.memory_space<vmem>>, vector<1x16xf32>,
    %swap3A_1518 = arith.constant 31 : i32
    %swap3A_1519 = arith.index_cast %swap3A_1518 : i32 to index
    %swap3A_1520 = arith.constant 80 : index
    %swap3A_1521 = tpu.vector_load %arg22[%swap3A_1519, %swap3A_1520] {strides = array<i32>} : memref<40x128xf32, #tpu.memory_space<vmem>>, vector<1x16xf32>,
    %swap3A_1522 = vector.shape_cast %swap3A_1521 : vector<1x16xf32> to vector<16xf32>
    %swap3A_1523 = vector.shape_cast %broadcast_in_dim3A_0 : vector<16xf32> to vector<1x16xf32>
    tpu.vector_store %arg22[%swap3A_1519, %swap3A_1520], %swap3A_1523 {strides = array<i32>} : memref<40x128xf32, #tpu.memory_space<vmem>>, vector<1x16xf32>,
    %swap3A_1524 = arith.constant 31 : i32
    %swap3A_1525 = arith.index_cast %swap3A_1524 : i32 to index
    %swap3A_1526 = arith.constant 96 : index
    %swap3A_1527 = tpu.vector_load %arg22[%swap3A_1525, %swap3A_1526] {strides = array<i32>} : memref<40x128xf32, #tpu.memory_space<vmem>>, vector<1x16xf32>,
    %swap3A_1528 = vector.shape_cast %swap3A_1527 : vector<1x16xf32> to vector<16xf32>
    %swap3A_1529 = vector.shape_cast %broadcast_in_dim3A_0 : vector<16xf32> to vector<1x16xf32>
    tpu.vector_store %arg22[%swap3A_1525, %swap3A_1526], %swap3A_1529 {strides = array<i32>} : memref<40x128xf32, #tpu.memory_space<vmem>>, vector<1x16xf32>,
    %swap3A_1530 = arith.constant 31 : i32
    %swap3A_1531 = arith.index_cast %swap3A_1530 : i32 to index
    %swap3A_1532 = arith.constant 112 : index
    %swap3A_1533 = tpu.vector_load %arg22[%swap3A_1531, %swap3A_1532] {strides = array<i32>} : memref<40x128xf32, #tpu.memory_space<vmem>>, vector<1x16xf32>,
    %swap3A_1534 = vector.shape_cast %swap3A_1533 : vector<1x16xf32> to vector<16xf32>
    %swap3A_1535 = vector.shape_cast %broadcast_in_dim3A_0 : vector<16xf32> to vector<1x16xf32>
    tpu.vector_store %arg22[%swap3A_1531, %swap3A_1532], %swap3A_1535 {strides = array<i32>} : memref<40x128xf32, #tpu.memory_space<vmem>>, vector<1x16xf32>,
    %swap3A_1536 = arith.constant 32 : i32
    %swap3A_1537 = arith.index_cast %swap3A_1536 : i32 to index
    %swap3A_1538 = arith.constant 0 : index
    %swap3A_1539 = tpu.vector_load %arg22[%swap3A_1537, %swap3A_1538] {strides = array<i32>} : memref<40x128xf32, #tpu.memory_space<vmem>>, vector<1x16xf32>,
    %swap3A_1540 = vector.shape_cast %swap3A_1539 : vector<1x16xf32> to vector<16xf32>
    %swap3A_1541 = vector.shape_cast %broadcast_in_dim3A_0 : vector<16xf32> to vector<1x16xf32>
    tpu.vector_store %arg22[%swap3A_1537, %swap3A_1538], %swap3A_1541 {strides = array<i32>} : memref<40x128xf32, #tpu.memory_space<vmem>>, vector<1x16xf32>,
    %swap3A_1542 = arith.constant 32 : i32
    %swap3A_1543 = arith.index_cast %swap3A_1542 : i32 to index
    %swap3A_1544 = arith.constant 16 : index
    %swap3A_1545 = tpu.vector_load %arg22[%swap3A_1543, %swap3A_1544] {strides = array<i32>} : memref<40x128xf32, #tpu.memory_space<vmem>>, vector<1x16xf32>,
    %swap3A_1546 = vector.shape_cast %swap3A_1545 : vector<1x16xf32> to vector<16xf32>
    %swap3A_1547 = vector.shape_cast %broadcast_in_dim3A_0 : vector<16xf32> to vector<1x16xf32>
    tpu.vector_store %arg22[%swap3A_1543, %swap3A_1544], %swap3A_1547 {strides = array<i32>} : memref<40x128xf32, #tpu.memory_space<vmem>>, vector<1x16xf32>,
    %swap3A_1548 = arith.constant 32 : i32
    %swap3A_1549 = arith.index_cast %swap3A_1548 : i32 to index
    %swap3A_1550 = arith.constant 32 : index
    %swap3A_1551 = tpu.vector_load %arg22[%swap3A_1549, %swap3A_1550] {strides = array<i32>} : memref<40x128xf32, #tpu.memory_space<vmem>>, vector<1x16xf32>,
    %swap3A_1552 = vector.shape_cast %swap3A_1551 : vector<1x16xf32> to vector<16xf32>
    %swap3A_1553 = vector.shape_cast %broadcast_in_dim3A_0 : vector<16xf32> to vector<1x16xf32>
    tpu.vector_store %arg22[%swap3A_1549, %swap3A_1550], %swap3A_1553 {strides = array<i32>} : memref<40x128xf32, #tpu.memory_space<vmem>>, vector<1x16xf32>,
    %swap3A_1554 = arith.constant 32 : i32
    %swap3A_1555 = arith.index_cast %swap3A_1554 : i32 to index
    %swap3A_1556 = arith.constant 48 : index
    %swap3A_1557 = tpu.vector_load %arg22[%swap3A_1555, %swap3A_1556] {strides = array<i32>} : memref<40x128xf32, #tpu.memory_space<vmem>>, vector<1x16xf32>,
    %swap3A_1558 = vector.shape_cast %swap3A_1557 : vector<1x16xf32> to vector<16xf32>
    %swap3A_1559 = vector.shape_cast %broadcast_in_dim3A_0 : vector<16xf32> to vector<1x16xf32>
    tpu.vector_store %arg22[%swap3A_1555, %swap3A_1556], %swap3A_1559 {strides = array<i32>} : memref<40x128xf32, #tpu.memory_space<vmem>>, vector<1x16xf32>,
    %swap3A_1560 = arith.constant 32 : i32
    %swap3A_1561 = arith.index_cast %swap3A_1560 : i32 to index
    %swap3A_1562 = arith.constant 64 : index
    %swap3A_1563 = tpu.vector_load %arg22[%swap3A_1561, %swap3A_1562] {strides = array<i32>} : memref<40x128xf32, #tpu.memory_space<vmem>>, vector<1x16xf32>,
    %swap3A_1564 = vector.shape_cast %swap3A_1563 : vector<1x16xf32> to vector<16xf32>
    %swap3A_1565 = vector.shape_cast %broadcast_in_dim3A_0 : vector<16xf32> to vector<1x16xf32>
    tpu.vector_store %arg22[%swap3A_1561, %swap3A_1562], %swap3A_1565 {strides = array<i32>} : memref<40x128xf32, #tpu.memory_space<vmem>>, vector<1x16xf32>,
    %swap3A_1566 = arith.constant 32 : i32
    %swap3A_1567 = arith.index_cast %swap3A_1566 : i32 to index
    %swap3A_1568 = arith.constant 80 : index
    %swap3A_1569 = tpu.vector_load %arg22[%swap3A_1567, %swap3A_1568] {strides = array<i32>} : memref<40x128xf32, #tpu.memory_space<vmem>>, vector<1x16xf32>,
    %swap3A_1570 = vector.shape_cast %swap3A_1569 : vector<1x16xf32> to vector<16xf32>
    %swap3A_1571 = vector.shape_cast %broadcast_in_dim3A_0 : vector<16xf32> to vector<1x16xf32>
    tpu.vector_store %arg22[%swap3A_1567, %swap3A_1568], %swap3A_1571 {strides = array<i32>} : memref<40x128xf32, #tpu.memory_space<vmem>>, vector<1x16xf32>,
    %swap3A_1572 = arith.constant 32 : i32
    %swap3A_1573 = arith.index_cast %swap3A_1572 : i32 to index
    %swap3A_1574 = arith.constant 96 : index
    %swap3A_1575 = tpu.vector_load %arg22[%swap3A_1573, %swap3A_1574] {strides = array<i32>} : memref<40x128xf32, #tpu.memory_space<vmem>>, vector<1x16xf32>,
    %swap3A_1576 = vector.shape_cast %swap3A_1575 : vector<1x16xf32> to vector<16xf32>
    %swap3A_1577 = vector.shape_cast %broadcast_in_dim3A_0 : vector<16xf32> to vector<1x16xf32>
    tpu.vector_store %arg22[%swap3A_1573, %swap3A_1574], %swap3A_1577 {strides = array<i32>} : memref<40x128xf32, #tpu.memory_space<vmem>>, vector<1x16xf32>,
    %swap3A_1578 = arith.constant 32 : i32
    %swap3A_1579 = arith.index_cast %swap3A_1578 : i32 to index
    %swap3A_1580 = arith.constant 112 : index
    %swap3A_1581 = tpu.vector_load %arg22[%swap3A_1579, %swap3A_1580] {strides = array<i32>} : memref<40x128xf32, #tpu.memory_space<vmem>>, vector<1x16xf32>,
    %swap3A_1582 = vector.shape_cast %swap3A_1581 : vector<1x16xf32> to vector<16xf32>
    %swap3A_1583 = vector.shape_cast %broadcast_in_dim3A_0 : vector<16xf32> to vector<1x16xf32>
    tpu.vector_store %arg22[%swap3A_1579, %swap3A_1580], %swap3A_1583 {strides = array<i32>} : memref<40x128xf32, #tpu.memory_space<vmem>>, vector<1x16xf32>,
    %swap3A_1584 = arith.constant 33 : i32
    %swap3A_1585 = arith.index_cast %swap3A_1584 : i32 to index
    %swap3A_1586 = arith.constant 0 : index
    %swap3A_1587 = tpu.vector_load %arg22[%swap3A_1585, %swap3A_1586] {strides = array<i32>} : memref<40x128xf32, #tpu.memory_space<vmem>>, vector<1x16xf32>,
    %swap3A_1588 = vector.shape_cast %swap3A_1587 : vector<1x16xf32> to vector<16xf32>
    %swap3A_1589 = vector.shape_cast %broadcast_in_dim3A_0 : vector<16xf32> to vector<1x16xf32>
    tpu.vector_store %arg22[%swap3A_1585, %swap3A_1586], %swap3A_1589 {strides = array<i32>} : memref<40x128xf32, #tpu.memory_space<vmem>>, vector<1x16xf32>,
    %swap3A_1590 = arith.constant 33 : i32
    %swap3A_1591 = arith.index_cast %swap3A_1590 : i32 to index
    %swap3A_1592 = arith.constant 16 : index
    %swap3A_1593 = tpu.vector_load %arg22[%swap3A_1591, %swap3A_1592] {strides = array<i32>} : memref<40x128xf32, #tpu.memory_space<vmem>>, vector<1x16xf32>,
    %swap3A_1594 = vector.shape_cast %swap3A_1593 : vector<1x16xf32> to vector<16xf32>
    %swap3A_1595 = vector.shape_cast %broadcast_in_dim3A_0 : vector<16xf32> to vector<1x16xf32>
    tpu.vector_store %arg22[%swap3A_1591, %swap3A_1592], %swap3A_1595 {strides = array<i32>} : memref<40x128xf32, #tpu.memory_space<vmem>>, vector<1x16xf32>,
    %swap3A_1596 = arith.constant 33 : i32
    %swap3A_1597 = arith.index_cast %swap3A_1596 : i32 to index
    %swap3A_1598 = arith.constant 32 : index
    %swap3A_1599 = tpu.vector_load %arg22[%swap3A_1597, %swap3A_1598] {strides = array<i32>} : memref<40x128xf32, #tpu.memory_space<vmem>>, vector<1x16xf32>,
    %swap3A_1600 = vector.shape_cast %swap3A_1599 : vector<1x16xf32> to vector<16xf32>
    %swap3A_1601 = vector.shape_cast %broadcast_in_dim3A_0 : vector<16xf32> to vector<1x16xf32>
    tpu.vector_store %arg22[%swap3A_1597, %swap3A_1598], %swap3A_1601 {strides = array<i32>} : memref<40x128xf32, #tpu.memory_space<vmem>>, vector<1x16xf32>,
    %swap3A_1602 = arith.constant 33 : i32
    %swap3A_1603 = arith.index_cast %swap3A_1602 : i32 to index
    %swap3A_1604 = arith.constant 48 : index
    %swap3A_1605 = tpu.vector_load %arg22[%swap3A_1603, %swap3A_1604] {strides = array<i32>} : memref<40x128xf32, #tpu.memory_space<vmem>>, vector<1x16xf32>,
    %swap3A_1606 = vector.shape_cast %swap3A_1605 : vector<1x16xf32> to vector<16xf32>
    %swap3A_1607 = vector.shape_cast %broadcast_in_dim3A_0 : vector<16xf32> to vector<1x16xf32>
    tpu.vector_store %arg22[%swap3A_1603, %swap3A_1604], %swap3A_1607 {strides = array<i32>} : memref<40x128xf32, #tpu.memory_space<vmem>>, vector<1x16xf32>,
    %swap3A_1608 = arith.constant 33 : i32
    %swap3A_1609 = arith.index_cast %swap3A_1608 : i32 to index
    %swap3A_1610 = arith.constant 64 : index
    %swap3A_1611 = tpu.vector_load %arg22[%swap3A_1609, %swap3A_1610] {strides = array<i32>} : memref<40x128xf32, #tpu.memory_space<vmem>>, vector<1x16xf32>,
    %swap3A_1612 = vector.shape_cast %swap3A_1611 : vector<1x16xf32> to vector<16xf32>
    %swap3A_1613 = vector.shape_cast %broadcast_in_dim3A_0 : vector<16xf32> to vector<1x16xf32>
    tpu.vector_store %arg22[%swap3A_1609, %swap3A_1610], %swap3A_1613 {strides = array<i32>} : memref<40x128xf32, #tpu.memory_space<vmem>>, vector<1x16xf32>,
    %swap3A_1614 = arith.constant 33 : i32
    %swap3A_1615 = arith.index_cast %swap3A_1614 : i32 to index
    %swap3A_1616 = arith.constant 80 : index
    %swap3A_1617 = tpu.vector_load %arg22[%swap3A_1615, %swap3A_1616] {strides = array<i32>} : memref<40x128xf32, #tpu.memory_space<vmem>>, vector<1x16xf32>,
    %swap3A_1618 = vector.shape_cast %swap3A_1617 : vector<1x16xf32> to vector<16xf32>
    %swap3A_1619 = vector.shape_cast %broadcast_in_dim3A_0 : vector<16xf32> to vector<1x16xf32>
    tpu.vector_store %arg22[%swap3A_1615, %swap3A_1616], %swap3A_1619 {strides = array<i32>} : memref<40x128xf32, #tpu.memory_space<vmem>>, vector<1x16xf32>,
    %swap3A_1620 = arith.constant 33 : i32
    %swap3A_1621 = arith.index_cast %swap3A_1620 : i32 to index
    %swap3A_1622 = arith.constant 96 : index
    %swap3A_1623 = tpu.vector_load %arg22[%swap3A_1621, %swap3A_1622] {strides = array<i32>} : memref<40x128xf32, #tpu.memory_space<vmem>>, vector<1x16xf32>,
    %swap3A_1624 = vector.shape_cast %swap3A_1623 : vector<1x16xf32> to vector<16xf32>
    %swap3A_1625 = vector.shape_cast %broadcast_in_dim3A_0 : vector<16xf32> to vector<1x16xf32>
    tpu.vector_store %arg22[%swap3A_1621, %swap3A_1622], %swap3A_1625 {strides = array<i32>} : memref<40x128xf32, #tpu.memory_space<vmem>>, vector<1x16xf32>,
    %swap3A_1626 = arith.constant 33 : i32
    %swap3A_1627 = arith.index_cast %swap3A_1626 : i32 to index
    %swap3A_1628 = arith.constant 112 : index
    %swap3A_1629 = tpu.vector_load %arg22[%swap3A_1627, %swap3A_1628] {strides = array<i32>} : memref<40x128xf32, #tpu.memory_space<vmem>>, vector<1x16xf32>,
    %swap3A_1630 = vector.shape_cast %swap3A_1629 : vector<1x16xf32> to vector<16xf32>
    %swap3A_1631 = vector.shape_cast %broadcast_in_dim3A_0 : vector<16xf32> to vector<1x16xf32>
    tpu.vector_store %arg22[%swap3A_1627, %swap3A_1628], %swap3A_1631 {strides = array<i32>} : memref<40x128xf32, #tpu.memory_space<vmem>>, vector<1x16xf32>,
    %swap3A_1632 = arith.constant 34 : i32
    %swap3A_1633 = arith.index_cast %swap3A_1632 : i32 to index
    %swap3A_1634 = arith.constant 0 : index
    %swap3A_1635 = tpu.vector_load %arg22[%swap3A_1633, %swap3A_1634] {strides = array<i32>} : memref<40x128xf32, #tpu.memory_space<vmem>>, vector<1x16xf32>,
    %swap3A_1636 = vector.shape_cast %swap3A_1635 : vector<1x16xf32> to vector<16xf32>
    %swap3A_1637 = vector.shape_cast %broadcast_in_dim3A_0 : vector<16xf32> to vector<1x16xf32>
    tpu.vector_store %arg22[%swap3A_1633, %swap3A_1634], %swap3A_1637 {strides = array<i32>} : memref<40x128xf32, #tpu.memory_space<vmem>>, vector<1x16xf32>,
    %swap3A_1638 = arith.constant 34 : i32
    %swap3A_1639 = arith.index_cast %swap3A_1638 : i32 to index
    %swap3A_1640 = arith.constant 16 : index
    %swap3A_1641 = tpu.vector_load %arg22[%swap3A_1639, %swap3A_1640] {strides = array<i32>} : memref<40x128xf32, #tpu.memory_space<vmem>>, vector<1x16xf32>,
    %swap3A_1642 = vector.shape_cast %swap3A_1641 : vector<1x16xf32> to vector<16xf32>
    %swap3A_1643 = vector.shape_cast %broadcast_in_dim3A_0 : vector<16xf32> to vector<1x16xf32>
    tpu.vector_store %arg22[%swap3A_1639, %swap3A_1640], %swap3A_1643 {strides = array<i32>} : memref<40x128xf32, #tpu.memory_space<vmem>>, vector<1x16xf32>,
    %swap3A_1644 = arith.constant 34 : i32
    %swap3A_1645 = arith.index_cast %swap3A_1644 : i32 to index
    %swap3A_1646 = arith.constant 32 : index
    %swap3A_1647 = tpu.vector_load %arg22[%swap3A_1645, %swap3A_1646] {strides = array<i32>} : memref<40x128xf32, #tpu.memory_space<vmem>>, vector<1x16xf32>,
    %swap3A_1648 = vector.shape_cast %swap3A_1647 : vector<1x16xf32> to vector<16xf32>
    %swap3A_1649 = vector.shape_cast %broadcast_in_dim3A_0 : vector<16xf32> to vector<1x16xf32>
    tpu.vector_store %arg22[%swap3A_1645, %swap3A_1646], %swap3A_1649 {strides = array<i32>} : memref<40x128xf32, #tpu.memory_space<vmem>>, vector<1x16xf32>,
    %swap3A_1650 = arith.constant 34 : i32
    %swap3A_1651 = arith.index_cast %swap3A_1650 : i32 to index
    %swap3A_1652 = arith.constant 48 : index
    %swap3A_1653 = tpu.vector_load %arg22[%swap3A_1651, %swap3A_1652] {strides = array<i32>} : memref<40x128xf32, #tpu.memory_space<vmem>>, vector<1x16xf32>,
    %swap3A_1654 = vector.shape_cast %swap3A_1653 : vector<1x16xf32> to vector<16xf32>
    %swap3A_1655 = vector.shape_cast %broadcast_in_dim3A_0 : vector<16xf32> to vector<1x16xf32>
    tpu.vector_store %arg22[%swap3A_1651, %swap3A_1652], %swap3A_1655 {strides = array<i32>} : memref<40x128xf32, #tpu.memory_space<vmem>>, vector<1x16xf32>,
    %swap3A_1656 = arith.constant 34 : i32
    %swap3A_1657 = arith.index_cast %swap3A_1656 : i32 to index
    %swap3A_1658 = arith.constant 64 : index
    %swap3A_1659 = tpu.vector_load %arg22[%swap3A_1657, %swap3A_1658] {strides = array<i32>} : memref<40x128xf32, #tpu.memory_space<vmem>>, vector<1x16xf32>,
    %swap3A_1660 = vector.shape_cast %swap3A_1659 : vector<1x16xf32> to vector<16xf32>
    %swap3A_1661 = vector.shape_cast %broadcast_in_dim3A_0 : vector<16xf32> to vector<1x16xf32>
    tpu.vector_store %arg22[%swap3A_1657, %swap3A_1658], %swap3A_1661 {strides = array<i32>} : memref<40x128xf32, #tpu.memory_space<vmem>>, vector<1x16xf32>,
    %swap3A_1662 = arith.constant 34 : i32
    %swap3A_1663 = arith.index_cast %swap3A_1662 : i32 to index
    %swap3A_1664 = arith.constant 80 : index
    %swap3A_1665 = tpu.vector_load %arg22[%swap3A_1663, %swap3A_1664] {strides = array<i32>} : memref<40x128xf32, #tpu.memory_space<vmem>>, vector<1x16xf32>,
    %swap3A_1666 = vector.shape_cast %swap3A_1665 : vector<1x16xf32> to vector<16xf32>
    %swap3A_1667 = vector.shape_cast %broadcast_in_dim3A_0 : vector<16xf32> to vector<1x16xf32>
    tpu.vector_store %arg22[%swap3A_1663, %swap3A_1664], %swap3A_1667 {strides = array<i32>} : memref<40x128xf32, #tpu.memory_space<vmem>>, vector<1x16xf32>,
    %swap3A_1668 = arith.constant 34 : i32
    %swap3A_1669 = arith.index_cast %swap3A_1668 : i32 to index
    %swap3A_1670 = arith.constant 96 : index
    %swap3A_1671 = tpu.vector_load %arg22[%swap3A_1669, %swap3A_1670] {strides = array<i32>} : memref<40x128xf32, #tpu.memory_space<vmem>>, vector<1x16xf32>,
    %swap3A_1672 = vector.shape_cast %swap3A_1671 : vector<1x16xf32> to vector<16xf32>
    %swap3A_1673 = vector.shape_cast %broadcast_in_dim3A_0 : vector<16xf32> to vector<1x16xf32>
    tpu.vector_store %arg22[%swap3A_1669, %swap3A_1670], %swap3A_1673 {strides = array<i32>} : memref<40x128xf32, #tpu.memory_space<vmem>>, vector<1x16xf32>,
    %swap3A_1674 = arith.constant 34 : i32
    %swap3A_1675 = arith.index_cast %swap3A_1674 : i32 to index
    %swap3A_1676 = arith.constant 112 : index
    %swap3A_1677 = tpu.vector_load %arg22[%swap3A_1675, %swap3A_1676] {strides = array<i32>} : memref<40x128xf32, #tpu.memory_space<vmem>>, vector<1x16xf32>,
    %swap3A_1678 = vector.shape_cast %swap3A_1677 : vector<1x16xf32> to vector<16xf32>
    %swap3A_1679 = vector.shape_cast %broadcast_in_dim3A_0 : vector<16xf32> to vector<1x16xf32>
    tpu.vector_store %arg22[%swap3A_1675, %swap3A_1676], %swap3A_1679 {strides = array<i32>} : memref<40x128xf32, #tpu.memory_space<vmem>>, vector<1x16xf32>,
    %swap3A_1680 = arith.constant 35 : i32
    %swap3A_1681 = arith.index_cast %swap3A_1680 : i32 to index
    %swap3A_1682 = arith.constant 0 : index
    %swap3A_1683 = tpu.vector_load %arg22[%swap3A_1681, %swap3A_1682] {strides = array<i32>} : memref<40x128xf32, #tpu.memory_space<vmem>>, vector<1x16xf32>,
    %swap3A_1684 = vector.shape_cast %swap3A_1683 : vector<1x16xf32> to vector<16xf32>
    %swap3A_1685 = vector.shape_cast %broadcast_in_dim3A_0 : vector<16xf32> to vector<1x16xf32>
    tpu.vector_store %arg22[%swap3A_1681, %swap3A_1682], %swap3A_1685 {strides = array<i32>} : memref<40x128xf32, #tpu.memory_space<vmem>>, vector<1x16xf32>,
    %swap3A_1686 = arith.constant 35 : i32
    %swap3A_1687 = arith.index_cast %swap3A_1686 : i32 to index
    %swap3A_1688 = arith.constant 16 : index
    %swap3A_1689 = tpu.vector_load %arg22[%swap3A_1687, %swap3A_1688] {strides = array<i32>} : memref<40x128xf32, #tpu.memory_space<vmem>>, vector<1x16xf32>,
    %swap3A_1690 = vector.shape_cast %swap3A_1689 : vector<1x16xf32> to vector<16xf32>
    %swap3A_1691 = vector.shape_cast %broadcast_in_dim3A_0 : vector<16xf32> to vector<1x16xf32>
    tpu.vector_store %arg22[%swap3A_1687, %swap3A_1688], %swap3A_1691 {strides = array<i32>} : memref<40x128xf32, #tpu.memory_space<vmem>>, vector<1x16xf32>,
    %swap3A_1692 = arith.constant 35 : i32
    %swap3A_1693 = arith.index_cast %swap3A_1692 : i32 to index
    %swap3A_1694 = arith.constant 32 : index
    %swap3A_1695 = tpu.vector_load %arg22[%swap3A_1693, %swap3A_1694] {strides = array<i32>} : memref<40x128xf32, #tpu.memory_space<vmem>>, vector<1x16xf32>,
    %swap3A_1696 = vector.shape_cast %swap3A_1695 : vector<1x16xf32> to vector<16xf32>
    %swap3A_1697 = vector.shape_cast %broadcast_in_dim3A_0 : vector<16xf32> to vector<1x16xf32>
    tpu.vector_store %arg22[%swap3A_1693, %swap3A_1694], %swap3A_1697 {strides = array<i32>} : memref<40x128xf32, #tpu.memory_space<vmem>>, vector<1x16xf32>,
    %swap3A_1698 = arith.constant 35 : i32
    %swap3A_1699 = arith.index_cast %swap3A_1698 : i32 to index
    %swap3A_1700 = arith.constant 48 : index
    %swap3A_1701 = tpu.vector_load %arg22[%swap3A_1699, %swap3A_1700] {strides = array<i32>} : memref<40x128xf32, #tpu.memory_space<vmem>>, vector<1x16xf32>,
    %swap3A_1702 = vector.shape_cast %swap3A_1701 : vector<1x16xf32> to vector<16xf32>
    %swap3A_1703 = vector.shape_cast %broadcast_in_dim3A_0 : vector<16xf32> to vector<1x16xf32>
    tpu.vector_store %arg22[%swap3A_1699, %swap3A_1700], %swap3A_1703 {strides = array<i32>} : memref<40x128xf32, #tpu.memory_space<vmem>>, vector<1x16xf32>,
    %swap3A_1704 = arith.constant 35 : i32
    %swap3A_1705 = arith.index_cast %swap3A_1704 : i32 to index
    %swap3A_1706 = arith.constant 64 : index
    %swap3A_1707 = tpu.vector_load %arg22[%swap3A_1705, %swap3A_1706] {strides = array<i32>} : memref<40x128xf32, #tpu.memory_space<vmem>>, vector<1x16xf32>,
    %swap3A_1708 = vector.shape_cast %swap3A_1707 : vector<1x16xf32> to vector<16xf32>
    %swap3A_1709 = vector.shape_cast %broadcast_in_dim3A_0 : vector<16xf32> to vector<1x16xf32>
    tpu.vector_store %arg22[%swap3A_1705, %swap3A_1706], %swap3A_1709 {strides = array<i32>} : memref<40x128xf32, #tpu.memory_space<vmem>>, vector<1x16xf32>,
    %swap3A_1710 = arith.constant 35 : i32
    %swap3A_1711 = arith.index_cast %swap3A_1710 : i32 to index
    %swap3A_1712 = arith.constant 80 : index
    %swap3A_1713 = tpu.vector_load %arg22[%swap3A_1711, %swap3A_1712] {strides = array<i32>} : memref<40x128xf32, #tpu.memory_space<vmem>>, vector<1x16xf32>,
    %swap3A_1714 = vector.shape_cast %swap3A_1713 : vector<1x16xf32> to vector<16xf32>
    %swap3A_1715 = vector.shape_cast %broadcast_in_dim3A_0 : vector<16xf32> to vector<1x16xf32>
    tpu.vector_store %arg22[%swap3A_1711, %swap3A_1712], %swap3A_1715 {strides = array<i32>} : memref<40x128xf32, #tpu.memory_space<vmem>>, vector<1x16xf32>,
    %swap3A_1716 = arith.constant 35 : i32
    %swap3A_1717 = arith.index_cast %swap3A_1716 : i32 to index
    %swap3A_1718 = arith.constant 96 : index
    %swap3A_1719 = tpu.vector_load %arg22[%swap3A_1717, %swap3A_1718] {strides = array<i32>} : memref<40x128xf32, #tpu.memory_space<vmem>>, vector<1x16xf32>,
    %swap3A_1720 = vector.shape_cast %swap3A_1719 : vector<1x16xf32> to vector<16xf32>
    %swap3A_1721 = vector.shape_cast %broadcast_in_dim3A_0 : vector<16xf32> to vector<1x16xf32>
    tpu.vector_store %arg22[%swap3A_1717, %swap3A_1718], %swap3A_1721 {strides = array<i32>} : memref<40x128xf32, #tpu.memory_space<vmem>>, vector<1x16xf32>,
    %swap3A_1722 = arith.constant 35 : i32
    %swap3A_1723 = arith.index_cast %swap3A_1722 : i32 to index
    %swap3A_1724 = arith.constant 112 : index
    %swap3A_1725 = tpu.vector_load %arg22[%swap3A_1723, %swap3A_1724] {strides = array<i32>} : memref<40x128xf32, #tpu.memory_space<vmem>>, vector<1x16xf32>,
    %swap3A_1726 = vector.shape_cast %swap3A_1725 : vector<1x16xf32> to vector<16xf32>
    %swap3A_1727 = vector.shape_cast %broadcast_in_dim3A_0 : vector<16xf32> to vector<1x16xf32>
    tpu.vector_store %arg22[%swap3A_1723, %swap3A_1724], %swap3A_1727 {strides = array<i32>} : memref<40x128xf32, #tpu.memory_space<vmem>>, vector<1x16xf32>,
    %swap3A_1728 = arith.constant 36 : i32
    %swap3A_1729 = arith.index_cast %swap3A_1728 : i32 to index
    %swap3A_1730 = arith.constant 0 : index
    %swap3A_1731 = tpu.vector_load %arg22[%swap3A_1729, %swap3A_1730] {strides = array<i32>} : memref<40x128xf32, #tpu.memory_space<vmem>>, vector<1x16xf32>,
    %swap3A_1732 = vector.shape_cast %swap3A_1731 : vector<1x16xf32> to vector<16xf32>
    %swap3A_1733 = vector.shape_cast %broadcast_in_dim3A_0 : vector<16xf32> to vector<1x16xf32>
    tpu.vector_store %arg22[%swap3A_1729, %swap3A_1730], %swap3A_1733 {strides = array<i32>} : memref<40x128xf32, #tpu.memory_space<vmem>>, vector<1x16xf32>,
    %swap3A_1734 = arith.constant 36 : i32
    %swap3A_1735 = arith.index_cast %swap3A_1734 : i32 to index
    %swap3A_1736 = arith.constant 16 : index
    %swap3A_1737 = tpu.vector_load %arg22[%swap3A_1735, %swap3A_1736] {strides = array<i32>} : memref<40x128xf32, #tpu.memory_space<vmem>>, vector<1x16xf32>,
    %swap3A_1738 = vector.shape_cast %swap3A_1737 : vector<1x16xf32> to vector<16xf32>
    %swap3A_1739 = vector.shape_cast %broadcast_in_dim3A_0 : vector<16xf32> to vector<1x16xf32>
    tpu.vector_store %arg22[%swap3A_1735, %swap3A_1736], %swap3A_1739 {strides = array<i32>} : memref<40x128xf32, #tpu.memory_space<vmem>>, vector<1x16xf32>,
    %swap3A_1740 = arith.constant 36 : i32
    %swap3A_1741 = arith.index_cast %swap3A_1740 : i32 to index
    %swap3A_1742 = arith.constant 32 : index
    %swap3A_1743 = tpu.vector_load %arg22[%swap3A_1741, %swap3A_1742] {strides = array<i32>} : memref<40x128xf32, #tpu.memory_space<vmem>>, vector<1x16xf32>,
    %swap3A_1744 = vector.shape_cast %swap3A_1743 : vector<1x16xf32> to vector<16xf32>
    %swap3A_1745 = vector.shape_cast %broadcast_in_dim3A_0 : vector<16xf32> to vector<1x16xf32>
    tpu.vector_store %arg22[%swap3A_1741, %swap3A_1742], %swap3A_1745 {strides = array<i32>} : memref<40x128xf32, #tpu.memory_space<vmem>>, vector<1x16xf32>,
    %swap3A_1746 = arith.constant 36 : i32
    %swap3A_1747 = arith.index_cast %swap3A_1746 : i32 to index
    %swap3A_1748 = arith.constant 48 : index
    %swap3A_1749 = tpu.vector_load %arg22[%swap3A_1747, %swap3A_1748] {strides = array<i32>} : memref<40x128xf32, #tpu.memory_space<vmem>>, vector<1x16xf32>,
    %swap3A_1750 = vector.shape_cast %swap3A_1749 : vector<1x16xf32> to vector<16xf32>
    %swap3A_1751 = vector.shape_cast %broadcast_in_dim3A_0 : vector<16xf32> to vector<1x16xf32>
    tpu.vector_store %arg22[%swap3A_1747, %swap3A_1748], %swap3A_1751 {strides = array<i32>} : memref<40x128xf32, #tpu.memory_space<vmem>>, vector<1x16xf32>,
    %swap3A_1752 = arith.constant 36 : i32
    %swap3A_1753 = arith.index_cast %swap3A_1752 : i32 to index
    %swap3A_1754 = arith.constant 64 : index
    %swap3A_1755 = tpu.vector_load %arg22[%swap3A_1753, %swap3A_1754] {strides = array<i32>} : memref<40x128xf32, #tpu.memory_space<vmem>>, vector<1x16xf32>,
    %swap3A_1756 = vector.shape_cast %swap3A_1755 : vector<1x16xf32> to vector<16xf32>
    %swap3A_1757 = vector.shape_cast %broadcast_in_dim3A_0 : vector<16xf32> to vector<1x16xf32>
    tpu.vector_store %arg22[%swap3A_1753, %swap3A_1754], %swap3A_1757 {strides = array<i32>} : memref<40x128xf32, #tpu.memory_space<vmem>>, vector<1x16xf32>,
    %swap3A_1758 = arith.constant 36 : i32
    %swap3A_1759 = arith.index_cast %swap3A_1758 : i32 to index
    %swap3A_1760 = arith.constant 80 : index
    %swap3A_1761 = tpu.vector_load %arg22[%swap3A_1759, %swap3A_1760] {strides = array<i32>} : memref<40x128xf32, #tpu.memory_space<vmem>>, vector<1x16xf32>,
    %swap3A_1762 = vector.shape_cast %swap3A_1761 : vector<1x16xf32> to vector<16xf32>
    %swap3A_1763 = vector.shape_cast %broadcast_in_dim3A_0 : vector<16xf32> to vector<1x16xf32>
    tpu.vector_store %arg22[%swap3A_1759, %swap3A_1760], %swap3A_1763 {strides = array<i32>} : memref<40x128xf32, #tpu.memory_space<vmem>>, vector<1x16xf32>,
    %swap3A_1764 = arith.constant 36 : i32
    %swap3A_1765 = arith.index_cast %swap3A_1764 : i32 to index
    %swap3A_1766 = arith.constant 96 : index
    %swap3A_1767 = tpu.vector_load %arg22[%swap3A_1765, %swap3A_1766] {strides = array<i32>} : memref<40x128xf32, #tpu.memory_space<vmem>>, vector<1x16xf32>,
    %swap3A_1768 = vector.shape_cast %swap3A_1767 : vector<1x16xf32> to vector<16xf32>
    %swap3A_1769 = vector.shape_cast %broadcast_in_dim3A_0 : vector<16xf32> to vector<1x16xf32>
    tpu.vector_store %arg22[%swap3A_1765, %swap3A_1766], %swap3A_1769 {strides = array<i32>} : memref<40x128xf32, #tpu.memory_space<vmem>>, vector<1x16xf32>,
    %swap3A_1770 = arith.constant 36 : i32
    %swap3A_1771 = arith.index_cast %swap3A_1770 : i32 to index
    %swap3A_1772 = arith.constant 112 : index
    %swap3A_1773 = tpu.vector_load %arg22[%swap3A_1771, %swap3A_1772] {strides = array<i32>} : memref<40x128xf32, #tpu.memory_space<vmem>>, vector<1x16xf32>,
    %swap3A_1774 = vector.shape_cast %swap3A_1773 : vector<1x16xf32> to vector<16xf32>
    %swap3A_1775 = vector.shape_cast %broadcast_in_dim3A_0 : vector<16xf32> to vector<1x16xf32>
    tpu.vector_store %arg22[%swap3A_1771, %swap3A_1772], %swap3A_1775 {strides = array<i32>} : memref<40x128xf32, #tpu.memory_space<vmem>>, vector<1x16xf32>,
    %swap3A_1776 = arith.constant 37 : i32
    %swap3A_1777 = arith.index_cast %swap3A_1776 : i32 to index
    %swap3A_1778 = arith.constant 0 : index
    %swap3A_1779 = tpu.vector_load %arg22[%swap3A_1777, %swap3A_1778] {strides = array<i32>} : memref<40x128xf32, #tpu.memory_space<vmem>>, vector<1x16xf32>,
    %swap3A_1780 = vector.shape_cast %swap3A_1779 : vector<1x16xf32> to vector<16xf32>
    %swap3A_1781 = vector.shape_cast %broadcast_in_dim3A_0 : vector<16xf32> to vector<1x16xf32>
    tpu.vector_store %arg22[%swap3A_1777, %swap3A_1778], %swap3A_1781 {strides = array<i32>} : memref<40x128xf32, #tpu.memory_space<vmem>>, vector<1x16xf32>,
    %swap3A_1782 = arith.constant 37 : i32
    %swap3A_1783 = arith.index_cast %swap3A_1782 : i32 to index
    %swap3A_1784 = arith.constant 16 : index
    %swap3A_1785 = tpu.vector_load %arg22[%swap3A_1783, %swap3A_1784] {strides = array<i32>} : memref<40x128xf32, #tpu.memory_space<vmem>>, vector<1x16xf32>,
    %swap3A_1786 = vector.shape_cast %swap3A_1785 : vector<1x16xf32> to vector<16xf32>
    %swap3A_1787 = vector.shape_cast %broadcast_in_dim3A_0 : vector<16xf32> to vector<1x16xf32>
    tpu.vector_store %arg22[%swap3A_1783, %swap3A_1784], %swap3A_1787 {strides = array<i32>} : memref<40x128xf32, #tpu.memory_space<vmem>>, vector<1x16xf32>,
    %swap3A_1788 = arith.constant 37 : i32
    %swap3A_1789 = arith.index_cast %swap3A_1788 : i32 to index
    %swap3A_1790 = arith.constant 32 : index
    %swap3A_1791 = tpu.vector_load %arg22[%swap3A_1789, %swap3A_1790] {strides = array<i32>} : memref<40x128xf32, #tpu.memory_space<vmem>>, vector<1x16xf32>,
    %swap3A_1792 = vector.shape_cast %swap3A_1791 : vector<1x16xf32> to vector<16xf32>
    %swap3A_1793 = vector.shape_cast %broadcast_in_dim3A_0 : vector<16xf32> to vector<1x16xf32>
    tpu.vector_store %arg22[%swap3A_1789, %swap3A_1790], %swap3A_1793 {strides = array<i32>} : memref<40x128xf32, #tpu.memory_space<vmem>>, vector<1x16xf32>,
    %swap3A_1794 = arith.constant 37 : i32
    %swap3A_1795 = arith.index_cast %swap3A_1794 : i32 to index
    %swap3A_1796 = arith.constant 48 : index
    %swap3A_1797 = tpu.vector_load %arg22[%swap3A_1795, %swap3A_1796] {strides = array<i32>} : memref<40x128xf32, #tpu.memory_space<vmem>>, vector<1x16xf32>,
    %swap3A_1798 = vector.shape_cast %swap3A_1797 : vector<1x16xf32> to vector<16xf32>
    %swap3A_1799 = vector.shape_cast %broadcast_in_dim3A_0 : vector<16xf32> to vector<1x16xf32>
    tpu.vector_store %arg22[%swap3A_1795, %swap3A_1796], %swap3A_1799 {strides = array<i32>} : memref<40x128xf32, #tpu.memory_space<vmem>>, vector<1x16xf32>,
    %swap3A_1800 = arith.constant 37 : i32
    %swap3A_1801 = arith.index_cast %swap3A_1800 : i32 to index
    %swap3A_1802 = arith.constant 64 : index
    %swap3A_1803 = tpu.vector_load %arg22[%swap3A_1801, %swap3A_1802] {strides = array<i32>} : memref<40x128xf32, #tpu.memory_space<vmem>>, vector<1x16xf32>,
    %swap3A_1804 = vector.shape_cast %swap3A_1803 : vector<1x16xf32> to vector<16xf32>
    %swap3A_1805 = vector.shape_cast %broadcast_in_dim3A_0 : vector<16xf32> to vector<1x16xf32>
    tpu.vector_store %arg22[%swap3A_1801, %swap3A_1802], %swap3A_1805 {strides = array<i32>} : memref<40x128xf32, #tpu.memory_space<vmem>>, vector<1x16xf32>,
    %swap3A_1806 = arith.constant 37 : i32
    %swap3A_1807 = arith.index_cast %swap3A_1806 : i32 to index
    %swap3A_1808 = arith.constant 80 : index
    %swap3A_1809 = tpu.vector_load %arg22[%swap3A_1807, %swap3A_1808] {strides = array<i32>} : memref<40x128xf32, #tpu.memory_space<vmem>>, vector<1x16xf32>,
    %swap3A_1810 = vector.shape_cast %swap3A_1809 : vector<1x16xf32> to vector<16xf32>
    %swap3A_1811 = vector.shape_cast %broadcast_in_dim3A_0 : vector<16xf32> to vector<1x16xf32>
    tpu.vector_store %arg22[%swap3A_1807, %swap3A_1808], %swap3A_1811 {strides = array<i32>} : memref<40x128xf32, #tpu.memory_space<vmem>>, vector<1x16xf32>,
    %swap3A_1812 = arith.constant 37 : i32
    %swap3A_1813 = arith.index_cast %swap3A_1812 : i32 to index
    %swap3A_1814 = arith.constant 96 : index
    %swap3A_1815 = tpu.vector_load %arg22[%swap3A_1813, %swap3A_1814] {strides = array<i32>} : memref<40x128xf32, #tpu.memory_space<vmem>>, vector<1x16xf32>,
    %swap3A_1816 = vector.shape_cast %swap3A_1815 : vector<1x16xf32> to vector<16xf32>
    %swap3A_1817 = vector.shape_cast %broadcast_in_dim3A_0 : vector<16xf32> to vector<1x16xf32>
    tpu.vector_store %arg22[%swap3A_1813, %swap3A_1814], %swap3A_1817 {strides = array<i32>} : memref<40x128xf32, #tpu.memory_space<vmem>>, vector<1x16xf32>,
    %swap3A_1818 = arith.constant 37 : i32
    %swap3A_1819 = arith.index_cast %swap3A_1818 : i32 to index
    %swap3A_1820 = arith.constant 112 : index
    %swap3A_1821 = tpu.vector_load %arg22[%swap3A_1819, %swap3A_1820] {strides = array<i32>} : memref<40x128xf32, #tpu.memory_space<vmem>>, vector<1x16xf32>,
    %swap3A_1822 = vector.shape_cast %swap3A_1821 : vector<1x16xf32> to vector<16xf32>
    %swap3A_1823 = vector.shape_cast %broadcast_in_dim3A_0 : vector<16xf32> to vector<1x16xf32>
    tpu.vector_store %arg22[%swap3A_1819, %swap3A_1820], %swap3A_1823 {strides = array<i32>} : memref<40x128xf32, #tpu.memory_space<vmem>>, vector<1x16xf32>,
    %swap3A_1824 = arith.constant 38 : i32
    %swap3A_1825 = arith.index_cast %swap3A_1824 : i32 to index
    %swap3A_1826 = arith.constant 0 : index
    %swap3A_1827 = tpu.vector_load %arg22[%swap3A_1825, %swap3A_1826] {strides = array<i32>} : memref<40x128xf32, #tpu.memory_space<vmem>>, vector<1x16xf32>,
    %swap3A_1828 = vector.shape_cast %swap3A_1827 : vector<1x16xf32> to vector<16xf32>
    %swap3A_1829 = vector.shape_cast %broadcast_in_dim3A_0 : vector<16xf32> to vector<1x16xf32>
    tpu.vector_store %arg22[%swap3A_1825, %swap3A_1826], %swap3A_1829 {strides = array<i32>} : memref<40x128xf32, #tpu.memory_space<vmem>>, vector<1x16xf32>,
    %swap3A_1830 = arith.constant 38 : i32
    %swap3A_1831 = arith.index_cast %swap3A_1830 : i32 to index
    %swap3A_1832 = arith.constant 16 : index
    %swap3A_1833 = tpu.vector_load %arg22[%swap3A_1831, %swap3A_1832] {strides = array<i32>} : memref<40x128xf32, #tpu.memory_space<vmem>>, vector<1x16xf32>,
    %swap3A_1834 = vector.shape_cast %swap3A_1833 : vector<1x16xf32> to vector<16xf32>
    %swap3A_1835 = vector.shape_cast %broadcast_in_dim3A_0 : vector<16xf32> to vector<1x16xf32>
    tpu.vector_store %arg22[%swap3A_1831, %swap3A_1832], %swap3A_1835 {strides = array<i32>} : memref<40x128xf32, #tpu.memory_space<vmem>>, vector<1x16xf32>,
    %swap3A_1836 = arith.constant 38 : i32
    %swap3A_1837 = arith.index_cast %swap3A_1836 : i32 to index
    %swap3A_1838 = arith.constant 32 : index
    %swap3A_1839 = tpu.vector_load %arg22[%swap3A_1837, %swap3A_1838] {strides = array<i32>} : memref<40x128xf32, #tpu.memory_space<vmem>>, vector<1x16xf32>,
    %swap3A_1840 = vector.shape_cast %swap3A_1839 : vector<1x16xf32> to vector<16xf32>
    %swap3A_1841 = vector.shape_cast %broadcast_in_dim3A_0 : vector<16xf32> to vector<1x16xf32>
    tpu.vector_store %arg22[%swap3A_1837, %swap3A_1838], %swap3A_1841 {strides = array<i32>} : memref<40x128xf32, #tpu.memory_space<vmem>>, vector<1x16xf32>,
    %swap3A_1842 = arith.constant 38 : i32
    %swap3A_1843 = arith.index_cast %swap3A_1842 : i32 to index
    %swap3A_1844 = arith.constant 48 : index
    %swap3A_1845 = tpu.vector_load %arg22[%swap3A_1843, %swap3A_1844] {strides = array<i32>} : memref<40x128xf32, #tpu.memory_space<vmem>>, vector<1x16xf32>,
    %swap3A_1846 = vector.shape_cast %swap3A_1845 : vector<1x16xf32> to vector<16xf32>
    %swap3A_1847 = vector.shape_cast %broadcast_in_dim3A_0 : vector<16xf32> to vector<1x16xf32>
    tpu.vector_store %arg22[%swap3A_1843, %swap3A_1844], %swap3A_1847 {strides = array<i32>} : memref<40x128xf32, #tpu.memory_space<vmem>>, vector<1x16xf32>,
    %swap3A_1848 = arith.constant 38 : i32
    %swap3A_1849 = arith.index_cast %swap3A_1848 : i32 to index
    %swap3A_1850 = arith.constant 64 : index
    %swap3A_1851 = tpu.vector_load %arg22[%swap3A_1849, %swap3A_1850] {strides = array<i32>} : memref<40x128xf32, #tpu.memory_space<vmem>>, vector<1x16xf32>,
    %swap3A_1852 = vector.shape_cast %swap3A_1851 : vector<1x16xf32> to vector<16xf32>
    %swap3A_1853 = vector.shape_cast %broadcast_in_dim3A_0 : vector<16xf32> to vector<1x16xf32>
    tpu.vector_store %arg22[%swap3A_1849, %swap3A_1850], %swap3A_1853 {strides = array<i32>} : memref<40x128xf32, #tpu.memory_space<vmem>>, vector<1x16xf32>,
    %swap3A_1854 = arith.constant 38 : i32
    %swap3A_1855 = arith.index_cast %swap3A_1854 : i32 to index
    %swap3A_1856 = arith.constant 80 : index
    %swap3A_1857 = tpu.vector_load %arg22[%swap3A_1855, %swap3A_1856] {strides = array<i32>} : memref<40x128xf32, #tpu.memory_space<vmem>>, vector<1x16xf32>,
    %swap3A_1858 = vector.shape_cast %swap3A_1857 : vector<1x16xf32> to vector<16xf32>
    %swap3A_1859 = vector.shape_cast %broadcast_in_dim3A_0 : vector<16xf32> to vector<1x16xf32>
    tpu.vector_store %arg22[%swap3A_1855, %swap3A_1856], %swap3A_1859 {strides = array<i32>} : memref<40x128xf32, #tpu.memory_space<vmem>>, vector<1x16xf32>,
    %swap3A_1860 = arith.constant 38 : i32
    %swap3A_1861 = arith.index_cast %swap3A_1860 : i32 to index
    %swap3A_1862 = arith.constant 96 : index
    %swap3A_1863 = tpu.vector_load %arg22[%swap3A_1861, %swap3A_1862] {strides = array<i32>} : memref<40x128xf32, #tpu.memory_space<vmem>>, vector<1x16xf32>,
    %swap3A_1864 = vector.shape_cast %swap3A_1863 : vector<1x16xf32> to vector<16xf32>
    %swap3A_1865 = vector.shape_cast %broadcast_in_dim3A_0 : vector<16xf32> to vector<1x16xf32>
    tpu.vector_store %arg22[%swap3A_1861, %swap3A_1862], %swap3A_1865 {strides = array<i32>} : memref<40x128xf32, #tpu.memory_space<vmem>>, vector<1x16xf32>,
    %swap3A_1866 = arith.constant 38 : i32
    %swap3A_1867 = arith.index_cast %swap3A_1866 : i32 to index
    %swap3A_1868 = arith.constant 112 : index
    %swap3A_1869 = tpu.vector_load %arg22[%swap3A_1867, %swap3A_1868] {strides = array<i32>} : memref<40x128xf32, #tpu.memory_space<vmem>>, vector<1x16xf32>,
    %swap3A_1870 = vector.shape_cast %swap3A_1869 : vector<1x16xf32> to vector<16xf32>
    %swap3A_1871 = vector.shape_cast %broadcast_in_dim3A_0 : vector<16xf32> to vector<1x16xf32>
    tpu.vector_store %arg22[%swap3A_1867, %swap3A_1868], %swap3A_1871 {strides = array<i32>} : memref<40x128xf32, #tpu.memory_space<vmem>>, vector<1x16xf32>,
    %swap3A_1872 = arith.constant 39 : i32
    %swap3A_1873 = arith.index_cast %swap3A_1872 : i32 to index
    %swap3A_1874 = arith.constant 0 : index
    %swap3A_1875 = tpu.vector_load %arg22[%swap3A_1873, %swap3A_1874] {strides = array<i32>} : memref<40x128xf32, #tpu.memory_space<vmem>>, vector<1x16xf32>,
    %swap3A_1876 = vector.shape_cast %swap3A_1875 : vector<1x16xf32> to vector<16xf32>
    %swap3A_1877 = vector.shape_cast %broadcast_in_dim3A_0 : vector<16xf32> to vector<1x16xf32>
    tpu.vector_store %arg22[%swap3A_1873, %swap3A_1874], %swap3A_1877 {strides = array<i32>} : memref<40x128xf32, #tpu.memory_space<vmem>>, vector<1x16xf32>,
    %swap3A_1878 = arith.constant 39 : i32
    %swap3A_1879 = arith.index_cast %swap3A_1878 : i32 to index
    %swap3A_1880 = arith.constant 16 : index
    %swap3A_1881 = tpu.vector_load %arg22[%swap3A_1879, %swap3A_1880] {strides = array<i32>} : memref<40x128xf32, #tpu.memory_space<vmem>>, vector<1x16xf32>,
    %swap3A_1882 = vector.shape_cast %swap3A_1881 : vector<1x16xf32> to vector<16xf32>
    %swap3A_1883 = vector.shape_cast %broadcast_in_dim3A_0 : vector<16xf32> to vector<1x16xf32>
    tpu.vector_store %arg22[%swap3A_1879, %swap3A_1880], %swap3A_1883 {strides = array<i32>} : memref<40x128xf32, #tpu.memory_space<vmem>>, vector<1x16xf32>,
    %swap3A_1884 = arith.constant 39 : i32
    %swap3A_1885 = arith.index_cast %swap3A_1884 : i32 to index
    %swap3A_1886 = arith.constant 32 : index
    %swap3A_1887 = tpu.vector_load %arg22[%swap3A_1885, %swap3A_1886] {strides = array<i32>} : memref<40x128xf32, #tpu.memory_space<vmem>>, vector<1x16xf32>,
    %swap3A_1888 = vector.shape_cast %swap3A_1887 : vector<1x16xf32> to vector<16xf32>
    %swap3A_1889 = vector.shape_cast %broadcast_in_dim3A_0 : vector<16xf32> to vector<1x16xf32>
    tpu.vector_store %arg22[%swap3A_1885, %swap3A_1886], %swap3A_1889 {strides = array<i32>} : memref<40x128xf32, #tpu.memory_space<vmem>>, vector<1x16xf32>,
    %swap3A_1890 = arith.constant 39 : i32
    %swap3A_1891 = arith.index_cast %swap3A_1890 : i32 to index
    %swap3A_1892 = arith.constant 48 : index
    %swap3A_1893 = tpu.vector_load %arg22[%swap3A_1891, %swap3A_1892] {strides = array<i32>} : memref<40x128xf32, #tpu.memory_space<vmem>>, vector<1x16xf32>,
    %swap3A_1894 = vector.shape_cast %swap3A_1893 : vector<1x16xf32> to vector<16xf32>
    %swap3A_1895 = vector.shape_cast %broadcast_in_dim3A_0 : vector<16xf32> to vector<1x16xf32>
    tpu.vector_store %arg22[%swap3A_1891, %swap3A_1892], %swap3A_1895 {strides = array<i32>} : memref<40x128xf32, #tpu.memory_space<vmem>>, vector<1x16xf32>,
    %swap3A_1896 = arith.constant 39 : i32
    %swap3A_1897 = arith.index_cast %swap3A_1896 : i32 to index
    %swap3A_1898 = arith.constant 64 : index
    %swap3A_1899 = tpu.vector_load %arg22[%swap3A_1897, %swap3A_1898] {strides = array<i32>} : memref<40x128xf32, #tpu.memory_space<vmem>>, vector<1x16xf32>,
    %swap3A_1900 = vector.shape_cast %swap3A_1899 : vector<1x16xf32> to vector<16xf32>
    %swap3A_1901 = vector.shape_cast %broadcast_in_dim3A_0 : vector<16xf32> to vector<1x16xf32>
    tpu.vector_store %arg22[%swap3A_1897, %swap3A_1898], %swap3A_1901 {strides = array<i32>} : memref<40x128xf32, #tpu.memory_space<vmem>>, vector<1x16xf32>,
    %swap3A_1902 = arith.constant 39 : i32
    %swap3A_1903 = arith.index_cast %swap3A_1902 : i32 to index
    %swap3A_1904 = arith.constant 80 : index
    %swap3A_1905 = tpu.vector_load %arg22[%swap3A_1903, %swap3A_1904] {strides = array<i32>} : memref<40x128xf32, #tpu.memory_space<vmem>>, vector<1x16xf32>,
    %swap3A_1906 = vector.shape_cast %swap3A_1905 : vector<1x16xf32> to vector<16xf32>
    %swap3A_1907 = vector.shape_cast %broadcast_in_dim3A_0 : vector<16xf32> to vector<1x16xf32>
    tpu.vector_store %arg22[%swap3A_1903, %swap3A_1904], %swap3A_1907 {strides = array<i32>} : memref<40x128xf32, #tpu.memory_space<vmem>>, vector<1x16xf32>,
    %swap3A_1908 = arith.constant 39 : i32
    %swap3A_1909 = arith.index_cast %swap3A_1908 : i32 to index
    %swap3A_1910 = arith.constant 96 : index
    %swap3A_1911 = tpu.vector_load %arg22[%swap3A_1909, %swap3A_1910] {strides = array<i32>} : memref<40x128xf32, #tpu.memory_space<vmem>>, vector<1x16xf32>,
    %swap3A_1912 = vector.shape_cast %swap3A_1911 : vector<1x16xf32> to vector<16xf32>
    %swap3A_1913 = vector.shape_cast %broadcast_in_dim3A_0 : vector<16xf32> to vector<1x16xf32>
    tpu.vector_store %arg22[%swap3A_1909, %swap3A_1910], %swap3A_1913 {strides = array<i32>} : memref<40x128xf32, #tpu.memory_space<vmem>>, vector<1x16xf32>,
    %swap3A_1914 = arith.constant 39 : i32
    %swap3A_1915 = arith.index_cast %swap3A_1914 : i32 to index
    %swap3A_1916 = arith.constant 112 : index
    %swap3A_1917 = tpu.vector_load %arg22[%swap3A_1915, %swap3A_1916] {strides = array<i32>} : memref<40x128xf32, #tpu.memory_space<vmem>>, vector<1x16xf32>,
    %swap3A_1918 = vector.shape_cast %swap3A_1917 : vector<1x16xf32> to vector<16xf32>
    %swap3A_1919 = vector.shape_cast %broadcast_in_dim3A_0 : vector<16xf32> to vector<1x16xf32>
    tpu.vector_store %arg22[%swap3A_1915, %swap3A_1916], %swap3A_1919 {strides = array<i32>} : memref<40x128xf32, #tpu.memory_space<vmem>>, vector<1x16xf32>,
    %lt3A = arith.constant 10 : i32
    %lt3A_1920 = arith.cmpi slt, %arg1, %lt3A : i32
    %convert_element_type3A = arith.extui %lt3A_1920 : i1 to i32
    %cond3A = arith.constant 0 : i32
    %cond3A_1921 = arith.cmpi ne, %convert_element_type3A, %cond3A : i32
    scf.if %cond3A_1921 {
      %scan3A_2082 = arith.constant 0 : i32
      %scan3A_2083 = arith.constant 25 : i32
      %scan3A_2084 = arith.addi %scan3A_2082, %scan3A_2083 : i32
      %scan3A_2085 = arith.constant 1 : i32
      scf.for %scan3A_2087 = %scan3A_2082 to %scan3A_2084 step %scan3A_2085  : i32 {
        %mul3A_2088 = arith.constant 1 : i32
        %mul3A_2089 = arith.muli %scan3A_2087, %mul3A_2088 : i32
        %add3A_2090 = arith.constant 0 : i32
        %add3A_2091 = arith.addi %add3A_2090, %mul3A_2089 : i32
        %mul3A_2092 = arith.constant 1000 : i32
        %mul3A_2093 = arith.muli %arg1, %mul3A_2092 : i32
        %mul3A_2094 = arith.constant 40 : i32
        %mul3A_2095 = arith.muli %add3A_2091, %mul3A_2094 : i32
        %add3A_2096 = arith.addi %mul3A_2093, %mul3A_2095 : i32
        "tpu.region"() ({
          %run_scoped3A = tpu.sem_alloc : memref<!tpu.dma_semaphore, #tpu.memory_space<semaphore_mem>>
          %dma_start3A_2097 = arith.constant 0 : i32
          %dma_start3A_2098 = tpu.memref_slice %arg5[%add3A_2096, %dma_start3A_2097] : memref<10000x128xf32, #tpu.memory_space<vmem_shared>> -> memref<40x128xf32, #tpu.memory_space<vmem_shared>>
          %dma_start3A_2099 = arith.constant 0 : i32
          %dma_start3A_2100 = tpu.memref_slice %arg5[%add3A_2096, %dma_start3A_2099] : memref<10000x128xf32, #tpu.memory_space<vmem_shared>> -> memref<40x128xf32, #tpu.memory_space<vmem_shared>>
          tpu.enqueue_dma source(%arg22 : memref<40x128xf32, #tpu.memory_space<vmem>>) target(%dma_start3A_2100 : memref<40x128xf32, #tpu.memory_space<vmem_shared>>) target_semaphore(%run_scoped3A : memref<!tpu.dma_semaphore, #tpu.memory_space<semaphore_mem>>)
          %dma_wait3A_2101 = arith.constant 0 : i32
          %dma_wait3A_2102 = tpu.memref_slice %arg5[%add3A_2096, %dma_wait3A_2101] : memref<10000x128xf32, #tpu.memory_space<vmem_shared>> -> memref<40x128xf32, #tpu.memory_space<vmem_shared>>
          %dma_wait3A_2103 = arith.constant 0 : i32
          %dma_wait3A_2104 = tpu.memref_slice %arg5[%add3A_2096, %dma_wait3A_2103] : memref<10000x128xf32, #tpu.memory_space<vmem_shared>> -> memref<40x128xf32, #tpu.memory_space<vmem_shared>>
          tpu.wait_dma2 semaphore(%run_scoped3A : memref<!tpu.dma_semaphore, #tpu.memory_space<semaphore_mem>>) src(%arg22 : memref<40x128xf32, #tpu.memory_space<vmem>>) dst(%dma_wait3A_2104 : memref<40x128xf32, #tpu.memory_space<vmem_shared>>)
          tpu.yield
        }) : () -> ()
      }
      %scan3A_2086 = arith.constant 25 : i32
    } else {
    }
    %barrier3A = arith.constant 0 : index
    tpu.barrier barrier_id(%barrier3A)
    %mul3A = arith.constant 20000 : i32
    %mul3A_1922 = arith.muli %arg1, %mul3A : i32
    %add3A = arith.constant 0 : i32
    %add3A_1923 = arith.addi %mul3A_1922, %add3A : i32
    %add3A_1924 = arith.constant 0 : i32
    %add3A_1925 = arith.addi %add3A_1923, %add3A_1924 : i32
    %dma_start3A = tpu.memref_slice %arg3[%add3A_1925] : memref<320000xi32, #tpu.memory_space<hbm>> -> memref<40xi32, #tpu.memory_space<hbm>>
    %dma_start3A_1926 = tpu.memref_slice %arg3[%add3A_1925] : memref<320000xi32, #tpu.memory_space<hbm>> -> memref<40xi32, #tpu.memory_space<hbm>>
    tpu.enqueue_dma source(%dma_start3A_1926 : memref<40xi32, #tpu.memory_space<hbm>>) target(%arg6 : memref<40xi32, #tpu.memory_space<vmem>>) target_semaphore(%arg23 : memref<!tpu.dma_semaphore, #tpu.memory_space<semaphore_mem>>)
    %add3A_1927 = arith.constant 0 : i32
    %add3A_1928 = arith.addi %mul3A_1922, %add3A_1927 : i32
    %add3A_1929 = arith.constant 40 : i32
    %add3A_1930 = arith.addi %add3A_1928, %add3A_1929 : i32
    %dma_start3A_1931 = tpu.memref_slice %arg3[%add3A_1930] : memref<320000xi32, #tpu.memory_space<hbm>> -> memref<40xi32, #tpu.memory_space<hbm>>
    %dma_start3A_1932 = tpu.memref_slice %arg3[%add3A_1930] : memref<320000xi32, #tpu.memory_space<hbm>> -> memref<40xi32, #tpu.memory_space<hbm>>
    tpu.enqueue_dma source(%dma_start3A_1932 : memref<40xi32, #tpu.memory_space<hbm>>) target(%arg7 : memref<40xi32, #tpu.memory_space<vmem>>) target_semaphore(%arg23 : memref<!tpu.dma_semaphore, #tpu.memory_space<semaphore_mem>>)
    %add3A_1933 = arith.constant 0 : i32
    %add3A_1934 = arith.addi %mul3A_1922, %add3A_1933 : i32
    %add3A_1935 = arith.constant 0 : i32
    %add3A_1936 = arith.addi %add3A_1934, %add3A_1935 : i32
    %dma_start3A_1937 = arith.constant 0 : i32
    %dma_start3A_1938 = tpu.memref_slice %arg2[%arg0, %add3A_1936, %dma_start3A_1937] : memref<2x320000x128xf32, #tpu.memory_space<hbm>> -> memref<1x40x128xf32, #tpu.memory_space<hbm>>
    %dma_start3A_1939 = tpu.memref_squeeze %dma_start3A_1938 : memref<1x40x128xf32, #tpu.memory_space<hbm>> -> memref<40x128xf32, #tpu.memory_space<hbm>>
    %dma_start3A_1940 = arith.constant 0 : i32
    %dma_start3A_1941 = tpu.memref_slice %arg2[%arg0, %add3A_1936, %dma_start3A_1940] : memref<2x320000x128xf32, #tpu.memory_space<hbm>> -> memref<1x40x128xf32, #tpu.memory_space<hbm>>
    %dma_start3A_1942 = tpu.memref_squeeze %dma_start3A_1941 : memref<1x40x128xf32, #tpu.memory_space<hbm>> -> memref<40x128xf32, #tpu.memory_space<hbm>>
    tpu.enqueue_dma source(%dma_start3A_1942 : memref<40x128xf32, #tpu.memory_space<hbm>>) target(%arg14 : memref<40x128xf32, #tpu.memory_space<vmem>>) target_semaphore(%arg24 : memref<!tpu.dma_semaphore, #tpu.memory_space<semaphore_mem>>)
    %add3A_1943 = arith.constant 0 : i32
    %add3A_1944 = arith.addi %mul3A_1922, %add3A_1943 : i32
    %add3A_1945 = arith.constant 40 : i32
    %add3A_1946 = arith.addi %add3A_1944, %add3A_1945 : i32
    %dma_start3A_1947 = arith.constant 0 : i32
    %dma_start3A_1948 = tpu.memref_slice %arg2[%arg0, %add3A_1946, %dma_start3A_1947] : memref<2x320000x128xf32, #tpu.memory_space<hbm>> -> memref<1x40x128xf32, #tpu.memory_space<hbm>>
    %dma_start3A_1949 = tpu.memref_squeeze %dma_start3A_1948 : memref<1x40x128xf32, #tpu.memory_space<hbm>> -> memref<40x128xf32, #tpu.memory_space<hbm>>
    %dma_start3A_1950 = arith.constant 0 : i32
    %dma_start3A_1951 = tpu.memref_slice %arg2[%arg0, %add3A_1946, %dma_start3A_1950] : memref<2x320000x128xf32, #tpu.memory_space<hbm>> -> memref<1x40x128xf32, #tpu.memory_space<hbm>>
    %dma_start3A_1952 = tpu.memref_squeeze %dma_start3A_1951 : memref<1x40x128xf32, #tpu.memory_space<hbm>> -> memref<40x128xf32, #tpu.memory_space<hbm>>
    tpu.enqueue_dma source(%dma_start3A_1952 : memref<40x128xf32, #tpu.memory_space<hbm>>) target(%arg15 : memref<40x128xf32, #tpu.memory_space<vmem>>) target_semaphore(%arg24 : memref<!tpu.dma_semaphore, #tpu.memory_space<semaphore_mem>>)
    %add3A_1953 = arith.constant 80 : i32
    %add3A_1954 = arith.addi %mul3A_1922, %add3A_1953 : i32
    %add3A_1955 = arith.constant 0 : i32
    %add3A_1956 = arith.addi %add3A_1954, %add3A_1955 : i32
    %dma_start3A_1957 = tpu.memref_slice %arg3[%add3A_1956] : memref<320000xi32, #tpu.memory_space<hbm>> -> memref<40xi32, #tpu.memory_space<hbm>>
    %dma_start3A_1958 = tpu.memref_slice %arg3[%add3A_1956] : memref<320000xi32, #tpu.memory_space<hbm>> -> memref<40xi32, #tpu.memory_space<hbm>>
    tpu.enqueue_dma source(%dma_start3A_1958 : memref<40xi32, #tpu.memory_space<hbm>>) target(%arg8 : memref<40xi32, #tpu.memory_space<vmem>>) target_semaphore(%arg23 : memref<!tpu.dma_semaphore, #tpu.memory_space<semaphore_mem>>)
    %add3A_1959 = arith.constant 80 : i32
    %add3A_1960 = arith.addi %mul3A_1922, %add3A_1959 : i32
    %add3A_1961 = arith.constant 40 : i32
    %add3A_1962 = arith.addi %add3A_1960, %add3A_1961 : i32
    %dma_start3A_1963 = tpu.memref_slice %arg3[%add3A_1962] : memref<320000xi32, #tpu.memory_space<hbm>> -> memref<40xi32, #tpu.memory_space<hbm>>
    %dma_start3A_1964 = tpu.memref_slice %arg3[%add3A_1962] : memref<320000xi32, #tpu.memory_space<hbm>> -> memref<40xi32, #tpu.memory_space<hbm>>
    tpu.enqueue_dma source(%dma_start3A_1964 : memref<40xi32, #tpu.memory_space<hbm>>) target(%arg9 : memref<40xi32, #tpu.memory_space<vmem>>) target_semaphore(%arg23 : memref<!tpu.dma_semaphore, #tpu.memory_space<semaphore_mem>>)
    %add3A_1965 = arith.constant 80 : i32
    %add3A_1966 = arith.addi %mul3A_1922, %add3A_1965 : i32
    %add3A_1967 = arith.constant 0 : i32
    %add3A_1968 = arith.addi %add3A_1966, %add3A_1967 : i32
    %dma_start3A_1969 = arith.constant 0 : i32
    %dma_start3A_1970 = tpu.memref_slice %arg2[%arg0, %add3A_1968, %dma_start3A_1969] : memref<2x320000x128xf32, #tpu.memory_space<hbm>> -> memref<1x40x128xf32, #tpu.memory_space<hbm>>
    %dma_start3A_1971 = tpu.memref_squeeze %dma_start3A_1970 : memref<1x40x128xf32, #tpu.memory_space<hbm>> -> memref<40x128xf32, #tpu.memory_space<hbm>>
    %dma_start3A_1972 = arith.constant 0 : i32
    %dma_start3A_1973 = tpu.memref_slice %arg2[%arg0, %add3A_1968, %dma_start3A_1972] : memref<2x320000x128xf32, #tpu.memory_space<hbm>> -> memref<1x40x128xf32, #tpu.memory_space<hbm>>
    %dma_start3A_1974 = tpu.memref_squeeze %dma_start3A_1973 : memref<1x40x128xf32, #tpu.memory_space<hbm>> -> memref<40x128xf32, #tpu.memory_space<hbm>>
    tpu.enqueue_dma source(%dma_start3A_1974 : memref<40x128xf32, #tpu.memory_space<hbm>>) target(%arg16 : memref<40x128xf32, #tpu.memory_space<vmem>>) target_semaphore(%arg24 : memref<!tpu.dma_semaphore, #tpu.memory_space<semaphore_mem>>)
    %add3A_1975 = arith.constant 80 : i32
    %add3A_1976 = arith.addi %mul3A_1922, %add3A_1975 : i32
    %add3A_1977 = arith.constant 40 : i32
    %add3A_1978 = arith.addi %add3A_1976, %add3A_1977 : i32
    %dma_start3A_1979 = arith.constant 0 : i32
    %dma_start3A_1980 = tpu.memref_slice %arg2[%arg0, %add3A_1978, %dma_start3A_1979] : memref<2x320000x128xf32, #tpu.memory_space<hbm>> -> memref<1x40x128xf32, #tpu.memory_space<hbm>>
    %dma_start3A_1981 = tpu.memref_squeeze %dma_start3A_1980 : memref<1x40x128xf32, #tpu.memory_space<hbm>> -> memref<40x128xf32, #tpu.memory_space<hbm>>
    %dma_start3A_1982 = arith.constant 0 : i32
    %dma_start3A_1983 = tpu.memref_slice %arg2[%arg0, %add3A_1978, %dma_start3A_1982] : memref<2x320000x128xf32, #tpu.memory_space<hbm>> -> memref<1x40x128xf32, #tpu.memory_space<hbm>>
    %dma_start3A_1984 = tpu.memref_squeeze %dma_start3A_1983 : memref<1x40x128xf32, #tpu.memory_space<hbm>> -> memref<40x128xf32, #tpu.memory_space<hbm>>
    tpu.enqueue_dma source(%dma_start3A_1984 : memref<40x128xf32, #tpu.memory_space<hbm>>) target(%arg17 : memref<40x128xf32, #tpu.memory_space<vmem>>) target_semaphore(%arg24 : memref<!tpu.dma_semaphore, #tpu.memory_space<semaphore_mem>>)
    %add3A_1985 = arith.constant 160 : i32
    %add3A_1986 = arith.addi %mul3A_1922, %add3A_1985 : i32
    %add3A_1987 = arith.constant 0 : i32
    %add3A_1988 = arith.addi %add3A_1986, %add3A_1987 : i32
    %dma_start3A_1989 = tpu.memref_slice %arg3[%add3A_1988] : memref<320000xi32, #tpu.memory_space<hbm>> -> memref<40xi32, #tpu.memory_space<hbm>>
    %dma_start3A_1990 = tpu.memref_slice %arg3[%add3A_1988] : memref<320000xi32, #tpu.memory_space<hbm>> -> memref<40xi32, #tpu.memory_space<hbm>>
    tpu.enqueue_dma source(%dma_start3A_1990 : memref<40xi32, #tpu.memory_space<hbm>>) target(%arg10 : memref<40xi32, #tpu.memory_space<vmem>>) target_semaphore(%arg23 : memref<!tpu.dma_semaphore, #tpu.memory_space<semaphore_mem>>)
    %add3A_1991 = arith.constant 160 : i32
    %add3A_1992 = arith.addi %mul3A_1922, %add3A_1991 : i32
    %add3A_1993 = arith.constant 40 : i32
    %add3A_1994 = arith.addi %add3A_1992, %add3A_1993 : i32
    %dma_start3A_1995 = tpu.memref_slice %arg3[%add3A_1994] : memref<320000xi32, #tpu.memory_space<hbm>> -> memref<40xi32, #tpu.memory_space<hbm>>
    %dma_start3A_1996 = tpu.memref_slice %arg3[%add3A_1994] : memref<320000xi32, #tpu.memory_space<hbm>> -> memref<40xi32, #tpu.memory_space<hbm>>
    tpu.enqueue_dma source(%dma_start3A_1996 : memref<40xi32, #tpu.memory_space<hbm>>) target(%arg11 : memref<40xi32, #tpu.memory_space<vmem>>) target_semaphore(%arg23 : memref<!tpu.dma_semaphore, #tpu.memory_space<semaphore_mem>>)
    %add3A_1997 = arith.constant 160 : i32
    %add3A_1998 = arith.addi %mul3A_1922, %add3A_1997 : i32
    %add3A_1999 = arith.constant 0 : i32
    %add3A_2000 = arith.addi %add3A_1998, %add3A_1999 : i32
    %dma_start3A_2001 = arith.constant 0 : i32
    %dma_start3A_2002 = tpu.memref_slice %arg2[%arg0, %add3A_2000, %dma_start3A_2001] : memref<2x320000x128xf32, #tpu.memory_space<hbm>> -> memref<1x40x128xf32, #tpu.memory_space<hbm>>
    %dma_start3A_2003 = tpu.memref_squeeze %dma_start3A_2002 : memref<1x40x128xf32, #tpu.memory_space<hbm>> -> memref<40x128xf32, #tpu.memory_space<hbm>>
    %dma_start3A_2004 = arith.constant 0 : i32
    %dma_start3A_2005 = tpu.memref_slice %arg2[%arg0, %add3A_2000, %dma_start3A_2004] : memref<2x320000x128xf32, #tpu.memory_space<hbm>> -> memref<1x40x128xf32, #tpu.memory_space<hbm>>
    %dma_start3A_2006 = tpu.memref_squeeze %dma_start3A_2005 : memref<1x40x128xf32, #tpu.memory_space<hbm>> -> memref<40x128xf32, #tpu.memory_space<hbm>>
    tpu.enqueue_dma source(%dma_start3A_2006 : memref<40x128xf32, #tpu.memory_space<hbm>>) target(%arg18 : memref<40x128xf32, #tpu.memory_space<vmem>>) target_semaphore(%arg24 : memref<!tpu.dma_semaphore, #tpu.memory_space<semaphore_mem>>)
    %add3A_2007 = arith.constant 160 : i32
    %add3A_2008 = arith.addi %mul3A_1922, %add3A_2007 : i32
    %add3A_2009 = arith.constant 40 : i32
    %add3A_2010 = arith.addi %add3A_2008, %add3A_2009 : i32
    %dma_start3A_2011 = arith.constant 0 : i32
    %dma_start3A_2012 = tpu.memref_slice %arg2[%arg0, %add3A_2010, %dma_start3A_2011] : memref<2x320000x128xf32, #tpu.memory_space<hbm>> -> memref<1x40x128xf32, #tpu.memory_space<hbm>>
    %dma_start3A_2013 = tpu.memref_squeeze %dma_start3A_2012 : memref<1x40x128xf32, #tpu.memory_space<hbm>> -> memref<40x128xf32, #tpu.memory_space<hbm>>
    %dma_start3A_2014 = arith.constant 0 : i32
    %dma_start3A_2015 = tpu.memref_slice %arg2[%arg0, %add3A_2010, %dma_start3A_2014] : memref<2x320000x128xf32, #tpu.memory_space<hbm>> -> memref<1x40x128xf32, #tpu.memory_space<hbm>>
    %dma_start3A_2016 = tpu.memref_squeeze %dma_start3A_2015 : memref<1x40x128xf32, #tpu.memory_space<hbm>> -> memref<40x128xf32, #tpu.memory_space<hbm>>
    tpu.enqueue_dma source(%dma_start3A_2016 : memref<40x128xf32, #tpu.memory_space<hbm>>) target(%arg19 : memref<40x128xf32, #tpu.memory_space<vmem>>) target_semaphore(%arg24 : memref<!tpu.dma_semaphore, #tpu.memory_space<semaphore_mem>>)
    %add3A_2017 = arith.constant 240 : i32
    %add3A_2018 = arith.addi %mul3A_1922, %add3A_2017 : i32
    %add3A_2019 = arith.constant 0 : i32
    %add3A_2020 = arith.addi %add3A_2018, %add3A_2019 : i32
    %dma_start3A_2021 = tpu.memref_slice %arg3[%add3A_2020] : memref<320000xi32, #tpu.memory_space<hbm>> -> memref<40xi32, #tpu.memory_space<hbm>>
    %dma_start3A_2022 = tpu.memref_slice %arg3[%add3A_2020] : memref<320000xi32, #tpu.memory_space<hbm>> -> memref<40xi32, #tpu.memory_space<hbm>>
    tpu.enqueue_dma source(%dma_start3A_2022 : memref<40xi32, #tpu.memory_space<hbm>>) target(%arg12 : memref<40xi32, #tpu.memory_space<vmem>>) target_semaphore(%arg23 : memref<!tpu.dma_semaphore, #tpu.memory_space<semaphore_mem>>)
    %add3A_2023 = arith.constant 240 : i32
    %add3A_2024 = arith.addi %mul3A_1922, %add3A_2023 : i32
    %add3A_2025 = arith.constant 40 : i32
    %add3A_2026 = arith.addi %add3A_2024, %add3A_2025 : i32
    %dma_start3A_2027 = tpu.memref_slice %arg3[%add3A_2026] : memref<320000xi32, #tpu.memory_space<hbm>> -> memref<40xi32, #tpu.memory_space<hbm>>
    %dma_start3A_2028 = tpu.memref_slice %arg3[%add3A_2026] : memref<320000xi32, #tpu.memory_space<hbm>> -> memref<40xi32, #tpu.memory_space<hbm>>
    tpu.enqueue_dma source(%dma_start3A_2028 : memref<40xi32, #tpu.memory_space<hbm>>) target(%arg13 : memref<40xi32, #tpu.memory_space<vmem>>) target_semaphore(%arg23 : memref<!tpu.dma_semaphore, #tpu.memory_space<semaphore_mem>>)
    %add3A_2029 = arith.constant 240 : i32
    %add3A_2030 = arith.addi %mul3A_1922, %add3A_2029 : i32
    %add3A_2031 = arith.constant 0 : i32
    %add3A_2032 = arith.addi %add3A_2030, %add3A_2031 : i32
    %dma_start3A_2033 = arith.constant 0 : i32
    %dma_start3A_2034 = tpu.memref_slice %arg2[%arg0, %add3A_2032, %dma_start3A_2033] : memref<2x320000x128xf32, #tpu.memory_space<hbm>> -> memref<1x40x128xf32, #tpu.memory_space<hbm>>
    %dma_start3A_2035 = tpu.memref_squeeze %dma_start3A_2034 : memref<1x40x128xf32, #tpu.memory_space<hbm>> -> memref<40x128xf32, #tpu.memory_space<hbm>>
    %dma_start3A_2036 = arith.constant 0 : i32
    %dma_start3A_2037 = tpu.memref_slice %arg2[%arg0, %add3A_2032, %dma_start3A_2036] : memref<2x320000x128xf32, #tpu.memory_space<hbm>> -> memref<1x40x128xf32, #tpu.memory_space<hbm>>
    %dma_start3A_2038 = tpu.memref_squeeze %dma_start3A_2037 : memref<1x40x128xf32, #tpu.memory_space<hbm>> -> memref<40x128xf32, #tpu.memory_space<hbm>>
    tpu.enqueue_dma source(%dma_start3A_2038 : memref<40x128xf32, #tpu.memory_space<hbm>>) target(%arg20 : memref<40x128xf32, #tpu.memory_space<vmem>>) target_semaphore(%arg24 : memref<!tpu.dma_semaphore, #tpu.memory_space<semaphore_mem>>)
    %add3A_2039 = arith.constant 240 : i32
    %add3A_2040 = arith.addi %mul3A_1922, %add3A_2039 : i32
    %add3A_2041 = arith.constant 40 : i32
    %add3A_2042 = arith.addi %add3A_2040, %add3A_2041 : i32
    %dma_start3A_2043 = arith.constant 0 : i32
    %dma_start3A_2044 = tpu.memref_slice %arg2[%arg0, %add3A_2042, %dma_start3A_2043] : memref<2x320000x128xf32, #tpu.memory_space<hbm>> -> memref<1x40x128xf32, #tpu.memory_space<hbm>>
    %dma_start3A_2045 = tpu.memref_squeeze %dma_start3A_2044 : memref<1x40x128xf32, #tpu.memory_space<hbm>> -> memref<40x128xf32, #tpu.memory_space<hbm>>
    %dma_start3A_2046 = arith.constant 0 : i32
    %dma_start3A_2047 = tpu.memref_slice %arg2[%arg0, %add3A_2042, %dma_start3A_2046] : memref<2x320000x128xf32, #tpu.memory_space<hbm>> -> memref<1x40x128xf32, #tpu.memory_space<hbm>>
    %dma_start3A_2048 = tpu.memref_squeeze %dma_start3A_2047 : memref<1x40x128xf32, #tpu.memory_space<hbm>> -> memref<40x128xf32, #tpu.memory_space<hbm>>
    tpu.enqueue_dma source(%dma_start3A_2048 : memref<40x128xf32, #tpu.memory_space<hbm>>) target(%arg21 : memref<40x128xf32, #tpu.memory_space<vmem>>) target_semaphore(%arg24 : memref<!tpu.dma_semaphore, #tpu.memory_space<semaphore_mem>>)
    %scan3A = arith.constant 0 : i32
    %scan3A_2049 = arith.constant 63 : i32
    %scan3A_2050 = arith.addi %scan3A, %scan3A_2049 : i32
    %scan3A_2051 = arith.constant 1 : i32
    scf.for %scan3A_2082 = %scan3A to %scan3A_2050 step %scan3A_2051  : i32 {
      %mul3A_2083 = arith.constant 4 : i32
      %mul3A_2084 = arith.muli %scan3A_2082, %mul3A_2083 : i32
      %add3A_2085 = arith.constant 0 : i32
      %add3A_2086 = arith.addi %add3A_2085, %mul3A_2084 : i32
      %add3A_2087 = arith.constant 0 : i32
      %add3A_2088 = arith.addi %add3A_2086, %add3A_2087 : i32
      %lt3A_2089 = arith.constant 250 : i32
      %lt3A_2090 = arith.cmpi slt, %add3A_2088, %lt3A_2089 : i32
      %convert_element_type3A_2091 = arith.extui %lt3A_2090 : i1 to i32
      %cond3A_2092 = arith.constant 0 : i32
      %cond3A_2093 = arith.cmpi ne, %convert_element_type3A_2091, %cond3A_2092 : i32
      scf.if %cond3A_2093 {
        %mul3A_2115 = arith.constant 80 : i32
        %mul3A_2116 = arith.muli %add3A_2088, %mul3A_2115 : i32
        %add3A_2117 = arith.addi %mul3A_1922, %mul3A_2116 : i32
        %add3A_2118 = arith.constant 0 : i32
        %add3A_2119 = arith.addi %add3A_2117, %add3A_2118 : i32
        %dma_wait3A_2120 = arith.constant 0 : i32
        %dma_wait3A_2121 = tpu.memref_slice %arg2[%arg0, %add3A_2119, %dma_wait3A_2120] : memref<2x320000x128xf32, #tpu.memory_space<hbm>> -> memref<1x40x128xf32, #tpu.memory_space<hbm>>
        %dma_wait3A_2122 = tpu.memref_squeeze %dma_wait3A_2121 : memref<1x40x128xf32, #tpu.memory_space<hbm>> -> memref<40x128xf32, #tpu.memory_space<hbm>>
        %dma_wait3A_2123 = arith.constant 0 : i32
        %dma_wait3A_2124 = tpu.memref_slice %arg2[%arg0, %add3A_2119, %dma_wait3A_2123] : memref<2x320000x128xf32, #tpu.memory_space<hbm>> -> memref<1x40x128xf32, #tpu.memory_space<hbm>>
        %dma_wait3A_2125 = tpu.memref_squeeze %dma_wait3A_2124 : memref<1x40x128xf32, #tpu.memory_space<hbm>> -> memref<40x128xf32, #tpu.memory_space<hbm>>
        tpu.wait_dma2 semaphore(%arg24 : memref<!tpu.dma_semaphore, #tpu.memory_space<semaphore_mem>>) src(%dma_wait3A_2125 : memref<40x128xf32, #tpu.memory_space<hbm>>) dst(%arg14 : memref<40x128xf32, #tpu.memory_space<vmem>>)
        %mul3A_2126 = arith.constant 80 : i32
        %mul3A_2127 = arith.muli %add3A_2088, %mul3A_2126 : i32
        %add3A_2128 = arith.addi %mul3A_1922, %mul3A_2127 : i32
        %add3A_2129 = arith.constant 0 : i32
        %add3A_2130 = arith.addi %add3A_2128, %add3A_2129 : i32
        %dma_wait3A_2131 = tpu.memref_slice %arg3[%add3A_2130] : memref<320000xi32, #tpu.memory_space<hbm>> -> memref<40xi32, #tpu.memory_space<hbm>>
        %dma_wait3A_2132 = tpu.memref_slice %arg3[%add3A_2130] : memref<320000xi32, #tpu.memory_space<hbm>> -> memref<40xi32, #tpu.memory_space<hbm>>
        tpu.wait_dma2 semaphore(%arg23 : memref<!tpu.dma_semaphore, #tpu.memory_space<semaphore_mem>>) src(%dma_wait3A_2132 : memref<40xi32, #tpu.memory_space<hbm>>) dst(%arg6 : memref<40xi32, #tpu.memory_space<vmem>>)
        %dma_start3A_2133 = arith.constant 0 : i32
        %dma_start3A_2134 = arith.constant 0 : i32
        %dma_start3A_2135 = tpu.memref_slice %arg5[%dma_start3A_2133, %dma_start3A_2134] : memref<10000x128xf32, #tpu.memory_space<vmem_shared>> -> memref<10000x128xf32, #tpu.memory_space<vmem_shared>>
        tpu.enqueue_indirect_dma source(%arg14 : memref<40x128xf32, #tpu.memory_space<vmem>>) target(%dma_start3A_2135 : memref<10000x128xf32, #tpu.memory_space<vmem_shared>>) offsets(%arg6 : memref<40xi32, #tpu.memory_space<vmem>>) semaphore(%arg25 : memref<!tpu.dma_semaphore, #tpu.memory_space<semaphore_mem>>) {add = true}
        %mul3A_2136 = arith.constant 80 : i32
        %mul3A_2137 = arith.muli %add3A_2088, %mul3A_2136 : i32
        %add3A_2138 = arith.addi %mul3A_1922, %mul3A_2137 : i32
        %add3A_2139 = arith.constant 40 : i32
        %add3A_2140 = arith.addi %add3A_2138, %add3A_2139 : i32
        %dma_wait3A_2141 = arith.constant 0 : i32
        %dma_wait3A_2142 = tpu.memref_slice %arg2[%arg0, %add3A_2140, %dma_wait3A_2141] : memref<2x320000x128xf32, #tpu.memory_space<hbm>> -> memref<1x40x128xf32, #tpu.memory_space<hbm>>
        %dma_wait3A_2143 = tpu.memref_squeeze %dma_wait3A_2142 : memref<1x40x128xf32, #tpu.memory_space<hbm>> -> memref<40x128xf32, #tpu.memory_space<hbm>>
        %dma_wait3A_2144 = arith.constant 0 : i32
        %dma_wait3A_2145 = tpu.memref_slice %arg2[%arg0, %add3A_2140, %dma_wait3A_2144] : memref<2x320000x128xf32, #tpu.memory_space<hbm>> -> memref<1x40x128xf32, #tpu.memory_space<hbm>>
        %dma_wait3A_2146 = tpu.memref_squeeze %dma_wait3A_2145 : memref<1x40x128xf32, #tpu.memory_space<hbm>> -> memref<40x128xf32, #tpu.memory_space<hbm>>
        tpu.wait_dma2 semaphore(%arg24 : memref<!tpu.dma_semaphore, #tpu.memory_space<semaphore_mem>>) src(%dma_wait3A_2146 : memref<40x128xf32, #tpu.memory_space<hbm>>) dst(%arg15 : memref<40x128xf32, #tpu.memory_space<vmem>>)
        %mul3A_2147 = arith.constant 80 : i32
        %mul3A_2148 = arith.muli %add3A_2088, %mul3A_2147 : i32
        %add3A_2149 = arith.addi %mul3A_1922, %mul3A_2148 : i32
        %add3A_2150 = arith.constant 40 : i32
        %add3A_2151 = arith.addi %add3A_2149, %add3A_2150 : i32
        %dma_wait3A_2152 = tpu.memref_slice %arg3[%add3A_2151] : memref<320000xi32, #tpu.memory_space<hbm>> -> memref<40xi32, #tpu.memory_space<hbm>>
        %dma_wait3A_2153 = tpu.memref_slice %arg3[%add3A_2151] : memref<320000xi32, #tpu.memory_space<hbm>> -> memref<40xi32, #tpu.memory_space<hbm>>
        tpu.wait_dma2 semaphore(%arg23 : memref<!tpu.dma_semaphore, #tpu.memory_space<semaphore_mem>>) src(%dma_wait3A_2153 : memref<40xi32, #tpu.memory_space<hbm>>) dst(%arg7 : memref<40xi32, #tpu.memory_space<vmem>>)
        %dma_start3A_2154 = arith.constant 0 : i32
        %dma_start3A_2155 = arith.constant 0 : i32
        %dma_start3A_2156 = tpu.memref_slice %arg5[%dma_start3A_2154, %dma_start3A_2155] : memref<10000x128xf32, #tpu.memory_space<vmem_shared>> -> memref<10000x128xf32, #tpu.memory_space<vmem_shared>>
        tpu.enqueue_indirect_dma source(%arg15 : memref<40x128xf32, #tpu.memory_space<vmem>>) target(%dma_start3A_2156 : memref<10000x128xf32, #tpu.memory_space<vmem_shared>>) offsets(%arg7 : memref<40xi32, #tpu.memory_space<vmem>>) semaphore(%arg25 : memref<!tpu.dma_semaphore, #tpu.memory_space<semaphore_mem>>) {add = true}
        %add3A_2157 = arith.constant 4 : i32
        %add3A_2158 = arith.addi %add3A_2088, %add3A_2157 : i32
        %lt3A_2159 = arith.constant 250 : i32
        %lt3A_2160 = arith.cmpi slt, %add3A_2158, %lt3A_2159 : i32
        %convert_element_type3A_2161 = arith.extui %lt3A_2160 : i1 to i32
        %cond3A_2162 = arith.constant 0 : i32
        %cond3A_2163 = arith.cmpi ne, %convert_element_type3A_2161, %cond3A_2162 : i32
        scf.if %cond3A_2163 {
          %dma_wait3A_2164 = arith.constant 0 : i32
          %dma_wait3A_2165 = arith.constant 0 : i32
          %dma_wait3A_2166 = tpu.memref_slice %arg5[%dma_wait3A_2164, %dma_wait3A_2165] : memref<10000x128xf32, #tpu.memory_space<vmem_shared>> -> memref<10000x128xf32, #tpu.memory_space<vmem_shared>>
          tpu.wait_indirect_dma semaphore(%arg25 : memref<!tpu.dma_semaphore, #tpu.memory_space<semaphore_mem>>) src(%arg14 : memref<40x128xf32, #tpu.memory_space<vmem>>) dst(%dma_wait3A_2166 : memref<10000x128xf32, #tpu.memory_space<vmem_shared>>)
          %dma_wait3A_2167 = arith.constant 0 : i32
          %dma_wait3A_2168 = arith.constant 0 : i32
          %dma_wait3A_2169 = tpu.memref_slice %arg5[%dma_wait3A_2167, %dma_wait3A_2168] : memref<10000x128xf32, #tpu.memory_space<vmem_shared>> -> memref<10000x128xf32, #tpu.memory_space<vmem_shared>>
          tpu.wait_indirect_dma semaphore(%arg25 : memref<!tpu.dma_semaphore, #tpu.memory_space<semaphore_mem>>) src(%arg15 : memref<40x128xf32, #tpu.memory_space<vmem>>) dst(%dma_wait3A_2169 : memref<10000x128xf32, #tpu.memory_space<vmem_shared>>)
          %add3A_2170 = arith.constant 4 : i32
          %add3A_2171 = arith.addi %add3A_2088, %add3A_2170 : i32
          %mul3A_2172 = arith.constant 80 : i32
          %mul3A_2173 = arith.muli %add3A_2171, %mul3A_2172 : i32
          %add3A_2174 = arith.addi %mul3A_1922, %mul3A_2173 : i32
          %add3A_2175 = arith.constant 0 : i32
          %add3A_2176 = arith.addi %add3A_2174, %add3A_2175 : i32
          %dma_start3A_2177 = tpu.memref_slice %arg3[%add3A_2176] : memref<320000xi32, #tpu.memory_space<hbm>> -> memref<40xi32, #tpu.memory_space<hbm>>
          %dma_start3A_2178 = tpu.memref_slice %arg3[%add3A_2176] : memref<320000xi32, #tpu.memory_space<hbm>> -> memref<40xi32, #tpu.memory_space<hbm>>
          tpu.enqueue_dma source(%dma_start3A_2178 : memref<40xi32, #tpu.memory_space<hbm>>) target(%arg6 : memref<40xi32, #tpu.memory_space<vmem>>) target_semaphore(%arg23 : memref<!tpu.dma_semaphore, #tpu.memory_space<semaphore_mem>>)
          %mul3A_2179 = arith.constant 80 : i32
          %mul3A_2180 = arith.muli %add3A_2171, %mul3A_2179 : i32
          %add3A_2181 = arith.addi %mul3A_1922, %mul3A_2180 : i32
          %add3A_2182 = arith.constant 40 : i32
          %add3A_2183 = arith.addi %add3A_2181, %add3A_2182 : i32
          %dma_start3A_2184 = tpu.memref_slice %arg3[%add3A_2183] : memref<320000xi32, #tpu.memory_space<hbm>> -> memref<40xi32, #tpu.memory_space<hbm>>
          %dma_start3A_2185 = tpu.memref_slice %arg3[%add3A_2183] : memref<320000xi32, #tpu.memory_space<hbm>> -> memref<40xi32, #tpu.memory_space<hbm>>
          tpu.enqueue_dma source(%dma_start3A_2185 : memref<40xi32, #tpu.memory_space<hbm>>) target(%arg7 : memref<40xi32, #tpu.memory_space<vmem>>) target_semaphore(%arg23 : memref<!tpu.dma_semaphore, #tpu.memory_space<semaphore_mem>>)
          %add3A_2186 = arith.constant 4 : i32
          %add3A_2187 = arith.addi %add3A_2088, %add3A_2186 : i32
          %mul3A_2188 = arith.constant 80 : i32
          %mul3A_2189 = arith.muli %add3A_2187, %mul3A_2188 : i32
          %add3A_2190 = arith.addi %mul3A_1922, %mul3A_2189 : i32
          %add3A_2191 = arith.constant 0 : i32
          %add3A_2192 = arith.addi %add3A_2190, %add3A_2191 : i32
          %dma_start3A_2193 = arith.constant 0 : i32
          %dma_start3A_2194 = tpu.memref_slice %arg2[%arg0, %add3A_2192, %dma_start3A_2193] : memref<2x320000x128xf32, #tpu.memory_space<hbm>> -> memref<1x40x128xf32, #tpu.memory_space<hbm>>
          %dma_start3A_2195 = tpu.memref_squeeze %dma_start3A_2194 : memref<1x40x128xf32, #tpu.memory_space<hbm>> -> memref<40x128xf32, #tpu.memory_space<hbm>>
          %dma_start3A_2196 = arith.constant 0 : i32
          %dma_start3A_2197 = tpu.memref_slice %arg2[%arg0, %add3A_2192, %dma_start3A_2196] : memref<2x320000x128xf32, #tpu.memory_space<hbm>> -> memref<1x40x128xf32, #tpu.memory_space<hbm>>
          %dma_start3A_2198 = tpu.memref_squeeze %dma_start3A_2197 : memref<1x40x128xf32, #tpu.memory_space<hbm>> -> memref<40x128xf32, #tpu.memory_space<hbm>>
          tpu.enqueue_dma source(%dma_start3A_2198 : memref<40x128xf32, #tpu.memory_space<hbm>>) target(%arg14 : memref<40x128xf32, #tpu.memory_space<vmem>>) target_semaphore(%arg24 : memref<!tpu.dma_semaphore, #tpu.memory_space<semaphore_mem>>)
          %mul3A_2199 = arith.constant 80 : i32
          %mul3A_2200 = arith.muli %add3A_2187, %mul3A_2199 : i32
          %add3A_2201 = arith.addi %mul3A_1922, %mul3A_2200 : i32
          %add3A_2202 = arith.constant 40 : i32
          %add3A_2203 = arith.addi %add3A_2201, %add3A_2202 : i32
          %dma_start3A_2204 = arith.constant 0 : i32
          %dma_start3A_2205 = tpu.memref_slice %arg2[%arg0, %add3A_2203, %dma_start3A_2204] : memref<2x320000x128xf32, #tpu.memory_space<hbm>> -> memref<1x40x128xf32, #tpu.memory_space<hbm>>
          %dma_start3A_2206 = tpu.memref_squeeze %dma_start3A_2205 : memref<1x40x128xf32, #tpu.memory_space<hbm>> -> memref<40x128xf32, #tpu.memory_space<hbm>>
          %dma_start3A_2207 = arith.constant 0 : i32
          %dma_start3A_2208 = tpu.memref_slice %arg2[%arg0, %add3A_2203, %dma_start3A_2207] : memref<2x320000x128xf32, #tpu.memory_space<hbm>> -> memref<1x40x128xf32, #tpu.memory_space<hbm>>
          %dma_start3A_2209 = tpu.memref_squeeze %dma_start3A_2208 : memref<1x40x128xf32, #tpu.memory_space<hbm>> -> memref<40x128xf32, #tpu.memory_space<hbm>>
          tpu.enqueue_dma source(%dma_start3A_2209 : memref<40x128xf32, #tpu.memory_space<hbm>>) target(%arg15 : memref<40x128xf32, #tpu.memory_space<vmem>>) target_semaphore(%arg24 : memref<!tpu.dma_semaphore, #tpu.memory_space<semaphore_mem>>)
        } else {
        }
      } else {
      }
      %add3A_2094 = arith.constant 1 : i32
      %add3A_2095 = arith.addi %add3A_2086, %add3A_2094 : i32
      %lt3A_2096 = arith.constant 250 : i32
      %lt3A_2097 = arith.cmpi slt, %add3A_2095, %lt3A_2096 : i32
      %convert_element_type3A_2098 = arith.extui %lt3A_2097 : i1 to i32
      %cond3A_2099 = arith.constant 0 : i32
      %cond3A_2100 = arith.cmpi ne, %convert_element_type3A_2098, %cond3A_2099 : i32
      scf.if %cond3A_2100 {
        %mul3A_2115 = arith.constant 80 : i32
        %mul3A_2116 = arith.muli %add3A_2095, %mul3A_2115 : i32
        %add3A_2117 = arith.addi %mul3A_1922, %mul3A_2116 : i32
        %add3A_2118 = arith.constant 0 : i32
        %add3A_2119 = arith.addi %add3A_2117, %add3A_2118 : i32
        %dma_wait3A_2120 = arith.constant 0 : i32
        %dma_wait3A_2121 = tpu.memref_slice %arg2[%arg0, %add3A_2119, %dma_wait3A_2120] : memref<2x320000x128xf32, #tpu.memory_space<hbm>> -> memref<1x40x128xf32, #tpu.memory_space<hbm>>
        %dma_wait3A_2122 = tpu.memref_squeeze %dma_wait3A_2121 : memref<1x40x128xf32, #tpu.memory_space<hbm>> -> memref<40x128xf32, #tpu.memory_space<hbm>>
        %dma_wait3A_2123 = arith.constant 0 : i32
        %dma_wait3A_2124 = tpu.memref_slice %arg2[%arg0, %add3A_2119, %dma_wait3A_2123] : memref<2x320000x128xf32, #tpu.memory_space<hbm>> -> memref<1x40x128xf32, #tpu.memory_space<hbm>>
        %dma_wait3A_2125 = tpu.memref_squeeze %dma_wait3A_2124 : memref<1x40x128xf32, #tpu.memory_space<hbm>> -> memref<40x128xf32, #tpu.memory_space<hbm>>
        tpu.wait_dma2 semaphore(%arg24 : memref<!tpu.dma_semaphore, #tpu.memory_space<semaphore_mem>>) src(%dma_wait3A_2125 : memref<40x128xf32, #tpu.memory_space<hbm>>) dst(%arg16 : memref<40x128xf32, #tpu.memory_space<vmem>>)
        %mul3A_2126 = arith.constant 80 : i32
        %mul3A_2127 = arith.muli %add3A_2095, %mul3A_2126 : i32
        %add3A_2128 = arith.addi %mul3A_1922, %mul3A_2127 : i32
        %add3A_2129 = arith.constant 0 : i32
        %add3A_2130 = arith.addi %add3A_2128, %add3A_2129 : i32
        %dma_wait3A_2131 = tpu.memref_slice %arg3[%add3A_2130] : memref<320000xi32, #tpu.memory_space<hbm>> -> memref<40xi32, #tpu.memory_space<hbm>>
        %dma_wait3A_2132 = tpu.memref_slice %arg3[%add3A_2130] : memref<320000xi32, #tpu.memory_space<hbm>> -> memref<40xi32, #tpu.memory_space<hbm>>
        tpu.wait_dma2 semaphore(%arg23 : memref<!tpu.dma_semaphore, #tpu.memory_space<semaphore_mem>>) src(%dma_wait3A_2132 : memref<40xi32, #tpu.memory_space<hbm>>) dst(%arg8 : memref<40xi32, #tpu.memory_space<vmem>>)
        %dma_start3A_2133 = arith.constant 0 : i32
        %dma_start3A_2134 = arith.constant 0 : i32
        %dma_start3A_2135 = tpu.memref_slice %arg5[%dma_start3A_2133, %dma_start3A_2134] : memref<10000x128xf32, #tpu.memory_space<vmem_shared>> -> memref<10000x128xf32, #tpu.memory_space<vmem_shared>>
        tpu.enqueue_indirect_dma source(%arg16 : memref<40x128xf32, #tpu.memory_space<vmem>>) target(%dma_start3A_2135 : memref<10000x128xf32, #tpu.memory_space<vmem_shared>>) offsets(%arg8 : memref<40xi32, #tpu.memory_space<vmem>>) semaphore(%arg25 : memref<!tpu.dma_semaphore, #tpu.memory_space<semaphore_mem>>) {add = true}
        %mul3A_2136 = arith.constant 80 : i32
        %mul3A_2137 = arith.muli %add3A_2095, %mul3A_2136 : i32
        %add3A_2138 = arith.addi %mul3A_1922, %mul3A_2137 : i32
        %add3A_2139 = arith.constant 40 : i32
        %add3A_2140 = arith.addi %add3A_2138, %add3A_2139 : i32
        %dma_wait3A_2141 = arith.constant 0 : i32
        %dma_wait3A_2142 = tpu.memref_slice %arg2[%arg0, %add3A_2140, %dma_wait3A_2141] : memref<2x320000x128xf32, #tpu.memory_space<hbm>> -> memref<1x40x128xf32, #tpu.memory_space<hbm>>
        %dma_wait3A_2143 = tpu.memref_squeeze %dma_wait3A_2142 : memref<1x40x128xf32, #tpu.memory_space<hbm>> -> memref<40x128xf32, #tpu.memory_space<hbm>>
        %dma_wait3A_2144 = arith.constant 0 : i32
        %dma_wait3A_2145 = tpu.memref_slice %arg2[%arg0, %add3A_2140, %dma_wait3A_2144] : memref<2x320000x128xf32, #tpu.memory_space<hbm>> -> memref<1x40x128xf32, #tpu.memory_space<hbm>>
        %dma_wait3A_2146 = tpu.memref_squeeze %dma_wait3A_2145 : memref<1x40x128xf32, #tpu.memory_space<hbm>> -> memref<40x128xf32, #tpu.memory_space<hbm>>
        tpu.wait_dma2 semaphore(%arg24 : memref<!tpu.dma_semaphore, #tpu.memory_space<semaphore_mem>>) src(%dma_wait3A_2146 : memref<40x128xf32, #tpu.memory_space<hbm>>) dst(%arg17 : memref<40x128xf32, #tpu.memory_space<vmem>>)
        %mul3A_2147 = arith.constant 80 : i32
        %mul3A_2148 = arith.muli %add3A_2095, %mul3A_2147 : i32
        %add3A_2149 = arith.addi %mul3A_1922, %mul3A_2148 : i32
        %add3A_2150 = arith.constant 40 : i32
        %add3A_2151 = arith.addi %add3A_2149, %add3A_2150 : i32
        %dma_wait3A_2152 = tpu.memref_slice %arg3[%add3A_2151] : memref<320000xi32, #tpu.memory_space<hbm>> -> memref<40xi32, #tpu.memory_space<hbm>>
        %dma_wait3A_2153 = tpu.memref_slice %arg3[%add3A_2151] : memref<320000xi32, #tpu.memory_space<hbm>> -> memref<40xi32, #tpu.memory_space<hbm>>
        tpu.wait_dma2 semaphore(%arg23 : memref<!tpu.dma_semaphore, #tpu.memory_space<semaphore_mem>>) src(%dma_wait3A_2153 : memref<40xi32, #tpu.memory_space<hbm>>) dst(%arg9 : memref<40xi32, #tpu.memory_space<vmem>>)
        %dma_start3A_2154 = arith.constant 0 : i32
        %dma_start3A_2155 = arith.constant 0 : i32
        %dma_start3A_2156 = tpu.memref_slice %arg5[%dma_start3A_2154, %dma_start3A_2155] : memref<10000x128xf32, #tpu.memory_space<vmem_shared>> -> memref<10000x128xf32, #tpu.memory_space<vmem_shared>>
        tpu.enqueue_indirect_dma source(%arg17 : memref<40x128xf32, #tpu.memory_space<vmem>>) target(%dma_start3A_2156 : memref<10000x128xf32, #tpu.memory_space<vmem_shared>>) offsets(%arg9 : memref<40xi32, #tpu.memory_space<vmem>>) semaphore(%arg25 : memref<!tpu.dma_semaphore, #tpu.memory_space<semaphore_mem>>) {add = true}
        %add3A_2157 = arith.constant 4 : i32
        %add3A_2158 = arith.addi %add3A_2095, %add3A_2157 : i32
        %lt3A_2159 = arith.constant 250 : i32
        %lt3A_2160 = arith.cmpi slt, %add3A_2158, %lt3A_2159 : i32
        %convert_element_type3A_2161 = arith.extui %lt3A_2160 : i1 to i32
        %cond3A_2162 = arith.constant 0 : i32
        %cond3A_2163 = arith.cmpi ne, %convert_element_type3A_2161, %cond3A_2162 : i32
        scf.if %cond3A_2163 {
          %dma_wait3A_2164 = arith.constant 0 : i32
          %dma_wait3A_2165 = arith.constant 0 : i32
          %dma_wait3A_2166 = tpu.memref_slice %arg5[%dma_wait3A_2164, %dma_wait3A_2165] : memref<10000x128xf32, #tpu.memory_space<vmem_shared>> -> memref<10000x128xf32, #tpu.memory_space<vmem_shared>>
          tpu.wait_indirect_dma semaphore(%arg25 : memref<!tpu.dma_semaphore, #tpu.memory_space<semaphore_mem>>) src(%arg16 : memref<40x128xf32, #tpu.memory_space<vmem>>) dst(%dma_wait3A_2166 : memref<10000x128xf32, #tpu.memory_space<vmem_shared>>)
          %dma_wait3A_2167 = arith.constant 0 : i32
          %dma_wait3A_2168 = arith.constant 0 : i32
          %dma_wait3A_2169 = tpu.memref_slice %arg5[%dma_wait3A_2167, %dma_wait3A_2168] : memref<10000x128xf32, #tpu.memory_space<vmem_shared>> -> memref<10000x128xf32, #tpu.memory_space<vmem_shared>>
          tpu.wait_indirect_dma semaphore(%arg25 : memref<!tpu.dma_semaphore, #tpu.memory_space<semaphore_mem>>) src(%arg17 : memref<40x128xf32, #tpu.memory_space<vmem>>) dst(%dma_wait3A_2169 : memref<10000x128xf32, #tpu.memory_space<vmem_shared>>)
          %add3A_2170 = arith.constant 4 : i32
          %add3A_2171 = arith.addi %add3A_2095, %add3A_2170 : i32
          %mul3A_2172 = arith.constant 80 : i32
          %mul3A_2173 = arith.muli %add3A_2171, %mul3A_2172 : i32
          %add3A_2174 = arith.addi %mul3A_1922, %mul3A_2173 : i32
          %add3A_2175 = arith.constant 0 : i32
          %add3A_2176 = arith.addi %add3A_2174, %add3A_2175 : i32
          %dma_start3A_2177 = tpu.memref_slice %arg3[%add3A_2176] : memref<320000xi32, #tpu.memory_space<hbm>> -> memref<40xi32, #tpu.memory_space<hbm>>
          %dma_start3A_2178 = tpu.memref_slice %arg3[%add3A_2176] : memref<320000xi32, #tpu.memory_space<hbm>> -> memref<40xi32, #tpu.memory_space<hbm>>
          tpu.enqueue_dma source(%dma_start3A_2178 : memref<40xi32, #tpu.memory_space<hbm>>) target(%arg8 : memref<40xi32, #tpu.memory_space<vmem>>) target_semaphore(%arg23 : memref<!tpu.dma_semaphore, #tpu.memory_space<semaphore_mem>>)
          %mul3A_2179 = arith.constant 80 : i32
          %mul3A_2180 = arith.muli %add3A_2171, %mul3A_2179 : i32
          %add3A_2181 = arith.addi %mul3A_1922, %mul3A_2180 : i32
          %add3A_2182 = arith.constant 40 : i32
          %add3A_2183 = arith.addi %add3A_2181, %add3A_2182 : i32
          %dma_start3A_2184 = tpu.memref_slice %arg3[%add3A_2183] : memref<320000xi32, #tpu.memory_space<hbm>> -> memref<40xi32, #tpu.memory_space<hbm>>
          %dma_start3A_2185 = tpu.memref_slice %arg3[%add3A_2183] : memref<320000xi32, #tpu.memory_space<hbm>> -> memref<40xi32, #tpu.memory_space<hbm>>
          tpu.enqueue_dma source(%dma_start3A_2185 : memref<40xi32, #tpu.memory_space<hbm>>) target(%arg9 : memref<40xi32, #tpu.memory_space<vmem>>) target_semaphore(%arg23 : memref<!tpu.dma_semaphore, #tpu.memory_space<semaphore_mem>>)
          %add3A_2186 = arith.constant 4 : i32
          %add3A_2187 = arith.addi %add3A_2095, %add3A_2186 : i32
          %mul3A_2188 = arith.constant 80 : i32
          %mul3A_2189 = arith.muli %add3A_2187, %mul3A_2188 : i32
          %add3A_2190 = arith.addi %mul3A_1922, %mul3A_2189 : i32
          %add3A_2191 = arith.constant 0 : i32
          %add3A_2192 = arith.addi %add3A_2190, %add3A_2191 : i32
          %dma_start3A_2193 = arith.constant 0 : i32
          %dma_start3A_2194 = tpu.memref_slice %arg2[%arg0, %add3A_2192, %dma_start3A_2193] : memref<2x320000x128xf32, #tpu.memory_space<hbm>> -> memref<1x40x128xf32, #tpu.memory_space<hbm>>
          %dma_start3A_2195 = tpu.memref_squeeze %dma_start3A_2194 : memref<1x40x128xf32, #tpu.memory_space<hbm>> -> memref<40x128xf32, #tpu.memory_space<hbm>>
          %dma_start3A_2196 = arith.constant 0 : i32
          %dma_start3A_2197 = tpu.memref_slice %arg2[%arg0, %add3A_2192, %dma_start3A_2196] : memref<2x320000x128xf32, #tpu.memory_space<hbm>> -> memref<1x40x128xf32, #tpu.memory_space<hbm>>
          %dma_start3A_2198 = tpu.memref_squeeze %dma_start3A_2197 : memref<1x40x128xf32, #tpu.memory_space<hbm>> -> memref<40x128xf32, #tpu.memory_space<hbm>>
          tpu.enqueue_dma source(%dma_start3A_2198 : memref<40x128xf32, #tpu.memory_space<hbm>>) target(%arg16 : memref<40x128xf32, #tpu.memory_space<vmem>>) target_semaphore(%arg24 : memref<!tpu.dma_semaphore, #tpu.memory_space<semaphore_mem>>)
          %mul3A_2199 = arith.constant 80 : i32
          %mul3A_2200 = arith.muli %add3A_2187, %mul3A_2199 : i32
          %add3A_2201 = arith.addi %mul3A_1922, %mul3A_2200 : i32
          %add3A_2202 = arith.constant 40 : i32
          %add3A_2203 = arith.addi %add3A_2201, %add3A_2202 : i32
          %dma_start3A_2204 = arith.constant 0 : i32
          %dma_start3A_2205 = tpu.memref_slice %arg2[%arg0, %add3A_2203, %dma_start3A_2204] : memref<2x320000x128xf32, #tpu.memory_space<hbm>> -> memref<1x40x128xf32, #tpu.memory_space<hbm>>
          %dma_start3A_2206 = tpu.memref_squeeze %dma_start3A_2205 : memref<1x40x128xf32, #tpu.memory_space<hbm>> -> memref<40x128xf32, #tpu.memory_space<hbm>>
          %dma_start3A_2207 = arith.constant 0 : i32
          %dma_start3A_2208 = tpu.memref_slice %arg2[%arg0, %add3A_2203, %dma_start3A_2207] : memref<2x320000x128xf32, #tpu.memory_space<hbm>> -> memref<1x40x128xf32, #tpu.memory_space<hbm>>
          %dma_start3A_2209 = tpu.memref_squeeze %dma_start3A_2208 : memref<1x40x128xf32, #tpu.memory_space<hbm>> -> memref<40x128xf32, #tpu.memory_space<hbm>>
          tpu.enqueue_dma source(%dma_start3A_2209 : memref<40x128xf32, #tpu.memory_space<hbm>>) target(%arg17 : memref<40x128xf32, #tpu.memory_space<vmem>>) target_semaphore(%arg24 : memref<!tpu.dma_semaphore, #tpu.memory_space<semaphore_mem>>)
        } else {
        }
      } else {
      }
      %add3A_2101 = arith.constant 2 : i32
      %add3A_2102 = arith.addi %add3A_2086, %add3A_2101 : i32
      %lt3A_2103 = arith.constant 250 : i32
      %lt3A_2104 = arith.cmpi slt, %add3A_2102, %lt3A_2103 : i32
      %convert_element_type3A_2105 = arith.extui %lt3A_2104 : i1 to i32
      %cond3A_2106 = arith.constant 0 : i32
      %cond3A_2107 = arith.cmpi ne, %convert_element_type3A_2105, %cond3A_2106 : i32
      scf.if %cond3A_2107 {
        %mul3A_2115 = arith.constant 80 : i32
        %mul3A_2116 = arith.muli %add3A_2102, %mul3A_2115 : i32
        %add3A_2117 = arith.addi %mul3A_1922, %mul3A_2116 : i32
        %add3A_2118 = arith.constant 0 : i32
        %add3A_2119 = arith.addi %add3A_2117, %add3A_2118 : i32
        %dma_wait3A_2120 = arith.constant 0 : i32
        %dma_wait3A_2121 = tpu.memref_slice %arg2[%arg0, %add3A_2119, %dma_wait3A_2120] : memref<2x320000x128xf32, #tpu.memory_space<hbm>> -> memref<1x40x128xf32, #tpu.memory_space<hbm>>
        %dma_wait3A_2122 = tpu.memref_squeeze %dma_wait3A_2121 : memref<1x40x128xf32, #tpu.memory_space<hbm>> -> memref<40x128xf32, #tpu.memory_space<hbm>>
        %dma_wait3A_2123 = arith.constant 0 : i32
        %dma_wait3A_2124 = tpu.memref_slice %arg2[%arg0, %add3A_2119, %dma_wait3A_2123] : memref<2x320000x128xf32, #tpu.memory_space<hbm>> -> memref<1x40x128xf32, #tpu.memory_space<hbm>>
        %dma_wait3A_2125 = tpu.memref_squeeze %dma_wait3A_2124 : memref<1x40x128xf32, #tpu.memory_space<hbm>> -> memref<40x128xf32, #tpu.memory_space<hbm>>
        tpu.wait_dma2 semaphore(%arg24 : memref<!tpu.dma_semaphore, #tpu.memory_space<semaphore_mem>>) src(%dma_wait3A_2125 : memref<40x128xf32, #tpu.memory_space<hbm>>) dst(%arg18 : memref<40x128xf32, #tpu.memory_space<vmem>>)
        %mul3A_2126 = arith.constant 80 : i32
        %mul3A_2127 = arith.muli %add3A_2102, %mul3A_2126 : i32
        %add3A_2128 = arith.addi %mul3A_1922, %mul3A_2127 : i32
        %add3A_2129 = arith.constant 0 : i32
        %add3A_2130 = arith.addi %add3A_2128, %add3A_2129 : i32
        %dma_wait3A_2131 = tpu.memref_slice %arg3[%add3A_2130] : memref<320000xi32, #tpu.memory_space<hbm>> -> memref<40xi32, #tpu.memory_space<hbm>>
        %dma_wait3A_2132 = tpu.memref_slice %arg3[%add3A_2130] : memref<320000xi32, #tpu.memory_space<hbm>> -> memref<40xi32, #tpu.memory_space<hbm>>
        tpu.wait_dma2 semaphore(%arg23 : memref<!tpu.dma_semaphore, #tpu.memory_space<semaphore_mem>>) src(%dma_wait3A_2132 : memref<40xi32, #tpu.memory_space<hbm>>) dst(%arg10 : memref<40xi32, #tpu.memory_space<vmem>>)
        %dma_start3A_2133 = arith.constant 0 : i32
        %dma_start3A_2134 = arith.constant 0 : i32
        %dma_start3A_2135 = tpu.memref_slice %arg5[%dma_start3A_2133, %dma_start3A_2134] : memref<10000x128xf32, #tpu.memory_space<vmem_shared>> -> memref<10000x128xf32, #tpu.memory_space<vmem_shared>>
        tpu.enqueue_indirect_dma source(%arg18 : memref<40x128xf32, #tpu.memory_space<vmem>>) target(%dma_start3A_2135 : memref<10000x128xf32, #tpu.memory_space<vmem_shared>>) offsets(%arg10 : memref<40xi32, #tpu.memory_space<vmem>>) semaphore(%arg25 : memref<!tpu.dma_semaphore, #tpu.memory_space<semaphore_mem>>) {add = true}
        %mul3A_2136 = arith.constant 80 : i32
        %mul3A_2137 = arith.muli %add3A_2102, %mul3A_2136 : i32
        %add3A_2138 = arith.addi %mul3A_1922, %mul3A_2137 : i32
        %add3A_2139 = arith.constant 40 : i32
        %add3A_2140 = arith.addi %add3A_2138, %add3A_2139 : i32
        %dma_wait3A_2141 = arith.constant 0 : i32
        %dma_wait3A_2142 = tpu.memref_slice %arg2[%arg0, %add3A_2140, %dma_wait3A_2141] : memref<2x320000x128xf32, #tpu.memory_space<hbm>> -> memref<1x40x128xf32, #tpu.memory_space<hbm>>
        %dma_wait3A_2143 = tpu.memref_squeeze %dma_wait3A_2142 : memref<1x40x128xf32, #tpu.memory_space<hbm>> -> memref<40x128xf32, #tpu.memory_space<hbm>>
        %dma_wait3A_2144 = arith.constant 0 : i32
        %dma_wait3A_2145 = tpu.memref_slice %arg2[%arg0, %add3A_2140, %dma_wait3A_2144] : memref<2x320000x128xf32, #tpu.memory_space<hbm>> -> memref<1x40x128xf32, #tpu.memory_space<hbm>>
        %dma_wait3A_2146 = tpu.memref_squeeze %dma_wait3A_2145 : memref<1x40x128xf32, #tpu.memory_space<hbm>> -> memref<40x128xf32, #tpu.memory_space<hbm>>
        tpu.wait_dma2 semaphore(%arg24 : memref<!tpu.dma_semaphore, #tpu.memory_space<semaphore_mem>>) src(%dma_wait3A_2146 : memref<40x128xf32, #tpu.memory_space<hbm>>) dst(%arg19 : memref<40x128xf32, #tpu.memory_space<vmem>>)
        %mul3A_2147 = arith.constant 80 : i32
        %mul3A_2148 = arith.muli %add3A_2102, %mul3A_2147 : i32
        %add3A_2149 = arith.addi %mul3A_1922, %mul3A_2148 : i32
        %add3A_2150 = arith.constant 40 : i32
        %add3A_2151 = arith.addi %add3A_2149, %add3A_2150 : i32
        %dma_wait3A_2152 = tpu.memref_slice %arg3[%add3A_2151] : memref<320000xi32, #tpu.memory_space<hbm>> -> memref<40xi32, #tpu.memory_space<hbm>>
        %dma_wait3A_2153 = tpu.memref_slice %arg3[%add3A_2151] : memref<320000xi32, #tpu.memory_space<hbm>> -> memref<40xi32, #tpu.memory_space<hbm>>
        tpu.wait_dma2 semaphore(%arg23 : memref<!tpu.dma_semaphore, #tpu.memory_space<semaphore_mem>>) src(%dma_wait3A_2153 : memref<40xi32, #tpu.memory_space<hbm>>) dst(%arg11 : memref<40xi32, #tpu.memory_space<vmem>>)
        %dma_start3A_2154 = arith.constant 0 : i32
        %dma_start3A_2155 = arith.constant 0 : i32
        %dma_start3A_2156 = tpu.memref_slice %arg5[%dma_start3A_2154, %dma_start3A_2155] : memref<10000x128xf32, #tpu.memory_space<vmem_shared>> -> memref<10000x128xf32, #tpu.memory_space<vmem_shared>>
        tpu.enqueue_indirect_dma source(%arg19 : memref<40x128xf32, #tpu.memory_space<vmem>>) target(%dma_start3A_2156 : memref<10000x128xf32, #tpu.memory_space<vmem_shared>>) offsets(%arg11 : memref<40xi32, #tpu.memory_space<vmem>>) semaphore(%arg25 : memref<!tpu.dma_semaphore, #tpu.memory_space<semaphore_mem>>) {add = true}
        %add3A_2157 = arith.constant 4 : i32
        %add3A_2158 = arith.addi %add3A_2102, %add3A_2157 : i32
        %lt3A_2159 = arith.constant 250 : i32
        %lt3A_2160 = arith.cmpi slt, %add3A_2158, %lt3A_2159 : i32
        %convert_element_type3A_2161 = arith.extui %lt3A_2160 : i1 to i32
        %cond3A_2162 = arith.constant 0 : i32
        %cond3A_2163 = arith.cmpi ne, %convert_element_type3A_2161, %cond3A_2162 : i32
        scf.if %cond3A_2163 {
          %dma_wait3A_2164 = arith.constant 0 : i32
          %dma_wait3A_2165 = arith.constant 0 : i32
          %dma_wait3A_2166 = tpu.memref_slice %arg5[%dma_wait3A_2164, %dma_wait3A_2165] : memref<10000x128xf32, #tpu.memory_space<vmem_shared>> -> memref<10000x128xf32, #tpu.memory_space<vmem_shared>>
          tpu.wait_indirect_dma semaphore(%arg25 : memref<!tpu.dma_semaphore, #tpu.memory_space<semaphore_mem>>) src(%arg18 : memref<40x128xf32, #tpu.memory_space<vmem>>) dst(%dma_wait3A_2166 : memref<10000x128xf32, #tpu.memory_space<vmem_shared>>)
          %dma_wait3A_2167 = arith.constant 0 : i32
          %dma_wait3A_2168 = arith.constant 0 : i32
          %dma_wait3A_2169 = tpu.memref_slice %arg5[%dma_wait3A_2167, %dma_wait3A_2168] : memref<10000x128xf32, #tpu.memory_space<vmem_shared>> -> memref<10000x128xf32, #tpu.memory_space<vmem_shared>>
          tpu.wait_indirect_dma semaphore(%arg25 : memref<!tpu.dma_semaphore, #tpu.memory_space<semaphore_mem>>) src(%arg19 : memref<40x128xf32, #tpu.memory_space<vmem>>) dst(%dma_wait3A_2169 : memref<10000x128xf32, #tpu.memory_space<vmem_shared>>)
          %add3A_2170 = arith.constant 4 : i32
          %add3A_2171 = arith.addi %add3A_2102, %add3A_2170 : i32
          %mul3A_2172 = arith.constant 80 : i32
          %mul3A_2173 = arith.muli %add3A_2171, %mul3A_2172 : i32
          %add3A_2174 = arith.addi %mul3A_1922, %mul3A_2173 : i32
          %add3A_2175 = arith.constant 0 : i32
          %add3A_2176 = arith.addi %add3A_2174, %add3A_2175 : i32
          %dma_start3A_2177 = tpu.memref_slice %arg3[%add3A_2176] : memref<320000xi32, #tpu.memory_space<hbm>> -> memref<40xi32, #tpu.memory_space<hbm>>
          %dma_start3A_2178 = tpu.memref_slice %arg3[%add3A_2176] : memref<320000xi32, #tpu.memory_space<hbm>> -> memref<40xi32, #tpu.memory_space<hbm>>
          tpu.enqueue_dma source(%dma_start3A_2178 : memref<40xi32, #tpu.memory_space<hbm>>) target(%arg10 : memref<40xi32, #tpu.memory_space<vmem>>) target_semaphore(%arg23 : memref<!tpu.dma_semaphore, #tpu.memory_space<semaphore_mem>>)
          %mul3A_2179 = arith.constant 80 : i32
          %mul3A_2180 = arith.muli %add3A_2171, %mul3A_2179 : i32
          %add3A_2181 = arith.addi %mul3A_1922, %mul3A_2180 : i32
          %add3A_2182 = arith.constant 40 : i32
          %add3A_2183 = arith.addi %add3A_2181, %add3A_2182 : i32
          %dma_start3A_2184 = tpu.memref_slice %arg3[%add3A_2183] : memref<320000xi32, #tpu.memory_space<hbm>> -> memref<40xi32, #tpu.memory_space<hbm>>
          %dma_start3A_2185 = tpu.memref_slice %arg3[%add3A_2183] : memref<320000xi32, #tpu.memory_space<hbm>> -> memref<40xi32, #tpu.memory_space<hbm>>
          tpu.enqueue_dma source(%dma_start3A_2185 : memref<40xi32, #tpu.memory_space<hbm>>) target(%arg11 : memref<40xi32, #tpu.memory_space<vmem>>) target_semaphore(%arg23 : memref<!tpu.dma_semaphore, #tpu.memory_space<semaphore_mem>>)
          %add3A_2186 = arith.constant 4 : i32
          %add3A_2187 = arith.addi %add3A_2102, %add3A_2186 : i32
          %mul3A_2188 = arith.constant 80 : i32
          %mul3A_2189 = arith.muli %add3A_2187, %mul3A_2188 : i32
          %add3A_2190 = arith.addi %mul3A_1922, %mul3A_2189 : i32
          %add3A_2191 = arith.constant 0 : i32
          %add3A_2192 = arith.addi %add3A_2190, %add3A_2191 : i32
          %dma_start3A_2193 = arith.constant 0 : i32
          %dma_start3A_2194 = tpu.memref_slice %arg2[%arg0, %add3A_2192, %dma_start3A_2193] : memref<2x320000x128xf32, #tpu.memory_space<hbm>> -> memref<1x40x128xf32, #tpu.memory_space<hbm>>
          %dma_start3A_2195 = tpu.memref_squeeze %dma_start3A_2194 : memref<1x40x128xf32, #tpu.memory_space<hbm>> -> memref<40x128xf32, #tpu.memory_space<hbm>>
          %dma_start3A_2196 = arith.constant 0 : i32
          %dma_start3A_2197 = tpu.memref_slice %arg2[%arg0, %add3A_2192, %dma_start3A_2196] : memref<2x320000x128xf32, #tpu.memory_space<hbm>> -> memref<1x40x128xf32, #tpu.memory_space<hbm>>
          %dma_start3A_2198 = tpu.memref_squeeze %dma_start3A_2197 : memref<1x40x128xf32, #tpu.memory_space<hbm>> -> memref<40x128xf32, #tpu.memory_space<hbm>>
          tpu.enqueue_dma source(%dma_start3A_2198 : memref<40x128xf32, #tpu.memory_space<hbm>>) target(%arg18 : memref<40x128xf32, #tpu.memory_space<vmem>>) target_semaphore(%arg24 : memref<!tpu.dma_semaphore, #tpu.memory_space<semaphore_mem>>)
          %mul3A_2199 = arith.constant 80 : i32
          %mul3A_2200 = arith.muli %add3A_2187, %mul3A_2199 : i32
          %add3A_2201 = arith.addi %mul3A_1922, %mul3A_2200 : i32
          %add3A_2202 = arith.constant 40 : i32
          %add3A_2203 = arith.addi %add3A_2201, %add3A_2202 : i32
          %dma_start3A_2204 = arith.constant 0 : i32
          %dma_start3A_2205 = tpu.memref_slice %arg2[%arg0, %add3A_2203, %dma_start3A_2204] : memref<2x320000x128xf32, #tpu.memory_space<hbm>> -> memref<1x40x128xf32, #tpu.memory_space<hbm>>
          %dma_start3A_2206 = tpu.memref_squeeze %dma_start3A_2205 : memref<1x40x128xf32, #tpu.memory_space<hbm>> -> memref<40x128xf32, #tpu.memory_space<hbm>>
          %dma_start3A_2207 = arith.constant 0 : i32
          %dma_start3A_2208 = tpu.memref_slice %arg2[%arg0, %add3A_2203, %dma_start3A_2207] : memref<2x320000x128xf32, #tpu.memory_space<hbm>> -> memref<1x40x128xf32, #tpu.memory_space<hbm>>
          %dma_start3A_2209 = tpu.memref_squeeze %dma_start3A_2208 : memref<1x40x128xf32, #tpu.memory_space<hbm>> -> memref<40x128xf32, #tpu.memory_space<hbm>>
          tpu.enqueue_dma source(%dma_start3A_2209 : memref<40x128xf32, #tpu.memory_space<hbm>>) target(%arg19 : memref<40x128xf32, #tpu.memory_space<vmem>>) target_semaphore(%arg24 : memref<!tpu.dma_semaphore, #tpu.memory_space<semaphore_mem>>)
        } else {
        }
      } else {
      }
      %add3A_2108 = arith.constant 3 : i32
      %add3A_2109 = arith.addi %add3A_2086, %add3A_2108 : i32
      %lt3A_2110 = arith.constant 250 : i32
      %lt3A_2111 = arith.cmpi slt, %add3A_2109, %lt3A_2110 : i32
      %convert_element_type3A_2112 = arith.extui %lt3A_2111 : i1 to i32
      %cond3A_2113 = arith.constant 0 : i32
      %cond3A_2114 = arith.cmpi ne, %convert_element_type3A_2112, %cond3A_2113 : i32
      scf.if %cond3A_2114 {
        %mul3A_2115 = arith.constant 80 : i32
        %mul3A_2116 = arith.muli %add3A_2109, %mul3A_2115 : i32
        %add3A_2117 = arith.addi %mul3A_1922, %mul3A_2116 : i32
        %add3A_2118 = arith.constant 0 : i32
        %add3A_2119 = arith.addi %add3A_2117, %add3A_2118 : i32
        %dma_wait3A_2120 = arith.constant 0 : i32
        %dma_wait3A_2121 = tpu.memref_slice %arg2[%arg0, %add3A_2119, %dma_wait3A_2120] : memref<2x320000x128xf32, #tpu.memory_space<hbm>> -> memref<1x40x128xf32, #tpu.memory_space<hbm>>
        %dma_wait3A_2122 = tpu.memref_squeeze %dma_wait3A_2121 : memref<1x40x128xf32, #tpu.memory_space<hbm>> -> memref<40x128xf32, #tpu.memory_space<hbm>>
        %dma_wait3A_2123 = arith.constant 0 : i32
        %dma_wait3A_2124 = tpu.memref_slice %arg2[%arg0, %add3A_2119, %dma_wait3A_2123] : memref<2x320000x128xf32, #tpu.memory_space<hbm>> -> memref<1x40x128xf32, #tpu.memory_space<hbm>>
        %dma_wait3A_2125 = tpu.memref_squeeze %dma_wait3A_2124 : memref<1x40x128xf32, #tpu.memory_space<hbm>> -> memref<40x128xf32, #tpu.memory_space<hbm>>
        tpu.wait_dma2 semaphore(%arg24 : memref<!tpu.dma_semaphore, #tpu.memory_space<semaphore_mem>>) src(%dma_wait3A_2125 : memref<40x128xf32, #tpu.memory_space<hbm>>) dst(%arg20 : memref<40x128xf32, #tpu.memory_space<vmem>>)
        %mul3A_2126 = arith.constant 80 : i32
        %mul3A_2127 = arith.muli %add3A_2109, %mul3A_2126 : i32
        %add3A_2128 = arith.addi %mul3A_1922, %mul3A_2127 : i32
        %add3A_2129 = arith.constant 0 : i32
        %add3A_2130 = arith.addi %add3A_2128, %add3A_2129 : i32
        %dma_wait3A_2131 = tpu.memref_slice %arg3[%add3A_2130] : memref<320000xi32, #tpu.memory_space<hbm>> -> memref<40xi32, #tpu.memory_space<hbm>>
        %dma_wait3A_2132 = tpu.memref_slice %arg3[%add3A_2130] : memref<320000xi32, #tpu.memory_space<hbm>> -> memref<40xi32, #tpu.memory_space<hbm>>
        tpu.wait_dma2 semaphore(%arg23 : memref<!tpu.dma_semaphore, #tpu.memory_space<semaphore_mem>>) src(%dma_wait3A_2132 : memref<40xi32, #tpu.memory_space<hbm>>) dst(%arg12 : memref<40xi32, #tpu.memory_space<vmem>>)
        %dma_start3A_2133 = arith.constant 0 : i32
        %dma_start3A_2134 = arith.constant 0 : i32
        %dma_start3A_2135 = tpu.memref_slice %arg5[%dma_start3A_2133, %dma_start3A_2134] : memref<10000x128xf32, #tpu.memory_space<vmem_shared>> -> memref<10000x128xf32, #tpu.memory_space<vmem_shared>>
        tpu.enqueue_indirect_dma source(%arg20 : memref<40x128xf32, #tpu.memory_space<vmem>>) target(%dma_start3A_2135 : memref<10000x128xf32, #tpu.memory_space<vmem_shared>>) offsets(%arg12 : memref<40xi32, #tpu.memory_space<vmem>>) semaphore(%arg25 : memref<!tpu.dma_semaphore, #tpu.memory_space<semaphore_mem>>) {add = true}
        %mul3A_2136 = arith.constant 80 : i32
        %mul3A_2137 = arith.muli %add3A_2109, %mul3A_2136 : i32
        %add3A_2138 = arith.addi %mul3A_1922, %mul3A_2137 : i32
        %add3A_2139 = arith.constant 40 : i32
        %add3A_2140 = arith.addi %add3A_2138, %add3A_2139 : i32
        %dma_wait3A_2141 = arith.constant 0 : i32
        %dma_wait3A_2142 = tpu.memref_slice %arg2[%arg0, %add3A_2140, %dma_wait3A_2141] : memref<2x320000x128xf32, #tpu.memory_space<hbm>> -> memref<1x40x128xf32, #tpu.memory_space<hbm>>
        %dma_wait3A_2143 = tpu.memref_squeeze %dma_wait3A_2142 : memref<1x40x128xf32, #tpu.memory_space<hbm>> -> memref<40x128xf32, #tpu.memory_space<hbm>>
        %dma_wait3A_2144 = arith.constant 0 : i32
        %dma_wait3A_2145 = tpu.memref_slice %arg2[%arg0, %add3A_2140, %dma_wait3A_2144] : memref<2x320000x128xf32, #tpu.memory_space<hbm>> -> memref<1x40x128xf32, #tpu.memory_space<hbm>>
        %dma_wait3A_2146 = tpu.memref_squeeze %dma_wait3A_2145 : memref<1x40x128xf32, #tpu.memory_space<hbm>> -> memref<40x128xf32, #tpu.memory_space<hbm>>
        tpu.wait_dma2 semaphore(%arg24 : memref<!tpu.dma_semaphore, #tpu.memory_space<semaphore_mem>>) src(%dma_wait3A_2146 : memref<40x128xf32, #tpu.memory_space<hbm>>) dst(%arg21 : memref<40x128xf32, #tpu.memory_space<vmem>>)
        %mul3A_2147 = arith.constant 80 : i32
        %mul3A_2148 = arith.muli %add3A_2109, %mul3A_2147 : i32
        %add3A_2149 = arith.addi %mul3A_1922, %mul3A_2148 : i32
        %add3A_2150 = arith.constant 40 : i32
        %add3A_2151 = arith.addi %add3A_2149, %add3A_2150 : i32
        %dma_wait3A_2152 = tpu.memref_slice %arg3[%add3A_2151] : memref<320000xi32, #tpu.memory_space<hbm>> -> memref<40xi32, #tpu.memory_space<hbm>>
        %dma_wait3A_2153 = tpu.memref_slice %arg3[%add3A_2151] : memref<320000xi32, #tpu.memory_space<hbm>> -> memref<40xi32, #tpu.memory_space<hbm>>
        tpu.wait_dma2 semaphore(%arg23 : memref<!tpu.dma_semaphore, #tpu.memory_space<semaphore_mem>>) src(%dma_wait3A_2153 : memref<40xi32, #tpu.memory_space<hbm>>) dst(%arg13 : memref<40xi32, #tpu.memory_space<vmem>>)
        %dma_start3A_2154 = arith.constant 0 : i32
        %dma_start3A_2155 = arith.constant 0 : i32
        %dma_start3A_2156 = tpu.memref_slice %arg5[%dma_start3A_2154, %dma_start3A_2155] : memref<10000x128xf32, #tpu.memory_space<vmem_shared>> -> memref<10000x128xf32, #tpu.memory_space<vmem_shared>>
        tpu.enqueue_indirect_dma source(%arg21 : memref<40x128xf32, #tpu.memory_space<vmem>>) target(%dma_start3A_2156 : memref<10000x128xf32, #tpu.memory_space<vmem_shared>>) offsets(%arg13 : memref<40xi32, #tpu.memory_space<vmem>>) semaphore(%arg25 : memref<!tpu.dma_semaphore, #tpu.memory_space<semaphore_mem>>) {add = true}
        %add3A_2157 = arith.constant 4 : i32
        %add3A_2158 = arith.addi %add3A_2109, %add3A_2157 : i32
        %lt3A_2159 = arith.constant 250 : i32
        %lt3A_2160 = arith.cmpi slt, %add3A_2158, %lt3A_2159 : i32
        %convert_element_type3A_2161 = arith.extui %lt3A_2160 : i1 to i32
        %cond3A_2162 = arith.constant 0 : i32
        %cond3A_2163 = arith.cmpi ne, %convert_element_type3A_2161, %cond3A_2162 : i32
        scf.if %cond3A_2163 {
          %dma_wait3A_2164 = arith.constant 0 : i32
          %dma_wait3A_2165 = arith.constant 0 : i32
          %dma_wait3A_2166 = tpu.memref_slice %arg5[%dma_wait3A_2164, %dma_wait3A_2165] : memref<10000x128xf32, #tpu.memory_space<vmem_shared>> -> memref<10000x128xf32, #tpu.memory_space<vmem_shared>>
          tpu.wait_indirect_dma semaphore(%arg25 : memref<!tpu.dma_semaphore, #tpu.memory_space<semaphore_mem>>) src(%arg20 : memref<40x128xf32, #tpu.memory_space<vmem>>) dst(%dma_wait3A_2166 : memref<10000x128xf32, #tpu.memory_space<vmem_shared>>)
          %dma_wait3A_2167 = arith.constant 0 : i32
          %dma_wait3A_2168 = arith.constant 0 : i32
          %dma_wait3A_2169 = tpu.memref_slice %arg5[%dma_wait3A_2167, %dma_wait3A_2168] : memref<10000x128xf32, #tpu.memory_space<vmem_shared>> -> memref<10000x128xf32, #tpu.memory_space<vmem_shared>>
          tpu.wait_indirect_dma semaphore(%arg25 : memref<!tpu.dma_semaphore, #tpu.memory_space<semaphore_mem>>) src(%arg21 : memref<40x128xf32, #tpu.memory_space<vmem>>) dst(%dma_wait3A_2169 : memref<10000x128xf32, #tpu.memory_space<vmem_shared>>)
          %add3A_2170 = arith.constant 4 : i32
          %add3A_2171 = arith.addi %add3A_2109, %add3A_2170 : i32
          %mul3A_2172 = arith.constant 80 : i32
          %mul3A_2173 = arith.muli %add3A_2171, %mul3A_2172 : i32
          %add3A_2174 = arith.addi %mul3A_1922, %mul3A_2173 : i32
          %add3A_2175 = arith.constant 0 : i32
          %add3A_2176 = arith.addi %add3A_2174, %add3A_2175 : i32
          %dma_start3A_2177 = tpu.memref_slice %arg3[%add3A_2176] : memref<320000xi32, #tpu.memory_space<hbm>> -> memref<40xi32, #tpu.memory_space<hbm>>
          %dma_start3A_2178 = tpu.memref_slice %arg3[%add3A_2176] : memref<320000xi32, #tpu.memory_space<hbm>> -> memref<40xi32, #tpu.memory_space<hbm>>
          tpu.enqueue_dma source(%dma_start3A_2178 : memref<40xi32, #tpu.memory_space<hbm>>) target(%arg12 : memref<40xi32, #tpu.memory_space<vmem>>) target_semaphore(%arg23 : memref<!tpu.dma_semaphore, #tpu.memory_space<semaphore_mem>>)
          %mul3A_2179 = arith.constant 80 : i32
          %mul3A_2180 = arith.muli %add3A_2171, %mul3A_2179 : i32
          %add3A_2181 = arith.addi %mul3A_1922, %mul3A_2180 : i32
          %add3A_2182 = arith.constant 40 : i32
          %add3A_2183 = arith.addi %add3A_2181, %add3A_2182 : i32
          %dma_start3A_2184 = tpu.memref_slice %arg3[%add3A_2183] : memref<320000xi32, #tpu.memory_space<hbm>> -> memref<40xi32, #tpu.memory_space<hbm>>
          %dma_start3A_2185 = tpu.memref_slice %arg3[%add3A_2183] : memref<320000xi32, #tpu.memory_space<hbm>> -> memref<40xi32, #tpu.memory_space<hbm>>
          tpu.enqueue_dma source(%dma_start3A_2185 : memref<40xi32, #tpu.memory_space<hbm>>) target(%arg13 : memref<40xi32, #tpu.memory_space<vmem>>) target_semaphore(%arg23 : memref<!tpu.dma_semaphore, #tpu.memory_space<semaphore_mem>>)
          %add3A_2186 = arith.constant 4 : i32
          %add3A_2187 = arith.addi %add3A_2109, %add3A_2186 : i32
          %mul3A_2188 = arith.constant 80 : i32
          %mul3A_2189 = arith.muli %add3A_2187, %mul3A_2188 : i32
          %add3A_2190 = arith.addi %mul3A_1922, %mul3A_2189 : i32
          %add3A_2191 = arith.constant 0 : i32
          %add3A_2192 = arith.addi %add3A_2190, %add3A_2191 : i32
          %dma_start3A_2193 = arith.constant 0 : i32
          %dma_start3A_2194 = tpu.memref_slice %arg2[%arg0, %add3A_2192, %dma_start3A_2193] : memref<2x320000x128xf32, #tpu.memory_space<hbm>> -> memref<1x40x128xf32, #tpu.memory_space<hbm>>
          %dma_start3A_2195 = tpu.memref_squeeze %dma_start3A_2194 : memref<1x40x128xf32, #tpu.memory_space<hbm>> -> memref<40x128xf32, #tpu.memory_space<hbm>>
          %dma_start3A_2196 = arith.constant 0 : i32
          %dma_start3A_2197 = tpu.memref_slice %arg2[%arg0, %add3A_2192, %dma_start3A_2196] : memref<2x320000x128xf32, #tpu.memory_space<hbm>> -> memref<1x40x128xf32, #tpu.memory_space<hbm>>
          %dma_start3A_2198 = tpu.memref_squeeze %dma_start3A_2197 : memref<1x40x128xf32, #tpu.memory_space<hbm>> -> memref<40x128xf32, #tpu.memory_space<hbm>>
          tpu.enqueue_dma source(%dma_start3A_2198 : memref<40x128xf32, #tpu.memory_space<hbm>>) target(%arg20 : memref<40x128xf32, #tpu.memory_space<vmem>>) target_semaphore(%arg24 : memref<!tpu.dma_semaphore, #tpu.memory_space<semaphore_mem>>)
          %mul3A_2199 = arith.constant 80 : i32
          %mul3A_2200 = arith.muli %add3A_2187, %mul3A_2199 : i32
          %add3A_2201 = arith.addi %mul3A_1922, %mul3A_2200 : i32
          %add3A_2202 = arith.constant 40 : i32
          %add3A_2203 = arith.addi %add3A_2201, %add3A_2202 : i32
          %dma_start3A_2204 = arith.constant 0 : i32
          %dma_start3A_2205 = tpu.memref_slice %arg2[%arg0, %add3A_2203, %dma_start3A_2204] : memref<2x320000x128xf32, #tpu.memory_space<hbm>> -> memref<1x40x128xf32, #tpu.memory_space<hbm>>
          %dma_start3A_2206 = tpu.memref_squeeze %dma_start3A_2205 : memref<1x40x128xf32, #tpu.memory_space<hbm>> -> memref<40x128xf32, #tpu.memory_space<hbm>>
          %dma_start3A_2207 = arith.constant 0 : i32
          %dma_start3A_2208 = tpu.memref_slice %arg2[%arg0, %add3A_2203, %dma_start3A_2207] : memref<2x320000x128xf32, #tpu.memory_space<hbm>> -> memref<1x40x128xf32, #tpu.memory_space<hbm>>
          %dma_start3A_2209 = tpu.memref_squeeze %dma_start3A_2208 : memref<1x40x128xf32, #tpu.memory_space<hbm>> -> memref<40x128xf32, #tpu.memory_space<hbm>>
          tpu.enqueue_dma source(%dma_start3A_2209 : memref<40x128xf32, #tpu.memory_space<hbm>>) target(%arg21 : memref<40x128xf32, #tpu.memory_space<vmem>>) target_semaphore(%arg24 : memref<!tpu.dma_semaphore, #tpu.memory_space<semaphore_mem>>)
        } else {
        }
      } else {
      }
    }
    %scan3A_2052 = arith.constant 63 : i32
    %dma_wait3A = arith.constant 0 : i32
    %dma_wait3A_2053 = arith.constant 0 : i32
    %dma_wait3A_2054 = tpu.memref_slice %arg5[%dma_wait3A, %dma_wait3A_2053] : memref<10000x128xf32, #tpu.memory_space<vmem_shared>> -> memref<10000x128xf32, #tpu.memory_space<vmem_shared>>
    tpu.wait_indirect_dma semaphore(%arg25 : memref<!tpu.dma_semaphore, #tpu.memory_space<semaphore_mem>>) src(%arg14 : memref<40x128xf32, #tpu.memory_space<vmem>>) dst(%dma_wait3A_2054 : memref<10000x128xf32, #tpu.memory_space<vmem_shared>>)
    %dma_wait3A_2055 = arith.constant 0 : i32
    %dma_wait3A_2056 = arith.constant 0 : i32
    %dma_wait3A_2057 = tpu.memref_slice %arg5[%dma_wait3A_2055, %dma_wait3A_2056] : memref<10000x128xf32, #tpu.memory_space<vmem_shared>> -> memref<10000x128xf32, #tpu.memory_space<vmem_shared>>
    tpu.wait_indirect_dma semaphore(%arg25 : memref<!tpu.dma_semaphore, #tpu.memory_space<semaphore_mem>>) src(%arg15 : memref<40x128xf32, #tpu.memory_space<vmem>>) dst(%dma_wait3A_2057 : memref<10000x128xf32, #tpu.memory_space<vmem_shared>>)
    %dma_wait3A_2058 = arith.constant 0 : i32
    %dma_wait3A_2059 = arith.constant 0 : i32
    %dma_wait3A_2060 = tpu.memref_slice %arg5[%dma_wait3A_2058, %dma_wait3A_2059] : memref<10000x128xf32, #tpu.memory_space<vmem_shared>> -> memref<10000x128xf32, #tpu.memory_space<vmem_shared>>
    tpu.wait_indirect_dma semaphore(%arg25 : memref<!tpu.dma_semaphore, #tpu.memory_space<semaphore_mem>>) src(%arg16 : memref<40x128xf32, #tpu.memory_space<vmem>>) dst(%dma_wait3A_2060 : memref<10000x128xf32, #tpu.memory_space<vmem_shared>>)
    %dma_wait3A_2061 = arith.constant 0 : i32
    %dma_wait3A_2062 = arith.constant 0 : i32
    %dma_wait3A_2063 = tpu.memref_slice %arg5[%dma_wait3A_2061, %dma_wait3A_2062] : memref<10000x128xf32, #tpu.memory_space<vmem_shared>> -> memref<10000x128xf32, #tpu.memory_space<vmem_shared>>
    tpu.wait_indirect_dma semaphore(%arg25 : memref<!tpu.dma_semaphore, #tpu.memory_space<semaphore_mem>>) src(%arg17 : memref<40x128xf32, #tpu.memory_space<vmem>>) dst(%dma_wait3A_2063 : memref<10000x128xf32, #tpu.memory_space<vmem_shared>>)
    %dma_wait3A_2064 = arith.constant 0 : i32
    %dma_wait3A_2065 = arith.constant 0 : i32
    %dma_wait3A_2066 = tpu.memref_slice %arg5[%dma_wait3A_2064, %dma_wait3A_2065] : memref<10000x128xf32, #tpu.memory_space<vmem_shared>> -> memref<10000x128xf32, #tpu.memory_space<vmem_shared>>
    tpu.wait_indirect_dma semaphore(%arg25 : memref<!tpu.dma_semaphore, #tpu.memory_space<semaphore_mem>>) src(%arg18 : memref<40x128xf32, #tpu.memory_space<vmem>>) dst(%dma_wait3A_2066 : memref<10000x128xf32, #tpu.memory_space<vmem_shared>>)
    %dma_wait3A_2067 = arith.constant 0 : i32
    %dma_wait3A_2068 = arith.constant 0 : i32
    %dma_wait3A_2069 = tpu.memref_slice %arg5[%dma_wait3A_2067, %dma_wait3A_2068] : memref<10000x128xf32, #tpu.memory_space<vmem_shared>> -> memref<10000x128xf32, #tpu.memory_space<vmem_shared>>
    tpu.wait_indirect_dma semaphore(%arg25 : memref<!tpu.dma_semaphore, #tpu.memory_space<semaphore_mem>>) src(%arg19 : memref<40x128xf32, #tpu.memory_space<vmem>>) dst(%dma_wait3A_2069 : memref<10000x128xf32, #tpu.memory_space<vmem_shared>>)
    %dma_wait3A_2070 = arith.constant 0 : i32
    %dma_wait3A_2071 = arith.constant 0 : i32
    %dma_wait3A_2072 = tpu.memref_slice %arg5[%dma_wait3A_2070, %dma_wait3A_2071] : memref<10000x128xf32, #tpu.memory_space<vmem_shared>> -> memref<10000x128xf32, #tpu.memory_space<vmem_shared>>
    tpu.wait_indirect_dma semaphore(%arg25 : memref<!tpu.dma_semaphore, #tpu.memory_space<semaphore_mem>>) src(%arg20 : memref<40x128xf32, #tpu.memory_space<vmem>>) dst(%dma_wait3A_2072 : memref<10000x128xf32, #tpu.memory_space<vmem_shared>>)
    %dma_wait3A_2073 = arith.constant 0 : i32
    %dma_wait3A_2074 = arith.constant 0 : i32
    %dma_wait3A_2075 = tpu.memref_slice %arg5[%dma_wait3A_2073, %dma_wait3A_2074] : memref<10000x128xf32, #tpu.memory_space<vmem_shared>> -> memref<10000x128xf32, #tpu.memory_space<vmem_shared>>
    tpu.wait_indirect_dma semaphore(%arg25 : memref<!tpu.dma_semaphore, #tpu.memory_space<semaphore_mem>>) src(%arg21 : memref<40x128xf32, #tpu.memory_space<vmem>>) dst(%dma_wait3A_2075 : memref<10000x128xf32, #tpu.memory_space<vmem_shared>>)
    %barrier3A_2076 = arith.constant 0 : index
    tpu.barrier barrier_id(%barrier3A_2076)
    %lt3A_2077 = arith.constant 10 : i32
    %lt3A_2078 = arith.cmpi slt, %arg1, %lt3A_2077 : i32
    %convert_element_type3A_2079 = arith.extui %lt3A_2078 : i1 to i32
    %cond3A_2080 = arith.constant 0 : i32
    %cond3A_2081 = arith.cmpi ne, %convert_element_type3A_2079, %cond3A_2080 : i32
    scf.if %cond3A_2081 {
      %scan3A_2082 = arith.constant 0 : i32
      %scan3A_2083 = arith.constant 25 : i32
      %scan3A_2084 = arith.addi %scan3A_2082, %scan3A_2083 : i32
      %scan3A_2085 = arith.constant 1 : i32
      scf.for %scan3A_2087 = %scan3A_2082 to %scan3A_2084 step %scan3A_2085  : i32 {
        %mul3A_2088 = arith.constant 1 : i32
        %mul3A_2089 = arith.muli %scan3A_2087, %mul3A_2088 : i32
        %add3A_2090 = arith.constant 0 : i32
        %add3A_2091 = arith.addi %add3A_2090, %mul3A_2089 : i32
        %mul3A_2092 = arith.constant 1000 : i32
        %mul3A_2093 = arith.muli %arg1, %mul3A_2092 : i32
        %mul3A_2094 = arith.constant 40 : i32
        %mul3A_2095 = arith.muli %add3A_2091, %mul3A_2094 : i32
        %add3A_2096 = arith.addi %mul3A_2093, %mul3A_2095 : i32
        "tpu.region"() ({
          %run_scoped3A = tpu.sem_alloc : memref<!tpu.dma_semaphore, #tpu.memory_space<semaphore_mem>>
          %dma_start3A_2097 = arith.constant 0 : i32
          %dma_start3A_2098 = tpu.memref_slice %arg4[%arg0, %add3A_2096, %dma_start3A_2097] : memref<2x10000x128xf32, #tpu.memory_space<hbm>> -> memref<1x40x128xf32, #tpu.memory_space<hbm>>
          %dma_start3A_2099 = tpu.memref_squeeze %dma_start3A_2098 : memref<1x40x128xf32, #tpu.memory_space<hbm>> -> memref<40x128xf32, #tpu.memory_space<hbm>>
          %dma_start3A_2100 = arith.constant 0 : i32
          %dma_start3A_2101 = tpu.memref_slice %arg5[%add3A_2096, %dma_start3A_2100] : memref<10000x128xf32, #tpu.memory_space<vmem_shared>> -> memref<40x128xf32, #tpu.memory_space<vmem_shared>>
          tpu.enqueue_dma source(%dma_start3A_2101 : memref<40x128xf32, #tpu.memory_space<vmem_shared>>) target(%dma_start3A_2099 : memref<40x128xf32, #tpu.memory_space<hbm>>) target_semaphore(%run_scoped3A : memref<!tpu.dma_semaphore, #tpu.memory_space<semaphore_mem>>)
          %dma_wait3A_2102 = arith.constant 0 : i32
          %dma_wait3A_2103 = tpu.memref_slice %arg4[%arg0, %add3A_2096, %dma_wait3A_2102] : memref<2x10000x128xf32, #tpu.memory_space<hbm>> -> memref<1x40x128xf32, #tpu.memory_space<hbm>>
          %dma_wait3A_2104 = tpu.memref_squeeze %dma_wait3A_2103 : memref<1x40x128xf32, #tpu.memory_space<hbm>> -> memref<40x128xf32, #tpu.memory_space<hbm>>
          %dma_wait3A_2105 = arith.constant 0 : i32
          %dma_wait3A_2106 = tpu.memref_slice %arg5[%add3A_2096, %dma_wait3A_2105] : memref<10000x128xf32, #tpu.memory_space<vmem_shared>> -> memref<40x128xf32, #tpu.memory_space<vmem_shared>>
          tpu.wait_dma2 semaphore(%run_scoped3A : memref<!tpu.dma_semaphore, #tpu.memory_space<semaphore_mem>>) src(%dma_wait3A_2106 : memref<40x128xf32, #tpu.memory_space<vmem_shared>>) dst(%dma_wait3A_2104 : memref<40x128xf32, #tpu.memory_space<hbm>>)
          tpu.yield
        }) : () -> ()
      }
      %scan3A_2086 = arith.constant 25 : i32
    } else {
    }
    return
  }
}

#map = affine_map<(d0, d1) -> (0, 0)>
#map1 = affine_map<(d0, d1) -> (0)>
module attributes {stable_mosaic.version = 14 : i64} {
  func.func @_sc_gather_body(%arg0: i32, %arg1: i32, %arg2: memref<10000x128xf32, #tpu.memory_space<hbm>>, %arg3: memref<320000xi32, #tpu.memory_space<hbm>>, %arg4: memref<320000x128xf32, #tpu.memory_space<hbm>>, %arg5: memref<80xi32, #tpu.memory_space<vmem>>, %arg6: memref<80xi32, #tpu.memory_space<vmem>>, %arg7: memref<80xi32, #tpu.memory_space<vmem>>, %arg8: memref<80xi32, #tpu.memory_space<vmem>>, %arg9: memref<80x128xf32, #tpu.memory_space<vmem>>, %arg10: memref<80x128xf32, #tpu.memory_space<vmem>>, %arg11: memref<80x128xf32, #tpu.memory_space<vmem>>, %arg12: memref<80x128xf32, #tpu.memory_space<vmem>>, %arg13: memref<!tpu.dma_semaphore, #tpu.memory_space<semaphore_mem>>, %arg14: memref<!tpu.dma_semaphore, #tpu.memory_space<semaphore_mem>>, %arg15: memref<!tpu.dma_semaphore, #tpu.memory_space<semaphore_mem>>) attributes {dimension_semantics = [#tpu.dimension_semantics<core_parallel>, #tpu.dimension_semantics<subcore_parallel>], iteration_bounds = array<i64: 2, 16>, scalar_prefetch = 0 : i64, scratch_operands = 11 : i64, tpu.core_type = #tpu.core_type<sc_vector_subcore>, window_params = [{transform_indices = #map}, {transform_indices = #map1}, {transform_indices = #map}]} {
    %mul3A = arith.constant 2 : i32
    %mul3A_0 = arith.muli %arg1, %mul3A : i32
    %add3A = arith.addi %mul3A_0, %arg0 : i32
    %mul3A_1 = arith.constant 10000 : i32
    %mul3A_2 = arith.muli %add3A, %mul3A_1 : i32
    %add3A_3 = arith.constant 0 : i32
    %add3A_4 = arith.addi %mul3A_2, %add3A_3 : i32
    %dma_start3A = tpu.memref_slice %arg3[%add3A_4] : memref<320000xi32, #tpu.memory_space<hbm>> -> memref<80xi32, #tpu.memory_space<hbm>>
    %dma_start3A_5 = tpu.memref_slice %arg3[%add3A_4] : memref<320000xi32, #tpu.memory_space<hbm>> -> memref<80xi32, #tpu.memory_space<hbm>>
    tpu.enqueue_dma source(%dma_start3A_5 : memref<80xi32, #tpu.memory_space<hbm>>) target(%arg5 : memref<80xi32, #tpu.memory_space<vmem>>) target_semaphore(%arg13 : memref<!tpu.dma_semaphore, #tpu.memory_space<semaphore_mem>>)
    %add3A_6 = arith.constant 80 : i32
    %add3A_7 = arith.addi %mul3A_2, %add3A_6 : i32
    %dma_start3A_8 = tpu.memref_slice %arg3[%add3A_7] : memref<320000xi32, #tpu.memory_space<hbm>> -> memref<80xi32, #tpu.memory_space<hbm>>
    %dma_start3A_9 = tpu.memref_slice %arg3[%add3A_7] : memref<320000xi32, #tpu.memory_space<hbm>> -> memref<80xi32, #tpu.memory_space<hbm>>
    tpu.enqueue_dma source(%dma_start3A_9 : memref<80xi32, #tpu.memory_space<hbm>>) target(%arg6 : memref<80xi32, #tpu.memory_space<vmem>>) target_semaphore(%arg13 : memref<!tpu.dma_semaphore, #tpu.memory_space<semaphore_mem>>)
    %add3A_10 = arith.constant 160 : i32
    %add3A_11 = arith.addi %mul3A_2, %add3A_10 : i32
    %dma_start3A_12 = tpu.memref_slice %arg3[%add3A_11] : memref<320000xi32, #tpu.memory_space<hbm>> -> memref<80xi32, #tpu.memory_space<hbm>>
    %dma_start3A_13 = tpu.memref_slice %arg3[%add3A_11] : memref<320000xi32, #tpu.memory_space<hbm>> -> memref<80xi32, #tpu.memory_space<hbm>>
    tpu.enqueue_dma source(%dma_start3A_13 : memref<80xi32, #tpu.memory_space<hbm>>) target(%arg7 : memref<80xi32, #tpu.memory_space<vmem>>) target_semaphore(%arg13 : memref<!tpu.dma_semaphore, #tpu.memory_space<semaphore_mem>>)
    %add3A_14 = arith.constant 240 : i32
    %add3A_15 = arith.addi %mul3A_2, %add3A_14 : i32
    %dma_start3A_16 = tpu.memref_slice %arg3[%add3A_15] : memref<320000xi32, #tpu.memory_space<hbm>> -> memref<80xi32, #tpu.memory_space<hbm>>
    %dma_start3A_17 = tpu.memref_slice %arg3[%add3A_15] : memref<320000xi32, #tpu.memory_space<hbm>> -> memref<80xi32, #tpu.memory_space<hbm>>
    tpu.enqueue_dma source(%dma_start3A_17 : memref<80xi32, #tpu.memory_space<hbm>>) target(%arg8 : memref<80xi32, #tpu.memory_space<vmem>>) target_semaphore(%arg13 : memref<!tpu.dma_semaphore, #tpu.memory_space<semaphore_mem>>)
    %add3A_18 = arith.constant 0 : i32
    %add3A_19 = arith.addi %mul3A_2, %add3A_18 : i32
    %dma_wait3A = tpu.memref_slice %arg3[%add3A_19] : memref<320000xi32, #tpu.memory_space<hbm>> -> memref<80xi32, #tpu.memory_space<hbm>>
    %dma_wait3A_20 = tpu.memref_slice %arg3[%add3A_19] : memref<320000xi32, #tpu.memory_space<hbm>> -> memref<80xi32, #tpu.memory_space<hbm>>
    tpu.wait_dma2 semaphore(%arg13 : memref<!tpu.dma_semaphore, #tpu.memory_space<semaphore_mem>>) src(%dma_wait3A_20 : memref<80xi32, #tpu.memory_space<hbm>>) dst(%arg5 : memref<80xi32, #tpu.memory_space<vmem>>)
    %dma_start3A_21 = arith.constant 0 : i32
    %dma_start3A_22 = arith.constant 0 : i32
    %dma_start3A_23 = tpu.memref_slice %arg2[%dma_start3A_21, %dma_start3A_22] : memref<10000x128xf32, #tpu.memory_space<hbm>> -> memref<10000x128xf32, #tpu.memory_space<hbm>>
    tpu.enqueue_indirect_dma source(%dma_start3A_23 : memref<10000x128xf32, #tpu.memory_space<hbm>>) target(%arg9 : memref<80x128xf32, #tpu.memory_space<vmem>>) offsets(%arg5 : memref<80xi32, #tpu.memory_space<vmem>>) semaphore(%arg14 : memref<!tpu.dma_semaphore, #tpu.memory_space<semaphore_mem>>)
    %add3A_24 = arith.constant 80 : i32
    %add3A_25 = arith.addi %mul3A_2, %add3A_24 : i32
    %dma_wait3A_26 = tpu.memref_slice %arg3[%add3A_25] : memref<320000xi32, #tpu.memory_space<hbm>> -> memref<80xi32, #tpu.memory_space<hbm>>
    %dma_wait3A_27 = tpu.memref_slice %arg3[%add3A_25] : memref<320000xi32, #tpu.memory_space<hbm>> -> memref<80xi32, #tpu.memory_space<hbm>>
    tpu.wait_dma2 semaphore(%arg13 : memref<!tpu.dma_semaphore, #tpu.memory_space<semaphore_mem>>) src(%dma_wait3A_27 : memref<80xi32, #tpu.memory_space<hbm>>) dst(%arg6 : memref<80xi32, #tpu.memory_space<vmem>>)
    %dma_start3A_28 = arith.constant 0 : i32
    %dma_start3A_29 = arith.constant 0 : i32
    %dma_start3A_30 = tpu.memref_slice %arg2[%dma_start3A_28, %dma_start3A_29] : memref<10000x128xf32, #tpu.memory_space<hbm>> -> memref<10000x128xf32, #tpu.memory_space<hbm>>
    tpu.enqueue_indirect_dma source(%dma_start3A_30 : memref<10000x128xf32, #tpu.memory_space<hbm>>) target(%arg10 : memref<80x128xf32, #tpu.memory_space<vmem>>) offsets(%arg6 : memref<80xi32, #tpu.memory_space<vmem>>) semaphore(%arg14 : memref<!tpu.dma_semaphore, #tpu.memory_space<semaphore_mem>>)
    %add3A_31 = arith.constant 160 : i32
    %add3A_32 = arith.addi %mul3A_2, %add3A_31 : i32
    %dma_wait3A_33 = tpu.memref_slice %arg3[%add3A_32] : memref<320000xi32, #tpu.memory_space<hbm>> -> memref<80xi32, #tpu.memory_space<hbm>>
    %dma_wait3A_34 = tpu.memref_slice %arg3[%add3A_32] : memref<320000xi32, #tpu.memory_space<hbm>> -> memref<80xi32, #tpu.memory_space<hbm>>
    tpu.wait_dma2 semaphore(%arg13 : memref<!tpu.dma_semaphore, #tpu.memory_space<semaphore_mem>>) src(%dma_wait3A_34 : memref<80xi32, #tpu.memory_space<hbm>>) dst(%arg7 : memref<80xi32, #tpu.memory_space<vmem>>)
    %dma_start3A_35 = arith.constant 0 : i32
    %dma_start3A_36 = arith.constant 0 : i32
    %dma_start3A_37 = tpu.memref_slice %arg2[%dma_start3A_35, %dma_start3A_36] : memref<10000x128xf32, #tpu.memory_space<hbm>> -> memref<10000x128xf32, #tpu.memory_space<hbm>>
    tpu.enqueue_indirect_dma source(%dma_start3A_37 : memref<10000x128xf32, #tpu.memory_space<hbm>>) target(%arg11 : memref<80x128xf32, #tpu.memory_space<vmem>>) offsets(%arg7 : memref<80xi32, #tpu.memory_space<vmem>>) semaphore(%arg14 : memref<!tpu.dma_semaphore, #tpu.memory_space<semaphore_mem>>)
    %scan3A = arith.constant 0 : i32
    %scan3A_38 = arith.constant 32 : i32
    %scan3A_39 = arith.addi %scan3A, %scan3A_38 : i32
    %scan3A_40 = arith.constant 1 : i32
    scf.for %scan3A_66 = %scan3A to %scan3A_39 step %scan3A_40  : i32 {
      %mul3A_67 = arith.constant 4 : i32
      %mul3A_68 = arith.muli %scan3A_66, %mul3A_67 : i32
      %add3A_69 = arith.constant 0 : i32
      %add3A_70 = arith.addi %add3A_69, %mul3A_68 : i32
      %add3A_71 = arith.constant 0 : i32
      %add3A_72 = arith.addi %add3A_70, %add3A_71 : i32
      %lt3A = arith.constant 125 : i32
      %lt3A_73 = arith.cmpi slt, %add3A_72, %lt3A : i32
      %convert_element_type3A = arith.extui %lt3A_73 : i1 to i32
      %cond3A = arith.constant 0 : i32
      %cond3A_74 = arith.cmpi ne, %convert_element_type3A, %cond3A : i32
      scf.if %cond3A_74 {
        %dma_wait3A_96 = arith.constant 0 : i32
        %dma_wait3A_97 = arith.constant 0 : i32
        %dma_wait3A_98 = tpu.memref_slice %arg2[%dma_wait3A_96, %dma_wait3A_97] : memref<10000x128xf32, #tpu.memory_space<hbm>> -> memref<10000x128xf32, #tpu.memory_space<hbm>>
        tpu.wait_indirect_dma semaphore(%arg14 : memref<!tpu.dma_semaphore, #tpu.memory_space<semaphore_mem>>) src(%dma_wait3A_98 : memref<10000x128xf32, #tpu.memory_space<hbm>>) dst(%arg9 : memref<80x128xf32, #tpu.memory_space<vmem>>)
        %mul3A_99 = arith.constant 80 : i32
        %mul3A_100 = arith.muli %add3A_72, %mul3A_99 : i32
        %add3A_101 = arith.addi %mul3A_2, %mul3A_100 : i32
        %dma_start3A_102 = arith.constant 0 : i32
        %dma_start3A_103 = tpu.memref_slice %arg4[%add3A_101, %dma_start3A_102] : memref<320000x128xf32, #tpu.memory_space<hbm>> -> memref<80x128xf32, #tpu.memory_space<hbm>>
        %dma_start3A_104 = arith.constant 0 : i32
        %dma_start3A_105 = tpu.memref_slice %arg4[%add3A_101, %dma_start3A_104] : memref<320000x128xf32, #tpu.memory_space<hbm>> -> memref<80x128xf32, #tpu.memory_space<hbm>>
        tpu.enqueue_dma source(%arg9 : memref<80x128xf32, #tpu.memory_space<vmem>>) target(%dma_start3A_105 : memref<80x128xf32, #tpu.memory_space<hbm>>) target_semaphore(%arg15 : memref<!tpu.dma_semaphore, #tpu.memory_space<semaphore_mem>>)
        %add3A_106 = arith.constant 4 : i32
        %add3A_107 = arith.addi %add3A_72, %add3A_106 : i32
        %lt3A_108 = arith.constant 125 : i32
        %lt3A_109 = arith.cmpi slt, %add3A_107, %lt3A_108 : i32
        %convert_element_type3A_110 = arith.extui %lt3A_109 : i1 to i32
        %cond3A_111 = arith.constant 0 : i32
        %cond3A_112 = arith.cmpi ne, %convert_element_type3A_110, %cond3A_111 : i32
        scf.if %cond3A_112 {
          %add3A_120 = arith.constant 4 : i32
          %add3A_121 = arith.addi %add3A_72, %add3A_120 : i32
          %mul3A_122 = arith.constant 80 : i32
          %mul3A_123 = arith.muli %add3A_121, %mul3A_122 : i32
          %add3A_124 = arith.addi %mul3A_2, %mul3A_123 : i32
          %dma_start3A_125 = tpu.memref_slice %arg3[%add3A_124] : memref<320000xi32, #tpu.memory_space<hbm>> -> memref<80xi32, #tpu.memory_space<hbm>>
          %dma_start3A_126 = tpu.memref_slice %arg3[%add3A_124] : memref<320000xi32, #tpu.memory_space<hbm>> -> memref<80xi32, #tpu.memory_space<hbm>>
          tpu.enqueue_dma source(%dma_start3A_126 : memref<80xi32, #tpu.memory_space<hbm>>) target(%arg5 : memref<80xi32, #tpu.memory_space<vmem>>) target_semaphore(%arg13 : memref<!tpu.dma_semaphore, #tpu.memory_space<semaphore_mem>>)
        } else {
        }
        %add3A_113 = arith.constant 3 : i32
        %add3A_114 = arith.addi %add3A_72, %add3A_113 : i32
        %lt3A_115 = arith.constant 125 : i32
        %lt3A_116 = arith.cmpi slt, %add3A_114, %lt3A_115 : i32
        %convert_element_type3A_117 = arith.extui %lt3A_116 : i1 to i32
        %cond3A_118 = arith.constant 0 : i32
        %cond3A_119 = arith.cmpi ne, %convert_element_type3A_117, %cond3A_118 : i32
        scf.if %cond3A_119 {
          %ge3A = arith.constant 1 : i32
          %ge3A_120 = arith.cmpi sge, %add3A_72, %ge3A : i32
          %convert_element_type3A_121 = arith.extui %ge3A_120 : i1 to i32
          %cond3A_122 = arith.constant 0 : i32
          %cond3A_123 = arith.cmpi ne, %convert_element_type3A_121, %cond3A_122 : i32
          scf.if %cond3A_123 {
            %sub3A = arith.constant 1 : i32
            %sub3A_134 = arith.subi %add3A_72, %sub3A : i32
            %mul3A_135 = arith.constant 80 : i32
            %mul3A_136 = arith.muli %sub3A_134, %mul3A_135 : i32
            %add3A_137 = arith.addi %mul3A_2, %mul3A_136 : i32
            %dma_wait3A_138 = arith.constant 0 : i32
            %dma_wait3A_139 = tpu.memref_slice %arg4[%add3A_137, %dma_wait3A_138] : memref<320000x128xf32, #tpu.memory_space<hbm>> -> memref<80x128xf32, #tpu.memory_space<hbm>>
            %dma_wait3A_140 = arith.constant 0 : i32
            %dma_wait3A_141 = tpu.memref_slice %arg4[%add3A_137, %dma_wait3A_140] : memref<320000x128xf32, #tpu.memory_space<hbm>> -> memref<80x128xf32, #tpu.memory_space<hbm>>
            tpu.wait_dma2 semaphore(%arg15 : memref<!tpu.dma_semaphore, #tpu.memory_space<semaphore_mem>>) src(%arg12 : memref<80x128xf32, #tpu.memory_space<vmem>>) dst(%dma_wait3A_141 : memref<80x128xf32, #tpu.memory_space<hbm>>)
          } else {
          }
          %add3A_124 = arith.constant 3 : i32
          %add3A_125 = arith.addi %add3A_72, %add3A_124 : i32
          %mul3A_126 = arith.constant 80 : i32
          %mul3A_127 = arith.muli %add3A_125, %mul3A_126 : i32
          %add3A_128 = arith.addi %mul3A_2, %mul3A_127 : i32
          %dma_wait3A_129 = tpu.memref_slice %arg3[%add3A_128] : memref<320000xi32, #tpu.memory_space<hbm>> -> memref<80xi32, #tpu.memory_space<hbm>>
          %dma_wait3A_130 = tpu.memref_slice %arg3[%add3A_128] : memref<320000xi32, #tpu.memory_space<hbm>> -> memref<80xi32, #tpu.memory_space<hbm>>
          tpu.wait_dma2 semaphore(%arg13 : memref<!tpu.dma_semaphore, #tpu.memory_space<semaphore_mem>>) src(%dma_wait3A_130 : memref<80xi32, #tpu.memory_space<hbm>>) dst(%arg8 : memref<80xi32, #tpu.memory_space<vmem>>)
          %dma_start3A_131 = arith.constant 0 : i32
          %dma_start3A_132 = arith.constant 0 : i32
          %dma_start3A_133 = tpu.memref_slice %arg2[%dma_start3A_131, %dma_start3A_132] : memref<10000x128xf32, #tpu.memory_space<hbm>> -> memref<10000x128xf32, #tpu.memory_space<hbm>>
          tpu.enqueue_indirect_dma source(%dma_start3A_133 : memref<10000x128xf32, #tpu.memory_space<hbm>>) target(%arg12 : memref<80x128xf32, #tpu.memory_space<vmem>>) offsets(%arg8 : memref<80xi32, #tpu.memory_space<vmem>>) semaphore(%arg14 : memref<!tpu.dma_semaphore, #tpu.memory_space<semaphore_mem>>)
        } else {
        }
      } else {
      }
      %add3A_75 = arith.constant 1 : i32
      %add3A_76 = arith.addi %add3A_70, %add3A_75 : i32
      %lt3A_77 = arith.constant 125 : i32
      %lt3A_78 = arith.cmpi slt, %add3A_76, %lt3A_77 : i32
      %convert_element_type3A_79 = arith.extui %lt3A_78 : i1 to i32
      %cond3A_80 = arith.constant 0 : i32
      %cond3A_81 = arith.cmpi ne, %convert_element_type3A_79, %cond3A_80 : i32
      scf.if %cond3A_81 {
        %dma_wait3A_96 = arith.constant 0 : i32
        %dma_wait3A_97 = arith.constant 0 : i32
        %dma_wait3A_98 = tpu.memref_slice %arg2[%dma_wait3A_96, %dma_wait3A_97] : memref<10000x128xf32, #tpu.memory_space<hbm>> -> memref<10000x128xf32, #tpu.memory_space<hbm>>
        tpu.wait_indirect_dma semaphore(%arg14 : memref<!tpu.dma_semaphore, #tpu.memory_space<semaphore_mem>>) src(%dma_wait3A_98 : memref<10000x128xf32, #tpu.memory_space<hbm>>) dst(%arg10 : memref<80x128xf32, #tpu.memory_space<vmem>>)
        %mul3A_99 = arith.constant 80 : i32
        %mul3A_100 = arith.muli %add3A_76, %mul3A_99 : i32
        %add3A_101 = arith.addi %mul3A_2, %mul3A_100 : i32
        %dma_start3A_102 = arith.constant 0 : i32
        %dma_start3A_103 = tpu.memref_slice %arg4[%add3A_101, %dma_start3A_102] : memref<320000x128xf32, #tpu.memory_space<hbm>> -> memref<80x128xf32, #tpu.memory_space<hbm>>
        %dma_start3A_104 = arith.constant 0 : i32
        %dma_start3A_105 = tpu.memref_slice %arg4[%add3A_101, %dma_start3A_104] : memref<320000x128xf32, #tpu.memory_space<hbm>> -> memref<80x128xf32, #tpu.memory_space<hbm>>
        tpu.enqueue_dma source(%arg10 : memref<80x128xf32, #tpu.memory_space<vmem>>) target(%dma_start3A_105 : memref<80x128xf32, #tpu.memory_space<hbm>>) target_semaphore(%arg15 : memref<!tpu.dma_semaphore, #tpu.memory_space<semaphore_mem>>)
        %add3A_106 = arith.constant 4 : i32
        %add3A_107 = arith.addi %add3A_76, %add3A_106 : i32
        %lt3A_108 = arith.constant 125 : i32
        %lt3A_109 = arith.cmpi slt, %add3A_107, %lt3A_108 : i32
        %convert_element_type3A_110 = arith.extui %lt3A_109 : i1 to i32
        %cond3A_111 = arith.constant 0 : i32
        %cond3A_112 = arith.cmpi ne, %convert_element_type3A_110, %cond3A_111 : i32
        scf.if %cond3A_112 {
          %add3A_120 = arith.constant 4 : i32
          %add3A_121 = arith.addi %add3A_76, %add3A_120 : i32
          %mul3A_122 = arith.constant 80 : i32
          %mul3A_123 = arith.muli %add3A_121, %mul3A_122 : i32
          %add3A_124 = arith.addi %mul3A_2, %mul3A_123 : i32
          %dma_start3A_125 = tpu.memref_slice %arg3[%add3A_124] : memref<320000xi32, #tpu.memory_space<hbm>> -> memref<80xi32, #tpu.memory_space<hbm>>
          %dma_start3A_126 = tpu.memref_slice %arg3[%add3A_124] : memref<320000xi32, #tpu.memory_space<hbm>> -> memref<80xi32, #tpu.memory_space<hbm>>
          tpu.enqueue_dma source(%dma_start3A_126 : memref<80xi32, #tpu.memory_space<hbm>>) target(%arg6 : memref<80xi32, #tpu.memory_space<vmem>>) target_semaphore(%arg13 : memref<!tpu.dma_semaphore, #tpu.memory_space<semaphore_mem>>)
        } else {
        }
        %add3A_113 = arith.constant 3 : i32
        %add3A_114 = arith.addi %add3A_76, %add3A_113 : i32
        %lt3A_115 = arith.constant 125 : i32
        %lt3A_116 = arith.cmpi slt, %add3A_114, %lt3A_115 : i32
        %convert_element_type3A_117 = arith.extui %lt3A_116 : i1 to i32
        %cond3A_118 = arith.constant 0 : i32
        %cond3A_119 = arith.cmpi ne, %convert_element_type3A_117, %cond3A_118 : i32
        scf.if %cond3A_119 {
          %ge3A = arith.constant 1 : i32
          %ge3A_120 = arith.cmpi sge, %add3A_76, %ge3A : i32
          %convert_element_type3A_121 = arith.extui %ge3A_120 : i1 to i32
          %cond3A_122 = arith.constant 0 : i32
          %cond3A_123 = arith.cmpi ne, %convert_element_type3A_121, %cond3A_122 : i32
          scf.if %cond3A_123 {
            %sub3A = arith.constant 1 : i32
            %sub3A_134 = arith.subi %add3A_76, %sub3A : i32
            %mul3A_135 = arith.constant 80 : i32
            %mul3A_136 = arith.muli %sub3A_134, %mul3A_135 : i32
            %add3A_137 = arith.addi %mul3A_2, %mul3A_136 : i32
            %dma_wait3A_138 = arith.constant 0 : i32
            %dma_wait3A_139 = tpu.memref_slice %arg4[%add3A_137, %dma_wait3A_138] : memref<320000x128xf32, #tpu.memory_space<hbm>> -> memref<80x128xf32, #tpu.memory_space<hbm>>
            %dma_wait3A_140 = arith.constant 0 : i32
            %dma_wait3A_141 = tpu.memref_slice %arg4[%add3A_137, %dma_wait3A_140] : memref<320000x128xf32, #tpu.memory_space<hbm>> -> memref<80x128xf32, #tpu.memory_space<hbm>>
            tpu.wait_dma2 semaphore(%arg15 : memref<!tpu.dma_semaphore, #tpu.memory_space<semaphore_mem>>) src(%arg9 : memref<80x128xf32, #tpu.memory_space<vmem>>) dst(%dma_wait3A_141 : memref<80x128xf32, #tpu.memory_space<hbm>>)
          } else {
          }
          %add3A_124 = arith.constant 3 : i32
          %add3A_125 = arith.addi %add3A_76, %add3A_124 : i32
          %mul3A_126 = arith.constant 80 : i32
          %mul3A_127 = arith.muli %add3A_125, %mul3A_126 : i32
          %add3A_128 = arith.addi %mul3A_2, %mul3A_127 : i32
          %dma_wait3A_129 = tpu.memref_slice %arg3[%add3A_128] : memref<320000xi32, #tpu.memory_space<hbm>> -> memref<80xi32, #tpu.memory_space<hbm>>
          %dma_wait3A_130 = tpu.memref_slice %arg3[%add3A_128] : memref<320000xi32, #tpu.memory_space<hbm>> -> memref<80xi32, #tpu.memory_space<hbm>>
          tpu.wait_dma2 semaphore(%arg13 : memref<!tpu.dma_semaphore, #tpu.memory_space<semaphore_mem>>) src(%dma_wait3A_130 : memref<80xi32, #tpu.memory_space<hbm>>) dst(%arg5 : memref<80xi32, #tpu.memory_space<vmem>>)
          %dma_start3A_131 = arith.constant 0 : i32
          %dma_start3A_132 = arith.constant 0 : i32
          %dma_start3A_133 = tpu.memref_slice %arg2[%dma_start3A_131, %dma_start3A_132] : memref<10000x128xf32, #tpu.memory_space<hbm>> -> memref<10000x128xf32, #tpu.memory_space<hbm>>
          tpu.enqueue_indirect_dma source(%dma_start3A_133 : memref<10000x128xf32, #tpu.memory_space<hbm>>) target(%arg9 : memref<80x128xf32, #tpu.memory_space<vmem>>) offsets(%arg5 : memref<80xi32, #tpu.memory_space<vmem>>) semaphore(%arg14 : memref<!tpu.dma_semaphore, #tpu.memory_space<semaphore_mem>>)
        } else {
        }
      } else {
      }
      %add3A_82 = arith.constant 2 : i32
      %add3A_83 = arith.addi %add3A_70, %add3A_82 : i32
      %lt3A_84 = arith.constant 125 : i32
      %lt3A_85 = arith.cmpi slt, %add3A_83, %lt3A_84 : i32
      %convert_element_type3A_86 = arith.extui %lt3A_85 : i1 to i32
      %cond3A_87 = arith.constant 0 : i32
      %cond3A_88 = arith.cmpi ne, %convert_element_type3A_86, %cond3A_87 : i32
      scf.if %cond3A_88 {
        %dma_wait3A_96 = arith.constant 0 : i32
        %dma_wait3A_97 = arith.constant 0 : i32
        %dma_wait3A_98 = tpu.memref_slice %arg2[%dma_wait3A_96, %dma_wait3A_97] : memref<10000x128xf32, #tpu.memory_space<hbm>> -> memref<10000x128xf32, #tpu.memory_space<hbm>>
        tpu.wait_indirect_dma semaphore(%arg14 : memref<!tpu.dma_semaphore, #tpu.memory_space<semaphore_mem>>) src(%dma_wait3A_98 : memref<10000x128xf32, #tpu.memory_space<hbm>>) dst(%arg11 : memref<80x128xf32, #tpu.memory_space<vmem>>)
        %mul3A_99 = arith.constant 80 : i32
        %mul3A_100 = arith.muli %add3A_83, %mul3A_99 : i32
        %add3A_101 = arith.addi %mul3A_2, %mul3A_100 : i32
        %dma_start3A_102 = arith.constant 0 : i32
        %dma_start3A_103 = tpu.memref_slice %arg4[%add3A_101, %dma_start3A_102] : memref<320000x128xf32, #tpu.memory_space<hbm>> -> memref<80x128xf32, #tpu.memory_space<hbm>>
        %dma_start3A_104 = arith.constant 0 : i32
        %dma_start3A_105 = tpu.memref_slice %arg4[%add3A_101, %dma_start3A_104] : memref<320000x128xf32, #tpu.memory_space<hbm>> -> memref<80x128xf32, #tpu.memory_space<hbm>>
        tpu.enqueue_dma source(%arg11 : memref<80x128xf32, #tpu.memory_space<vmem>>) target(%dma_start3A_105 : memref<80x128xf32, #tpu.memory_space<hbm>>) target_semaphore(%arg15 : memref<!tpu.dma_semaphore, #tpu.memory_space<semaphore_mem>>)
        %add3A_106 = arith.constant 4 : i32
        %add3A_107 = arith.addi %add3A_83, %add3A_106 : i32
        %lt3A_108 = arith.constant 125 : i32
        %lt3A_109 = arith.cmpi slt, %add3A_107, %lt3A_108 : i32
        %convert_element_type3A_110 = arith.extui %lt3A_109 : i1 to i32
        %cond3A_111 = arith.constant 0 : i32
        %cond3A_112 = arith.cmpi ne, %convert_element_type3A_110, %cond3A_111 : i32
        scf.if %cond3A_112 {
          %add3A_120 = arith.constant 4 : i32
          %add3A_121 = arith.addi %add3A_83, %add3A_120 : i32
          %mul3A_122 = arith.constant 80 : i32
          %mul3A_123 = arith.muli %add3A_121, %mul3A_122 : i32
          %add3A_124 = arith.addi %mul3A_2, %mul3A_123 : i32
          %dma_start3A_125 = tpu.memref_slice %arg3[%add3A_124] : memref<320000xi32, #tpu.memory_space<hbm>> -> memref<80xi32, #tpu.memory_space<hbm>>
          %dma_start3A_126 = tpu.memref_slice %arg3[%add3A_124] : memref<320000xi32, #tpu.memory_space<hbm>> -> memref<80xi32, #tpu.memory_space<hbm>>
          tpu.enqueue_dma source(%dma_start3A_126 : memref<80xi32, #tpu.memory_space<hbm>>) target(%arg7 : memref<80xi32, #tpu.memory_space<vmem>>) target_semaphore(%arg13 : memref<!tpu.dma_semaphore, #tpu.memory_space<semaphore_mem>>)
        } else {
        }
        %add3A_113 = arith.constant 3 : i32
        %add3A_114 = arith.addi %add3A_83, %add3A_113 : i32
        %lt3A_115 = arith.constant 125 : i32
        %lt3A_116 = arith.cmpi slt, %add3A_114, %lt3A_115 : i32
        %convert_element_type3A_117 = arith.extui %lt3A_116 : i1 to i32
        %cond3A_118 = arith.constant 0 : i32
        %cond3A_119 = arith.cmpi ne, %convert_element_type3A_117, %cond3A_118 : i32
        scf.if %cond3A_119 {
          %ge3A = arith.constant 1 : i32
          %ge3A_120 = arith.cmpi sge, %add3A_83, %ge3A : i32
          %convert_element_type3A_121 = arith.extui %ge3A_120 : i1 to i32
          %cond3A_122 = arith.constant 0 : i32
          %cond3A_123 = arith.cmpi ne, %convert_element_type3A_121, %cond3A_122 : i32
          scf.if %cond3A_123 {
            %sub3A = arith.constant 1 : i32
            %sub3A_134 = arith.subi %add3A_83, %sub3A : i32
            %mul3A_135 = arith.constant 80 : i32
            %mul3A_136 = arith.muli %sub3A_134, %mul3A_135 : i32
            %add3A_137 = arith.addi %mul3A_2, %mul3A_136 : i32
            %dma_wait3A_138 = arith.constant 0 : i32
            %dma_wait3A_139 = tpu.memref_slice %arg4[%add3A_137, %dma_wait3A_138] : memref<320000x128xf32, #tpu.memory_space<hbm>> -> memref<80x128xf32, #tpu.memory_space<hbm>>
            %dma_wait3A_140 = arith.constant 0 : i32
            %dma_wait3A_141 = tpu.memref_slice %arg4[%add3A_137, %dma_wait3A_140] : memref<320000x128xf32, #tpu.memory_space<hbm>> -> memref<80x128xf32, #tpu.memory_space<hbm>>
            tpu.wait_dma2 semaphore(%arg15 : memref<!tpu.dma_semaphore, #tpu.memory_space<semaphore_mem>>) src(%arg10 : memref<80x128xf32, #tpu.memory_space<vmem>>) dst(%dma_wait3A_141 : memref<80x128xf32, #tpu.memory_space<hbm>>)
          } else {
          }
          %add3A_124 = arith.constant 3 : i32
          %add3A_125 = arith.addi %add3A_83, %add3A_124 : i32
          %mul3A_126 = arith.constant 80 : i32
          %mul3A_127 = arith.muli %add3A_125, %mul3A_126 : i32
          %add3A_128 = arith.addi %mul3A_2, %mul3A_127 : i32
          %dma_wait3A_129 = tpu.memref_slice %arg3[%add3A_128] : memref<320000xi32, #tpu.memory_space<hbm>> -> memref<80xi32, #tpu.memory_space<hbm>>
          %dma_wait3A_130 = tpu.memref_slice %arg3[%add3A_128] : memref<320000xi32, #tpu.memory_space<hbm>> -> memref<80xi32, #tpu.memory_space<hbm>>
          tpu.wait_dma2 semaphore(%arg13 : memref<!tpu.dma_semaphore, #tpu.memory_space<semaphore_mem>>) src(%dma_wait3A_130 : memref<80xi32, #tpu.memory_space<hbm>>) dst(%arg6 : memref<80xi32, #tpu.memory_space<vmem>>)
          %dma_start3A_131 = arith.constant 0 : i32
          %dma_start3A_132 = arith.constant 0 : i32
          %dma_start3A_133 = tpu.memref_slice %arg2[%dma_start3A_131, %dma_start3A_132] : memref<10000x128xf32, #tpu.memory_space<hbm>> -> memref<10000x128xf32, #tpu.memory_space<hbm>>
          tpu.enqueue_indirect_dma source(%dma_start3A_133 : memref<10000x128xf32, #tpu.memory_space<hbm>>) target(%arg10 : memref<80x128xf32, #tpu.memory_space<vmem>>) offsets(%arg6 : memref<80xi32, #tpu.memory_space<vmem>>) semaphore(%arg14 : memref<!tpu.dma_semaphore, #tpu.memory_space<semaphore_mem>>)
        } else {
        }
      } else {
      }
      %add3A_89 = arith.constant 3 : i32
      %add3A_90 = arith.addi %add3A_70, %add3A_89 : i32
      %lt3A_91 = arith.constant 125 : i32
      %lt3A_92 = arith.cmpi slt, %add3A_90, %lt3A_91 : i32
      %convert_element_type3A_93 = arith.extui %lt3A_92 : i1 to i32
      %cond3A_94 = arith.constant 0 : i32
      %cond3A_95 = arith.cmpi ne, %convert_element_type3A_93, %cond3A_94 : i32
      scf.if %cond3A_95 {
        %dma_wait3A_96 = arith.constant 0 : i32
        %dma_wait3A_97 = arith.constant 0 : i32
        %dma_wait3A_98 = tpu.memref_slice %arg2[%dma_wait3A_96, %dma_wait3A_97] : memref<10000x128xf32, #tpu.memory_space<hbm>> -> memref<10000x128xf32, #tpu.memory_space<hbm>>
        tpu.wait_indirect_dma semaphore(%arg14 : memref<!tpu.dma_semaphore, #tpu.memory_space<semaphore_mem>>) src(%dma_wait3A_98 : memref<10000x128xf32, #tpu.memory_space<hbm>>) dst(%arg12 : memref<80x128xf32, #tpu.memory_space<vmem>>)
        %mul3A_99 = arith.constant 80 : i32
        %mul3A_100 = arith.muli %add3A_90, %mul3A_99 : i32
        %add3A_101 = arith.addi %mul3A_2, %mul3A_100 : i32
        %dma_start3A_102 = arith.constant 0 : i32
        %dma_start3A_103 = tpu.memref_slice %arg4[%add3A_101, %dma_start3A_102] : memref<320000x128xf32, #tpu.memory_space<hbm>> -> memref<80x128xf32, #tpu.memory_space<hbm>>
        %dma_start3A_104 = arith.constant 0 : i32
        %dma_start3A_105 = tpu.memref_slice %arg4[%add3A_101, %dma_start3A_104] : memref<320000x128xf32, #tpu.memory_space<hbm>> -> memref<80x128xf32, #tpu.memory_space<hbm>>
        tpu.enqueue_dma source(%arg12 : memref<80x128xf32, #tpu.memory_space<vmem>>) target(%dma_start3A_105 : memref<80x128xf32, #tpu.memory_space<hbm>>) target_semaphore(%arg15 : memref<!tpu.dma_semaphore, #tpu.memory_space<semaphore_mem>>)
        %add3A_106 = arith.constant 4 : i32
        %add3A_107 = arith.addi %add3A_90, %add3A_106 : i32
        %lt3A_108 = arith.constant 125 : i32
        %lt3A_109 = arith.cmpi slt, %add3A_107, %lt3A_108 : i32
        %convert_element_type3A_110 = arith.extui %lt3A_109 : i1 to i32
        %cond3A_111 = arith.constant 0 : i32
        %cond3A_112 = arith.cmpi ne, %convert_element_type3A_110, %cond3A_111 : i32
        scf.if %cond3A_112 {
          %add3A_120 = arith.constant 4 : i32
          %add3A_121 = arith.addi %add3A_90, %add3A_120 : i32
          %mul3A_122 = arith.constant 80 : i32
          %mul3A_123 = arith.muli %add3A_121, %mul3A_122 : i32
          %add3A_124 = arith.addi %mul3A_2, %mul3A_123 : i32
          %dma_start3A_125 = tpu.memref_slice %arg3[%add3A_124] : memref<320000xi32, #tpu.memory_space<hbm>> -> memref<80xi32, #tpu.memory_space<hbm>>
          %dma_start3A_126 = tpu.memref_slice %arg3[%add3A_124] : memref<320000xi32, #tpu.memory_space<hbm>> -> memref<80xi32, #tpu.memory_space<hbm>>
          tpu.enqueue_dma source(%dma_start3A_126 : memref<80xi32, #tpu.memory_space<hbm>>) target(%arg8 : memref<80xi32, #tpu.memory_space<vmem>>) target_semaphore(%arg13 : memref<!tpu.dma_semaphore, #tpu.memory_space<semaphore_mem>>)
        } else {
        }
        %add3A_113 = arith.constant 3 : i32
        %add3A_114 = arith.addi %add3A_90, %add3A_113 : i32
        %lt3A_115 = arith.constant 125 : i32
        %lt3A_116 = arith.cmpi slt, %add3A_114, %lt3A_115 : i32
        %convert_element_type3A_117 = arith.extui %lt3A_116 : i1 to i32
        %cond3A_118 = arith.constant 0 : i32
        %cond3A_119 = arith.cmpi ne, %convert_element_type3A_117, %cond3A_118 : i32
        scf.if %cond3A_119 {
          %ge3A = arith.constant 1 : i32
          %ge3A_120 = arith.cmpi sge, %add3A_90, %ge3A : i32
          %convert_element_type3A_121 = arith.extui %ge3A_120 : i1 to i32
          %cond3A_122 = arith.constant 0 : i32
          %cond3A_123 = arith.cmpi ne, %convert_element_type3A_121, %cond3A_122 : i32
          scf.if %cond3A_123 {
            %sub3A = arith.constant 1 : i32
            %sub3A_134 = arith.subi %add3A_90, %sub3A : i32
            %mul3A_135 = arith.constant 80 : i32
            %mul3A_136 = arith.muli %sub3A_134, %mul3A_135 : i32
            %add3A_137 = arith.addi %mul3A_2, %mul3A_136 : i32
            %dma_wait3A_138 = arith.constant 0 : i32
            %dma_wait3A_139 = tpu.memref_slice %arg4[%add3A_137, %dma_wait3A_138] : memref<320000x128xf32, #tpu.memory_space<hbm>> -> memref<80x128xf32, #tpu.memory_space<hbm>>
            %dma_wait3A_140 = arith.constant 0 : i32
            %dma_wait3A_141 = tpu.memref_slice %arg4[%add3A_137, %dma_wait3A_140] : memref<320000x128xf32, #tpu.memory_space<hbm>> -> memref<80x128xf32, #tpu.memory_space<hbm>>
            tpu.wait_dma2 semaphore(%arg15 : memref<!tpu.dma_semaphore, #tpu.memory_space<semaphore_mem>>) src(%arg11 : memref<80x128xf32, #tpu.memory_space<vmem>>) dst(%dma_wait3A_141 : memref<80x128xf32, #tpu.memory_space<hbm>>)
          } else {
          }
          %add3A_124 = arith.constant 3 : i32
          %add3A_125 = arith.addi %add3A_90, %add3A_124 : i32
          %mul3A_126 = arith.constant 80 : i32
          %mul3A_127 = arith.muli %add3A_125, %mul3A_126 : i32
          %add3A_128 = arith.addi %mul3A_2, %mul3A_127 : i32
          %dma_wait3A_129 = tpu.memref_slice %arg3[%add3A_128] : memref<320000xi32, #tpu.memory_space<hbm>> -> memref<80xi32, #tpu.memory_space<hbm>>
          %dma_wait3A_130 = tpu.memref_slice %arg3[%add3A_128] : memref<320000xi32, #tpu.memory_space<hbm>> -> memref<80xi32, #tpu.memory_space<hbm>>
          tpu.wait_dma2 semaphore(%arg13 : memref<!tpu.dma_semaphore, #tpu.memory_space<semaphore_mem>>) src(%dma_wait3A_130 : memref<80xi32, #tpu.memory_space<hbm>>) dst(%arg7 : memref<80xi32, #tpu.memory_space<vmem>>)
          %dma_start3A_131 = arith.constant 0 : i32
          %dma_start3A_132 = arith.constant 0 : i32
          %dma_start3A_133 = tpu.memref_slice %arg2[%dma_start3A_131, %dma_start3A_132] : memref<10000x128xf32, #tpu.memory_space<hbm>> -> memref<10000x128xf32, #tpu.memory_space<hbm>>
          tpu.enqueue_indirect_dma source(%dma_start3A_133 : memref<10000x128xf32, #tpu.memory_space<hbm>>) target(%arg11 : memref<80x128xf32, #tpu.memory_space<vmem>>) offsets(%arg7 : memref<80xi32, #tpu.memory_space<vmem>>) semaphore(%arg14 : memref<!tpu.dma_semaphore, #tpu.memory_space<semaphore_mem>>)
        } else {
        }
      } else {
      }
    }
    %scan3A_41 = arith.constant 32 : i32
    %add3A_42 = arith.constant 9680 : i32
    %add3A_43 = arith.addi %mul3A_2, %add3A_42 : i32
    %dma_wait3A_44 = arith.constant 0 : i32
    %dma_wait3A_45 = tpu.memref_slice %arg4[%add3A_43, %dma_wait3A_44] : memref<320000x128xf32, #tpu.memory_space<hbm>> -> memref<80x128xf32, #tpu.memory_space<hbm>>
    %dma_wait3A_46 = arith.constant 0 : i32
    %dma_wait3A_47 = tpu.memref_slice %arg4[%add3A_43, %dma_wait3A_46] : memref<320000x128xf32, #tpu.memory_space<hbm>> -> memref<80x128xf32, #tpu.memory_space<hbm>>
    tpu.wait_dma2 semaphore(%arg15 : memref<!tpu.dma_semaphore, #tpu.memory_space<semaphore_mem>>) src(%arg10 : memref<80x128xf32, #tpu.memory_space<vmem>>) dst(%dma_wait3A_47 : memref<80x128xf32, #tpu.memory_space<hbm>>)
    %add3A_48 = arith.constant 9760 : i32
    %add3A_49 = arith.addi %mul3A_2, %add3A_48 : i32
    %dma_wait3A_50 = arith.constant 0 : i32
    %dma_wait3A_51 = tpu.memref_slice %arg4[%add3A_49, %dma_wait3A_50] : memref<320000x128xf32, #tpu.memory_space<hbm>> -> memref<80x128xf32, #tpu.memory_space<hbm>>
    %dma_wait3A_52 = arith.constant 0 : i32
    %dma_wait3A_53 = tpu.memref_slice %arg4[%add3A_49, %dma_wait3A_52] : memref<320000x128xf32, #tpu.memory_space<hbm>> -> memref<80x128xf32, #tpu.memory_space<hbm>>
    tpu.wait_dma2 semaphore(%arg15 : memref<!tpu.dma_semaphore, #tpu.memory_space<semaphore_mem>>) src(%arg11 : memref<80x128xf32, #tpu.memory_space<vmem>>) dst(%dma_wait3A_53 : memref<80x128xf32, #tpu.memory_space<hbm>>)
    %add3A_54 = arith.constant 9840 : i32
    %add3A_55 = arith.addi %mul3A_2, %add3A_54 : i32
    %dma_wait3A_56 = arith.constant 0 : i32
    %dma_wait3A_57 = tpu.memref_slice %arg4[%add3A_55, %dma_wait3A_56] : memref<320000x128xf32, #tpu.memory_space<hbm>> -> memref<80x128xf32, #tpu.memory_space<hbm>>
    %dma_wait3A_58 = arith.constant 0 : i32
    %dma_wait3A_59 = tpu.memref_slice %arg4[%add3A_55, %dma_wait3A_58] : memref<320000x128xf32, #tpu.memory_space<hbm>> -> memref<80x128xf32, #tpu.memory_space<hbm>>
    tpu.wait_dma2 semaphore(%arg15 : memref<!tpu.dma_semaphore, #tpu.memory_space<semaphore_mem>>) src(%arg12 : memref<80x128xf32, #tpu.memory_space<vmem>>) dst(%dma_wait3A_59 : memref<80x128xf32, #tpu.memory_space<hbm>>)
    %add3A_60 = arith.constant 9920 : i32
    %add3A_61 = arith.addi %mul3A_2, %add3A_60 : i32
    %dma_wait3A_62 = arith.constant 0 : i32
    %dma_wait3A_63 = tpu.memref_slice %arg4[%add3A_61, %dma_wait3A_62] : memref<320000x128xf32, #tpu.memory_space<hbm>> -> memref<80x128xf32, #tpu.memory_space<hbm>>
    %dma_wait3A_64 = arith.constant 0 : i32
    %dma_wait3A_65 = tpu.memref_slice %arg4[%add3A_61, %dma_wait3A_64] : memref<320000x128xf32, #tpu.memory_space<hbm>> -> memref<80x128xf32, #tpu.memory_space<hbm>>
    tpu.wait_dma2 semaphore(%arg15 : memref<!tpu.dma_semaphore, #tpu.memory_space<semaphore_mem>>) src(%arg9 : memref<80x128xf32, #tpu.memory_space<vmem>>) dst(%dma_wait3A_65 : memref<80x128xf32, #tpu.memory_space<hbm>>)
    return
  }
}

module attributes {stable_mosaic.version = 14 : i64} {
  func.func @_edge_w_body(%arg0: i32, %arg1: memref<4000x16xf32, #tpu.memory_space<vmem>>, %arg2: memref<16x128xf32, #tpu.memory_space<vmem>>, %arg3: memref<4000x128xf32, #tpu.memory_space<vmem>>, %arg4: memref<1x1xf32, #tpu.memory_space<vmem>>, %arg5: memref<2x4000x128xf32, #tpu.memory_space<vmem>>) attributes {dimension_semantics = [#tpu.dimension_semantics<arbitrary>], iteration_bounds = array<i64: 80>, scalar_prefetch = 0 : i64, scratch_operands = 0 : i64, tpu.core_type = #tpu.core_type<tc>, window_params = [{transform_indices = @transform_0, window_bounds = array<i64: 4000, 16>}, {pipeline_mode = #tpu.pipeline_mode<synchronous>, transform_indices = @transform_1, window_bounds = array<i64: 16, 128>}, {transform_indices = @transform_2, window_bounds = array<i64: 4000, 128>}, {pipeline_mode = #tpu.pipeline_mode<synchronous>, transform_indices = @transform_3, window_bounds = array<i64: 1, 1>}, {transform_indices = @transform_4, window_bounds = array<i64: 2, 4000, 128>}]} {
    %get3A = arith.constant 0 : index
    %get3A_0 = arith.constant 0 : index
    %get3A_1 = vector.load %arg1[%get3A, %get3A_0] : memref<4000x16xf32, #tpu.memory_space<vmem>>, vector<4000x16xf32>
    %get3A_2 = arith.constant 0 : index
    %get3A_3 = arith.constant 0 : index
    %get3A_4 = vector.load %arg2[%get3A_2, %get3A_3] : memref<16x128xf32, #tpu.memory_space<vmem>>, vector<16x128xf32>
    %dot_general3A = arith.constant dense<0.000000e+00> : vector<4000x128xf32>
    %dot_general3A_5 = tpu.matmul %get3A_1, %get3A_4, %dot_general3A {dimension_numbers = #tpu.dot_dimension_numbers<[1], [0], [0], [1], [0, 0, 1, 1], [], []>, transpose_lhs_hint = false} : vector<4000x16xf32>, vector<16x128xf32>, vector<4000x128xf32> -> vector<4000x128xf32>
    %get3A_6 = arith.constant 0 : index
    %get3A_7 = arith.constant 0 : index
    %get3A_8 = vector.load %arg3[%get3A_6, %get3A_7] : memref<4000x128xf32, #tpu.memory_space<vmem>>, vector<4000x128xf32>
    %add3A = arith.addf %get3A_8, %dot_general3A_5 : vector<4000x128xf32>
    %max3A = arith.constant 0.000000e+00 : f32
    %max3A_9 = vector.broadcast %max3A : f32 to vector<4000x128xf32>
    %max3A_10 = arith.maximumf %add3A, %max3A_9 : vector<4000x128xf32>
    %add3A_11 = arith.constant 1.000000e-07 : f32
    %add3A_12 = vector.broadcast %add3A_11 : f32 to vector<4000x128xf32>
    %add3A_13 = arith.addf %max3A_10, %add3A_12 : vector<4000x128xf32>
    %get3A_14 = arith.constant 0 : index
    %get3A_15 = arith.constant 0 : index
    %get3A_16 = vector.load %arg4[%get3A_14, %get3A_15] : memref<1x1xf32, #tpu.memory_space<vmem>>, vector<1x1xf32>
    %get3A_17 = vector.extract %get3A_16[0, 0] : f32 from vector<1x1xf32>
    %mul3A = vector.broadcast %get3A_17 : f32 to vector<4000x128xf32>
    %mul3A_18 = arith.mulf %mul3A, %add3A_13 : vector<4000x128xf32>
    %exp3A = math.exp %mul3A_18 : vector<4000x128xf32>
    %mul3A_19 = arith.mulf %add3A_13, %exp3A : vector<4000x128xf32>
    %slice3A = vector.extract_strided_slice %exp3A {offsets = [0, 0], sizes = [4000, 64], strides = [1, 1]} : vector<4000x128xf32> to vector<4000x64xf32>
    %slice3A_20 = vector.extract_strided_slice %mul3A_19 {offsets = [0, 0], sizes = [4000, 64], strides = [1, 1]} : vector<4000x128xf32> to vector<4000x64xf32>
    %concatenate3A = tpu.concatenate %slice3A, %slice3A_20 in 1 : vector<4000x64xf32>, vector<4000x64xf32> -> vector<4000x128xf32>
    %swap3A = arith.constant 0 : index
    %swap3A_21 = arith.constant 0 : index
    %swap3A_22 = arith.constant 0 : index
    %swap3A_23 = vector.load %arg5[%swap3A, %swap3A_21, %swap3A_22] : memref<2x4000x128xf32, #tpu.memory_space<vmem>>, vector<1x4000x128xf32>
    %swap3A_24 = vector.shape_cast %swap3A_23 : vector<1x4000x128xf32> to vector<4000x128xf32>
    %swap3A_25 = vector.shape_cast %concatenate3A : vector<4000x128xf32> to vector<1x4000x128xf32>
    tpu.vector_store %arg5[%swap3A, %swap3A_21, %swap3A_22], %swap3A_25 {strides = array<i32>} : memref<2x4000x128xf32, #tpu.memory_space<vmem>>, vector<1x4000x128xf32>,
    %slice3A_26 = vector.extract_strided_slice %exp3A {offsets = [0, 64], sizes = [4000, 64], strides = [1, 1]} : vector<4000x128xf32> to vector<4000x64xf32>
    %slice3A_27 = vector.extract_strided_slice %mul3A_19 {offsets = [0, 64], sizes = [4000, 64], strides = [1, 1]} : vector<4000x128xf32> to vector<4000x64xf32>
    %concatenate3A_28 = tpu.concatenate %slice3A_26, %slice3A_27 in 1 : vector<4000x64xf32>, vector<4000x64xf32> -> vector<4000x128xf32>
    %swap3A_29 = arith.constant 1 : index
    %swap3A_30 = arith.constant 0 : index
    %swap3A_31 = arith.constant 0 : index
    %swap3A_32 = vector.load %arg5[%swap3A_29, %swap3A_30, %swap3A_31] : memref<2x4000x128xf32, #tpu.memory_space<vmem>>, vector<1x4000x128xf32>
    %swap3A_33 = vector.shape_cast %swap3A_32 : vector<1x4000x128xf32> to vector<4000x128xf32>
    %swap3A_34 = vector.shape_cast %concatenate3A_28 : vector<4000x128xf32> to vector<1x4000x128xf32>
    tpu.vector_store %arg5[%swap3A_29, %swap3A_30, %swap3A_31], %swap3A_34 {strides = array<i32>} : memref<2x4000x128xf32, #tpu.memory_space<vmem>>, vector<1x4000x128xf32>,
    return
  }
  func.func @transform_0(%arg0: i32) -> (i32, i32) {
    %c0_i32 = arith.constant 0 : i32
    %c0_i32_0 = arith.constant 0 : i32
    return %arg0, %c0_i32 : i32, i32
  }
  func.func @transform_1(%arg0: i32) -> (i32, i32) {
    %c0_i32 = arith.constant 0 : i32
    %c0_i32_0 = arith.constant 0 : i32
    %c0_i32_1 = arith.constant 0 : i32
    return %c0_i32, %c0_i32_0 : i32, i32
  }
  func.func @transform_2(%arg0: i32) -> (i32, i32) {
    %c0_i32 = arith.constant 0 : i32
    %c0_i32_0 = arith.constant 0 : i32
    return %arg0, %c0_i32 : i32, i32
  }
  func.func @transform_3(%arg0: i32) -> (i32, i32) {
    %c0_i32 = arith.constant 0 : i32
    %c0_i32_0 = arith.constant 0 : i32
    %c0_i32_1 = arith.constant 0 : i32
    return %c0_i32, %c0_i32_0 : i32, i32
  }
  func.func @transform_4(%arg0: i32) -> (i32, i32, i32) {
    %c0_i32 = arith.constant 0 : i32
    %c0_i32_0 = arith.constant 0 : i32
    %c0_i32_1 = arith.constant 0 : i32
    return %c0_i32, %arg0, %c0_i32_0 : i32, i32, i32
  }
}

module attributes {stable_mosaic.version = 14 : i64} {
  func.func @_stage_a_body(%arg0: i32, %arg1: memref<1x1000x128xf32, #tpu.memory_space<vmem>>, %arg2: memref<1x1000x128xf32, #tpu.memory_space<vmem>>, %arg3: memref<1000x128xf32, #tpu.memory_space<vmem>>, %arg4: memref<128x256xf32, #tpu.memory_space<vmem>>, %arg5: memref<1000x128xf32, #tpu.memory_space<vmem>>, %arg6: memref<2x256xf32, #tpu.memory_space<vmem>>) attributes {dimension_semantics = [#tpu.dimension_semantics<arbitrary>], iteration_bounds = array<i64: 10>, scalar_prefetch = 0 : i64, scratch_operands = 0 : i64, tpu.core_type = #tpu.core_type<tc>, window_params = [{transform_indices = @transform_0, window_bounds = array<i64: 1, 1000, 128>}, {transform_indices = @transform_1, window_bounds = array<i64: 1, 1000, 128>}, {transform_indices = @transform_2, window_bounds = array<i64: 1000, 128>}, {pipeline_mode = #tpu.pipeline_mode<synchronous>, transform_indices = @transform_3, window_bounds = array<i64: 128, 256>}, {transform_indices = @transform_4, window_bounds = array<i64: 1000, 128>}, {pipeline_mode = #tpu.pipeline_mode<synchronous>, transform_indices = @transform_5, window_bounds = array<i64: 2, 256>}]} {
    %get3A = arith.constant 0 : index
    %get3A_0 = arith.constant 0 : index
    %get3A_1 = arith.constant 0 : index
    %get3A_2 = vector.load %arg1[%get3A, %get3A_0, %get3A_1] : memref<1x1000x128xf32, #tpu.memory_space<vmem>>, vector<1x1000x128xf32>
    %get3A_3 = vector.shape_cast %get3A_2 : vector<1x1000x128xf32> to vector<1000x128xf32>
    %get3A_4 = arith.constant 0 : index
    %get3A_5 = arith.constant 0 : index
    %get3A_6 = arith.constant 0 : index
    %get3A_7 = vector.load %arg2[%get3A_4, %get3A_5, %get3A_6] : memref<1x1000x128xf32, #tpu.memory_space<vmem>>, vector<1x1000x128xf32>
    %get3A_8 = vector.shape_cast %get3A_7 : vector<1x1000x128xf32> to vector<1000x128xf32>
    %slice3A = vector.extract_strided_slice %get3A_3 {offsets = [0, 0], sizes = [1000, 64], strides = [1, 1]} : vector<1000x128xf32> to vector<1000x64xf32>
    %slice3A_9 = vector.extract_strided_slice %get3A_8 {offsets = [0, 0], sizes = [1000, 64], strides = [1, 1]} : vector<1000x128xf32> to vector<1000x64xf32>
    %concatenate3A = tpu.concatenate %slice3A, %slice3A_9 in 1 : vector<1000x64xf32>, vector<1000x64xf32> -> vector<1000x128xf32>
    %slice3A_10 = vector.extract_strided_slice %get3A_3 {offsets = [0, 64], sizes = [1000, 64], strides = [1, 1]} : vector<1000x128xf32> to vector<1000x64xf32>
    %slice3A_11 = vector.extract_strided_slice %get3A_8 {offsets = [0, 64], sizes = [1000, 64], strides = [1, 1]} : vector<1000x128xf32> to vector<1000x64xf32>
    %concatenate3A_12 = tpu.concatenate %slice3A_10, %slice3A_11 in 1 : vector<1000x64xf32>, vector<1000x64xf32> -> vector<1000x128xf32>
    %add3A = arith.constant 1.000000e-16 : f32
    %add3A_13 = vector.broadcast %add3A : f32 to vector<1000x128xf32>
    %add3A_14 = arith.addf %concatenate3A, %add3A_13 : vector<1000x128xf32>
    %div3A = arith.divf %concatenate3A_12, %add3A_14 : vector<1000x128xf32>
    %get3A_15 = arith.constant 0 : index
    %get3A_16 = arith.constant 0 : index
    %get3A_17 = vector.load %arg3[%get3A_15, %get3A_16] : memref<1000x128xf32, #tpu.memory_space<vmem>>, vector<1000x128xf32>
    %add3A_18 = arith.addf %div3A, %get3A_17 : vector<1000x128xf32>
    %swap3A = arith.constant 0 : index
    %swap3A_19 = arith.constant 0 : index
    %swap3A_20 = vector.load %arg5[%swap3A, %swap3A_19] : memref<1000x128xf32, #tpu.memory_space<vmem>>, vector<1000x128xf32>
    tpu.vector_store %arg5[%swap3A, %swap3A_19], %add3A_18 {strides = array<i32>} : memref<1000x128xf32, #tpu.memory_space<vmem>>, vector<1000x128xf32>,
    %get3A_21 = arith.constant 0 : index
    %get3A_22 = arith.constant 0 : index
    %get3A_23 = vector.load %arg4[%get3A_21, %get3A_22] : memref<128x256xf32, #tpu.memory_space<vmem>>, vector<128x256xf32>
    %dot_general3A = arith.constant dense<0.000000e+00> : vector<1000x256xf32>
    %dot_general3A_24 = tpu.matmul %add3A_18, %get3A_23, %dot_general3A {dimension_numbers = #tpu.dot_dimension_numbers<[1], [0], [0], [1], [0, 0, 1, 1], [], []>, transpose_lhs_hint = false} : vector<1000x128xf32>, vector<128x256xf32>, vector<1000x256xf32> -> vector<1000x256xf32>
    %reduce_sum3A = arith.constant dense<0.000000e+00> : vector<256xf32>
    %reduce_sum3A_25 = vector.multi_reduction <add>, %dot_general3A_24, %reduce_sum3A [0] : vector<1000x256xf32> to vector<256xf32>
    %broadcast_in_dim3A = vector.shape_cast %reduce_sum3A_25 : vector<256xf32> to vector<1x256xf32>
    %mul3A = arith.mulf %dot_general3A_24, %dot_general3A_24 : vector<1000x256xf32>
    %reduce_sum3A_26 = arith.constant dense<0.000000e+00> : vector<256xf32>
    %reduce_sum3A_27 = vector.multi_reduction <add>, %mul3A, %reduce_sum3A_26 [0] : vector<1000x256xf32> to vector<256xf32>
    %broadcast_in_dim3A_28 = vector.shape_cast %reduce_sum3A_27 : vector<256xf32> to vector<1x256xf32>
    %concatenate3A_29 = tpu.concatenate %broadcast_in_dim3A, %broadcast_in_dim3A_28 in 0 : vector<1x256xf32>, vector<1x256xf32> -> vector<2x256xf32>
    %eq3A = arith.constant 0 : i32
    %eq3A_30 = arith.cmpi eq, %arg0, %eq3A : i32
    %convert_element_type3A = arith.extui %eq3A_30 : i1 to i32
    %cond3A = arith.constant 0 : i32
    %cond3A_31 = arith.cmpi ne, %convert_element_type3A, %cond3A : i32
    scf.if %cond3A_31 {
      %swap3A_36 = arith.constant 0 : index
      %swap3A_37 = arith.constant 0 : index
      %swap3A_38 = vector.load %arg6[%swap3A_36, %swap3A_37] : memref<2x256xf32, #tpu.memory_space<vmem>>, vector<2x256xf32>
      tpu.vector_store %arg6[%swap3A_36, %swap3A_37], %concatenate3A_29 {strides = array<i32>} : memref<2x256xf32, #tpu.memory_space<vmem>>, vector<2x256xf32>,
    } else {
    }
    %gt3A = arith.constant 0 : i32
    %gt3A_32 = arith.cmpi sgt, %arg0, %gt3A : i32
    %convert_element_type3A_33 = arith.extui %gt3A_32 : i1 to i32
    %cond3A_34 = arith.constant 0 : i32
    %cond3A_35 = arith.cmpi ne, %convert_element_type3A_33, %cond3A_34 : i32
    scf.if %cond3A_35 {
      %get3A_36 = arith.constant 0 : index
      %get3A_37 = arith.constant 0 : index
      %get3A_38 = vector.load %arg6[%get3A_36, %get3A_37] : memref<2x256xf32, #tpu.memory_space<vmem>>, vector<2x256xf32>
      %add3A_39 = arith.addf %get3A_38, %concatenate3A_29 : vector<2x256xf32>
      %swap3A_40 = arith.constant 0 : index
      %swap3A_41 = arith.constant 0 : index
      %swap3A_42 = vector.load %arg6[%swap3A_40, %swap3A_41] : memref<2x256xf32, #tpu.memory_space<vmem>>, vector<2x256xf32>
      tpu.vector_store %arg6[%swap3A_40, %swap3A_41], %add3A_39 {strides = array<i32>} : memref<2x256xf32, #tpu.memory_space<vmem>>, vector<2x256xf32>,
    } else {
    }
    return
  }
  func.func @transform_0(%arg0: i32) -> (i32, i32, i32) {
    %c0_i32 = arith.constant 0 : i32
    %c0_i32_0 = arith.constant 0 : i32
    %c0_i32_1 = arith.constant 0 : i32
    return %c0_i32, %arg0, %c0_i32_0 : i32, i32, i32
  }
  func.func @transform_1(%arg0: i32) -> (i32, i32, i32) {
    %c1_i32 = arith.constant 1 : i32
    %c0_i32 = arith.constant 0 : i32
    %c0_i32_0 = arith.constant 0 : i32
    return %c1_i32, %arg0, %c0_i32 : i32, i32, i32
  }
  func.func @transform_2(%arg0: i32) -> (i32, i32) {
    %c0_i32 = arith.constant 0 : i32
    %c0_i32_0 = arith.constant 0 : i32
    return %arg0, %c0_i32 : i32, i32
  }
  func.func @transform_3(%arg0: i32) -> (i32, i32) {
    %c0_i32 = arith.constant 0 : i32
    %c0_i32_0 = arith.constant 0 : i32
    %c0_i32_1 = arith.constant 0 : i32
    return %c0_i32, %c0_i32_0 : i32, i32
  }
  func.func @transform_4(%arg0: i32) -> (i32, i32) {
    %c0_i32 = arith.constant 0 : i32
    %c0_i32_0 = arith.constant 0 : i32
    return %arg0, %c0_i32 : i32, i32
  }
  func.func @transform_5(%arg0: i32) -> (i32, i32) {
    %c0_i32 = arith.constant 0 : i32
    %c0_i32_0 = arith.constant 0 : i32
    %c0_i32_1 = arith.constant 0 : i32
    return %c0_i32, %c0_i32_0 : i32, i32
  }
}

module attributes {stable_mosaic.version = 14 : i64} {
  func.func @_stage_b_body(%arg0: i32, %arg1: memref<1000x128xf32, #tpu.memory_space<vmem>>, %arg2: memref<2x256xf32, #tpu.memory_space<vmem>>, %arg3: memref<128x256xf32, #tpu.memory_space<vmem>>, %arg4: memref<256xf32, #tpu.memory_space<vmem>>, %arg5: memref<256xf32, #tpu.memory_space<vmem>>, %arg6: memref<256x128xf32, #tpu.memory_space<vmem>>, %arg7: memref<128xf32, #tpu.memory_space<vmem>>, %arg8: memref<128xf32, #tpu.memory_space<vmem>>, %arg9: memref<1000x128xf32, #tpu.memory_space<vmem>>) attributes {dimension_semantics = [#tpu.dimension_semantics<arbitrary>], iteration_bounds = array<i64: 10>, scalar_prefetch = 0 : i64, scratch_operands = 0 : i64, tpu.core_type = #tpu.core_type<tc>, window_params = [{transform_indices = @transform_0, window_bounds = array<i64: 1000, 128>}, {pipeline_mode = #tpu.pipeline_mode<synchronous>, transform_indices = @transform_1, window_bounds = array<i64: 2, 256>}, {pipeline_mode = #tpu.pipeline_mode<synchronous>, transform_indices = @transform_2, window_bounds = array<i64: 128, 256>}, {pipeline_mode = #tpu.pipeline_mode<synchronous>, transform_indices = @transform_3, window_bounds = array<i64: 256>}, {pipeline_mode = #tpu.pipeline_mode<synchronous>, transform_indices = @transform_4, window_bounds = array<i64: 256>}, {pipeline_mode = #tpu.pipeline_mode<synchronous>, transform_indices = @transform_5, window_bounds = array<i64: 256, 128>}, {pipeline_mode = #tpu.pipeline_mode<synchronous>, transform_indices = @transform_6, window_bounds = array<i64: 128>}, {pipeline_mode = #tpu.pipeline_mode<synchronous>, transform_indices = @transform_7, window_bounds = array<i64: 128>}, {transform_indices = @transform_8, window_bounds = array<i64: 1000, 128>}]} {
    %get3A = arith.constant 0 : index
    %get3A_0 = arith.constant 0 : index
    %get3A_1 = vector.load %arg1[%get3A, %get3A_0] : memref<1000x128xf32, #tpu.memory_space<vmem>>, vector<1000x128xf32>
    %get3A_2 = arith.constant 0 : index
    %get3A_3 = arith.constant 0 : index
    %get3A_4 = vector.load %arg3[%get3A_2, %get3A_3] : memref<128x256xf32, #tpu.memory_space<vmem>>, vector<128x256xf32>
    %dot_general3A = arith.constant dense<0.000000e+00> : vector<1000x256xf32>
    %dot_general3A_5 = tpu.matmul %get3A_1, %get3A_4, %dot_general3A {dimension_numbers = #tpu.dot_dimension_numbers<[1], [0], [0], [1], [0, 0, 1, 1], [], []>, transpose_lhs_hint = false} : vector<1000x128xf32>, vector<128x256xf32>, vector<1000x256xf32> -> vector<1000x256xf32>
    %get3A_6 = arith.constant 0 : index
    %get3A_7 = arith.constant 0 : index
    %get3A_8 = vector.load %arg2[%get3A_6, %get3A_7] : memref<2x256xf32, #tpu.memory_space<vmem>>, vector<2x256xf32>
    %slice3A = vector.extract_strided_slice %get3A_8 {offsets = [0, 0], sizes = [1, 256], strides = [1, 1]} : vector<2x256xf32> to vector<1x256xf32>
    %div3A = arith.constant 1.000000e+04 : f32
    %div3A_9 = vector.broadcast %div3A : f32 to vector<1x256xf32>
    %div3A_10 = arith.divf %slice3A, %div3A_9 : vector<1x256xf32>
    %slice3A_11 = vector.extract_strided_slice %get3A_8 {offsets = [1, 0], sizes = [1, 256], strides = [1, 1]} : vector<2x256xf32> to vector<1x256xf32>
    %div3A_12 = arith.constant 1.000000e+04 : f32
    %div3A_13 = vector.broadcast %div3A_12 : f32 to vector<1x256xf32>
    %div3A_14 = arith.divf %slice3A_11, %div3A_13 : vector<1x256xf32>
    %mul3A = arith.mulf %div3A_10, %div3A_10 : vector<1x256xf32>
    %sub3A = arith.subf %div3A_14, %mul3A : vector<1x256xf32>
    %sub3A_15 = vector.broadcast %div3A_10 : vector<1x256xf32> to vector<1000x256xf32>
    %sub3A_16 = arith.subf %dot_general3A_5, %sub3A_15 : vector<1000x256xf32>
    %add3A = arith.constant 9.99999974E-6 : f32
    %add3A_17 = vector.broadcast %add3A : f32 to vector<1x256xf32>
    %add3A_18 = arith.addf %sub3A, %add3A_17 : vector<1x256xf32>
    %rsqrt3A = math.rsqrt %add3A_18 : vector<1x256xf32>
    %mul3A_19 = vector.broadcast %rsqrt3A : vector<1x256xf32> to vector<1000x256xf32>
    %mul3A_20 = arith.mulf %sub3A_16, %mul3A_19 : vector<1000x256xf32>
    %get3A_21 = arith.constant 0 : index
    %get3A_22 = vector.load %arg4[%get3A_21] : memref<256xf32, #tpu.memory_space<vmem>>, vector<256xf32>
    %broadcast_in_dim3A = vector.shape_cast %get3A_22 : vector<256xf32> to vector<1x256xf32>
    %mul3A_23 = vector.broadcast %broadcast_in_dim3A : vector<1x256xf32> to vector<1000x256xf32>
    %mul3A_24 = arith.mulf %mul3A_20, %mul3A_23 : vector<1000x256xf32>
    %get3A_25 = arith.constant 0 : index
    %get3A_26 = vector.load %arg5[%get3A_25] : memref<256xf32, #tpu.memory_space<vmem>>, vector<256xf32>
    %broadcast_in_dim3A_27 = vector.shape_cast %get3A_26 : vector<256xf32> to vector<1x256xf32>
    %add3A_28 = vector.broadcast %broadcast_in_dim3A_27 : vector<1x256xf32> to vector<1000x256xf32>
    %add3A_29 = arith.addf %mul3A_24, %add3A_28 : vector<1000x256xf32>
    %max3A = arith.constant 0.000000e+00 : f32
    %max3A_30 = vector.broadcast %max3A : f32 to vector<1000x256xf32>
    %max3A_31 = arith.maximumf %add3A_29, %max3A_30 : vector<1000x256xf32>
    %get3A_32 = arith.constant 0 : index
    %get3A_33 = arith.constant 0 : index
    %get3A_34 = vector.load %arg6[%get3A_32, %get3A_33] : memref<256x128xf32, #tpu.memory_space<vmem>>, vector<256x128xf32>
    %dot_general3A_35 = arith.constant dense<0.000000e+00> : vector<1000x128xf32>
    %dot_general3A_36 = tpu.matmul %max3A_31, %get3A_34, %dot_general3A_35 {dimension_numbers = #tpu.dot_dimension_numbers<[1], [0], [0], [1], [0, 0, 1, 1], [], []>, transpose_lhs_hint = false} : vector<1000x256xf32>, vector<256x128xf32>, vector<1000x128xf32> -> vector<1000x128xf32>
    %reduce_sum3A = arith.constant dense<0.000000e+00> : vector<1000xf32>
    %reduce_sum3A_37 = vector.multi_reduction <add>, %dot_general3A_36, %reduce_sum3A [1] : vector<1000x128xf32> to vector<1000xf32>
    %broadcast_in_dim3A_38 = vector.shape_cast %reduce_sum3A_37 : vector<1000xf32> to vector<1000x1xf32>
    %div3A_39 = arith.constant 1.280000e+02 : f32
    %div3A_40 = vector.broadcast %div3A_39 : f32 to vector<1000x1xf32>
    %div3A_41 = arith.divf %broadcast_in_dim3A_38, %div3A_40 : vector<1000x1xf32>
    %sub3A_42 = vector.broadcast %div3A_41 : vector<1000x1xf32> to vector<1000x128xf32>
    %sub3A_43 = arith.subf %dot_general3A_36, %sub3A_42 : vector<1000x128xf32>
    %integer_pow3A = arith.mulf %sub3A_43, %sub3A_43 : vector<1000x128xf32>
    %reduce_sum3A_44 = arith.constant dense<0.000000e+00> : vector<1000xf32>
    %reduce_sum3A_45 = vector.multi_reduction <add>, %integer_pow3A, %reduce_sum3A_44 [1] : vector<1000x128xf32> to vector<1000xf32>
    %broadcast_in_dim3A_46 = vector.shape_cast %reduce_sum3A_45 : vector<1000xf32> to vector<1000x1xf32>
    %div3A_47 = arith.constant 1.280000e+02 : f32
    %div3A_48 = vector.broadcast %div3A_47 : f32 to vector<1000x1xf32>
    %div3A_49 = arith.divf %broadcast_in_dim3A_46, %div3A_48 : vector<1000x1xf32>
    %sub3A_50 = vector.broadcast %div3A_41 : vector<1000x1xf32> to vector<1000x128xf32>
    %sub3A_51 = arith.subf %dot_general3A_36, %sub3A_50 : vector<1000x128xf32>
    %add3A_52 = arith.constant 9.99999974E-6 : f32
    %add3A_53 = vector.broadcast %add3A_52 : f32 to vector<1000x1xf32>
    %add3A_54 = arith.addf %div3A_49, %add3A_53 : vector<1000x1xf32>
    %rsqrt3A_55 = math.rsqrt %add3A_54 : vector<1000x1xf32>
    %mul3A_56 = vector.broadcast %rsqrt3A_55 : vector<1000x1xf32> to vector<1000x128xf32>
    %mul3A_57 = arith.mulf %sub3A_51, %mul3A_56 : vector<1000x128xf32>
    %get3A_58 = arith.constant 0 : index
    %get3A_59 = vector.load %arg7[%get3A_58] : memref<128xf32, #tpu.memory_space<vmem>>, vector<128xf32>
    %broadcast_in_dim3A_60 = vector.shape_cast %get3A_59 : vector<128xf32> to vector<1x128xf32>
    %mul3A_61 = vector.broadcast %broadcast_in_dim3A_60 : vector<1x128xf32> to vector<1000x128xf32>
    %mul3A_62 = arith.mulf %mul3A_57, %mul3A_61 : vector<1000x128xf32>
    %get3A_63 = arith.constant 0 : index
    %get3A_64 = vector.load %arg8[%get3A_63] : memref<128xf32, #tpu.memory_space<vmem>>, vector<128xf32>
    %broadcast_in_dim3A_65 = vector.shape_cast %get3A_64 : vector<128xf32> to vector<1x128xf32>
    %add3A_66 = vector.broadcast %broadcast_in_dim3A_65 : vector<1x128xf32> to vector<1000x128xf32>
    %add3A_67 = arith.addf %mul3A_62, %add3A_66 : vector<1000x128xf32>
    %gt3A = arith.constant 0.000000e+00 : f32
    %gt3A_68 = vector.broadcast %gt3A : f32 to vector<1000x128xf32>
    %gt3A_69 = arith.cmpf ogt, %add3A_67, %gt3A_68 : vector<1000x128xf32>
    %min3A = arith.constant 0.000000e+00 : f32
    %min3A_70 = vector.broadcast %min3A : f32 to vector<1000x128xf32>
    %min3A_71 = arith.minimumf %add3A_67, %min3A_70 : vector<1000x128xf32>
    %exp3A = math.exp %min3A_71 : vector<1000x128xf32>
    %sub3A_72 = arith.constant 1.000000e+00 : f32
    %sub3A_73 = vector.broadcast %sub3A_72 : f32 to vector<1000x128xf32>
    %sub3A_74 = arith.subf %exp3A, %sub3A_73 : vector<1000x128xf32>
    %select_n3A = arith.select %gt3A_69, %add3A_67, %sub3A_74 : vector<1000x128xi1>, vector<1000x128xf32>
    %swap3A = arith.constant 0 : index
    %swap3A_75 = arith.constant 0 : index
    %swap3A_76 = vector.load %arg9[%swap3A, %swap3A_75] : memref<1000x128xf32, #tpu.memory_space<vmem>>, vector<1000x128xf32>
    tpu.vector_store %arg9[%swap3A, %swap3A_75], %select_n3A {strides = array<i32>} : memref<1000x128xf32, #tpu.memory_space<vmem>>, vector<1000x128xf32>,
    return
  }
  func.func @transform_0(%arg0: i32) -> (i32, i32) {
    %c0_i32 = arith.constant 0 : i32
    %c0_i32_0 = arith.constant 0 : i32
    return %arg0, %c0_i32 : i32, i32
  }
  func.func @transform_1(%arg0: i32) -> (i32, i32) {
    %c0_i32 = arith.constant 0 : i32
    %c0_i32_0 = arith.constant 0 : i32
    %c0_i32_1 = arith.constant 0 : i32
    return %c0_i32, %c0_i32_0 : i32, i32
  }
  func.func @transform_2(%arg0: i32) -> (i32, i32) {
    %c0_i32 = arith.constant 0 : i32
    %c0_i32_0 = arith.constant 0 : i32
    %c0_i32_1 = arith.constant 0 : i32
    return %c0_i32, %c0_i32_0 : i32, i32
  }
  func.func @transform_3(%arg0: i32) -> i32 {
    %c0_i32 = arith.constant 0 : i32
    %c0_i32_0 = arith.constant 0 : i32
    return %c0_i32 : i32
  }
  func.func @transform_4(%arg0: i32) -> i32 {
    %c0_i32 = arith.constant 0 : i32
    %c0_i32_0 = arith.constant 0 : i32
    return %c0_i32 : i32
  }
  func.func @transform_5(%arg0: i32) -> (i32, i32) {
    %c0_i32 = arith.constant 0 : i32
    %c0_i32_0 = arith.constant 0 : i32
    %c0_i32_1 = arith.constant 0 : i32
    return %c0_i32, %c0_i32_0 : i32, i32
  }
  func.func @transform_6(%arg0: i32) -> i32 {
    %c0_i32 = arith.constant 0 : i32
    %c0_i32_0 = arith.constant 0 : i32
    return %c0_i32 : i32
  }
  func.func @transform_7(%arg0: i32) -> i32 {
    %c0_i32 = arith.constant 0 : i32
    %c0_i32_0 = arith.constant 0 : i32
    return %c0_i32 : i32
  }
  func.func @transform_8(%arg0: i32) -> (i32, i32) {
    %c0_i32 = arith.constant 0 : i32
    %c0_i32_0 = arith.constant 0 : i32
    return %arg0, %c0_i32 : i32, i32
  }
}

</mosaic_0001>

<sc_bundles>
// kernel: kernel.10.cloned.1.call-start
scs
__scs_entry_jumppad:
0x0: {  	(pc) =	sbr.rel $0x88, $3  }
0x1: {  	(tag) =	ssettag $0x0;
	lr =	simm.s32 $0x1  }
0x2: {  	[smem:$0x3F96] =	sst lr;
	_ =	strace $0xD0000000  }
0x3: {  	_ = 	snop  }
0x4: {  	_ = 	snop  }
0x5: {  	_ = 	snop  }
0x6: {  	_ = 	snop  }
0x7: {  	_ = 	snop  }
__scs_overlays_trampoline_lowered:
0x8: {  	[smem:$0x3FA5] =	sst s0  }
0x9: {  	[smem:$0x3FA6] =	sst s1  }
0xa: {  	[smem:$0x3FA7] =	sst s2  }
0xb: {  	[smem:$0x3FA8] =	sst s3  }
0xc: {  	[smem:$0x3FA9] =	sst s4  }
0xd: {  	[smem:$0x3FAA] =	sst s5  }
0xe: {  	[smem:$0x3FAB] =	sst s6  }
0xf: {  	[smem:$0x3FAC] =	sst s7  }
0x10: {  	[smem:$0x3FAD] =	sst s8  }
0x11: {  	[smem:$0x3FAE] =	sst s9;
	s0 =	simm.s32 @!p0 $0x0  }
0x12: {  	s1 =	sld [smem:$0x3F94];
	s0 =	simm.s32 @p0 $0x1  }
0x13: {  	[smem:$0x3FAF] =	sst s0;
	s0 =	simm.s32 @!p1 $0x0  }
0x14: {  	s2 =	sld [smem:$0x3F93];
	s0 =	simm.s32 @p1 $0x1  }
0x15: {  	[smem:$0x3FB0] =	sst s0;
	s0 =	simm.s32 @!p2 $0x0  }
0x16: {  	s3 =	sld [smem:$0x3FDB];
	s0 =	simm.s32 @p2 $0x1  }
0x17: {  	s4 =	simm.s32 $0x1BF5;
	[smem:$0x3FB2] =	sst s0  }
0x18: {  	s0 =	sld [smem:$0x3F95];
	_ =	swait.ge [sflag:s4], $0x0  }
0x19: {  	s7 =	sld [smem:$0x3F96]  }
0x1a: {  	s8 =	sadd.s32 $0xFFFFE003, lr  }
0x1b: {  	s9 =	sadd.s32 $0xFFFFFEF7, lr;
	s5 =	simm.s32 $0xFFFFFFFF;
	p2 =	slt.u32 s8, $0xFFFFF086  }
0x1c: {  	p1 =	slt.u32 s9, $0xF7A;
	s5 =	simm.s32 @!p2 $0x0  }
0x1d: {  	s5 =	simm.s32 @p1 $0x1;
	p0 =	seq.s32 s7, s2  }
0x1e: {  	s7 =	smul.u32 @!p0 $0xF7A, s2;
	p2 =	seq.s32 @!p0 s5, $0x0  }
0x1f: {  	s9 =	smul.u32 $0xF7A, s1;
	s8 =	simm.s32 @!p0 $0x1BF5;
	p2 =	por !p2, p0  }
0x20: {  	[sflag:s8] =	ssyncset.s32 @!p0 $0xFFFFF086;
	s6 =	sadd.s32 @!p0 s3, s7;
	s7 =	simm.s32 @!p0 $0x108  }
0x21: {  	s3 =	sadd.s32 s3, s9;
	s6 =	sadd.s32 @!p0 $0x88, s6;
	s7 =	simm.s32 @p2 $0x1082  }
0x22: {  	[simem:s7], [sflag:s8] =	dma.local @!p0 [hbm:s6], $0xF7A  }
0x23: {  	s9 =	sor.u32 $0xD0000000, s2;
	s6 =	simm.s32 $0x108;
	_ =	swait.ge @!p0 [sflag:s8], $0x0  }
0x24: {  	s3 =	sadd.s32 $0x88, s3;
	s6 =	simm.s32 @!p1 $0x1082;
	[sflag:s4] =	ssyncset.s32 $0xFFFFF086  }
0x25: {  	[simem:s6], [sflag:s4] =	dma.local [hbm:s3], $0xF7A  }
0x26: {  	[smem:$0x3F96] =	sst s1;
	(tag) =	ssettag s2;
	_ =	strace s9  }
0x27: {  	s1 =	sld [smem:$0x3FA6]  }
0x28: {  	s2 =	sld [smem:$0x3FA7]  }
0x29: {  	s4 =	sld [smem:$0x3FA9]  }
0x2a: {  	p0 =	seq.s32 s5, $0x0;
	s5 =	sld [smem:$0x3FAA]  }
0x2b: {  	s6 =	sld [smem:$0x3FAB]  }
0x2c: {  	s7 =	sld [smem:$0x3FAC]  }
0x2d: {  	s3 =	simm.s32 $0x108;
	s8 =	sld [smem:$0x3FAD]  }
0x2e: {  	s3 =	simm.s32 @!p0 $0x1082;
	s9 =	sld [smem:$0x3FAE]  }
0x2f: {  	lr =	sadd.s32 s0, s3;
	s0 =	sld [smem:$0x3FA5]  }
0x30: {  	s3 =	sld [smem:$0x3FA8]  }
0x31: {  	[smem:$0x3FB1] =	sst s10  }
0x32: {  	s10 =	sld [smem:$0x3FAF];
	_ =	sdelay $0x3  }
0x33: {  	p0 =	seq.s32 s10, $0x1;
	s10 =	sld [smem:$0x3FB1];
	_ =	sdelay $0x3  }
0x34: {  	[smem:$0x3FB1] =	sst s10  }
0x35: {  	s10 =	sld [smem:$0x3FB0];
	_ =	sdelay $0x3  }
0x36: {  	p1 =	seq.s32 s10, $0x1;
	s10 =	sld [smem:$0x3FB1];
	_ =	sdelay $0x3  }
0x37: {  	[smem:$0x3FB1] =	sst s10  }
0x38: {  	s10 =	sld [smem:$0x3FB2]  }
0x39: {  	_ = 	snop;
	(pc) =	sbr.ind lr, $3  }
0x3a: {  	_ = 	snop  }
0x3b: {  	_ = 	snop  }
0x3c: {  	p2 =	seq.s32 s10, $0x1;
	s10 =	sld [smem:$0x3FB1]  }
0x3d: {  	_ =	shalt  }
0x3e: {  	_ =	shalt  }
0x3f: {  	_ =	shalt  }
0x40: {  	_ =	shalt  }
0x41: {  	_ =	shalt  }
0x42: {  	_ =	shalt  }
0x43: {  	_ =	shalt  }
0x44: {  	_ =	shalt  }
0x45: {  	_ =	shalt  }
0x46: {  	_ =	shalt  }
0x47: {  	_ =	shalt  }
0x48: {  	_ =	shalt  }
0x49: {  	_ =	shalt  }
0x4a: {  	_ =	shalt  }
0x4b: {  	_ =	shalt  }
0x4c: {  	_ =	shalt  }
0x4d: {  	_ =	shalt  }
0x4e: {  	_ =	shalt  }
0x4f: {  	_ =	shalt  }
0x50: {  	_ =	shalt  }
0x51: {  	_ =	shalt  }
0x52: {  	_ =	shalt  }
0x53: {  	_ =	shalt  }
0x54: {  	_ =	shalt  }
0x55: {  	_ =	shalt  }
0x56: {  	_ =	shalt  }
0x57: {  	_ =	shalt  }
0x58: {  	_ =	shalt  }
0x59: {  	_ =	shalt  }
0x5a: {  	_ =	shalt  }
0x5b: {  	_ =	shalt  }
0x5c: {  	_ =	shalt  }
0x5d: {  	_ =	shalt  }
0x5e: {  	_ =	shalt  }
0x5f: {  	_ =	shalt  }
0x60: {  	_ =	shalt  }
0x61: {  	_ =	shalt  }
0x62: {  	_ =	shalt  }
0x63: {  	_ =	shalt  }
0x64: {  	_ =	shalt  }
0x65: {  	_ =	shalt  }
0x66: {  	_ =	shalt  }
0x67: {  	_ =	shalt  }
0x68: {  	_ =	shalt  }
0x69: {  	_ =	shalt  }
0x6a: {  	_ =	shalt  }
0x6b: {  	_ =	shalt  }
0x6c: {  	_ =	shalt  }
0x6d: {  	_ =	shalt  }
0x6e: {  	_ =	shalt  }
0x6f: {  	_ =	shalt  }
0x70: {  	_ =	shalt  }
0x71: {  	_ =	shalt  }
0x72: {  	_ =	shalt  }
0x73: {  	_ =	shalt  }
0x74: {  	_ =	shalt  }
0x75: {  	_ =	shalt  }
0x76: {  	_ =	shalt  }
0x77: {  	_ =	shalt  }
0x78: {  	_ =	shalt  }
0x79: {  	_ =	shalt  }
0x7a: {  	_ =	shalt  }
0x7b: {  	_ =	shalt  }
0x7c: {  	_ =	shalt  }
0x7d: {  	_ =	shalt  }
0x7e: {  	_ =	shalt  }
0x7f: {  	_ =	shalt  }
0x80: {  	_ =	shalt  }
0x81: {  	_ =	shalt  }
0x82: {  	_ =	shalt  }
0x83: {  	_ =	shalt  }
0x84: {  	_ =	shalt  }
0x85: {  	_ =	shalt  }
0x86: {  	_ =	shalt  }
0x87: {  	_ =	shalt  }
.Lfunc_end0:
.L_simem_size_0:
called_computation.1_lowered:
.L_overlay_start_0:
0x88: {  	s2 =	sld [smem:$0x3FD9]  }
0x89: {  	s3 =	sld [smem:$0x3FFE];
	_ =	sdelay $0x1  }
0x8a: {  	s1 =	srdreg.scid  }
0x8b: {  	s0 =	sand.u32 $0x1, s1  }
0x8c: {  	s17 =	sshll.u32 s0, $0xA;
	s2 =	sadd.s32 s3, s2  }
0x8d: {  	s2 =	sadd.s32 s2, s17  }
0x8e: {  	[smem:$0x3FBD] =	sst s2  }
0x8f: {  	_ = 	snop  }
0x90: {  	s2 =	sld [smem:$0x3FD0];
	(tm) =	ssettm $0x1  }
0x91: {  	s18 =	sld [smem:$0x3FFB];
	_ =	sdelay $0x3  }
0x92: {  	_ =	strace s18  }
0x93: {  	s3 =	sld [smem:$0x3FFC];
	_ =	sdelay $0x3  }
0x94: {  	_ =	strace s3  }
0x95: {  	s3 =	sld [smem:$0x3FFD];
	_ =	sdelay $0x3  }
0x96: {  	_ =	strace s3  }
0x97: {  	_ =	strace $0x8FFFFFFF  }
0x98: {  	s19 =	sld [smem:$0x3FDB];
	_ =	sdelay $0x1  }
0x99: {  	s4 =	simm.s32 $_scs_section_size  }
0x9a: {  	s5 =	simm.s32 $_size__tile_overlayer_lowered;
	s6 =	simm.s32 $_tile_overlayer_lowered  }
0x9b: {  	s22 =	simm.s32 $0x1BFF;
	s21 =	sshll.u32 s6, $0x1;
	s3 =	sadd.s32 s4, s19  }
0x9c: {  	s7 =	simm.s32 $0x0;
	s20 =	sshll.u32 s5, $0x1;
	s5 =	sadd.s32 s21, s3  }
0x9d: {  	[timem:s7], [sflag:s22] =	dma.local [hbm:s5], s20  }
0x9e: {  	_ =	swait.ge [sflag:s22], s20  }
0x9f: {  	s4 =	ssub.s32 $0x0, s20;
	[sflag:s22] =	ssyncset.done $0x0  }
0xa0: {  	[sflag:s22] =	ssyncadd.s32 s4;
	_ =	sdelay $0x1  }
0xa1: {  	s23 =	simm.s32 $0x1B8B  }
0xa2: {  	_ =	swait.ge [sflag:s23], $0x1  }
0xa3: {  	[sflag:s23] =	ssyncset.done $0x0  }
0xa4: {  	s25 =	simm.s32 $0x1B8E;
	s24 =	sld [smem:$0x3FFE];
	[sflag:s23] =	ssyncadd.s32 $0xFFFFFFFF  }
0xa5: {  	s26 =	simm.s32 $execute0_lowered;
	[smem:$0x3FD2] =	sst s25  }
0xa6: {  	s5 =	sshll.u32 s26, $0x1;
	_ =	strace $0x80000049;
	[dreg:$0x1] =	wrdreg $0xFFFFFFFF  }
0xa7: {  	s28 =	simm.s32 $_size_execute0_lowered;
	s3 =	sadd.s32 s3, s5;
	[dreg:$0x0] =	wrdreg $0x0  }
0xa8: {  	s5 =	sshll.u32 s28, $0x1;
	[dreg:$0x2] =	wrdreg s3  }
0xa9: {  	[dreg:$0x3] =	wrdreg s5  }
0xaa: {  	[dreg:$0x4] =	wrdreg $0xC0  }
0xab: {  	_ =	task [dreg:s7], $0x5FFFF  }
0xac: {  	[dreg:$0x1] =	wrdreg $0xFFFFFFFF  }
0xad: {  	[dreg:$0x0] =	wrdreg $0x60  }
0xae: {  	[dreg:$0x2] =	wrdreg s24  }
0xaf: {  	[dreg:$0x3] =	wrdreg s2  }
0xb0: {  	[dreg:$0x4] =	wrdreg $0x0  }
0xb1: {  	[dreg:$0x5] =	wrdreg $0x9  }
0xb2: {  	_ =	task.clear_ibuf [dreg:s7], $0x6FFFF;
	_ =	strace $0x90000049  }
0xb3: {  	s29 =	simm.s32 $0x9;
	_ =	strace $0x8000004B  }
0xb4: {  	_ =	swait.ge [sflag:s29], $0x1  }
0xb5: {  	[sflag:s29] =	ssyncadd.s32 $0xFFFFFFFF  }
0xb6: {  	_ =	strace $0x9000004B  }
0xb7: {  	_ =	sfence  }
0xb8: {  	s30 =	sld [smem:$0x0];
	_ =	sdelay $0x2  }
0xb9: {  	s31 =	sshll.u32 s1, $0xD;
	s1 =	sshrl.u32 s1, $0x2  }
0xba: {  	s3 =	sand.u32 $0x4000, s31;
	s1 =	sadd.s32 s1, s30  }
0xbb: {  	s0 =	sor.u32 s3, s0;
	s1 =	sshll.u32 s1, $0x11  }
0xbc: {  	s0 =	sor.u32 s1, s0  }
0xbd: {  	s0 =	sadd.s32 $0x8F2B, s0  }
0xbe: {  	[sflag:s0] =	ssyncadd.remote.s32 $0x1  }
0xbf: {  	_ =	sfence.sel $0xFFFF  }
0xc0: {  	[dreg:$0x0] =	wrdreg $0xFFFFFFFF;
	(pc) =	sbr.abs _section_cstart, $3  }
0xc1: {  	[dreg:$0x1] =	wrdreg $0xFFFFFFFF  }
0xc2: {  	_ =	task.clear_ibuf [dreg:s7], $0x2FFFF;
	_ =	strace $0x9FFFFFFF  }
0xc3: {  	(tm) =	ssettm $0x7FFFFFFF  }
tec
execute0_lowered:
.L_overlay_start_1:
0x0: {  	(tag) =	ssettag $0x1  }
0x1: {  	s1 =	rddreg [dreg:$0x0]  }
0x2: {  	s0 =	rddreg [dreg:$0x1];
	s12 =	stileid.u32  }
0x3: {  	s3 =	srdreg.scid;
	s6 =	smul.u32 $0x1F400, s12  }
0x4: {  	s2 =	rddreg [dreg:$0x2];
	s4 =	sand.u32 $0x1, s3;
	s7 =	smul.u32 $0x4E20, s12  }
0x5: {  	s3 =	simm.s32 $0x0;
	s22 =	sadd.s32 $0x9CF400, s1;
	s10 =	smul.u32 $0x271000, s12  }
0x6: {  	p0 =	sgt.u32 s12, $0x9;
	s5 =	smul.u32 $0x138800, s4;
	[smem:$0x7FF] =	sst s3  }
0x7: {  	s25 =	ssub.s32 $0x2, s4;
	s8 =	smul.u32 $0x2710000, s4;
	_ =	strace $0x8000004A  }
0x8: {  	s26 =	sshrl.u32 s25, $0x1;
	s31 =	sshrl.u32 s7, $0x3;
	s9 =	sadd.s32 $0x28, s7  }
0x9: {  	s11 =	sadd.s32 $0x50, s7;
	s15 =	sadd.s32 $0x78, s7;
	s18 =	sadd.s32 $0xA0, s7  }
0xa: {  	s21 =	sadd.s32 $0xC8, s7;
	s5 =	sadd.s32 s6, s5;
	s4 =	sadd.s32 s0, s31  }
0xb: {  	s6 =	sshrl.u32 s9, $0x3;
	s9 =	sshll.u32 s9, $0x7;
	s13 =	sshrl.u32 s11, $0x3  }
0xc: {  	s16 =	sshrl.u32 s15, $0x3;
	s19 =	sshll.u32 s18, $0x7;
	s20 =	sshrl.u32 s18, $0x3  }
0xd: {  	s23 =	sshrl.u32 s21, $0x3;
	s24 =	sshll.u32 s21, $0x7;
	s31 =	smul.u32 $0x9C4, s12  }
0xe: {  	s5 =	sshrl.u32 s5, $0x3;
	[dreg:$0x4] =	wrdreg s4;
	s4 =	sadd.s32 s0, s6  }
0xf: {  	s6 =	sadd.s32 s8, s9;
	s14 =	sadd.s32 s0, s13;
	s1 =	sadd.s32 s5, s1  }
0x10: {  	s5 =	ssub.s32 s25, s26;
	[dreg:$0x5] =	wrdreg s4;
	s4 =	sadd.s32 s10, s8  }
0x11: {  	s6 =	sshrl.u32 s6, $0x3;
	[dreg:$0x8] =	wrdreg s14;
	s25 =	sadd.s32 $0xF0, s7  }
0x12: {  	s7 =	sadd.s32 $0x118, s7;
	s18 =	sadd.s32 s31, s0;
	s10 =	sshrl.u32 s4, $0x3  }
0x13: {  	s6 =	sadd.s32 s22, s6;
	s26 =	sshrl.u32 s25, $0x3;
	s5 =	smax.u32 s5, $0x1  }
0x14: {  	s21 =	sadd.s32 $0xDC00, s4;
	s31 =	sadd.s32 $0xB400, s4;
	s1 =	sadd.s32 $0x1400, s1  }
0x15: {  	s9 =	sadd.s32 s22, s10;
	[dreg:$0x7] =	wrdreg s6;
	s10 =	sshll.u32 s11, $0x7  }
0x16: {  	s6 =	sshll.u32 s15, $0x7;
	s11 =	sshll.u32 s7, $0x7;
	s7 =	sshrl.u32 s7, $0x3  }
0x17: {  	[dreg:$0x14] =	wrdreg s5;
	s15 =	sadd.s32 $0x11800, s4;
	s30 =	sshrl.u32 s21, $0x3  }
0x18: {  	s5 =	simm.s32 $0x1DC80;
	[dreg:$0x6] =	wrdreg s9;
	s9 =	sadd.s32 s0, s16  }
0x19: {  	s17 =	sadd.s32 s8, s10;
	s6 =	sadd.s32 s8, s6;
	s10 =	sadd.s32 s0, s26  }
0x1a: {  	s7 =	sadd.s32 s0, s7;
	s16 =	sadd.s32 $0x12C00, s4;
	[dreg:$0x9] =	wrdreg s9  }
0x1b: {  	s9 =	sshrl.u32 s17, $0x3;
	s6 =	sshrl.u32 s6, $0x3;
	[dreg:$0xf] =	wrdreg s10  }
0x1c: {  	[dreg:$0x10] =	wrdreg s7;
	s10 =	smul.u32 $0x7D000, s12;
	s17 =	sadd.s32 $0xF000, s4  }
0x1d: {  	s12 =	simm.s32 $0x13A00;
	s7 =	simm.s32 $0x0;
	s9 =	sadd.s32 s22, s9  }
0x1e: {  	s6 =	sadd.s32 s22, s6;
	s26 =	sshrl.u32 s17, $0x3;
	[dreg:$0xa] =	wrdreg s9  }
0x1f: {  	s17 =	simm.s32 $0x28;
	[dreg:$0xb] =	wrdreg s6;
	s6 =	sadd.s32 s8, s19  }
0x20: {  	s9 =	sadd.s32 s0, s20;
	s19 =	sadd.s32 $0x10400, s4;
	s20 =	sadd.s32 $0xC800, s4  }
0x21: {  	s4 =	sadd.s32 $0xA000, s4;
	[dreg:$0xc] =	wrdreg s9;
	s6 =	sshrl.u32 s6, $0x3  }
0x22: {  	s9 =	sadd.s32 s0, s23;
	s0 =	sshrl.u32 s10, $0x2;
	s28 =	sshrl.u32 s19, $0x3  }
0x23: {  	s29 =	sshrl.u32 s20, $0x3;
	[dreg:$0x15] =	wrdreg s4;
	s19 =	simm.s32 $0x3  }
0x24: {  	[dreg:$0xd] =	wrdreg s9;
	s6 =	sadd.s32 s22, s6;
	s9 =	sshll.u32 s25, $0x7  }
0x25: {  	s23 =	sadd.s32 s0, s2;
	s25 =	sshrl.u32 s16, $0x3;
	s0 =	sshrl.u32 s31, $0x3  }
0x26: {  	s16 =	simm.s32 $0x1;
	[dreg:$0xe] =	wrdreg s6;
	s6 =	sadd.s32 s8, s24  }
0x27: {  	s9 =	sadd.s32 s8, s9;
	s8 =	sadd.s32 s8, s11;
	s24 =	sshrl.u32 s15, $0x3  }
.Ltmp0:
0x28: {  	s15 =	simm.s32 $0x2;
	s6 =	sshrl.u32 s6, $0x3;
	(pc) =	sbr.rel .LBB2_1-.Ltmp0, $4  }
0x29: {  	s11 =	sshrl.u32 s9, $0x3;
	s13 =	sshrl.u32 s8, $0x3;
	s6 =	sadd.s32 s22, s6  }
0x2a: {  	s14 =	sadd.s32 s22, s13;
	s13 =	simm.s32 $0x16480;
	[dreg:$0x11] =	wrdreg s6  }
0x2b: {  	s6 =	sadd.s32 s22, s11;
	[dreg:$0x13] =	wrdreg s14;
	s11 =	simm.s32 $0x13980  }
0x2c: {  	v0 =	vimm.f32 $0.0e+00;
	s14 =	simm.s32 $0x17880;
	[dreg:$0x12] =	wrdreg s6;
	s6 =	simm.s32 $0x4  }
.LBB2_11:
0x2d: {  	[sflag:s6] =	ssyncset.done $0x0  }
0x2e: {  	s7 =	rddreg [dreg:$0x16];
	[sflag:s6] =	ssyncadd.s32 $0xFFFFFD80  }
.LBB2_12:
0x2f: {  	s7 =	sadd.s32 $0x1, s7;
	s4 =	rddreg [dreg:$0x14]  }
0x30: {  	p1 =	sne.s32 s7, s4  }
.Ltmp1:
0x31: {  	_ = 	snop;
	(pc) =	sbr.rel @!p1 .LBB2_13-.Ltmp1, $1  }
0x32: {  	_ =	sdelay $0x3  }
.LBB2_1:
0x33: {  	[tilespmem:$0x1DC80] =	vst v0  }
0x34: {  	[tilespmem:$0x1DC90] =	vst v0  }
0x35: {  	[tilespmem:$0x1DCA0] =	vst v0  }
0x36: {  	[tilespmem:$0x1DCB0] =	vst v0  }
0x37: {  	[tilespmem:$0x1DCC0] =	vst v0  }
0x38: {  	[tilespmem:$0x1DCD0] =	vst v0  }
0x39: {  	[tilespmem:$0x1DCE0] =	vst v0  }
0x3a: {  	[tilespmem:$0x1DCF0] =	vst v0  }
0x3b: {  	[tilespmem:$0x1DD00] =	vst v0  }
0x3c: {  	[tilespmem:$0x1DD10] =	vst v0  }
0x3d: {  	[tilespmem:$0x1DD20] =	vst v0  }
0x3e: {  	[tilespmem:$0x1DD30] =	vst v0  }
0x3f: {  	[tilespmem:$0x1DD40] =	vst v0  }
0x40: {  	[tilespmem:$0x1DD50] =	vst v0  }
0x41: {  	[tilespmem:$0x1DD60] =	vst v0  }
0x42: {  	[tilespmem:$0x1DD70] =	vst v0  }
0x43: {  	[tilespmem:$0x1DD80] =	vst v0  }
0x44: {  	[tilespmem:$0x1DD90] =	vst v0  }
0x45: {  	[tilespmem:$0x1DDA0] =	vst v0  }
0x46: {  	[tilespmem:$0x1DDB0] =	vst v0  }
0x47: {  	[tilespmem:$0x1DDC0] =	vst v0  }
0x48: {  	[tilespmem:$0x1DDD0] =	vst v0  }
0x49: {  	[tilespmem:$0x1DDE0] =	vst v0  }
0x4a: {  	[tilespmem:$0x1DDF0] =	vst v0  }
0x4b: {  	[tilespmem:$0x1DE00] =	vst v0  }
0x4c: {  	[tilespmem:$0x1DE10] =	vst v0  }
0x4d: {  	[tilespmem:$0x1DE20] =	vst v0  }
0x4e: {  	[tilespmem:$0x1DE30] =	vst v0  }
0x4f: {  	[tilespmem:$0x1DE40] =	vst v0  }
0x50: {  	[tilespmem:$0x1DE50] =	vst v0  }
0x51: {  	[tilespmem:$0x1DE60] =	vst v0  }
0x52: {  	[tilespmem:$0x1DE70] =	vst v0  }
0x53: {  	[tilespmem:$0x1DE80] =	vst v0  }
0x54: {  	[tilespmem:$0x1DE90] =	vst v0  }
0x55: {  	[tilespmem:$0x1DEA0] =	vst v0  }
0x56: {  	[tilespmem:$0x1DEB0] =	vst v0  }
0x57: {  	[tilespmem:$0x1DEC0] =	vst v0  }
0x58: {  	[tilespmem:$0x1DED0] =	vst v0  }
0x59: {  	[tilespmem:$0x1DEE0] =	vst v0  }
0x5a: {  	[tilespmem:$0x1DEF0] =	vst v0  }
0x5b: {  	[tilespmem:$0x1DF00] =	vst v0  }
0x5c: {  	[tilespmem:$0x1DF10] =	vst v0  }
0x5d: {  	[tilespmem:$0x1DF20] =	vst v0  }
0x5e: {  	[tilespmem:$0x1DF30] =	vst v0  }
0x5f: {  	[tilespmem:$0x1DF40] =	vst v0  }
0x60: {  	[tilespmem:$0x1DF50] =	vst v0  }
0x61: {  	[tilespmem:$0x1DF60] =	vst v0  }
0x62: {  	[tilespmem:$0x1DF70] =	vst v0  }
0x63: {  	[tilespmem:$0x1DF80] =	vst v0  }
0x64: {  	[tilespmem:$0x1DF90] =	vst v0  }
0x65: {  	[tilespmem:$0x1DFA0] =	vst v0  }
0x66: {  	[tilespmem:$0x1DFB0] =	vst v0  }
0x67: {  	[tilespmem:$0x1DFC0] =	vst v0  }
0x68: {  	[tilespmem:$0x1DFD0] =	vst v0  }
0x69: {  	[tilespmem:$0x1DFE0] =	vst v0  }
0x6a: {  	[tilespmem:$0x1DFF0] =	vst v0  }
0x6b: {  	[tilespmem:$0x1E000] =	vst v0  }
0x6c: {  	[tilespmem:$0x1E010] =	vst v0  }
0x6d: {  	[tilespmem:$0x1E020] =	vst v0  }
0x6e: {  	[tilespmem:$0x1E030] =	vst v0  }
0x6f: {  	[tilespmem:$0x1E040] =	vst v0  }
0x70: {  	[tilespmem:$0x1E050] =	vst v0  }
0x71: {  	[tilespmem:$0x1E060] =	vst v0  }
0x72: {  	[tilespmem:$0x1E070] =	vst v0  }
0x73: {  	[tilespmem:$0x1E080] =	vst v0  }
0x74: {  	[tilespmem:$0x1E090] =	vst v0  }
0x75: {  	[tilespmem:$0x1E0A0] =	vst v0  }
0x76: {  	[tilespmem:$0x1E0B0] =	vst v0  }
0x77: {  	[tilespmem:$0x1E0C0] =	vst v0  }
0x78: {  	[tilespmem:$0x1E0D0] =	vst v0  }
0x79: {  	[tilespmem:$0x1E0E0] =	vst v0  }
0x7a: {  	[tilespmem:$0x1E0F0] =	vst v0  }
0x7b: {  	[tilespmem:$0x1E100] =	vst v0  }
0x7c: {  	[tilespmem:$0x1E110] =	vst v0  }
0x7d: {  	[tilespmem:$0x1E120] =	vst v0  }
0x7e: {  	[tilespmem:$0x1E130] =	vst v0  }
0x7f: {  	[tilespmem:$0x1E140] =	vst v0  }
0x80: {  	[tilespmem:$0x1E150] =	vst v0  }
0x81: {  	[tilespmem:$0x1E160] =	vst v0  }
0x82: {  	[tilespmem:$0x1E170] =	vst v0  }
0x83: {  	[tilespmem:$0x1E180] =	vst v0  }
0x84: {  	[tilespmem:$0x1E190] =	vst v0  }
0x85: {  	[tilespmem:$0x1E1A0] =	vst v0  }
0x86: {  	[tilespmem:$0x1E1B0] =	vst v0  }
0x87: {  	[tilespmem:$0x1E1C0] =	vst v0  }
0x88: {  	[tilespmem:$0x1E1D0] =	vst v0  }
0x89: {  	[tilespmem:$0x1E1E0] =	vst v0  }
0x8a: {  	[tilespmem:$0x1E1F0] =	vst v0  }
0x8b: {  	[tilespmem:$0x1E200] =	vst v0  }
0x8c: {  	[tilespmem:$0x1E210] =	vst v0  }
0x8d: {  	[tilespmem:$0x1E220] =	vst v0  }
0x8e: {  	[tilespmem:$0x1E230] =	vst v0  }
0x8f: {  	[tilespmem:$0x1E240] =	vst v0  }
0x90: {  	[tilespmem:$0x1E250] =	vst v0  }
0x91: {  	[tilespmem:$0x1E260] =	vst v0  }
0x92: {  	[tilespmem:$0x1E270] =	vst v0  }
0x93: {  	[tilespmem:$0x1E280] =	vst v0  }
0x94: {  	[tilespmem:$0x1E290] =	vst v0  }
0x95: {  	[tilespmem:$0x1E2A0] =	vst v0  }
0x96: {  	[tilespmem:$0x1E2B0] =	vst v0  }
0x97: {  	[tilespmem:$0x1E2C0] =	vst v0  }
0x98: {  	[tilespmem:$0x1E2D0] =	vst v0  }
0x99: {  	[tilespmem:$0x1E2E0] =	vst v0  }
0x9a: {  	[tilespmem:$0x1E2F0] =	vst v0  }
0x9b: {  	[tilespmem:$0x1E300] =	vst v0  }
0x9c: {  	[tilespmem:$0x1E310] =	vst v0  }
0x9d: {  	[tilespmem:$0x1E320] =	vst v0  }
0x9e: {  	[tilespmem:$0x1E330] =	vst v0  }
0x9f: {  	[tilespmem:$0x1E340] =	vst v0  }
0xa0: {  	[tilespmem:$0x1E350] =	vst v0  }
0xa1: {  	[tilespmem:$0x1E360] =	vst v0  }
0xa2: {  	[tilespmem:$0x1E370] =	vst v0  }
0xa3: {  	[tilespmem:$0x1E380] =	vst v0  }
0xa4: {  	[tilespmem:$0x1E390] =	vst v0  }
0xa5: {  	[tilespmem:$0x1E3A0] =	vst v0  }
0xa6: {  	[tilespmem:$0x1E3B0] =	vst v0  }
0xa7: {  	[tilespmem:$0x1E3C0] =	vst v0  }
0xa8: {  	[tilespmem:$0x1E3D0] =	vst v0  }
0xa9: {  	[tilespmem:$0x1E3E0] =	vst v0  }
0xaa: {  	[tilespmem:$0x1E3F0] =	vst v0  }
0xab: {  	[tilespmem:$0x1E400] =	vst v0  }
0xac: {  	[tilespmem:$0x1E410] =	vst v0  }
0xad: {  	[tilespmem:$0x1E420] =	vst v0  }
0xae: {  	[tilespmem:$0x1E430] =	vst v0  }
0xaf: {  	[tilespmem:$0x1E440] =	vst v0  }
0xb0: {  	[tilespmem:$0x1E450] =	vst v0  }
0xb1: {  	[tilespmem:$0x1E460] =	vst v0  }
0xb2: {  	[tilespmem:$0x1E470] =	vst v0  }
0xb3: {  	[tilespmem:$0x1E480] =	vst v0  }
0xb4: {  	[tilespmem:$0x1E490] =	vst v0  }
0xb5: {  	[tilespmem:$0x1E4A0] =	vst v0  }
0xb6: {  	[tilespmem:$0x1E4B0] =	vst v0  }
0xb7: {  	[tilespmem:$0x1E4C0] =	vst v0  }
0xb8: {  	[tilespmem:$0x1E4D0] =	vst v0  }
0xb9: {  	[tilespmem:$0x1E4E0] =	vst v0  }
0xba: {  	[tilespmem:$0x1E4F0] =	vst v0  }
0xbb: {  	[tilespmem:$0x1E500] =	vst v0  }
0xbc: {  	[tilespmem:$0x1E510] =	vst v0  }
0xbd: {  	[tilespmem:$0x1E520] =	vst v0  }
0xbe: {  	[tilespmem:$0x1E530] =	vst v0  }
0xbf: {  	[tilespmem:$0x1E540] =	vst v0  }
0xc0: {  	[tilespmem:$0x1E550] =	vst v0  }
0xc1: {  	[tilespmem:$0x1E560] =	vst v0  }
0xc2: {  	[tilespmem:$0x1E570] =	vst v0  }
0xc3: {  	[tilespmem:$0x1E580] =	vst v0  }
0xc4: {  	[tilespmem:$0x1E590] =	vst v0  }
0xc5: {  	[tilespmem:$0x1E5A0] =	vst v0  }
0xc6: {  	[tilespmem:$0x1E5B0] =	vst v0  }
0xc7: {  	[tilespmem:$0x1E5C0] =	vst v0  }
0xc8: {  	[tilespmem:$0x1E5D0] =	vst v0  }
0xc9: {  	[tilespmem:$0x1E5E0] =	vst v0  }
0xca: {  	[tilespmem:$0x1E5F0] =	vst v0  }
0xcb: {  	[tilespmem:$0x1E600] =	vst v0  }
0xcc: {  	[tilespmem:$0x1E610] =	vst v0  }
0xcd: {  	[tilespmem:$0x1E620] =	vst v0  }
0xce: {  	[tilespmem:$0x1E630] =	vst v0  }
0xcf: {  	[tilespmem:$0x1E640] =	vst v0  }
0xd0: {  	[tilespmem:$0x1E650] =	vst v0  }
0xd1: {  	[tilespmem:$0x1E660] =	vst v0  }
0xd2: {  	[tilespmem:$0x1E670] =	vst v0  }
0xd3: {  	[tilespmem:$0x1E680] =	vst v0  }
0xd4: {  	[tilespmem:$0x1E690] =	vst v0  }
0xd5: {  	[tilespmem:$0x1E6A0] =	vst v0  }
0xd6: {  	[tilespmem:$0x1E6B0] =	vst v0  }
0xd7: {  	[tilespmem:$0x1E6C0] =	vst v0  }
0xd8: {  	[tilespmem:$0x1E6D0] =	vst v0  }
0xd9: {  	[tilespmem:$0x1E6E0] =	vst v0  }
0xda: {  	[tilespmem:$0x1E6F0] =	vst v0  }
0xdb: {  	[tilespmem:$0x1E700] =	vst v0  }
0xdc: {  	[tilespmem:$0x1E710] =	vst v0  }
0xdd: {  	[tilespmem:$0x1E720] =	vst v0  }
0xde: {  	[tilespmem:$0x1E730] =	vst v0  }
0xdf: {  	[tilespmem:$0x1E740] =	vst v0  }
0xe0: {  	[tilespmem:$0x1E750] =	vst v0  }
0xe1: {  	[tilespmem:$0x1E760] =	vst v0  }
0xe2: {  	[tilespmem:$0x1E770] =	vst v0  }
0xe3: {  	[tilespmem:$0x1E780] =	vst v0  }
0xe4: {  	[tilespmem:$0x1E790] =	vst v0  }
0xe5: {  	[tilespmem:$0x1E7A0] =	vst v0  }
0xe6: {  	[tilespmem:$0x1E7B0] =	vst v0  }
0xe7: {  	[tilespmem:$0x1E7C0] =	vst v0  }
0xe8: {  	[tilespmem:$0x1E7D0] =	vst v0  }
0xe9: {  	[tilespmem:$0x1E7E0] =	vst v0  }
0xea: {  	[tilespmem:$0x1E7F0] =	vst v0  }
0xeb: {  	[tilespmem:$0x1E800] =	vst v0  }
0xec: {  	[tilespmem:$0x1E810] =	vst v0  }
0xed: {  	[tilespmem:$0x1E820] =	vst v0  }
0xee: {  	[tilespmem:$0x1E830] =	vst v0  }
0xef: {  	[tilespmem:$0x1E840] =	vst v0  }
0xf0: {  	[tilespmem:$0x1E850] =	vst v0  }
0xf1: {  	[tilespmem:$0x1E860] =	vst v0  }
0xf2: {  	[tilespmem:$0x1E870] =	vst v0  }
0xf3: {  	[tilespmem:$0x1E880] =	vst v0  }
0xf4: {  	[tilespmem:$0x1E890] =	vst v0  }
0xf5: {  	[tilespmem:$0x1E8A0] =	vst v0  }
0xf6: {  	[tilespmem:$0x1E8B0] =	vst v0  }
0xf7: {  	[tilespmem:$0x1E8C0] =	vst v0  }
0xf8: {  	[tilespmem:$0x1E8D0] =	vst v0  }
0xf9: {  	[tilespmem:$0x1E8E0] =	vst v0  }
0xfa: {  	[tilespmem:$0x1E8F0] =	vst v0  }
0xfb: {  	[tilespmem:$0x1E900] =	vst v0  }
0xfc: {  	[tilespmem:$0x1E910] =	vst v0  }
0xfd: {  	[tilespmem:$0x1E920] =	vst v0  }
0xfe: {  	[tilespmem:$0x1E930] =	vst v0  }
0xff: {  	[tilespmem:$0x1E940] =	vst v0  }
0x100: {  	[tilespmem:$0x1E950] =	vst v0  }
0x101: {  	[tilespmem:$0x1E960] =	vst v0  }
0x102: {  	[tilespmem:$0x1E970] =	vst v0  }
0x103: {  	[tilespmem:$0x1E980] =	vst v0  }
0x104: {  	[tilespmem:$0x1E990] =	vst v0  }
0x105: {  	[tilespmem:$0x1E9A0] =	vst v0  }
0x106: {  	[tilespmem:$0x1E9B0] =	vst v0  }
0x107: {  	[tilespmem:$0x1E9C0] =	vst v0  }
0x108: {  	[tilespmem:$0x1E9D0] =	vst v0  }
0x109: {  	[tilespmem:$0x1E9E0] =	vst v0  }
0x10a: {  	[tilespmem:$0x1E9F0] =	vst v0  }
0x10b: {  	[tilespmem:$0x1EA00] =	vst v0  }
0x10c: {  	[tilespmem:$0x1EA10] =	vst v0  }
0x10d: {  	[tilespmem:$0x1EA20] =	vst v0  }
0x10e: {  	[tilespmem:$0x1EA30] =	vst v0  }
0x10f: {  	[tilespmem:$0x1EA40] =	vst v0  }
0x110: {  	[tilespmem:$0x1EA50] =	vst v0  }
0x111: {  	[tilespmem:$0x1EA60] =	vst v0  }
0x112: {  	[tilespmem:$0x1EA70] =	vst v0  }
0x113: {  	[tilespmem:$0x1EA80] =	vst v0  }
0x114: {  	[tilespmem:$0x1EA90] =	vst v0  }
0x115: {  	[tilespmem:$0x1EAA0] =	vst v0  }
0x116: {  	[tilespmem:$0x1EAB0] =	vst v0  }
0x117: {  	[tilespmem:$0x1EAC0] =	vst v0  }
0x118: {  	[tilespmem:$0x1EAD0] =	vst v0  }
0x119: {  	[tilespmem:$0x1EAE0] =	vst v0  }
0x11a: {  	[tilespmem:$0x1EAF0] =	vst v0  }
0x11b: {  	[tilespmem:$0x1EB00] =	vst v0  }
0x11c: {  	[tilespmem:$0x1EB10] =	vst v0  }
0x11d: {  	[tilespmem:$0x1EB20] =	vst v0  }
0x11e: {  	[tilespmem:$0x1EB30] =	vst v0  }
0x11f: {  	[tilespmem:$0x1EB40] =	vst v0  }
0x120: {  	[tilespmem:$0x1EB50] =	vst v0  }
0x121: {  	[tilespmem:$0x1EB60] =	vst v0  }
0x122: {  	[tilespmem:$0x1EB70] =	vst v0  }
0x123: {  	[tilespmem:$0x1EB80] =	vst v0  }
0x124: {  	[tilespmem:$0x1EB90] =	vst v0  }
0x125: {  	[tilespmem:$0x1EBA0] =	vst v0  }
0x126: {  	[tilespmem:$0x1EBB0] =	vst v0  }
0x127: {  	[tilespmem:$0x1EBC0] =	vst v0  }
0x128: {  	[tilespmem:$0x1EBD0] =	vst v0  }
0x129: {  	[tilespmem:$0x1EBE0] =	vst v0  }
0x12a: {  	[tilespmem:$0x1EBF0] =	vst v0  }
0x12b: {  	[tilespmem:$0x1EC00] =	vst v0  }
0x12c: {  	[tilespmem:$0x1EC10] =	vst v0  }
0x12d: {  	[tilespmem:$0x1EC20] =	vst v0  }
0x12e: {  	[tilespmem:$0x1EC30] =	vst v0  }
0x12f: {  	[tilespmem:$0x1EC40] =	vst v0  }
0x130: {  	[tilespmem:$0x1EC50] =	vst v0  }
0x131: {  	[tilespmem:$0x1EC60] =	vst v0  }
0x132: {  	[tilespmem:$0x1EC90] =	vst v0  }
0x133: {  	[tilespmem:$0x1ECA0] =	vst v0  }
0x134: {  	[tilespmem:$0x1ECB0] =	vst v0  }
0x135: {  	[tilespmem:$0x1ECC0] =	vst v0  }
0x136: {  	[tilespmem:$0x1ECD0] =	vst v0  }
0x137: {  	[tilespmem:$0x1ECE0] =	vst v0  }
0x138: {  	[tilespmem:$0x1ECF0] =	vst v0  }
0x139: {  	[tilespmem:$0x1ED00] =	vst v0  }
0x13a: {  	[tilespmem:$0x1ED10] =	vst v0  }
0x13b: {  	[tilespmem:$0x1ED20] =	vst v0  }
0x13c: {  	[tilespmem:$0x1ED30] =	vst v0  }
0x13d: {  	[tilespmem:$0x1ED40] =	vst v0  }
0x13e: {  	[tilespmem:$0x1ED50] =	vst v0  }
0x13f: {  	[tilespmem:$0x1ED60] =	vst v0  }
0x140: {  	[tilespmem:$0x1ED70] =	vst v0  }
0x141: {  	[tilespmem:$0x1ED80] =	vst v0  }
0x142: {  	[tilespmem:$0x1ED90] =	vst v0  }
0x143: {  	[tilespmem:$0x1EDA0] =	vst v0  }
0x144: {  	[tilespmem:$0x1EDB0] =	vst v0  }
0x145: {  	[tilespmem:$0x1EDC0] =	vst v0  }
0x146: {  	[tilespmem:$0x1EDD0] =	vst v0  }
0x147: {  	[tilespmem:$0x1EDE0] =	vst v0  }
0x148: {  	[tilespmem:$0x1EDF0] =	vst v0  }
0x149: {  	[tilespmem:$0x1EE00] =	vst v0  }
0x14a: {  	[tilespmem:$0x1EE10] =	vst v0  }
0x14b: {  	[tilespmem:$0x1EE20] =	vst v0  }
0x14c: {  	[tilespmem:$0x1EE30] =	vst v0  }
0x14d: {  	[tilespmem:$0x1EE40] =	vst v0  }
0x14e: {  	[tilespmem:$0x1EE50] =	vst v0  }
0x14f: {  	[tilespmem:$0x1EE60] =	vst v0  }
0x150: {  	[tilespmem:$0x1EE70] =	vst v0  }
0x151: {  	[tilespmem:$0x1EE80] =	vst v0  }
0x152: {  	[tilespmem:$0x1EE90] =	vst v0  }
0x153: {  	[tilespmem:$0x1EEA0] =	vst v0  }
0x154: {  	[tilespmem:$0x1EEB0] =	vst v0  }
0x155: {  	[tilespmem:$0x1EEC0] =	vst v0  }
0x156: {  	[tilespmem:$0x1EED0] =	vst v0  }
0x157: {  	[tilespmem:$0x1EEE0] =	vst v0  }
0x158: {  	[tilespmem:$0x1EEF0] =	vst v0  }
0x159: {  	[tilespmem:$0x1EF00] =	vst v0  }
0x15a: {  	[tilespmem:$0x1EF10] =	vst v0  }
0x15b: {  	[tilespmem:$0x1EF20] =	vst v0  }
0x15c: {  	[tilespmem:$0x1EF30] =	vst v0  }
0x15d: {  	[tilespmem:$0x1EF40] =	vst v0  }
0x15e: {  	[tilespmem:$0x1EF50] =	vst v0  }
0x15f: {  	[tilespmem:$0x1EF60] =	vst v0  }
0x160: {  	[tilespmem:$0x1EF70] =	vst v0  }
0x161: {  	[tilespmem:$0x1EF80] =	vst v0  }
0x162: {  	[tilespmem:$0x1EF90] =	vst v0  }
0x163: {  	[tilespmem:$0x1EFA0] =	vst v0  }
0x164: {  	[tilespmem:$0x1EFB0] =	vst v0  }
0x165: {  	[tilespmem:$0x1EFC0] =	vst v0  }
0x166: {  	[tilespmem:$0x1EFD0] =	vst v0  }
0x167: {  	[tilespmem:$0x1EFE0] =	vst v0  }
0x168: {  	[tilespmem:$0x1EFF0] =	vst v0  }
0x169: {  	[tilespmem:$0x1F000] =	vst v0  }
0x16a: {  	[tilespmem:$0x1F010] =	vst v0  }
0x16b: {  	[tilespmem:$0x1F020] =	vst v0  }
0x16c: {  	[tilespmem:$0x1F030] =	vst v0  }
0x16d: {  	[tilespmem:$0x1F040] =	vst v0  }
.Ltmp2:
0x16e: {  	[tilespmem:$0x1F050] =	vst v0;
	(pc) =	sbr.rel @p0 .LBB2_5-.Ltmp2, $4  }
0x16f: {  	[tilespmem:$0x1F060] =	vst v0  }
0x170: {  	[tilespmem:$0x1F070] =	vst v0  }
0x171: {  	[tilespmem:$0x1EC80] =	vst v0  }
0x172: {  	[tilespmem:$0x1EC70] =	vst v0  }
0x173: {  	s4 =	sadd.s32 $0x0, s23  }
0x174: {  	[spmem:s4] =	stream.linear.scatter [tilespmem:s5], [sflag:$0x4], $0x1400, $0x38;
	[tilespmem:$0x1F080] =	vst v63  }
0x175: {  	s4 =	simm.s32 $0x5000;
	_ =	swait.ge [sflag:s6], $0x1400  }
.LBB2_3:
0x176: {  	s20 =	sshra.s32 s4, $0x2;
	[sflag:s6] =	ssyncset.done $0x0;
	p1 =	sne.s32 s4, $0x78000  }
.Ltmp3:
0x177: {  	s20 =	sadd.s32 s20, s23;
	[sflag:s6] =	ssyncadd.s32 $0xFFFFEC00;
	(pc) =	sbr.rel @p1 .LBB2_3-.Ltmp3, $3  }
0x178: {  	[spmem:s20] =	stream.linear.scatter [tilespmem:s5], [sflag:$0x4], $0x1400, $0x38;
	[tilespmem:$0x1F080] =	vst v63  }
0x179: {  	s4 =	sadd.s32 $0x5000, s4;
	_ =	sdelay $0x1  }
0x17a: {  	_ =	swait.ge [sflag:s6], $0x1400  }
0x17b: {  	[sflag:s6] =	ssyncset.done $0x0  }
0x17c: {  	[sflag:s6] =	ssyncadd.s32 $0xFFFFEC00  }
.LBB2_5:
0x17d: {  	[dreg:$0x16] =	wrdreg s7  }
0x17e: {  	[bflag:$0x0] =	sbarrier.arrive $0xFFFF  }
0x17f: {  	s20 =	simm.s32 $0x0;
	s10 =	simm.s32 $0x13880;
	s4 =	rddreg [dreg:$0x4]  }
0x180: {  	[tilespmem:s10], [sflag:$0x1] =	stream.linear.gather [hbm4b:s4+s20], $0x28, $0x38;
	[tilespmem:$0x1F080] =	vst v63  }
0x181: {  	s31 =	simm.s32 $0x13900;
	s21 =	rddreg [dreg:$0x5]  }
0x182: {  	[tilespmem:s31], [sflag:$0x1] =	stream.linear.gather [hbm4b:s21+s20], $0x28, $0x38;
	[tilespmem:$0x1F080] =	vst v63  }
0x183: {  	s8 =	simm.s32 $0x13C80;
	s7 =	rddreg [dreg:$0x6]  }
0x184: {  	[tilespmem:s8], [sflag:$0x2] =	stream.linear.gather [hbm4b:s7+s20], $0x1400, $0x38;
	[tilespmem:$0x1F080] =	vst v63  }
0x185: {  	s9 =	rddreg [dreg:$0x7];
	s10 =	simm.s32 $0x15080  }
0x186: {  	[tilespmem:s10], [sflag:$0x2] =	stream.linear.gather [hbm4b:s9+s20], $0x1400, $0x38;
	[tilespmem:$0x1F080] =	vst v63  }
0x187: {  	s21 =	rddreg [dreg:$0x8]  }
0x188: {  	[tilespmem:s11], [sflag:$0x1] =	stream.linear.gather [hbm4b:s21+s20], $0x28, $0x38;
	[tilespmem:$0x1F080] =	vst v63  }
0x189: {  	s31 =	rddreg [dreg:$0x9]  }
0x18a: {  	[tilespmem:s12], [sflag:$0x1] =	stream.linear.gather [hbm4b:s31+s20], $0x28, $0x38;
	[tilespmem:$0x1F080] =	vst v63  }
0x18b: {  	s7 =	rddreg [dreg:$0xa]  }
0x18c: {  	[tilespmem:s13], [sflag:$0x2] =	stream.linear.gather [hbm4b:s7+s20], $0x1400, $0x38;
	[tilespmem:$0x1F080] =	vst v63  }
0x18d: {  	s8 =	rddreg [dreg:$0xb]  }
0x18e: {  	[tilespmem:s14], [sflag:$0x2] =	stream.linear.gather [hbm4b:s8+s20], $0x1400, $0x38;
	[tilespmem:$0x1F080] =	vst v63  }
0x18f: {  	s9 =	rddreg [dreg:$0xc];
	s10 =	simm.s32 $0x13A80  }
0x190: {  	[tilespmem:s10], [sflag:$0x1] =	stream.linear.gather [hbm4b:s9+s20], $0x28, $0x38;
	[tilespmem:$0x1F080] =	vst v63  }
0x191: {  	s21 =	rddreg [dreg:$0xd];
	s31 =	simm.s32 $0x13B00  }
0x192: {  	[tilespmem:s31], [sflag:$0x1] =	stream.linear.gather [hbm4b:s21+s20], $0x28, $0x38;
	[tilespmem:$0x1F080] =	vst v63  }
0x193: {  	s7 =	rddreg [dreg:$0xe];
	s8 =	simm.s32 $0x18C80  }
0x194: {  	[tilespmem:s8], [sflag:$0x2] =	stream.linear.gather [hbm4b:s7+s20], $0x1400, $0x38;
	[tilespmem:$0x1F080] =	vst v63  }
0x195: {  	s9 =	rddreg [dreg:$0x11];
	s10 =	simm.s32 $0x1A080  }
0x196: {  	[tilespmem:s10], [sflag:$0x2] =	stream.linear.gather [hbm4b:s9+s20], $0x1400, $0x38;
	[tilespmem:$0x1F080] =	vst v63  }
0x197: {  	s21 =	rddreg [dreg:$0xf];
	s31 =	simm.s32 $0x13B80  }
0x198: {  	[tilespmem:s31], [sflag:$0x1] =	stream.linear.gather [hbm4b:s21+s20], $0x28, $0x38;
	[tilespmem:$0x1F080] =	vst v63  }
0x199: {  	s7 =	rddreg [dreg:$0x10];
	s8 =	simm.s32 $0x13C00  }
0x19a: {  	[tilespmem:s8], [sflag:$0x1] =	stream.linear.gather [hbm4b:s7+s20], $0x28, $0x38;
	[tilespmem:$0x1F080] =	vst v63  }
0x19b: {  	s9 =	rddreg [dreg:$0x12];
	s10 =	simm.s32 $0x1B480  }
0x19c: {  	[tilespmem:s10], [sflag:$0x2] =	stream.linear.gather [hbm4b:s9+s20], $0x1400, $0x38;
	[tilespmem:$0x1F080] =	vst v63  }
0x19d: {  	s21 =	rddreg [dreg:$0x13];
	s31 =	simm.s32 $0x1C880  }
0x19e: {  	[tilespmem:s31], [sflag:$0x2] =	stream.linear.gather [hbm4b:s21+s20], $0x1400, $0x38;
	[tilespmem:$0x1F080] =	vst v63  }
0x19f: {  	s4 =	smov.u32 s22;
	s21 =	rddreg [dreg:$0x15]  }
.LBB2_6:
0x1a0: {  	_ =	swait.ge [sflag:s15], $0x1400  }
0x1a1: {  	[sflag:s15] =	ssyncset.done $0x0  }
0x1a2: {  	[sflag:s15] =	ssyncadd.s32 $0xFFFFEC00  }
0x1a3: {  	_ =	swait.ge [sflag:s16], $0x28  }
0x1a4: {  	[sflag:s16] =	ssyncset.done $0x0  }
0x1a5: {  	s7 =	simm.s32 $0x13880;
	s8 =	simm.s32 $0x13C80;
	[sflag:s16] =	ssyncadd.s32 $0xFFFFFFD8  }
0x1a6: {  	[spmem:s2] =	stream.indirect.scatter.add.f32 [tilespmem:s8], [sflag:$0x3], $0x80, s7, s17, $0xb8;
	[tilespmem:$0x1F080] =	vst v63  }
0x1a7: {  	_ =	swait.ge [sflag:s15], $0x1400  }
0x1a8: {  	[sflag:s15] =	ssyncset.done $0x0  }
0x1a9: {  	[sflag:s15] =	ssyncadd.s32 $0xFFFFEC00  }
0x1aa: {  	_ =	swait.ge [sflag:s16], $0x28  }
0x1ab: {  	s10 =	simm.s32 $0x13900;
	[sflag:s16] =	ssyncset.done $0x0  }
0x1ac: {  	s31 =	simm.s32 $0x15080;
	p1 =	seq.s32 s20, $0x9B0;
	[sflag:s16] =	ssyncadd.s32 $0xFFFFFFD8  }
0x1ad: {  	[spmem:s2] =	stream.indirect.scatter.add.f32 [tilespmem:s31], [sflag:$0x3], $0x80, s10, s17, $0xb8;
	[tilespmem:$0x1F080] =	vst v63  }
0x1ae: {  	s31 =	simm.s32 @!p1 $0x3  }
0x1af: {  	_ =	swait.ge @!p1 [sflag:s31], $0x1400  }
0x1b0: {  	[sflag:s31] =	ssyncset.done @!p1 $0x0  }
0x1b1: {  	[sflag:s31] =	ssyncadd.s32 @!p1 $0xFFFFEC00  }
0x1b2: {  	_ =	swait.ge @!p1 [sflag:s31], $0x1400  }
0x1b3: {  	[sflag:s31] =	ssyncset.done @!p1 $0x0  }
0x1b4: {  	[sflag:s31] =	ssyncadd.s32 @!p1 $0xFFFFEC00;
	s31 =	sadd.s32 @!p1 s20, s18  }
0x1b5: {  	s9 =	simm.s32 @!p1 $0x13880;
	s8 =	simm.s32 @!p1 $0x0;
	s7 =	sadd.s32 @!p1 $0x28, s31  }
0x1b6: {  	[tilespmem:s9], [sflag:$0x1] =	stream.linear.gather @!p1 [hbm4b:s7+s8], $0x28, $0x38;
	[tilespmem:$0x1F080] =	vst v63  }
0x1b7: {  	s7 =	sadd.s32 @!p1 $0x2D, s31;
	s9 =	simm.s32 @!p1 $0x13900  }
0x1b8: {  	[tilespmem:s9], [sflag:$0x1] =	stream.linear.gather @!p1 [hbm4b:s7+s8], $0x28, $0x38;
	[tilespmem:$0x1F080] =	vst v63  }
0x1b9: {  	s7 =	sshrl.u32 @!p1 s21, $0x3  }
0x1ba: {  	s9 =	simm.s32 @!p1 $0x13C80;
	s7 =	sadd.s32 @!p1 s22, s7  }
0x1bb: {  	[tilespmem:s9], [sflag:$0x2] =	stream.linear.gather @!p1 [hbm4b:s7+s8], $0x1400, $0x38;
	[tilespmem:$0x1F080] =	vst v63  }
0x1bc: {  	s7 =	sadd.s32 @!p1 s4, s0;
	s9 =	simm.s32 @!p1 $0x15080  }
0x1bd: {  	[tilespmem:s9], [sflag:$0x2] =	stream.linear.gather @!p1 [hbm4b:s7+s8], $0x1400, $0x38;
	[tilespmem:$0x1F080] =	vst v63  }
0x1be: {  	_ =	swait.ge [sflag:s15], $0x1400  }
0x1bf: {  	[sflag:s15] =	ssyncset.done $0x0  }
0x1c0: {  	[sflag:s15] =	ssyncadd.s32 $0xFFFFEC00  }
0x1c1: {  	_ =	swait.ge [sflag:s16], $0x28  }
0x1c2: {  	[sflag:s16] =	ssyncset.done $0x0  }
0x1c3: {  	[sflag:s16] =	ssyncadd.s32 $0xFFFFFFD8  }
0x1c4: {  	[spmem:s2] =	stream.indirect.scatter.add.f32 [tilespmem:s13], [sflag:$0x3], $0x80, s11, s17, $0xb8;
	[tilespmem:$0x1F080] =	vst v63  }
0x1c5: {  	_ =	swait.ge [sflag:s15], $0x1400  }
0x1c6: {  	[sflag:s15] =	ssyncset.done $0x0  }
0x1c7: {  	[sflag:s15] =	ssyncadd.s32 $0xFFFFEC00  }
0x1c8: {  	_ =	swait.ge [sflag:s16], $0x28  }
0x1c9: {  	[sflag:s16] =	ssyncset.done $0x0  }
0x1ca: {  	[sflag:s16] =	ssyncadd.s32 $0xFFFFFFD8  }
0x1cb: {  	[spmem:s2] =	stream.indirect.scatter.add.f32 [tilespmem:s14], [sflag:$0x3], $0x80, s12, s17, $0xb8;
	[tilespmem:$0x1F080] =	vst v63  }
0x1cc: {  	_ =	swait.ge [sflag:s19], $0x1400  }
.Ltmp4:
0x1cd: {  	[sflag:s19] =	ssyncset.done $0x0;
	(pc) =	sbr.rel @p1 .LBB2_8-.Ltmp4, $4  }
0x1ce: {  	[sflag:s19] =	ssyncadd.s32 $0xFFFFEC00  }
0x1cf: {  	_ =	swait.ge [sflag:s19], $0x1400  }
0x1d0: {  	[sflag:s19] =	ssyncset.done $0x0  }
0x1d1: {  	[sflag:s19] =	ssyncadd.s32 $0xFFFFEC00  }
0x1d2: {  	s7 =	sadd.s32 s20, s18  }
0x1d3: {  	s8 =	sadd.s32 $0x32, s7  }
0x1d4: {  	[tilespmem:s11], [sflag:$0x1] =	stream.linear.gather [hbm4b:s8+s3], $0x28, $0x38;
	[tilespmem:$0x1F080] =	vst v63  }
0x1d5: {  	s7 =	sadd.s32 $0x37, s7  }
0x1d6: {  	[tilespmem:s12], [sflag:$0x1] =	stream.linear.gather [hbm4b:s7+s3], $0x28, $0x38;
	[tilespmem:$0x1F080] =	vst v63  }
0x1d7: {  	s10 =	sadd.s32 s4, s29  }
0x1d8: {  	[tilespmem:s13], [sflag:$0x2] =	stream.linear.gather [hbm4b:s10+s3], $0x1400, $0x38;
	[tilespmem:$0x1F080] =	vst v63  }
0x1d9: {  	s31 =	sadd.s32 s4, s30  }
0x1da: {  	[tilespmem:s14], [sflag:$0x2] =	stream.linear.gather [hbm4b:s31+s3], $0x1400, $0x38;
	[tilespmem:$0x1F080] =	vst v63  }
0x1db: {  	_ =	swait.ge [sflag:s15], $0x1400  }
0x1dc: {  	[sflag:s15] =	ssyncset.done $0x0  }
0x1dd: {  	[sflag:s15] =	ssyncadd.s32 $0xFFFFEC00  }
0x1de: {  	_ =	swait.ge [sflag:s16], $0x28  }
0x1df: {  	[sflag:s16] =	ssyncset.done $0x0  }
0x1e0: {  	s9 =	simm.s32 $0x18C80;
	s8 =	simm.s32 $0x13A80;
	[sflag:s16] =	ssyncadd.s32 $0xFFFFFFD8  }
0x1e1: {  	[spmem:s2] =	stream.indirect.scatter.add.f32 [tilespmem:s9], [sflag:$0x3], $0x80, s8, s17, $0xb8;
	[tilespmem:$0x1F080] =	vst v63  }
0x1e2: {  	_ =	swait.ge [sflag:s15], $0x1400  }
0x1e3: {  	[sflag:s15] =	ssyncset.done $0x0  }
0x1e4: {  	[sflag:s15] =	ssyncadd.s32 $0xFFFFEC00  }
0x1e5: {  	p1 =	seq.s32 s20, $0x988;
	_ =	swait.ge [sflag:s16], $0x28  }
0x1e6: {  	s7 =	simm.s32 @!p1 $0x3;
	[sflag:s16] =	ssyncset.done $0x0  }
0x1e7: {  	s10 =	simm.s32 $0x13B00;
	s31 =	simm.s32 $0x1A080;
	[sflag:s16] =	ssyncadd.s32 $0xFFFFFFD8  }
0x1e8: {  	[spmem:s2] =	stream.indirect.scatter.add.f32 [tilespmem:s31], [sflag:$0x3], $0x80, s10, s17, $0xb8;
	[tilespmem:$0x1F080] =	vst v63  }
0x1e9: {  	_ =	swait.ge @!p1 [sflag:s7], $0x1400  }
0x1ea: {  	[sflag:s7] =	ssyncset.done @!p1 $0x0  }
0x1eb: {  	[sflag:s7] =	ssyncadd.s32 @!p1 $0xFFFFEC00  }
0x1ec: {  	s8 =	sadd.s32 @!p1 s20, s18;
	_ =	swait.ge @!p1 [sflag:s7], $0x1400  }
0x1ed: {  	s9 =	sadd.s32 @!p1 $0x3C, s8;
	[sflag:s7] =	ssyncset.done @!p1 $0x0  }
0x1ee: {  	s31 =	simm.s32 @!p1 $0x0;
	s10 =	simm.s32 @!p1 $0x13A80;
	[sflag:s7] =	ssyncadd.s32 @!p1 $0xFFFFEC00  }
0x1ef: {  	[tilespmem:s10], [sflag:$0x1] =	stream.linear.gather @!p1 [hbm4b:s9+s31], $0x28, $0x38;
	[tilespmem:$0x1F080] =	vst v63  }
0x1f0: {  	s9 =	sadd.s32 @!p1 $0x41, s8;
	s10 =	simm.s32 @!p1 $0x13B00  }
0x1f1: {  	[tilespmem:s10], [sflag:$0x1] =	stream.linear.gather @!p1 [hbm4b:s9+s31], $0x28, $0x38;
	[tilespmem:$0x1F080] =	vst v63  }
0x1f2: {  	s9 =	sadd.s32 @!p1 s4, s26;
	s10 =	simm.s32 @!p1 $0x18C80  }
0x1f3: {  	[tilespmem:s10], [sflag:$0x2] =	stream.linear.gather @!p1 [hbm4b:s9+s31], $0x1400, $0x38;
	[tilespmem:$0x1F080] =	vst v63  }
0x1f4: {  	s9 =	sadd.s32 @!p1 s4, s28;
	s10 =	simm.s32 @!p1 $0x1A080  }
0x1f5: {  	[tilespmem:s10], [sflag:$0x2] =	stream.linear.gather @!p1 [hbm4b:s9+s31], $0x1400, $0x38;
	[tilespmem:$0x1F080] =	vst v63  }
0x1f6: {  	_ =	swait.ge [sflag:s15], $0x1400  }
0x1f7: {  	[sflag:s15] =	ssyncset.done $0x0  }
0x1f8: {  	[sflag:s15] =	ssyncadd.s32 $0xFFFFEC00  }
0x1f9: {  	_ =	swait.ge [sflag:s16], $0x28  }
0x1fa: {  	[sflag:s16] =	ssyncset.done $0x0  }
0x1fb: {  	s9 =	simm.s32 $0x13B80;
	s10 =	simm.s32 $0x1B480;
	[sflag:s16] =	ssyncadd.s32 $0xFFFFFFD8  }
0x1fc: {  	[spmem:s2] =	stream.indirect.scatter.add.f32 [tilespmem:s10], [sflag:$0x3], $0x80, s9, s17, $0xb8;
	[tilespmem:$0x1F080] =	vst v63  }
0x1fd: {  	_ =	swait.ge [sflag:s15], $0x1400  }
0x1fe: {  	[sflag:s15] =	ssyncset.done $0x0  }
0x1ff: {  	[sflag:s15] =	ssyncadd.s32 $0xFFFFEC00  }
0x200: {  	_ =	swait.ge [sflag:s16], $0x28  }
0x201: {  	[sflag:s16] =	ssyncset.done $0x0  }
0x202: {  	s9 =	simm.s32 $0x13C00;
	s10 =	simm.s32 $0x1C880;
	[sflag:s16] =	ssyncadd.s32 $0xFFFFFFD8  }
0x203: {  	[spmem:s2] =	stream.indirect.scatter.add.f32 [tilespmem:s10], [sflag:$0x3], $0x80, s9, s17, $0xb8;
	[tilespmem:$0x1F080] =	vst v63  }
0x204: {  	_ =	swait.ge @!p1 [sflag:s7], $0x1400  }
0x205: {  	[sflag:s7] =	ssyncset.done @!p1 $0x0  }
0x206: {  	[sflag:s7] =	ssyncadd.s32 @!p1 $0xFFFFEC00  }
0x207: {  	_ =	swait.ge @!p1 [sflag:s7], $0x1400  }
0x208: {  	[sflag:s7] =	ssyncset.done @!p1 $0x0  }
0x209: {  	s9 =	simm.s32 @!p1 $0x13B80;
	[sflag:s7] =	ssyncadd.s32 @!p1 $0xFFFFEC00;
	s7 =	sadd.s32 @!p1 $0x46, s8  }
0x20a: {  	[tilespmem:s9], [sflag:$0x1] =	stream.linear.gather @!p1 [hbm4b:s7+s31], $0x28, $0x38;
	[tilespmem:$0x1F080] =	vst v63  }
0x20b: {  	s7 =	sadd.s32 @!p1 $0x4B, s8;
	s8 =	simm.s32 @!p1 $0x13C00  }
0x20c: {  	[tilespmem:s8], [sflag:$0x1] =	stream.linear.gather @!p1 [hbm4b:s7+s31], $0x28, $0x38;
	[tilespmem:$0x1F080] =	vst v63  }
.Ltmp5:
0x20d: {  	s21 =	sadd.s32 $0xA000, s21;
	(pc) =	sbr.rel .LBB2_6-.Ltmp5, $4  }
0x20e: {  	s20 =	sadd.s32 $0x28, s20;
	s7 =	sadd.s32 @!p1 s4, s24;
	s8 =	simm.s32 @!p1 $0x1B480  }
0x20f: {  	[tilespmem:s8], [sflag:$0x2] =	stream.linear.gather @!p1 [hbm4b:s7+s31], $0x1400, $0x38;
	[tilespmem:$0x1F080] =	vst v63  }
0x210: {  	s7 =	sadd.s32 @!p1 s4, s25;
	s8 =	simm.s32 @!p1 $0x1C880;
	s4 =	sadd.s32 $0x1400, s4  }
0x211: {  	[tilespmem:s8], [sflag:$0x2] =	stream.linear.gather @!p1 [hbm4b:s7+s31], $0x1400, $0x38;
	[tilespmem:$0x1F080] =	vst v63  }
.LBB2_8:
0x212: {  	_ =	swait.ge [sflag:s19], $0x1400  }
0x213: {  	[sflag:s19] =	ssyncset.done $0x0  }
0x214: {  	[sflag:s19] =	ssyncadd.s32 $0xFFFFEC00  }
0x215: {  	_ =	swait.ge [sflag:s19], $0x1400  }
0x216: {  	[sflag:s19] =	ssyncset.done $0x0  }
0x217: {  	[sflag:s19] =	ssyncadd.s32 $0xFFFFEC00  }
0x218: {  	_ =	swait.ge [sflag:s19], $0x1400  }
0x219: {  	[sflag:s19] =	ssyncset.done $0x0  }
0x21a: {  	[sflag:s19] =	ssyncadd.s32 $0xFFFFEC00  }
0x21b: {  	_ =	swait.ge [sflag:s19], $0x1400  }
0x21c: {  	[sflag:s19] =	ssyncset.done $0x0  }
0x21d: {  	[sflag:s19] =	ssyncadd.s32 $0xFFFFEC00  }
0x21e: {  	_ =	swait.ge [sflag:s19], $0x1400  }
0x21f: {  	[sflag:s19] =	ssyncset.done $0x0  }
0x220: {  	[sflag:s19] =	ssyncadd.s32 $0xFFFFEC00  }
.Ltmp6:
0x221: {  	_ =	swait.ge [sflag:s19], $0x1400;
	(pc) =	sbr.rel @p0 .LBB2_12-.Ltmp6, $4  }
0x222: {  	[sflag:s19] =	ssyncset.done $0x0  }
0x223: {  	[sflag:s19] =	ssyncadd.s32 $0xFFFFEC00  }
0x224: {  	[bflag:$0x0] =	sbarrier.arrive $0xFFFF  }
0x225: {  	s7 =	rddreg [dreg:$0x16]  }
0x226: {  	s4 =	stileid.u32  }
0x227: {  	s4 =	sshll.u32 s4, $0x6  }
0x228: {  	s7 =	sadd.s32 $0x0, s1;
	s8 =	sshrl.u32 s23, $0x3;
	s4 =	sor.u32 $0x1C04, s4  }
0x229: {  	[hbm:s7], [sflag:s4] =	dma.local [spmem:s8], $0x280  }
0x22a: {  	s20 =	simm.s32 $0x280;
	s21 =	sadd.s32 $0x1400, s23;
	_ =	swait.ge [sflag:s6], $0x280  }
.LBB2_10:
0x22b: {  	s7 =	sadd.s32 s20, s1;
	[sflag:s6] =	ssyncset.done $0x0;
	p1 =	sne.s32 s20, $0x3C00  }
.Ltmp7:
0x22c: {  	s8 =	sshrl.u32 s21, $0x3;
	[sflag:s6] =	ssyncadd.s32 $0xFFFFFD80;
	(pc) =	sbr.rel @p1 .LBB2_10-.Ltmp7, $3  }
0x22d: {  	[hbm:s7], [sflag:s4] =	dma.local [spmem:s8], $0x280  }
0x22e: {  	s20 =	sadd.s32 $0x280, s20;
	_ =	sdelay $0x1  }
0x22f: {  	s21 =	sadd.s32 $0x1400, s21;
	_ =	swait.ge [sflag:s6], $0x280  }
.Ltmp8:
0x230: {  	_ = 	snop;
	(pc) =	sbr.rel .LBB2_11-.Ltmp8, $1  }
0x231: {  	_ =	sdelay $0x3  }
.LBB2_13:
0x232: {  	_ =	sfence.sel $0x180000  }
0x233: {  	[bflag:$0x0] =	sbarrier.arrive $0xFFFF  }
0x234: {  	_ =	strace $0x9000004A  }
0x235: {  	s0 =	stileid.u32;
	[bflag:$0x2] =	sbarrier.arrive $0xFFFF  }
0x236: {  	p0 =	sne.s32 s0, $0x0;
	s0 =	rddreg [dreg:$0x3]  }
0x237: {  	s0 =	sadd.s32 @!p0 $0x100000, s0  }
0x238: {  	[sflag:s0] =	ssyncadd.tile.s32 @!p0 $0x1;
	_ =	shalt  }
.Lfunc_end2:
_tile_overlayer_lowered:
.L_overlay_start_2:
0x239: {  	(tag) =	ssettag $0x2  }
0x23a: {  	s0 =	rddreg [dreg:$0x0];
	s2 =	stileid.u32  }
0x23b: {  	s1 =	rddreg [dreg:$0x1];
	p0 =	sne.s32 s2, $0x0  }
0x23c: {  	s3 =	rddreg [dreg:$0x2];
	[bflag:$0x3] =	sbarrier.arrive $0xFFFF;
	s2 =	simm.s32 @!p0 $0x1C04  }
0x23d: {  	[timem:s3], [sflag:s2] =	dma.local @!p0 [hbm:s0], s1  }
0x23e: {  	s0 =	simm.s32 @!p0 $0x4  }
0x23f: {  	_ =	swait.ge @!p0 [sflag:s0], s1  }
0x240: {  	s1 =	ssub.s32 @!p0 $0x0, s1;
	[sflag:s0] =	ssyncset.done @!p0 $0x0  }
0x241: {  	[sflag:s0] =	ssyncadd.s32 @!p0 s1  }
0x242: {  	[bflag:$0x3] =	sbarrier.arrive $0xFFFF  }
0x243: {  	_ =	shalt  }

// kernel: kernel.7.cloned.1.call-start
scs
__scs_entry_jumppad:
0x0: {  	(pc) =	sbr.rel $0x88, $3  }
0x1: {  	(tag) =	ssettag $0x0;
	lr =	simm.s32 $0x1  }
0x2: {  	[smem:$0x3F96] =	sst lr;
	_ =	strace $0xD0000000  }
0x3: {  	_ = 	snop  }
0x4: {  	_ = 	snop  }
0x5: {  	_ = 	snop  }
0x6: {  	_ = 	snop  }
0x7: {  	_ = 	snop  }
__scs_overlays_trampoline_lowered:
0x8: {  	[smem:$0x3FA5] =	sst s0  }
0x9: {  	[smem:$0x3FA6] =	sst s1  }
0xa: {  	[smem:$0x3FA7] =	sst s2  }
0xb: {  	[smem:$0x3FA8] =	sst s3  }
0xc: {  	[smem:$0x3FA9] =	sst s4  }
0xd: {  	[smem:$0x3FAA] =	sst s5  }
0xe: {  	[smem:$0x3FAB] =	sst s6  }
0xf: {  	[smem:$0x3FAC] =	sst s7  }
0x10: {  	[smem:$0x3FAD] =	sst s8  }
0x11: {  	[smem:$0x3FAE] =	sst s9;
	s0 =	simm.s32 @!p0 $0x0  }
0x12: {  	s1 =	sld [smem:$0x3F94];
	s0 =	simm.s32 @p0 $0x1  }
0x13: {  	[smem:$0x3FAF] =	sst s0;
	s0 =	simm.s32 @!p1 $0x0  }
0x14: {  	s2 =	sld [smem:$0x3F93];
	s0 =	simm.s32 @p1 $0x1  }
0x15: {  	[smem:$0x3FB0] =	sst s0;
	s0 =	simm.s32 @!p2 $0x0  }
0x16: {  	s3 =	sld [smem:$0x3FDB];
	s0 =	simm.s32 @p2 $0x1  }
0x17: {  	s4 =	simm.s32 $0x1BF5;
	[smem:$0x3FB2] =	sst s0  }
0x18: {  	s0 =	sld [smem:$0x3F95];
	_ =	swait.ge [sflag:s4], $0x0  }
0x19: {  	s7 =	sld [smem:$0x3F96]  }
0x1a: {  	s8 =	sadd.s32 $0xFFFFE003, lr  }
0x1b: {  	s9 =	sadd.s32 $0xFFFFFEF7, lr;
	s5 =	simm.s32 $0xFFFFFFFF;
	p2 =	slt.u32 s8, $0xFFFFF086  }
0x1c: {  	p1 =	slt.u32 s9, $0xF7A;
	s5 =	simm.s32 @!p2 $0x0  }
0x1d: {  	s5 =	simm.s32 @p1 $0x1;
	p0 =	seq.s32 s7, s2  }
0x1e: {  	s7 =	smul.u32 @!p0 $0xF7A, s2;
	p2 =	seq.s32 @!p0 s5, $0x0  }
0x1f: {  	s9 =	smul.u32 $0xF7A, s1;
	s8 =	simm.s32 @!p0 $0x1BF5;
	p2 =	por !p2, p0  }
0x20: {  	[sflag:s8] =	ssyncset.s32 @!p0 $0xFFFFF086;
	s6 =	sadd.s32 @!p0 s3, s7;
	s7 =	simm.s32 @!p0 $0x108  }
0x21: {  	s3 =	sadd.s32 s3, s9;
	s6 =	sadd.s32 @!p0 $0x88, s6;
	s7 =	simm.s32 @p2 $0x1082  }
0x22: {  	[simem:s7], [sflag:s8] =	dma.local @!p0 [hbm:s6], $0xF7A  }
0x23: {  	s9 =	sor.u32 $0xD0000000, s2;
	s6 =	simm.s32 $0x108;
	_ =	swait.ge @!p0 [sflag:s8], $0x0  }
0x24: {  	s3 =	sadd.s32 $0x88, s3;
	s6 =	simm.s32 @!p1 $0x1082;
	[sflag:s4] =	ssyncset.s32 $0xFFFFF086  }
0x25: {  	[simem:s6], [sflag:s4] =	dma.local [hbm:s3], $0xF7A  }
0x26: {  	[smem:$0x3F96] =	sst s1;
	(tag) =	ssettag s2;
	_ =	strace s9  }
0x27: {  	s1 =	sld [smem:$0x3FA6]  }
0x28: {  	s2 =	sld [smem:$0x3FA7]  }
0x29: {  	s4 =	sld [smem:$0x3FA9]  }
0x2a: {  	p0 =	seq.s32 s5, $0x0;
	s5 =	sld [smem:$0x3FAA]  }
0x2b: {  	s6 =	sld [smem:$0x3FAB]  }
0x2c: {  	s7 =	sld [smem:$0x3FAC]  }
0x2d: {  	s3 =	simm.s32 $0x108;
	s8 =	sld [smem:$0x3FAD]  }
0x2e: {  	s3 =	simm.s32 @!p0 $0x1082;
	s9 =	sld [smem:$0x3FAE]  }
0x2f: {  	lr =	sadd.s32 s0, s3;
	s0 =	sld [smem:$0x3FA5]  }
0x30: {  	s3 =	sld [smem:$0x3FA8]  }
0x31: {  	[smem:$0x3FB1] =	sst s10  }
0x32: {  	s10 =	sld [smem:$0x3FAF];
	_ =	sdelay $0x3  }
0x33: {  	p0 =	seq.s32 s10, $0x1;
	s10 =	sld [smem:$0x3FB1];
	_ =	sdelay $0x3  }
0x34: {  	[smem:$0x3FB1] =	sst s10  }
0x35: {  	s10 =	sld [smem:$0x3FB0];
	_ =	sdelay $0x3  }
0x36: {  	p1 =	seq.s32 s10, $0x1;
	s10 =	sld [smem:$0x3FB1];
	_ =	sdelay $0x3  }
0x37: {  	[smem:$0x3FB1] =	sst s10  }
0x38: {  	s10 =	sld [smem:$0x3FB2]  }
0x39: {  	_ = 	snop;
	(pc) =	sbr.ind lr, $3  }
0x3a: {  	_ = 	snop  }
0x3b: {  	_ = 	snop  }
0x3c: {  	p2 =	seq.s32 s10, $0x1;
	s10 =	sld [smem:$0x3FB1]  }
0x3d: {  	_ =	shalt  }
0x3e: {  	_ =	shalt  }
0x3f: {  	_ =	shalt  }
0x40: {  	_ =	shalt  }
0x41: {  	_ =	shalt  }
0x42: {  	_ =	shalt  }
0x43: {  	_ =	shalt  }
0x44: {  	_ =	shalt  }
0x45: {  	_ =	shalt  }
0x46: {  	_ =	shalt  }
0x47: {  	_ =	shalt  }
0x48: {  	_ =	shalt  }
0x49: {  	_ =	shalt  }
0x4a: {  	_ =	shalt  }
0x4b: {  	_ =	shalt  }
0x4c: {  	_ =	shalt  }
0x4d: {  	_ =	shalt  }
0x4e: {  	_ =	shalt  }
0x4f: {  	_ =	shalt  }
0x50: {  	_ =	shalt  }
0x51: {  	_ =	shalt  }
0x52: {  	_ =	shalt  }
0x53: {  	_ =	shalt  }
0x54: {  	_ =	shalt  }
0x55: {  	_ =	shalt  }
0x56: {  	_ =	shalt  }
0x57: {  	_ =	shalt  }
0x58: {  	_ =	shalt  }
0x59: {  	_ =	shalt  }
0x5a: {  	_ =	shalt  }
0x5b: {  	_ =	shalt  }
0x5c: {  	_ =	shalt  }
0x5d: {  	_ =	shalt  }
0x5e: {  	_ =	shalt  }
0x5f: {  	_ =	shalt  }
0x60: {  	_ =	shalt  }
0x61: {  	_ =	shalt  }
0x62: {  	_ =	shalt  }
0x63: {  	_ =	shalt  }
0x64: {  	_ =	shalt  }
0x65: {  	_ =	shalt  }
0x66: {  	_ =	shalt  }
0x67: {  	_ =	shalt  }
0x68: {  	_ =	shalt  }
0x69: {  	_ =	shalt  }
0x6a: {  	_ =	shalt  }
0x6b: {  	_ =	shalt  }
0x6c: {  	_ =	shalt  }
0x6d: {  	_ =	shalt  }
0x6e: {  	_ =	shalt  }
0x6f: {  	_ =	shalt  }
0x70: {  	_ =	shalt  }
0x71: {  	_ =	shalt  }
0x72: {  	_ =	shalt  }
0x73: {  	_ =	shalt  }
0x74: {  	_ =	shalt  }
0x75: {  	_ =	shalt  }
0x76: {  	_ =	shalt  }
0x77: {  	_ =	shalt  }
0x78: {  	_ =	shalt  }
0x79: {  	_ =	shalt  }
0x7a: {  	_ =	shalt  }
0x7b: {  	_ =	shalt  }
0x7c: {  	_ =	shalt  }
0x7d: {  	_ =	shalt  }
0x7e: {  	_ =	shalt  }
0x7f: {  	_ =	shalt  }
0x80: {  	_ =	shalt  }
0x81: {  	_ =	shalt  }
0x82: {  	_ =	shalt  }
0x83: {  	_ =	shalt  }
0x84: {  	_ =	shalt  }
0x85: {  	_ =	shalt  }
0x86: {  	_ =	shalt  }
0x87: {  	_ =	shalt  }
.Lfunc_end0:
.L_simem_size_0:
called_computation_lowered:
.L_overlay_start_0:
0x88: {  	s2 =	sld [smem:$0x3FD9]  }
0x89: {  	s3 =	sld [smem:$0x3FFE];
	_ =	sdelay $0x1  }
0x8a: {  	s1 =	srdreg.scid  }
0x8b: {  	s0 =	sand.u32 $0x1, s1  }
0x8c: {  	s17 =	sshll.u32 s0, $0xA;
	s2 =	sadd.s32 s3, s2  }
0x8d: {  	s2 =	sadd.s32 s2, s17  }
0x8e: {  	[smem:$0x3FBD] =	sst s2  }
0x8f: {  	_ = 	snop  }
0x90: {  	s2 =	sld [smem:$0x3FC9];
	(tm) =	ssettm $0x1  }
0x91: {  	s18 =	sld [smem:$0x3FFB];
	_ =	sdelay $0x3  }
0x92: {  	_ =	strace s18  }
0x93: {  	s3 =	sld [smem:$0x3FFC];
	_ =	sdelay $0x3  }
0x94: {  	_ =	strace s3  }
0x95: {  	s3 =	sld [smem:$0x3FFD];
	_ =	sdelay $0x3  }
0x96: {  	_ =	strace s3  }
0x97: {  	_ =	strace $0x8FFFFFFF  }
0x98: {  	s19 =	sld [smem:$0x3FDB];
	_ =	sdelay $0x1  }
0x99: {  	s4 =	simm.s32 $_scs_section_size  }
0x9a: {  	s5 =	simm.s32 $_size__tile_overlayer_lowered;
	s6 =	simm.s32 $_tile_overlayer_lowered  }
0x9b: {  	s22 =	simm.s32 $0x1BFF;
	s21 =	sshll.u32 s6, $0x1;
	s3 =	sadd.s32 s4, s19  }
0x9c: {  	s7 =	simm.s32 $0x0;
	s20 =	sshll.u32 s5, $0x1;
	s5 =	sadd.s32 s21, s3  }
0x9d: {  	[timem:s7], [sflag:s22] =	dma.local [hbm:s5], s20  }
0x9e: {  	_ =	swait.ge [sflag:s22], s20  }
0x9f: {  	s4 =	ssub.s32 $0x0, s20;
	[sflag:s22] =	ssyncset.done $0x0  }
0xa0: {  	[sflag:s22] =	ssyncadd.s32 s4;
	_ =	sdelay $0x1  }
0xa1: {  	s23 =	simm.s32 $0x1B8B  }
0xa2: {  	_ =	swait.ge [sflag:s23], $0x1  }
0xa3: {  	[sflag:s23] =	ssyncset.done $0x0  }
0xa4: {  	s25 =	simm.s32 $0x1B8E;
	s24 =	sld [smem:$0x3FFE];
	[sflag:s23] =	ssyncadd.s32 $0xFFFFFFFF  }
0xa5: {  	s26 =	simm.s32 $execute0_lowered;
	[smem:$0x3FD2] =	sst s25  }
0xa6: {  	s5 =	sshll.u32 s26, $0x1;
	_ =	strace $0x80000046;
	[dreg:$0x1] =	wrdreg $0xFFFFFFFF  }
0xa7: {  	s28 =	simm.s32 $_size_execute0_lowered;
	s3 =	sadd.s32 s3, s5;
	[dreg:$0x0] =	wrdreg $0x0  }
0xa8: {  	s5 =	sshll.u32 s28, $0x1;
	[dreg:$0x2] =	wrdreg s3  }
0xa9: {  	[dreg:$0x3] =	wrdreg s5  }
0xaa: {  	[dreg:$0x4] =	wrdreg $0xC0  }
0xab: {  	_ =	task [dreg:s7], $0x5FFFF  }
0xac: {  	[dreg:$0x1] =	wrdreg $0xFFFFFFFF  }
0xad: {  	[dreg:$0x0] =	wrdreg $0x60  }
0xae: {  	[dreg:$0x2] =	wrdreg s2  }
0xaf: {  	[dreg:$0x3] =	wrdreg s24  }
0xb0: {  	[dreg:$0x4] =	wrdreg $0x9  }
0xb1: {  	_ =	task.clear_ibuf [dreg:s7], $0x5FFFF;
	_ =	strace $0x90000046  }
0xb2: {  	s29 =	simm.s32 $0x9;
	_ =	strace $0x80000048  }
0xb3: {  	_ =	swait.ge [sflag:s29], $0x1  }
0xb4: {  	[sflag:s29] =	ssyncadd.s32 $0xFFFFFFFF  }
0xb5: {  	_ =	strace $0x90000048  }
0xb6: {  	_ =	sfence  }
0xb7: {  	s30 =	sld [smem:$0x0];
	_ =	sdelay $0x2  }
0xb8: {  	s31 =	sshll.u32 s1, $0xD;
	s1 =	sshrl.u32 s1, $0x2  }
0xb9: {  	s3 =	sand.u32 $0x4000, s31;
	s1 =	sadd.s32 s1, s30  }
0xba: {  	s0 =	sor.u32 s3, s0;
	s1 =	sshll.u32 s1, $0x11  }
0xbb: {  	s0 =	sor.u32 s1, s0  }
0xbc: {  	s0 =	sadd.s32 $0x8F2B, s0  }
0xbd: {  	[sflag:s0] =	ssyncadd.remote.s32 $0x1  }
0xbe: {  	_ =	sfence.sel $0xFFFF  }
0xbf: {  	[dreg:$0x0] =	wrdreg $0xFFFFFFFF;
	(pc) =	sbr.abs _section_cstart, $3  }
0xc0: {  	[dreg:$0x1] =	wrdreg $0xFFFFFFFF  }
0xc1: {  	_ =	task.clear_ibuf [dreg:s7], $0x2FFFF;
	_ =	strace $0x9FFFFFFF  }
0xc2: {  	(tm) =	ssettm $0x7FFFFFFF  }
0xc3: {  	_ =	shalt  }
tec
execute0_lowered:
.L_overlay_start_1:
0x0: {  	(tag) =	ssettag $0x1  }
0x1: {  	s2 =	rddreg [dreg:$0x0]  }
0x2: {  	s0 =	rddreg [dreg:$0x1]  }
0x3: {  	s9 =	stileid.u32;
	s1 =	srdreg.scid;
	s3 =	simm.s32 $0x0  }
0x4: {  	s17 =	simm.s32 $0x180;
	s18 =	simm.s32 $0x50;
	s19 =	simm.s32 $0x200  }
0x5: {  	s20 =	simm.s32 $0x2A00;
	s21 =	simm.s32 $0x5200;
	s5 =	smul.u32 $0x4E200, s9  }
0x6: {  	s22 =	simm.s32 $0x2;
	s1 =	sand.u32 $0x1, s1;
	s24 =	smul.u32 $0x4E20, s9  }
0x7: {  	s4 =	sshll.u32 s9, $0x1;
	[smem:$0x7FF] =	sst s3;
	s7 =	smul.u32 $0x27100, s1  }
0x8: {  	s4 =	sor.u32 s1, s4;
	s8 =	ssub.s32 $0x2, s1;
	s1 =	smul.u32 $0x2710, s1  }
0x9: {  	_ =	strace $0x80000047;
	s6 =	smul.u32 $0x2710, s4;
	s25 =	sshrl.u32 s8, $0x1  }
0xa: {  	s4 =	sadd.s32 $0x1400, s0;
	s0 =	sadd.s32 s5, s0;
	s9 =	ssub.s32 s8, s25  }
0xb: {  	s0 =	sadd.s32 s7, s0;
	s1 =	sadd.s32 s1, s24;
	s24 =	simm.s32 $0x1  }
0xc: {  	s25 =	simm.s32 $0x7A00;
	s23 =	sshrl.u32 s6, $0x3;
	s29 =	smax.u32 s9, $0x1  }
0xd: {  	s10 =	sadd.s32 $0xB200, s0;
	s30 =	sadd.s32 $0x230, s1;
	s6 =	sadd.s32 $0x1E0, s1  }
0xe: {  	s31 =	sadd.s32 $0x190, s1;
	s14 =	sadd.s32 $0x140, s1;
	s5 =	sadd.s32 s4, s23  }
0xf: {  	[dreg:$0x7] =	wrdreg s29;
	s0 =	sshrl.u32 s30, $0x3;
	s6 =	sshrl.u32 s6, $0x3  }
.Ltmp0:
0x10: {  	s26 =	sadd.s32 $0xA, s5;
	[dreg:$0x3] =	wrdreg s5;
	(pc) =	sbr.rel .LBB2_1-.Ltmp0, $4  }
0x11: {  	s7 =	sshrl.u32 s31, $0x3;
	s28 =	sadd.s32 $0x14, s5;
	[dreg:$0x4] =	wrdreg s26  }
0x12: {  	s23 =	simm.s32 $0x3;
	s5 =	sadd.s32 $0x1E, s5;
	[dreg:$0x5] =	wrdreg s28  }
0x13: {  	s0 =	sadd.s32 s0, s4;
	s12 =	sadd.s32 s6, s4;
	[dreg:$0x6] =	wrdreg s5  }
0x14: {  	s13 =	sadd.s32 s7, s4;
	[dreg:$0x8] =	wrdreg s0;
	s26 =	simm.s32 $0x0  }
.LBB2_6:
0x15: {  	_ =	swait.ge [sflag:s23], $0x2800  }
0x16: {  	[sflag:s23] =	ssyncset.done $0x0  }
0x17: {  	[sflag:s23] =	ssyncadd.s32 $0xFFFFD800  }
0x18: {  	_ =	swait.ge [sflag:s23], $0x2800  }
0x19: {  	[sflag:s23] =	ssyncset.done $0x0  }
0x1a: {  	[sflag:s23] =	ssyncadd.s32 $0xFFFFD800  }
0x1b: {  	_ =	swait.ge [sflag:s23], $0x2800  }
0x1c: {  	[sflag:s23] =	ssyncset.done $0x0  }
0x1d: {  	[sflag:s23] =	ssyncadd.s32 $0xFFFFD800  }
0x1e: {  	_ =	swait.ge [sflag:s23], $0x2800  }
0x1f: {  	s26 =	sadd.s32 $0x1, s26;
	s0 =	rddreg [dreg:$0x7]  }
0x20: {  	p0 =	sne.s32 s26, s0  }
.Ltmp1:
0x21: {  	_ = 	snop;
	(pc) =	sbr.rel @!p0 .LBB2_7-.Ltmp1, $3  }
0x22: {  	_ =	sdelay $0x1  }
0x23: {  	[sflag:s23] =	ssyncset.done $0x0  }
0x24: {  	[sflag:s23] =	ssyncadd.s32 $0xFFFFD800  }
.LBB2_1:
0x25: {  	s0 =	rddreg [dreg:$0x3]  }
0x26: {  	[tilespmem:s3], [sflag:$0x1] =	stream.linear.gather [hbm4b:s0+s3], $0x50, $0x38;
	[tilespmem:$0xA200] =	vst v63  }
0x27: {  	s11 =	rddreg [dreg:$0x4];
	s1 =	simm.s32 $0x80  }
0x28: {  	[tilespmem:s1], [sflag:$0x1] =	stream.linear.gather [hbm4b:s11+s3], $0x50, $0x38;
	[tilespmem:$0xA200] =	vst v63  }
0x29: {  	s15 =	rddreg [dreg:$0x5];
	s5 =	simm.s32 $0x100  }
0x2a: {  	[tilespmem:s5], [sflag:$0x1] =	stream.linear.gather [hbm4b:s15+s3], $0x50, $0x38;
	[tilespmem:$0xA200] =	vst v63  }
0x2b: {  	s16 =	rddreg [dreg:$0x6]  }
0x2c: {  	[tilespmem:s17], [sflag:$0x1] =	stream.linear.gather [hbm4b:s16+s3], $0x50, $0x38;
	[tilespmem:$0xA200] =	vst v63  }
0x2d: {  	_ =	swait.ge [sflag:s24], $0x50  }
0x2e: {  	[sflag:s24] =	ssyncset.done $0x0  }
0x2f: {  	[sflag:s24] =	ssyncadd.s32 $0xFFFFFFB0  }
0x30: {  	[tilespmem:s19], [sflag:$0x2] =	stream.indirect.gather [hbm4b:s2+s18], $0x80, s3, s18, $0xb8;
	[tilespmem:$0xA200] =	vst v63  }
0x31: {  	_ =	swait.ge [sflag:s24], $0x50  }
0x32: {  	[sflag:s24] =	ssyncset.done $0x0  }
0x33: {  	[sflag:s24] =	ssyncadd.s32 $0xFFFFFFB0  }
0x34: {  	[tilespmem:s20], [sflag:$0x2] =	stream.indirect.gather [hbm4b:s2+s18], $0x80, s1, s18, $0xb8;
	[tilespmem:$0xA200] =	vst v63  }
.Ltmp2:
0x35: {  	s28 =	simm.s32 $0x1;
	(pc) =	sbr.rel .LBB2_2-.Ltmp2, $4  }
0x36: {  	s29 =	smov.u32 s14;
	s30 =	smov.u32 s13;
	_ =	swait.ge [sflag:s24], $0x50  }
0x37: {  	s31 =	smov.u32 s12;
	s6 =	simm.s32 $0x0;
	[sflag:s24] =	ssyncset.done $0x0  }
0x38: {  	s1 =	simm.s32 $0x0;
	s11 =	rddreg [dreg:$0x8];
	[sflag:s24] =	ssyncadd.s32 $0xFFFFFFB0  }
0x39: {  	[tilespmem:s21], [sflag:$0x2] =	stream.indirect.gather [hbm4b:s2+s18], $0x80, s5, s18, $0xb8;
	[tilespmem:$0xA200] =	vst v63  }
.LBB2_5:
0x3a: {  	s1 =	sadd.s32 $0x1400, s1  }
0x3b: {  	p0 =	sne.s32 s1, $0x28000  }
.Ltmp3:
0x3c: {  	_ = 	snop;
	(pc) =	sbr.rel @!p0 .LBB2_6-.Ltmp3, $3  }
0x3d: {  	_ =	sdelay $0x1  }
0x3e: {  	s6 =	sadd.s32 $0x1, s6;
	s11 =	sadd.s32 $0x28, s11;
	s31 =	sadd.s32 $0x28, s31  }
0x3f: {  	s30 =	sadd.s32 $0x28, s30;
	s29 =	sadd.s32 $0x140, s29;
	s28 =	sadd.s32 $0x4, s28  }
.LBB2_2:
0x40: {  	p0 =	seq.s32 s1, $0x26C00  }
.Ltmp4:
0x41: {  	_ = 	snop;
	(pc) =	sbr.rel @p0 .LBB2_6-.Ltmp4, $4  }
0x42: {  	_ =	swait.ge [sflag:s22], $0x2800  }
0x43: {  	[sflag:s22] =	ssyncset.done $0x0  }
0x44: {  	s7 =	sadd.s32 s1, s10;
	[sflag:s22] =	ssyncadd.s32 $0xFFFFD800  }
0x45: {  	[hbm4b:s7+s3] =	stream.linear.scatter [tilespmem:s19], [sflag:$0x3], $0x2800, $0x38;
	[tilespmem:$0xA200] =	vst v63  }
0x46: {  	s8 =	sshrl.u32 s29, $0x3  }
0x47: {  	p0 =	seq.s32 s1, $0x0;
	s8 =	sadd.s32 s4, s8  }
0x48: {  	[tilespmem:s3], [sflag:$0x1] =	stream.linear.gather [hbm4b:s8+s3], $0x50, $0x38;
	[tilespmem:$0xA200] =	vst v63  }
0x49: {  	s8 =	simm.s32 @!p0 $0x3  }
0x4a: {  	_ =	swait.ge @!p0 [sflag:s8], $0x2800  }
0x4b: {  	[sflag:s8] =	ssyncset.done @!p0 $0x0  }
0x4c: {  	[sflag:s8] =	ssyncadd.s32 @!p0 $0xFFFFD800;
	p0 =	sgt.u32 s28, $0x7C  }
.Ltmp5:
0x4d: {  	_ = 	snop;
	(pc) =	sbr.rel @p0 .LBB2_5-.Ltmp5, $4  }
0x4e: {  	_ =	swait.ge [sflag:s24], $0x50  }
0x4f: {  	[sflag:s24] =	ssyncset.done $0x0  }
0x50: {  	[sflag:s24] =	ssyncadd.s32 $0xFFFFFFB0  }
0x51: {  	[tilespmem:s25], [sflag:$0x2] =	stream.indirect.gather [hbm4b:s2+s18], $0x80, s17, s18, $0xb8;
	[tilespmem:$0xA200] =	vst v63  }
0x52: {  	_ =	swait.ge [sflag:s22], $0x2800  }
0x53: {  	[sflag:s22] =	ssyncset.done $0x0  }
0x54: {  	s8 =	sadd.s32 $0x500, s7;
	p0 =	sgt.u32 s6, $0x1D;
	[sflag:s22] =	ssyncadd.s32 $0xFFFFD800  }
0x55: {  	[hbm4b:s8+s3] =	stream.linear.scatter [tilespmem:s20], [sflag:$0x3], $0x2800, $0x38;
	[tilespmem:$0xA200] =	vst v63  }
0x56: {  	s9 =	simm.s32 @!p0 $0x80;
	s8 =	simm.s32 @!p0 $0x0  }
0x57: {  	[tilespmem:s9], [sflag:$0x1] =	stream.linear.gather @!p0 [hbm4b:s30+s8], $0x50, $0x38;
	[tilespmem:$0xA200] =	vst v63  }
0x58: {  	_ =	swait.ge [sflag:s23], $0x2800  }
0x59: {  	[sflag:s23] =	ssyncset.done $0x0  }
0x5a: {  	[sflag:s23] =	ssyncadd.s32 $0xFFFFD800  }
0x5b: {  	_ =	swait.ge [sflag:s24], $0x50  }
0x5c: {  	[sflag:s24] =	ssyncset.done $0x0  }
0x5d: {  	[sflag:s24] =	ssyncadd.s32 $0xFFFFFFB0  }
0x5e: {  	[tilespmem:s19], [sflag:$0x2] =	stream.indirect.gather [hbm4b:s2+s18], $0x80, s3, s18, $0xb8;
	[tilespmem:$0xA200] =	vst v63  }
0x5f: {  	_ =	swait.ge [sflag:s22], $0x2800  }
0x60: {  	[sflag:s22] =	ssyncset.done $0x0  }
0x61: {  	s16 =	sadd.s32 $0xA00, s7;
	s7 =	simm.s32 @p0 $0x2;
	[sflag:s22] =	ssyncadd.s32 $0xFFFFD800  }
0x62: {  	[hbm4b:s16+s3] =	stream.linear.scatter [tilespmem:s21], [sflag:$0x3], $0x2800, $0x38;
	[tilespmem:$0xA200] =	vst v63  }
0x63: {  	_ =	swait.ge @p0 [sflag:s7], $0x2800  }
0x64: {  	[sflag:s7] =	ssyncset.done @p0 $0x0  }
0x65: {  	[sflag:s7] =	ssyncadd.s32 @p0 $0xFFFFD800;
	s7 =	sadd.s32 @p0 s1, s10  }
0x66: {  	s0 =	simm.s32 @p0 $0x0;
	s5 =	simm.s32 @p0 $0x7A00;
	s7 =	sadd.s32 @p0 $0xF00, s7  }
0x67: {  	[hbm4b:s7+s0] =	stream.linear.scatter @p0 [tilespmem:s5], [sflag:$0x3], $0x2800, $0x38;
	[tilespmem:$0xA200] =	vst v63  }
0x68: {  	s0 =	simm.s32 @!p0 $0x100;
	s5 =	simm.s32 @!p0 $0x3  }
0x69: {  	[tilespmem:s0], [sflag:$0x1] =	stream.linear.gather @!p0 [hbm4b:s31+s8], $0x50, $0x38;
	[tilespmem:$0xA200] =	vst v63  }
0x6a: {  	_ =	swait.ge @!p0 [sflag:s5], $0x2800  }
0x6b: {  	[sflag:s5] =	ssyncset.done @!p0 $0x0  }
0x6c: {  	s7 =	simm.s32 @!p0 $0x1;
	[sflag:s5] =	ssyncadd.s32 @!p0 $0xFFFFD800  }
0x6d: {  	_ =	swait.ge @!p0 [sflag:s7], $0x50  }
0x6e: {  	[sflag:s7] =	ssyncset.done @!p0 $0x0  }
0x6f: {  	s15 =	simm.s32 @!p0 $0x50;
	s16 =	simm.s32 @!p0 $0x2A00;
	[sflag:s7] =	ssyncadd.s32 @!p0 $0xFFFFFFB0  }
0x70: {  	[tilespmem:s16], [sflag:$0x2] =	stream.indirect.gather @!p0 [hbm4b:s2+s15], $0x80, s9, s15, $0xb8;
	[tilespmem:$0xA200] =	vst v63  }
0x71: {  	s9 =	simm.s32 @!p0 $0x2  }
0x72: {  	_ =	swait.ge @!p0 [sflag:s9], $0x2800  }
0x73: {  	s16 =	sadd.s32 @!p0 s1, s10;
	[sflag:s9] =	ssyncset.done @!p0 $0x0  }
0x74: {  	[sflag:s9] =	ssyncadd.s32 @!p0 $0xFFFFD800;
	s9 =	sadd.s32 @!p0 $0xF00, s16;
	s16 =	simm.s32 @!p0 $0x7A00  }
0x75: {  	[hbm4b:s9+s8] =	stream.linear.scatter @!p0 [tilespmem:s16], [sflag:$0x3], $0x2800, $0x38;
	[tilespmem:$0xA200] =	vst v63  }
0x76: {  	s9 =	simm.s32 @!p0 $0x180  }
0x77: {  	[tilespmem:s9], [sflag:$0x1] =	stream.linear.gather @!p0 [hbm4b:s11+s8], $0x50, $0x38;
	[tilespmem:$0xA200] =	vst v63  }
0x78: {  	_ =	swait.ge @!p0 [sflag:s5], $0x2800  }
0x79: {  	[sflag:s5] =	ssyncset.done @!p0 $0x0  }
.Ltmp6:
0x7a: {  	[sflag:s5] =	ssyncadd.s32 @!p0 $0xFFFFD800;
	(pc) =	sbr.rel .LBB2_5-.Ltmp6, $4  }
0x7b: {  	_ =	swait.ge @!p0 [sflag:s7], $0x50  }
0x7c: {  	[sflag:s7] =	ssyncset.done @!p0 $0x0  }
0x7d: {  	s5 =	simm.s32 @!p0 $0x5200;
	[sflag:s7] =	ssyncadd.s32 @!p0 $0xFFFFFFB0  }
0x7e: {  	[tilespmem:s5], [sflag:$0x2] =	stream.indirect.gather @!p0 [hbm4b:s2+s15], $0x80, s0, s15, $0xb8;
	[tilespmem:$0xA200] =	vst v63  }
.LBB2_7:
0x7f: {  	_ =	sfence.sel $0x180000  }
0x80: {  	[bflag:$0x0] =	sbarrier.arrive $0xFFFF  }
0x81: {  	_ =	strace $0x90000047  }
0x82: {  	s0 =	stileid.u32;
	[bflag:$0x2] =	sbarrier.arrive $0xFFFF  }
0x83: {  	p0 =	sne.s32 s0, $0x0;
	s0 =	rddreg [dreg:$0x2]  }
0x84: {  	s0 =	sadd.s32 @!p0 $0x100000, s0  }
0x85: {  	[sflag:s0] =	ssyncadd.tile.s32 @!p0 $0x1;
	_ =	shalt  }
.Lfunc_end2:
_tile_overlayer_lowered:
.L_overlay_start_2:
0x86: {  	(tag) =	ssettag $0x2  }
0x87: {  	s0 =	rddreg [dreg:$0x0];
	s2 =	stileid.u32  }
0x88: {  	s1 =	rddreg [dreg:$0x1];
	p0 =	sne.s32 s2, $0x0  }
0x89: {  	s3 =	rddreg [dreg:$0x2];
	[bflag:$0x3] =	sbarrier.arrive $0xFFFF;
	s2 =	simm.s32 @!p0 $0x1C04  }
0x8a: {  	[timem:s3], [sflag:s2] =	dma.local @!p0 [hbm:s0], s1  }
0x8b: {  	s0 =	simm.s32 @!p0 $0x4  }
0x8c: {  	_ =	swait.ge @!p0 [sflag:s0], s1  }
0x8d: {  	s1 =	ssub.s32 @!p0 $0x0, s1;
	[sflag:s0] =	ssyncset.done @!p0 $0x0  }
0x8e: {  	[sflag:s0] =	ssyncadd.s32 @!p0 s1  }
0x8f: {  	[bflag:$0x3] =	sbarrier.arrive $0xFFFF  }
0x90: {  	_ =	shalt  }

</sc_bundles>
